<compile_context>
chip_gen: v7x
topology: tpu7x:2x2x1
jax: 0.10.2.dev20260603
libtpu: 0.0.44.dev20260713+nightly
codegen_flags: <defaults>
</compile_context>

<pallas_src>
import functools

import jax
import jax.numpy as jnp
from jax import lax
from jax.experimental import pallas as pl
from jax.experimental.pallas import tpu as pltpu
from jax.experimental.pallas import tpu_sc as plsc

_N = 100000
_E = 1600000
_K = 70
_INV_TEMP = 2.0
_F = 16

_NC = 2
_NS = 16
_NW = _NC * _NS
_CH = 128
_G = 8
_NCHUNK = 12544
_EPAD = _NCHUNK * _CH
_CPW = _NCHUNK // _NW
_CPT = _NCHUNK // _NS
_SB = 56
_NGB = _SB // _G
_NPAD = 100096
_RPT = _NPAD // _NS
_NFR = _NPAD * _F // 128
_NBLK = 17
_BF = _NFR // _NBLK
_BLK = _NPAD // _NBLK


def _sc_mesh():
    return plsc.VectorSubcoreMesh(
        core_axis_name="c", subcore_axis_name="s",
        num_cores=_NC, num_subcores=_NS)


_SC_PARAMS = dict(
    mesh=_sc_mesh(),
    compiler_params=pltpu.CompilerParams(use_tc_tiling_on_sc=False),
)


@functools.partial(
    pl.kernel,
    out_type=jax.ShapeDtypeStruct((_NC * _NPAD, _F), jnp.float32),
    scratch_types=[
        pltpu.VMEM((_SB, _CH), jnp.int32),
        pltpu.VMEM((_CH, _F), jnp.float32),
        pltpu.VMEM_SHARED((_NPAD, _F), jnp.float32),
        pltpu.SemaphoreType.DMA,
        pltpu.SemaphoreType.DMA,
    ],
    **_SC_PARAMS,
)
def _sc_degree(dst_hbm, ones_hbm, z_hbm, out_hbm, dst_all, ones_v, acc,
               si, ss):
    cid = lax.axis_index("c")
    sid = lax.axis_index("s")
    wid = sid * _NC + cid
    r0 = sid * _RPT
    pltpu.sync_copy(z_hbm.at[pl.ds(r0, _RPT)], acc.at[pl.ds(r0, _RPT)])
    pltpu.sync_copy(ones_hbm, ones_v)
    plsc.subcore_barrier()

    def block(bi, carry):
        c0 = wid * _CPW + bi * _SB
        pltpu.async_copy(dst_hbm.at[pl.ds(c0, _SB)], dst_all, si).wait()

        def group(g, carry2):
            k0 = g * _G
            cs = [pltpu.async_copy(ones_v, acc.at[dst_all.at[k0 + b]], ss,
                                   add=True)
                  for b in range(_G)]
            for c in cs:
                c.wait()
            return carry2

        lax.fori_loop(0, _NGB, group, 0)
        return carry

    lax.fori_loop(0, _CPW // _SB, block, 0)
    plsc.subcore_barrier()
    pltpu.sync_copy(acc.at[pl.ds(r0, _RPT)],
                    out_hbm.at[pl.ds(cid * _NPAD + r0, _RPT)])


@functools.partial(
    pl.kernel,
    out_type=jax.ShapeDtypeStruct((_NC * _NPAD, _F), jnp.float32),
    scratch_types=[
        pltpu.VMEM((_SB, _CH), jnp.int32),
        pltpu.VMEM((_SB, _CH), jnp.int32),
        pltpu.VMEM((_G, _CH, _F), jnp.float32),
        pltpu.VMEM_SHARED((_NPAD, _F), jnp.float32),
        pltpu.SemaphoreType.DMA,
        pltpu.SemaphoreType.DMA,
        pltpu.SemaphoreType.DMA,
    ],
    **_SC_PARAMS,
)
def _sc_agg(src_hbm, dst_hbm, g_hbm, z_hbm, out_hbm,
            src_all, dst_all, rows, acc, si, sg, ss):
    cid = lax.axis_index("c")
    sid = lax.axis_index("s")
    wid = sid * _NC + cid
    r0 = sid * _RPT
    pltpu.sync_copy(z_hbm.at[pl.ds(r0, _RPT)], acc.at[pl.ds(r0, _RPT)])
    plsc.subcore_barrier()

    def block(bi, carry):
        c0 = wid * _CPW + bi * _SB
        ca = pltpu.async_copy(src_hbm.at[pl.ds(c0, _SB)], src_all, si)
        cb = pltpu.async_copy(dst_hbm.at[pl.ds(c0, _SB)], dst_all, si)
        ca.wait()
        cb.wait()

        def group(g, carry2):
            k0 = g * _G
            gs = [pltpu.async_copy(g_hbm.at[src_all.at[k0 + b]],
                                   rows.at[b], sg)
                  for b in range(_G)]
            cs = []
            for b in range(_G):
                gs[b].wait()
                cs.append(pltpu.async_copy(rows.at[b],
                                           acc.at[dst_all.at[k0 + b]],
                                           ss, add=True))
            for c in cs:
                c.wait()
            return carry2

        lax.fori_loop(0, _NGB, group, 0)
        return carry

    lax.fori_loop(0, _CPW // _SB, block, 0)
    plsc.subcore_barrier()
    pltpu.sync_copy(acc.at[pl.ds(r0, _RPT)],
                    out_hbm.at[pl.ds(cid * _NPAD + r0, _RPT)])


@functools.partial(
    pl.kernel,
    out_type=jax.ShapeDtypeStruct((_NC * _NPAD, _F), jnp.float32),
    scratch_types=[
        pltpu.VMEM((_SB, _CH), jnp.int32),
        pltpu.VMEM((_SB, _CH), jnp.int32),
        pltpu.VMEM((_G, _CH, _F), jnp.float32),
        pltpu.VMEM_SHARED((_NPAD, _F), jnp.float32),
        pltpu.SemaphoreType.DMA,
        pltpu.SemaphoreType.DMA,
        pltpu.SemaphoreType.DMA,
    ],
    **_SC_PARAMS,
)
def _sc_agg_split(src_hbm, dst_hbm, ga_hbm, gb_hbm, z_hbm, out_hbm,
                  src_all, dst_all, rows, acc, si, sg, ss):
    cid = lax.axis_index("c")
    sid = lax.axis_index("s")
    r0 = sid * _RPT
    pltpu.sync_copy(z_hbm.at[pl.ds(r0, _RPT)], acc.at[pl.ds(r0, _RPT)])
    plsc.subcore_barrier()

    def block(bi, carry):
        c0 = sid * _CPT + bi * _SB
        ca = pltpu.async_copy(src_hbm.at[pl.ds(c0, _SB)], src_all, si)
        cb = pltpu.async_copy(dst_hbm.at[pl.ds(c0, _SB)], dst_all, si)
        ca.wait()
        cb.wait()

        def run(tbl):
            def group(g, carry2):
                k0 = g * _G
                gs = [pltpu.async_copy(tbl.at[src_all.at[k0 + b]],
                                       rows.at[b], sg)
                      for b in range(_G)]
                cs = []
                for b in range(_G):
                    gs[b].wait()
                    cs.append(pltpu.async_copy(rows.at[b],
                                               acc.at[dst_all.at[k0 + b]],
                                               ss, add=True))
                for c in cs:
                    c.wait()
                return carry2

            lax.fori_loop(0, _NGB, group, 0)

        @pl.when(cid == 0)
        def _():
            run(ga_hbm)

        @pl.when(cid == 1)
        def _():
            run(gb_hbm)

        return carry

    lax.fori_loop(0, _CPT // _SB, block, 0)
    plsc.subcore_barrier()
    pltpu.sync_copy(acc.at[pl.ds(r0, _RPT)],
                    out_hbm.at[pl.ds(cid * _NPAD + r0, _RPT)])


_FLAT = pl.BlockSpec((_BF, 128), lambda i: (i, 0))
_FLAT_HI = pl.BlockSpec((_BF, 128), lambda i: (_NBLK + i, 0))
_W128 = pl.BlockSpec((128, 128), lambda i: (0, 0))
_B128 = pl.BlockSpec((1, 128), lambda i: (0, 0))


def _tc_prep(cnt2, x16):
    def body(ca_ref, cb_ref, x_ref, dinv_ref, g0_ref):
        dv = lax.rsqrt(ca_ref[...] + cb_ref[...] + 1.0)
        dinv_ref[...] = dv
        g0_ref[...] = x_ref[...] * dv

    return pl.pallas_call(
        body,
        grid=(_NBLK,),
        in_specs=[_FLAT, _FLAT_HI, _FLAT],
        out_specs=[_FLAT, _FLAT],
        out_shape=[
            jax.ShapeDtypeStruct((_NFR, 128), jnp.float32),
            jax.ShapeDtypeStruct((_NFR, 128), jnp.float32),
        ],
    )(cnt2, cnt2, x16)


def _tc_layer1(p0, g0, dinv, W128, b128):
    def body(pa_ref, pb_ref, g_ref, dv_ref, w_ref, b_ref, out_ref):
        dv = dv_ref[...]
        t = (pa_ref[...] + pb_ref[...] + g_ref[...]) * dv
        h = jnp.dot(t, w_ref[...], preferred_element_type=jnp.float32)
        out_ref[...] = jnp.maximum(h + b_ref[...], 0.0) * dv

    return pl.pallas_call(
        body,
        grid=(_NBLK,),
        in_specs=[_FLAT, _FLAT_HI, _FLAT, _FLAT, _W128, _B128],
        out_specs=_FLAT,
        out_shape=jax.ShapeDtypeStruct((_NFR, 128), jnp.float32),
    )(p0, p0, g0, dinv, W128, b128)


def _tc_layer2(p1, g1, dinv, Wa128, Wb128, ba128, bb128):
    def body(pa_ref, pb_ref, g_ref, dv_ref, wa_ref, wb_ref, ba_ref, bb_ref,
             ga_ref, gb_ref):
        dv = dv_ref[...]
        t = (pa_ref[...] + pb_ref[...] + g_ref[...]) * dv
        ha = jnp.dot(t, wa_ref[...], preferred_element_type=jnp.float32)
        hb = jnp.dot(t, wb_ref[...], preferred_element_type=jnp.float32)
        ga_ref[...] = jnp.maximum(ha + ba_ref[...], 0.0) * dv
        gb_ref[...] = jnp.maximum(hb + bb_ref[...], 0.0) * dv

    return pl.pallas_call(
        body,
        grid=(_NBLK,),
        in_specs=[_FLAT, _FLAT_HI, _FLAT, _FLAT, _W128, _W128, _B128,
                  _B128],
        out_specs=[_FLAT, _FLAT],
        out_shape=[
            jax.ShapeDtypeStruct((_NFR, 128), jnp.float32),
            jax.ShapeDtypeStruct((_NFR, 128), jnp.float32),
        ],
    )(p1, p1, g1, dinv, Wa128, Wb128, ba128, bb128)


def _tc_final(p2, ga, gb, dinv, lg, gn, W3, b3):
    def body(pa_ref, pb_ref, ga_ref, gb_ref, dv_ref, lg_ref, gn_ref,
             wa_ref, wb_ref, b_ref, out_ref):
        dv = dv_ref[...]
        ta = (pa_ref[...] + ga_ref[...]) * dv
        tb = (pb_ref[...] + gb_ref[...]) * dv
        z = (lg_ref[...] + gn_ref[...]) * _INV_TEMP
        z = z - jnp.max(z, axis=2, keepdims=True)
        e = jnp.exp(z)
        y = e / jnp.sum(e, axis=2, keepdims=True)
        r_io = lax.broadcasted_iota(jnp.int32, (_BF, 8, 1), 0)
        j_io = lax.broadcasted_iota(jnp.int32, (_BF, 8, 1), 1)
        n_id = (pl.program_id(0) * _BF + r_io) * 8 + j_io
        y = jnp.where(n_id < _N, y, 0.0)

        acc = jnp.zeros((_K, 64), jnp.float32)
        for j in range(8):
            taj = ta[:, j * _F:(j + 1) * _F]
            tbj = tb[:, j * _F:(j + 1) * _F]
            h = (jnp.dot(taj, wa_ref[...], preferred_element_type=jnp.float32)
                 + jnp.dot(tbj, wb_ref[...],
                           preferred_element_type=jnp.float32))
            h = jnp.maximum(h + b_ref[...], 0.0)
            acc = acc + lax.dot_general(
                y[:, j, :], h, (((0,), (0,)), ((), ())),
                preferred_element_type=jnp.float32)

        @pl.when(pl.program_id(0) == 0)
        def _():
            out_ref[...] = jnp.zeros_like(out_ref)

        out_ref[...] += acc

    lg8 = lg.reshape(_N // 8, 8, _K)
    gn8 = gn.reshape(_N // 8, 8, _K)
    return pl.pallas_call(
        body,
        grid=(_NBLK,),
        in_specs=[
            _FLAT, _FLAT_HI, _FLAT, _FLAT, _FLAT,
            pl.BlockSpec((_BF, 8, _K), lambda i: (i, 0, 0)),
            pl.BlockSpec((_BF, 8, _K), lambda i: (i, 0, 0)),
            pl.BlockSpec((_F, 64), lambda i: (0, 0)),
            pl.BlockSpec((_F, 64), lambda i: (0, 0)),
            pl.BlockSpec((1, 64), lambda i: (0, 0)),
        ],
        out_specs=pl.BlockSpec((_K, 64), lambda i: (0, 0)),
        out_shape=jax.ShapeDtypeStruct((_K, 64), jnp.float32),
    )(p2, p2, ga, gb, dinv, lg8, gn8, W3[:_F], W3[_F:], b3)


def kernel(x, edge_index, logits, gumbel_noise, W1, b1, W2, b2, W3, b3):
    src = edge_index[0]
    dst = edge_index[1]
    pad_e = _EPAD - _E
    src_p = jnp.concatenate([src, jnp.zeros((pad_e,), jnp.int32)]
                            ).reshape(_NCHUNK, _CH)
    dst_p = jnp.concatenate([dst, jnp.full((pad_e,), _N, jnp.int32)]
                            ).reshape(_NCHUNK, _CH)
    x16 = jnp.zeros((_NPAD, _F), jnp.float32).at[:_N, :2].set(x)
    z16 = jnp.zeros((_NPAD, _F), jnp.float32)
    ones = jnp.ones((_CH, _F), jnp.float32)

    eye8 = jnp.eye(8, dtype=jnp.float32)
    W1e = jnp.zeros((_F, _F), jnp.float32).at[:2].set(W1)
    W1k = jnp.kron(eye8, W1e)
    b1k = jnp.tile(b1, 8).reshape(1, 128)
    Wa = jnp.kron(eye8, W2[:, :16])
    Wb = jnp.kron(eye8, W2[:, 16:])
    ba = jnp.tile(b2[:16], 8).reshape(1, 128)
    bb = jnp.tile(b2[16:], 8).reshape(1, 128)

    def flat(a):
        return a.reshape(_NC * _NFR, 128)

    cnt = flat(_sc_degree(dst_p, ones, z16))
    dinv, g0 = _tc_prep(cnt, x16.reshape(_NFR, 128))
    g0t = g0.reshape(_NPAD, _F)
    p0 = flat(_sc_agg(src_p, dst_p, g0t, z16))
    g1 = _tc_layer1(p0, g0, dinv, W1k, b1k)
    p1 = flat(_sc_agg(src_p, dst_p, g1.reshape(_NPAD, _F), z16))
    ga, gb = _tc_layer2(p1, g1, dinv, Wa, Wb, ba, bb)
    p2 = flat(_sc_agg_split(src_p, dst_p, ga.reshape(_NPAD, _F),
                            gb.reshape(_NPAD, _F), z16))
    out = _tc_final(p2, ga, gb, dinv, logits, gumbel_noise, W3,
                    b3.reshape(1, 64))
    return out.reshape(1, -1)

# --- scband reference (transcript-rebuilt; emitter-appended) ---
"""Pipeline reference for scband-graph-net-16569983828526 (READ-ONLY COPY).

The authoritative reference and input builder live on the scoring server;
editing this copy changes nothing except your own understanding.
"""

import jax, jax.numpy as jnp
import numpy as np

N = 100000
E = 1600000
GCN_OUT = 64
K_CLUSTERS = 70
TEMP = 0.5


def setup_inputs(seed: int = 0) -> dict:
    key = jax.random.key(seed)
    ks = jax.random.split(key, 12)
    x = jax.random.normal(ks[0], (N, 2), dtype=jnp.float32)
    edge_index = jax.random.randint(ks[1], (2, E), 0, N, dtype=jnp.int32)
    logits = jax.random.normal(ks[2], (N, K_CLUSTERS), dtype=jnp.float32)
    u = jax.random.uniform(ks[3], (N, K_CLUSTERS), minval=1e-6, maxval=1.0 - 1e-6)
    gumbel_noise = -jnp.log(-jnp.log(u))
    W1 = jax.random.normal(ks[4], (2, 16), dtype=jnp.float32) * (1.0 / np.sqrt(2))
    b1 = jnp.zeros((16,), dtype=jnp.float32)
    W2 = jax.random.normal(ks[5], (16, 32), dtype=jnp.float32) * (1.0 / np.sqrt(16))
    b2 = jnp.zeros((32,), dtype=jnp.float32)
    W3 = jax.random.normal(ks[6], (32, GCN_OUT), dtype=jnp.float32) * (1.0 / np.sqrt(32))
    b3 = jnp.zeros((GCN_OUT,), dtype=jnp.float32)
    return {"x": x, "edge_index": edge_index, "logits": logits, "gumbel_noise": gumbel_noise,
            "W1": W1, "b1": b1, "W2": W2, "b2": b2, "W3": W3, "b3": b3}


def reference(x, edge_index, logits, gumbel_noise, W1, b1, W2, b2, W3, b3):
    n = x.shape[0]
    src = edge_index[0]
    dst = edge_index[1]
    loop = jnp.arange(n, dtype=src.dtype)
    src2 = jnp.concatenate([src, loop])
    dst2 = jnp.concatenate([dst, loop])
    deg = jax.ops.segment_sum(jnp.ones(src2.shape[0], dtype=x.dtype), dst2, num_segments=n)
    dinv = deg ** -0.5
    norm = dinv[src2] * dinv[dst2]

    def gcn_conv(h, W, b):
        h = h @ W
        msg = h[src2] * norm[:, None]
        agg = jax.ops.segment_sum(msg, dst2, num_segments=n)
        return agg + b

    h = jax.nn.relu(gcn_conv(x, W1, b1))
    h = jax.nn.relu(gcn_conv(h, W2, b2))
    h = jax.nn.relu(gcn_conv(h, W3, b3))
    # RelaxedOneHotCategorical rsample with temperature 0.5 (gumbel noise provided)
    y = jax.nn.softmax((logits + gumbel_noise) / TEMP, axis=-1)
    x_sampled = y.T @ h  # [70, GCN_OUT]
    return x_sampled.reshape(1, -1)

if __name__ == "__main__":
    import jax
    _d = setup_inputs()
    print(jax.jit(kernel)(*tuple(_d.values())))

</pallas_src>

<mosaic_0001>
#map = affine_map<(d0, d1) -> (0, 0)>
module attributes {stable_mosaic.version = 14 : i64} {
  func.func @_sc_degree(%arg0: i32, %arg1: i32, %arg2: memref<12544x128xi32, #tpu.memory_space<hbm>>, %arg3: memref<128x16xf32, #tpu.memory_space<hbm>>, %arg4: memref<100096x16xf32, #tpu.memory_space<hbm>>, %arg5: memref<200192x16xf32, #tpu.memory_space<hbm>>, %arg6: memref<56x128xi32, #tpu.memory_space<vmem>>, %arg7: memref<128x16xf32, #tpu.memory_space<vmem>>, %arg8: memref<100096x16xf32, #tpu.memory_space<vmem_shared>>, %arg9: memref<!tpu.dma_semaphore, #tpu.memory_space<semaphore_mem>>, %arg10: memref<!tpu.dma_semaphore, #tpu.memory_space<semaphore_mem>>) attributes {dimension_semantics = [#tpu.dimension_semantics<core_parallel>, #tpu.dimension_semantics<subcore_parallel>], iteration_bounds = array<i64: 2, 16>, scalar_prefetch = 0 : i64, scratch_operands = 5 : i64, tpu.core_type = #tpu.core_type<sc_vector_subcore>, window_params = [{transform_indices = #map}, {transform_indices = #map}, {transform_indices = #map}, {transform_indices = #map}]} {
    %mul3A = arith.constant 2 : i32
    %mul3A_0 = arith.muli %arg1, %mul3A : i32
    %add3A = arith.addi %mul3A_0, %arg0 : i32
    %mul3A_1 = arith.constant 6256 : i32
    %mul3A_2 = arith.muli %arg1, %mul3A_1 : i32
    "tpu.region"() ({
      %run_scoped3A = tpu.sem_alloc : memref<!tpu.dma_semaphore, #tpu.memory_space<semaphore_mem>>
      %dma_start3A = arith.constant 0 : i32
      %dma_start3A_12 = tpu.memref_slice %arg8[%mul3A_2, %dma_start3A] : memref<100096x16xf32, #tpu.memory_space<vmem_shared>> -> memref<6256x16xf32, #tpu.memory_space<vmem_shared>>
      %dma_start3A_13 = arith.constant 0 : i32
      %dma_start3A_14 = tpu.memref_slice %arg4[%mul3A_2, %dma_start3A_13] : memref<100096x16xf32, #tpu.memory_space<hbm>> -> memref<6256x16xf32, #tpu.memory_space<hbm>>
      tpu.enqueue_dma source(%dma_start3A_14 : memref<6256x16xf32, #tpu.memory_space<hbm>>) target(%dma_start3A_12 : memref<6256x16xf32, #tpu.memory_space<vmem_shared>>) target_semaphore(%run_scoped3A : memref<!tpu.dma_semaphore, #tpu.memory_space<semaphore_mem>>)
      %dma_wait3A = arith.constant 0 : i32
      %dma_wait3A_15 = tpu.memref_slice %arg8[%mul3A_2, %dma_wait3A] : memref<100096x16xf32, #tpu.memory_space<vmem_shared>> -> memref<6256x16xf32, #tpu.memory_space<vmem_shared>>
      %dma_wait3A_16 = arith.constant 0 : i32
      %dma_wait3A_17 = tpu.memref_slice %arg4[%mul3A_2, %dma_wait3A_16] : memref<100096x16xf32, #tpu.memory_space<hbm>> -> memref<6256x16xf32, #tpu.memory_space<hbm>>
      tpu.wait_dma2 semaphore(%run_scoped3A : memref<!tpu.dma_semaphore, #tpu.memory_space<semaphore_mem>>) src(%dma_wait3A_17 : memref<6256x16xf32, #tpu.memory_space<hbm>>) dst(%dma_wait3A_15 : memref<6256x16xf32, #tpu.memory_space<vmem_shared>>)
      tpu.yield
    }) : () -> ()
    "tpu.region"() ({
      %run_scoped3A = tpu.sem_alloc : memref<!tpu.dma_semaphore, #tpu.memory_space<semaphore_mem>>
      tpu.enqueue_dma source(%arg3 : memref<128x16xf32, #tpu.memory_space<hbm>>) target(%arg7 : memref<128x16xf32, #tpu.memory_space<vmem>>) target_semaphore(%run_scoped3A : memref<!tpu.dma_semaphore, #tpu.memory_space<semaphore_mem>>)
      tpu.wait_dma2 semaphore(%run_scoped3A : memref<!tpu.dma_semaphore, #tpu.memory_space<semaphore_mem>>) src(%arg3 : memref<128x16xf32, #tpu.memory_space<hbm>>) dst(%arg7 : memref<128x16xf32, #tpu.memory_space<vmem>>)
      tpu.yield
    }) : () -> ()
    %barrier3A = arith.constant 0 : index
    tpu.barrier barrier_id(%barrier3A)
    %scan3A = arith.constant 0 : i32
    %scan3A_3 = arith.constant 0 : i32
    %scan3A_4 = arith.constant 7 : i32
    %scan3A_5 = arith.addi %scan3A_3, %scan3A_4 : i32
    %scan3A_6 = arith.constant 1 : i32
    scf.for %scan3A_12 = %scan3A_3 to %scan3A_5 step %scan3A_6  : i32 {
      %mul3A_13 = arith.constant 392 : i32
      %mul3A_14 = arith.muli %add3A, %mul3A_13 : i32
      %mul3A_15 = arith.constant 56 : i32
      %mul3A_16 = arith.muli %scan3A_12, %mul3A_15 : i32
      %add3A_17 = arith.addi %mul3A_14, %mul3A_16 : i32
      %dma_start3A = arith.constant 0 : i32
      %dma_start3A_18 = tpu.memref_slice %arg2[%add3A_17, %dma_start3A] : memref<12544x128xi32, #tpu.memory_space<hbm>> -> memref<56x128xi32, #tpu.memory_space<hbm>>
      %dma_start3A_19 = arith.constant 0 : i32
      %dma_start3A_20 = tpu.memref_slice %arg2[%add3A_17, %dma_start3A_19] : memref<12544x128xi32, #tpu.memory_space<hbm>> -> memref<56x128xi32, #tpu.memory_space<hbm>>
      tpu.enqueue_dma source(%dma_start3A_20 : memref<56x128xi32, #tpu.memory_space<hbm>>) target(%arg6 : memref<56x128xi32, #tpu.memory_space<vmem>>) target_semaphore(%arg9 : memref<!tpu.dma_semaphore, #tpu.memory_space<semaphore_mem>>)
      %dma_wait3A = arith.constant 0 : i32
      %dma_wait3A_21 = tpu.memref_slice %arg2[%add3A_17, %dma_wait3A] : memref<12544x128xi32, #tpu.memory_space<hbm>> -> memref<56x128xi32, #tpu.memory_space<hbm>>
      %dma_wait3A_22 = arith.constant 0 : i32
      %dma_wait3A_23 = tpu.memref_slice %arg2[%add3A_17, %dma_wait3A_22] : memref<12544x128xi32, #tpu.memory_space<hbm>> -> memref<56x128xi32, #tpu.memory_space<hbm>>
      tpu.wait_dma2 semaphore(%arg9 : memref<!tpu.dma_semaphore, #tpu.memory_space<semaphore_mem>>) src(%dma_wait3A_23 : memref<56x128xi32, #tpu.memory_space<hbm>>) dst(%arg6 : memref<56x128xi32, #tpu.memory_space<vmem>>)
      %scan3A_24 = arith.constant 0 : i32
      %scan3A_25 = arith.constant 0 : i32
      %scan3A_26 = arith.constant 7 : i32
      %scan3A_27 = arith.addi %scan3A_25, %scan3A_26 : i32
      %scan3A_28 = arith.constant 1 : i32
      scf.for %scan3A_30 = %scan3A_25 to %scan3A_27 step %scan3A_28  : i32 {
        %mul3A_31 = arith.constant 8 : i32
        %mul3A_32 = arith.muli %scan3A_30, %mul3A_31 : i32
        %add3A_33 = arith.constant 0 : i32
        %add3A_34 = arith.addi %mul3A_32, %add3A_33 : i32
        %dma_start3A_35 = arith.constant 0 : i32
        %dma_start3A_36 = tpu.memref_slice %arg6[%add3A_34, %dma_start3A_35] : memref<56x128xi32, #tpu.memory_space<vmem>> -> memref<1x128xi32, #tpu.memory_space<vmem>>
        %dma_start3A_37 = tpu.memref_squeeze %dma_start3A_36 : memref<1x128xi32, #tpu.memory_space<vmem>> -> memref<128xi32, #tpu.memory_space<vmem>>
        %dma_start3A_38 = arith.constant 0 : i32
        %dma_start3A_39 = arith.constant 0 : i32
        %dma_start3A_40 = tpu.memref_slice %arg8[%dma_start3A_38, %dma_start3A_39] : memref<100096x16xf32, #tpu.memory_space<vmem_shared>> -> memref<100096x16xf32, #tpu.memory_space<vmem_shared>>
        tpu.enqueue_indirect_dma source(%arg7 : memref<128x16xf32, #tpu.memory_space<vmem>>) target(%dma_start3A_40 : memref<100096x16xf32, #tpu.memory_space<vmem_shared>>) offsets(%dma_start3A_37 : memref<128xi32, #tpu.memory_space<vmem>>) semaphore(%arg10 : memref<!tpu.dma_semaphore, #tpu.memory_space<semaphore_mem>>) {add = true}
        %add3A_41 = arith.constant 1 : i32
        %add3A_42 = arith.addi %mul3A_32, %add3A_41 : i32
        %dma_start3A_43 = arith.constant 0 : i32
        %dma_start3A_44 = tpu.memref_slice %arg6[%add3A_42, %dma_start3A_43] : memref<56x128xi32, #tpu.memory_space<vmem>> -> memref<1x128xi32, #tpu.memory_space<vmem>>
        %dma_start3A_45 = tpu.memref_squeeze %dma_start3A_44 : memref<1x128xi32, #tpu.memory_space<vmem>> -> memref<128xi32, #tpu.memory_space<vmem>>
        %dma_start3A_46 = arith.constant 0 : i32
        %dma_start3A_47 = arith.constant 0 : i32
        %dma_start3A_48 = tpu.memref_slice %arg8[%dma_start3A_46, %dma_start3A_47] : memref<100096x16xf32, #tpu.memory_space<vmem_shared>> -> memref<100096x16xf32, #tpu.memory_space<vmem_shared>>
        tpu.enqueue_indirect_dma source(%arg7 : memref<128x16xf32, #tpu.memory_space<vmem>>) target(%dma_start3A_48 : memref<100096x16xf32, #tpu.memory_space<vmem_shared>>) offsets(%dma_start3A_45 : memref<128xi32, #tpu.memory_space<vmem>>) semaphore(%arg10 : memref<!tpu.dma_semaphore, #tpu.memory_space<semaphore_mem>>) {add = true}
        %add3A_49 = arith.constant 2 : i32
        %add3A_50 = arith.addi %mul3A_32, %add3A_49 : i32
        %dma_start3A_51 = arith.constant 0 : i32
        %dma_start3A_52 = tpu.memref_slice %arg6[%add3A_50, %dma_start3A_51] : memref<56x128xi32, #tpu.memory_space<vmem>> -> memref<1x128xi32, #tpu.memory_space<vmem>>
        %dma_start3A_53 = tpu.memref_squeeze %dma_start3A_52 : memref<1x128xi32, #tpu.memory_space<vmem>> -> memref<128xi32, #tpu.memory_space<vmem>>
        %dma_start3A_54 = arith.constant 0 : i32
        %dma_start3A_55 = arith.constant 0 : i32
        %dma_start3A_56 = tpu.memref_slice %arg8[%dma_start3A_54, %dma_start3A_55] : memref<100096x16xf32, #tpu.memory_space<vmem_shared>> -> memref<100096x16xf32, #tpu.memory_space<vmem_shared>>
        tpu.enqueue_indirect_dma source(%arg7 : memref<128x16xf32, #tpu.memory_space<vmem>>) target(%dma_start3A_56 : memref<100096x16xf32, #tpu.memory_space<vmem_shared>>) offsets(%dma_start3A_53 : memref<128xi32, #tpu.memory_space<vmem>>) semaphore(%arg10 : memref<!tpu.dma_semaphore, #tpu.memory_space<semaphore_mem>>) {add = true}
        %add3A_57 = arith.constant 3 : i32
        %add3A_58 = arith.addi %mul3A_32, %add3A_57 : i32
        %dma_start3A_59 = arith.constant 0 : i32
        %dma_start3A_60 = tpu.memref_slice %arg6[%add3A_58, %dma_start3A_59] : memref<56x128xi32, #tpu.memory_space<vmem>> -> memref<1x128xi32, #tpu.memory_space<vmem>>
        %dma_start3A_61 = tpu.memref_squeeze %dma_start3A_60 : memref<1x128xi32, #tpu.memory_space<vmem>> -> memref<128xi32, #tpu.memory_space<vmem>>
        %dma_start3A_62 = arith.constant 0 : i32
        %dma_start3A_63 = arith.constant 0 : i32
        %dma_start3A_64 = tpu.memref_slice %arg8[%dma_start3A_62, %dma_start3A_63] : memref<100096x16xf32, #tpu.memory_space<vmem_shared>> -> memref<100096x16xf32, #tpu.memory_space<vmem_shared>>
        tpu.enqueue_indirect_dma source(%arg7 : memref<128x16xf32, #tpu.memory_space<vmem>>) target(%dma_start3A_64 : memref<100096x16xf32, #tpu.memory_space<vmem_shared>>) offsets(%dma_start3A_61 : memref<128xi32, #tpu.memory_space<vmem>>) semaphore(%arg10 : memref<!tpu.dma_semaphore, #tpu.memory_space<semaphore_mem>>) {add = true}
        %add3A_65 = arith.constant 4 : i32
        %add3A_66 = arith.addi %mul3A_32, %add3A_65 : i32
        %dma_start3A_67 = arith.constant 0 : i32
        %dma_start3A_68 = tpu.memref_slice %arg6[%add3A_66, %dma_start3A_67] : memref<56x128xi32, #tpu.memory_space<vmem>> -> memref<1x128xi32, #tpu.memory_space<vmem>>
        %dma_start3A_69 = tpu.memref_squeeze %dma_start3A_68 : memref<1x128xi32, #tpu.memory_space<vmem>> -> memref<128xi32, #tpu.memory_space<vmem>>
        %dma_start3A_70 = arith.constant 0 : i32
        %dma_start3A_71 = arith.constant 0 : i32
        %dma_start3A_72 = tpu.memref_slice %arg8[%dma_start3A_70, %dma_start3A_71] : memref<100096x16xf32, #tpu.memory_space<vmem_shared>> -> memref<100096x16xf32, #tpu.memory_space<vmem_shared>>
        tpu.enqueue_indirect_dma source(%arg7 : memref<128x16xf32, #tpu.memory_space<vmem>>) target(%dma_start3A_72 : memref<100096x16xf32, #tpu.memory_space<vmem_shared>>) offsets(%dma_start3A_69 : memref<128xi32, #tpu.memory_space<vmem>>) semaphore(%arg10 : memref<!tpu.dma_semaphore, #tpu.memory_space<semaphore_mem>>) {add = true}
        %add3A_73 = arith.constant 5 : i32
        %add3A_74 = arith.addi %mul3A_32, %add3A_73 : i32
        %dma_start3A_75 = arith.constant 0 : i32
        %dma_start3A_76 = tpu.memref_slice %arg6[%add3A_74, %dma_start3A_75] : memref<56x128xi32, #tpu.memory_space<vmem>> -> memref<1x128xi32, #tpu.memory_space<vmem>>
        %dma_start3A_77 = tpu.memref_squeeze %dma_start3A_76 : memref<1x128xi32, #tpu.memory_space<vmem>> -> memref<128xi32, #tpu.memory_space<vmem>>
        %dma_start3A_78 = arith.constant 0 : i32
        %dma_start3A_79 = arith.constant 0 : i32
        %dma_start3A_80 = tpu.memref_slice %arg8[%dma_start3A_78, %dma_start3A_79] : memref<100096x16xf32, #tpu.memory_space<vmem_shared>> -> memref<100096x16xf32, #tpu.memory_space<vmem_shared>>
        tpu.enqueue_indirect_dma source(%arg7 : memref<128x16xf32, #tpu.memory_space<vmem>>) target(%dma_start3A_80 : memref<100096x16xf32, #tpu.memory_space<vmem_shared>>) offsets(%dma_start3A_77 : memref<128xi32, #tpu.memory_space<vmem>>) semaphore(%arg10 : memref<!tpu.dma_semaphore, #tpu.memory_space<semaphore_mem>>) {add = true}
        %add3A_81 = arith.constant 6 : i32
        %add3A_82 = arith.addi %mul3A_32, %add3A_81 : i32
        %dma_start3A_83 = arith.constant 0 : i32
        %dma_start3A_84 = tpu.memref_slice %arg6[%add3A_82, %dma_start3A_83] : memref<56x128xi32, #tpu.memory_space<vmem>> -> memref<1x128xi32, #tpu.memory_space<vmem>>
        %dma_start3A_85 = tpu.memref_squeeze %dma_start3A_84 : memref<1x128xi32, #tpu.memory_space<vmem>> -> memref<128xi32, #tpu.memory_space<vmem>>
        %dma_start3A_86 = arith.constant 0 : i32
        %dma_start3A_87 = arith.constant 0 : i32
        %dma_start3A_88 = tpu.memref_slice %arg8[%dma_start3A_86, %dma_start3A_87] : memref<100096x16xf32, #tpu.memory_space<vmem_shared>> -> memref<100096x16xf32, #tpu.memory_space<vmem_shared>>
        tpu.enqueue_indirect_dma source(%arg7 : memref<128x16xf32, #tpu.memory_space<vmem>>) target(%dma_start3A_88 : memref<100096x16xf32, #tpu.memory_space<vmem_shared>>) offsets(%dma_start3A_85 : memref<128xi32, #tpu.memory_space<vmem>>) semaphore(%arg10 : memref<!tpu.dma_semaphore, #tpu.memory_space<semaphore_mem>>) {add = true}
        %add3A_89 = arith.constant 7 : i32
        %add3A_90 = arith.addi %mul3A_32, %add3A_89 : i32
        %dma_start3A_91 = arith.constant 0 : i32
        %dma_start3A_92 = tpu.memref_slice %arg6[%add3A_90, %dma_start3A_91] : memref<56x128xi32, #tpu.memory_space<vmem>> -> memref<1x128xi32, #tpu.memory_space<vmem>>
        %dma_start3A_93 = tpu.memref_squeeze %dma_start3A_92 : memref<1x128xi32, #tpu.memory_space<vmem>> -> memref<128xi32, #tpu.memory_space<vmem>>
        %dma_start3A_94 = arith.constant 0 : i32
        %dma_start3A_95 = arith.constant 0 : i32
        %dma_start3A_96 = tpu.memref_slice %arg8[%dma_start3A_94, %dma_start3A_95] : memref<100096x16xf32, #tpu.memory_space<vmem_shared>> -> memref<100096x16xf32, #tpu.memory_space<vmem_shared>>
        tpu.enqueue_indirect_dma source(%arg7 : memref<128x16xf32, #tpu.memory_space<vmem>>) target(%dma_start3A_96 : memref<100096x16xf32, #tpu.memory_space<vmem_shared>>) offsets(%dma_start3A_93 : memref<128xi32, #tpu.memory_space<vmem>>) semaphore(%arg10 : memref<!tpu.dma_semaphore, #tpu.memory_space<semaphore_mem>>) {add = true}
        %dma_wait3A_97 = arith.constant 0 : i32
        %dma_wait3A_98 = tpu.memref_slice %arg6[%add3A_34, %dma_wait3A_97] : memref<56x128xi32, #tpu.memory_space<vmem>> -> memref<1x128xi32, #tpu.memory_space<vmem>>
        %dma_wait3A_99 = tpu.memref_squeeze %dma_wait3A_98 : memref<1x128xi32, #tpu.memory_space<vmem>> -> memref<128xi32, #tpu.memory_space<vmem>>
        %dma_wait3A_100 = arith.constant 0 : i32
        %dma_wait3A_101 = arith.constant 0 : i32
        %dma_wait3A_102 = tpu.memref_slice %arg8[%dma_wait3A_100, %dma_wait3A_101] : memref<100096x16xf32, #tpu.memory_space<vmem_shared>> -> memref<100096x16xf32, #tpu.memory_space<vmem_shared>>
        tpu.wait_indirect_dma semaphore(%arg10 : memref<!tpu.dma_semaphore, #tpu.memory_space<semaphore_mem>>) src(%arg7 : memref<128x16xf32, #tpu.memory_space<vmem>>) dst(%dma_wait3A_102 : memref<100096x16xf32, #tpu.memory_space<vmem_shared>>)
        %dma_wait3A_103 = arith.constant 0 : i32
        %dma_wait3A_104 = tpu.memref_slice %arg6[%add3A_42, %dma_wait3A_103] : memref<56x128xi32, #tpu.memory_space<vmem>> -> memref<1x128xi32, #tpu.memory_space<vmem>>
        %dma_wait3A_105 = tpu.memref_squeeze %dma_wait3A_104 : memref<1x128xi32, #tpu.memory_space<vmem>> -> memref<128xi32, #tpu.memory_space<vmem>>
        %dma_wait3A_106 = arith.constant 0 : i32
        %dma_wait3A_107 = arith.constant 0 : i32
        %dma_wait3A_108 = tpu.memref_slice %arg8[%dma_wait3A_106, %dma_wait3A_107] : memref<100096x16xf32, #tpu.memory_space<vmem_shared>> -> memref<100096x16xf32, #tpu.memory_space<vmem_shared>>
        tpu.wait_indirect_dma semaphore(%arg10 : memref<!tpu.dma_semaphore, #tpu.memory_space<semaphore_mem>>) src(%arg7 : memref<128x16xf32, #tpu.memory_space<vmem>>) dst(%dma_wait3A_108 : memref<100096x16xf32, #tpu.memory_space<vmem_shared>>)
        %dma_wait3A_109 = arith.constant 0 : i32
        %dma_wait3A_110 = tpu.memref_slice %arg6[%add3A_50, %dma_wait3A_109] : memref<56x128xi32, #tpu.memory_space<vmem>> -> memref<1x128xi32, #tpu.memory_space<vmem>>
        %dma_wait3A_111 = tpu.memref_squeeze %dma_wait3A_110 : memref<1x128xi32, #tpu.memory_space<vmem>> -> memref<128xi32, #tpu.memory_space<vmem>>
        %dma_wait3A_112 = arith.constant 0 : i32
        %dma_wait3A_113 = arith.constant 0 : i32
        %dma_wait3A_114 = tpu.memref_slice %arg8[%dma_wait3A_112, %dma_wait3A_113] : memref<100096x16xf32, #tpu.memory_space<vmem_shared>> -> memref<100096x16xf32, #tpu.memory_space<vmem_shared>>
        tpu.wait_indirect_dma semaphore(%arg10 : memref<!tpu.dma_semaphore, #tpu.memory_space<semaphore_mem>>) src(%arg7 : memref<128x16xf32, #tpu.memory_space<vmem>>) dst(%dma_wait3A_114 : memref<100096x16xf32, #tpu.memory_space<vmem_shared>>)
        %dma_wait3A_115 = arith.constant 0 : i32
        %dma_wait3A_116 = tpu.memref_slice %arg6[%add3A_58, %dma_wait3A_115] : memref<56x128xi32, #tpu.memory_space<vmem>> -> memref<1x128xi32, #tpu.memory_space<vmem>>
        %dma_wait3A_117 = tpu.memref_squeeze %dma_wait3A_116 : memref<1x128xi32, #tpu.memory_space<vmem>> -> memref<128xi32, #tpu.memory_space<vmem>>
        %dma_wait3A_118 = arith.constant 0 : i32
        %dma_wait3A_119 = arith.constant 0 : i32
        %dma_wait3A_120 = tpu.memref_slice %arg8[%dma_wait3A_118, %dma_wait3A_119] : memref<100096x16xf32, #tpu.memory_space<vmem_shared>> -> memref<100096x16xf32, #tpu.memory_space<vmem_shared>>
        tpu.wait_indirect_dma semaphore(%arg10 : memref<!tpu.dma_semaphore, #tpu.memory_space<semaphore_mem>>) src(%arg7 : memref<128x16xf32, #tpu.memory_space<vmem>>) dst(%dma_wait3A_120 : memref<100096x16xf32, #tpu.memory_space<vmem_shared>>)
        %dma_wait3A_121 = arith.constant 0 : i32
        %dma_wait3A_122 = tpu.memref_slice %arg6[%add3A_66, %dma_wait3A_121] : memref<56x128xi32, #tpu.memory_space<vmem>> -> memref<1x128xi32, #tpu.memory_space<vmem>>
        %dma_wait3A_123 = tpu.memref_squeeze %dma_wait3A_122 : memref<1x128xi32, #tpu.memory_space<vmem>> -> memref<128xi32, #tpu.memory_space<vmem>>
        %dma_wait3A_124 = arith.constant 0 : i32
        %dma_wait3A_125 = arith.constant 0 : i32
        %dma_wait3A_126 = tpu.memref_slice %arg8[%dma_wait3A_124, %dma_wait3A_125] : memref<100096x16xf32, #tpu.memory_space<vmem_shared>> -> memref<100096x16xf32, #tpu.memory_space<vmem_shared>>
        tpu.wait_indirect_dma semaphore(%arg10 : memref<!tpu.dma_semaphore, #tpu.memory_space<semaphore_mem>>) src(%arg7 : memref<128x16xf32, #tpu.memory_space<vmem>>) dst(%dma_wait3A_126 : memref<100096x16xf32, #tpu.memory_space<vmem_shared>>)
        %dma_wait3A_127 = arith.constant 0 : i32
        %dma_wait3A_128 = tpu.memref_slice %arg6[%add3A_74, %dma_wait3A_127] : memref<56x128xi32, #tpu.memory_space<vmem>> -> memref<1x128xi32, #tpu.memory_space<vmem>>
        %dma_wait3A_129 = tpu.memref_squeeze %dma_wait3A_128 : memref<1x128xi32, #tpu.memory_space<vmem>> -> memref<128xi32, #tpu.memory_space<vmem>>
        %dma_wait3A_130 = arith.constant 0 : i32
        %dma_wait3A_131 = arith.constant 0 : i32
        %dma_wait3A_132 = tpu.memref_slice %arg8[%dma_wait3A_130, %dma_wait3A_131] : memref<100096x16xf32, #tpu.memory_space<vmem_shared>> -> memref<100096x16xf32, #tpu.memory_space<vmem_shared>>
        tpu.wait_indirect_dma semaphore(%arg10 : memref<!tpu.dma_semaphore, #tpu.memory_space<semaphore_mem>>) src(%arg7 : memref<128x16xf32, #tpu.memory_space<vmem>>) dst(%dma_wait3A_132 : memref<100096x16xf32, #tpu.memory_space<vmem_shared>>)
        %dma_wait3A_133 = arith.constant 0 : i32
        %dma_wait3A_134 = tpu.memref_slice %arg6[%add3A_82, %dma_wait3A_133] : memref<56x128xi32, #tpu.memory_space<vmem>> -> memref<1x128xi32, #tpu.memory_space<vmem>>
        %dma_wait3A_135 = tpu.memref_squeeze %dma_wait3A_134 : memref<1x128xi32, #tpu.memory_space<vmem>> -> memref<128xi32, #tpu.memory_space<vmem>>
        %dma_wait3A_136 = arith.constant 0 : i32
        %dma_wait3A_137 = arith.constant 0 : i32
        %dma_wait3A_138 = tpu.memref_slice %arg8[%dma_wait3A_136, %dma_wait3A_137] : memref<100096x16xf32, #tpu.memory_space<vmem_shared>> -> memref<100096x16xf32, #tpu.memory_space<vmem_shared>>
        tpu.wait_indirect_dma semaphore(%arg10 : memref<!tpu.dma_semaphore, #tpu.memory_space<semaphore_mem>>) src(%arg7 : memref<128x16xf32, #tpu.memory_space<vmem>>) dst(%dma_wait3A_138 : memref<100096x16xf32, #tpu.memory_space<vmem_shared>>)
        %dma_wait3A_139 = arith.constant 0 : i32
        %dma_wait3A_140 = tpu.memref_slice %arg6[%add3A_90, %dma_wait3A_139] : memref<56x128xi32, #tpu.memory_space<vmem>> -> memref<1x128xi32, #tpu.memory_space<vmem>>
        %dma_wait3A_141 = tpu.memref_squeeze %dma_wait3A_140 : memref<1x128xi32, #tpu.memory_space<vmem>> -> memref<128xi32, #tpu.memory_space<vmem>>
        %dma_wait3A_142 = arith.constant 0 : i32
        %dma_wait3A_143 = arith.constant 0 : i32
        %dma_wait3A_144 = tpu.memref_slice %arg8[%dma_wait3A_142, %dma_wait3A_143] : memref<100096x16xf32, #tpu.memory_space<vmem_shared>> -> memref<100096x16xf32, #tpu.memory_space<vmem_shared>>
        tpu.wait_indirect_dma semaphore(%arg10 : memref<!tpu.dma_semaphore, #tpu.memory_space<semaphore_mem>>) src(%arg7 : memref<128x16xf32, #tpu.memory_space<vmem>>) dst(%dma_wait3A_144 : memref<100096x16xf32, #tpu.memory_space<vmem_shared>>)
      }
      %scan3A_29 = arith.constant 7 : i32
    }
    %scan3A_7 = arith.constant 7 : i32
    %barrier3A_8 = arith.constant 0 : index
    tpu.barrier barrier_id(%barrier3A_8)
    %mul3A_9 = arith.constant 100096 : i32
    %mul3A_10 = arith.muli %arg0, %mul3A_9 : i32
    %add3A_11 = arith.addi %mul3A_10, %mul3A_2 : i32
    "tpu.region"() ({
      %run_scoped3A = tpu.sem_alloc : memref<!tpu.dma_semaphore, #tpu.memory_space<semaphore_mem>>
      %dma_start3A = arith.constant 0 : i32
      %dma_start3A_12 = tpu.memref_slice %arg5[%add3A_11, %dma_start3A] : memref<200192x16xf32, #tpu.memory_space<hbm>> -> memref<6256x16xf32, #tpu.memory_space<hbm>>
      %dma_start3A_13 = arith.constant 0 : i32
      %dma_start3A_14 = tpu.memref_slice %arg8[%mul3A_2, %dma_start3A_13] : memref<100096x16xf32, #tpu.memory_space<vmem_shared>> -> memref<6256x16xf32, #tpu.memory_space<vmem_shared>>
      tpu.enqueue_dma source(%dma_start3A_14 : memref<6256x16xf32, #tpu.memory_space<vmem_shared>>) target(%dma_start3A_12 : memref<6256x16xf32, #tpu.memory_space<hbm>>) target_semaphore(%run_scoped3A : memref<!tpu.dma_semaphore, #tpu.memory_space<semaphore_mem>>)
      %dma_wait3A = arith.constant 0 : i32
      %dma_wait3A_15 = tpu.memref_slice %arg5[%add3A_11, %dma_wait3A] : memref<200192x16xf32, #tpu.memory_space<hbm>> -> memref<6256x16xf32, #tpu.memory_space<hbm>>
      %dma_wait3A_16 = arith.constant 0 : i32
      %dma_wait3A_17 = tpu.memref_slice %arg8[%mul3A_2, %dma_wait3A_16] : memref<100096x16xf32, #tpu.memory_space<vmem_shared>> -> memref<6256x16xf32, #tpu.memory_space<vmem_shared>>
      tpu.wait_dma2 semaphore(%run_scoped3A : memref<!tpu.dma_semaphore, #tpu.memory_space<semaphore_mem>>) src(%dma_wait3A_17 : memref<6256x16xf32, #tpu.memory_space<vmem_shared>>) dst(%dma_wait3A_15 : memref<6256x16xf32, #tpu.memory_space<hbm>>)
      tpu.yield
    }) : () -> ()
    return
  }
}

#map = affine_map<(d0, d1) -> (0, 0)>
module attributes {stable_mosaic.version = 14 : i64} {
  func.func @_sc_agg(%arg0: i32, %arg1: i32, %arg2: memref<12544x128xi32, #tpu.memory_space<hbm>>, %arg3: memref<12544x128xi32, #tpu.memory_space<hbm>>, %arg4: memref<100096x16xf32, #tpu.memory_space<hbm>>, %arg5: memref<100096x16xf32, #tpu.memory_space<hbm>>, %arg6: memref<200192x16xf32, #tpu.memory_space<hbm>>, %arg7: memref<56x128xi32, #tpu.memory_space<vmem>>, %arg8: memref<56x128xi32, #tpu.memory_space<vmem>>, %arg9: memref<8x128x16xf32, #tpu.memory_space<vmem>>, %arg10: memref<100096x16xf32, #tpu.memory_space<vmem_shared>>, %arg11: memref<!tpu.dma_semaphore, #tpu.memory_space<semaphore_mem>>, %arg12: memref<!tpu.dma_semaphore, #tpu.memory_space<semaphore_mem>>, %arg13: memref<!tpu.dma_semaphore, #tpu.memory_space<semaphore_mem>>) attributes {dimension_semantics = [#tpu.dimension_semantics<core_parallel>, #tpu.dimension_semantics<subcore_parallel>], iteration_bounds = array<i64: 2, 16>, scalar_prefetch = 0 : i64, scratch_operands = 7 : i64, tpu.core_type = #tpu.core_type<sc_vector_subcore>, window_params = [{transform_indices = #map}, {transform_indices = #map}, {transform_indices = #map}, {transform_indices = #map}, {transform_indices = #map}]} {
    %mul3A = arith.constant 2 : i32
    %mul3A_0 = arith.muli %arg1, %mul3A : i32
    %add3A = arith.addi %mul3A_0, %arg0 : i32
    %mul3A_1 = arith.constant 6256 : i32
    %mul3A_2 = arith.muli %arg1, %mul3A_1 : i32
    "tpu.region"() ({
      %run_scoped3A = tpu.sem_alloc : memref<!tpu.dma_semaphore, #tpu.memory_space<semaphore_mem>>
      %dma_start3A = arith.constant 0 : i32
      %dma_start3A_12 = tpu.memref_slice %arg10[%mul3A_2, %dma_start3A] : memref<100096x16xf32, #tpu.memory_space<vmem_shared>> -> memref<6256x16xf32, #tpu.memory_space<vmem_shared>>
      %dma_start3A_13 = arith.constant 0 : i32
      %dma_start3A_14 = tpu.memref_slice %arg5[%mul3A_2, %dma_start3A_13] : memref<100096x16xf32, #tpu.memory_space<hbm>> -> memref<6256x16xf32, #tpu.memory_space<hbm>>
      tpu.enqueue_dma source(%dma_start3A_14 : memref<6256x16xf32, #tpu.memory_space<hbm>>) target(%dma_start3A_12 : memref<6256x16xf32, #tpu.memory_space<vmem_shared>>) target_semaphore(%run_scoped3A : memref<!tpu.dma_semaphore, #tpu.memory_space<semaphore_mem>>)
      %dma_wait3A = arith.constant 0 : i32
      %dma_wait3A_15 = tpu.memref_slice %arg10[%mul3A_2, %dma_wait3A] : memref<100096x16xf32, #tpu.memory_space<vmem_shared>> -> memref<6256x16xf32, #tpu.memory_space<vmem_shared>>
      %dma_wait3A_16 = arith.constant 0 : i32
      %dma_wait3A_17 = tpu.memref_slice %arg5[%mul3A_2, %dma_wait3A_16] : memref<100096x16xf32, #tpu.memory_space<hbm>> -> memref<6256x16xf32, #tpu.memory_space<hbm>>
      tpu.wait_dma2 semaphore(%run_scoped3A : memref<!tpu.dma_semaphore, #tpu.memory_space<semaphore_mem>>) src(%dma_wait3A_17 : memref<6256x16xf32, #tpu.memory_space<hbm>>) dst(%dma_wait3A_15 : memref<6256x16xf32, #tpu.memory_space<vmem_shared>>)
      tpu.yield
    }) : () -> ()
    %barrier3A = arith.constant 0 : index
    tpu.barrier barrier_id(%barrier3A)
    %scan3A = arith.constant 0 : i32
    %scan3A_3 = arith.constant 0 : i32
    %scan3A_4 = arith.constant 7 : i32
    %scan3A_5 = arith.addi %scan3A_3, %scan3A_4 : i32
    %scan3A_6 = arith.constant 1 : i32
    scf.for %scan3A_12 = %scan3A_3 to %scan3A_5 step %scan3A_6  : i32 {
      %mul3A_13 = arith.constant 392 : i32
      %mul3A_14 = arith.muli %add3A, %mul3A_13 : i32
      %mul3A_15 = arith.constant 56 : i32
      %mul3A_16 = arith.muli %scan3A_12, %mul3A_15 : i32
      %add3A_17 = arith.addi %mul3A_14, %mul3A_16 : i32
      %dma_start3A = arith.constant 0 : i32
      %dma_start3A_18 = tpu.memref_slice %arg2[%add3A_17, %dma_start3A] : memref<12544x128xi32, #tpu.memory_space<hbm>> -> memref<56x128xi32, #tpu.memory_space<hbm>>
      %dma_start3A_19 = arith.constant 0 : i32
      %dma_start3A_20 = tpu.memref_slice %arg2[%add3A_17, %dma_start3A_19] : memref<12544x128xi32, #tpu.memory_space<hbm>> -> memref<56x128xi32, #tpu.memory_space<hbm>>
      tpu.enqueue_dma source(%dma_start3A_20 : memref<56x128xi32, #tpu.memory_space<hbm>>) target(%arg7 : memref<56x128xi32, #tpu.memory_space<vmem>>) target_semaphore(%arg11 : memref<!tpu.dma_semaphore, #tpu.memory_space<semaphore_mem>>)
      %dma_start3A_21 = arith.constant 0 : i32
      %dma_start3A_22 = tpu.memref_slice %arg3[%add3A_17, %dma_start3A_21] : memref<12544x128xi32, #tpu.memory_space<hbm>> -> memref<56x128xi32, #tpu.memory_space<hbm>>
      %dma_start3A_23 = arith.constant 0 : i32
      %dma_start3A_24 = tpu.memref_slice %arg3[%add3A_17, %dma_start3A_23] : memref<12544x128xi32, #tpu.memory_space<hbm>> -> memref<56x128xi32, #tpu.memory_space<hbm>>
      tpu.enqueue_dma source(%dma_start3A_24 : memref<56x128xi32, #tpu.memory_space<hbm>>) target(%arg8 : memref<56x128xi32, #tpu.memory_space<vmem>>) target_semaphore(%arg11 : memref<!tpu.dma_semaphore, #tpu.memory_space<semaphore_mem>>)
      %dma_wait3A = arith.constant 0 : i32
      %dma_wait3A_25 = tpu.memref_slice %arg2[%add3A_17, %dma_wait3A] : memref<12544x128xi32, #tpu.memory_space<hbm>> -> memref<56x128xi32, #tpu.memory_space<hbm>>
      %dma_wait3A_26 = arith.constant 0 : i32
      %dma_wait3A_27 = tpu.memref_slice %arg2[%add3A_17, %dma_wait3A_26] : memref<12544x128xi32, #tpu.memory_space<hbm>> -> memref<56x128xi32, #tpu.memory_space<hbm>>
      tpu.wait_dma2 semaphore(%arg11 : memref<!tpu.dma_semaphore, #tpu.memory_space<semaphore_mem>>) src(%dma_wait3A_27 : memref<56x128xi32, #tpu.memory_space<hbm>>) dst(%arg7 : memref<56x128xi32, #tpu.memory_space<vmem>>)
      %dma_wait3A_28 = arith.constant 0 : i32
      %dma_wait3A_29 = tpu.memref_slice %arg3[%add3A_17, %dma_wait3A_28] : memref<12544x128xi32, #tpu.memory_space<hbm>> -> memref<56x128xi32, #tpu.memory_space<hbm>>
      %dma_wait3A_30 = arith.constant 0 : i32
      %dma_wait3A_31 = tpu.memref_slice %arg3[%add3A_17, %dma_wait3A_30] : memref<12544x128xi32, #tpu.memory_space<hbm>> -> memref<56x128xi32, #tpu.memory_space<hbm>>
      tpu.wait_dma2 semaphore(%arg11 : memref<!tpu.dma_semaphore, #tpu.memory_space<semaphore_mem>>) src(%dma_wait3A_31 : memref<56x128xi32, #tpu.memory_space<hbm>>) dst(%arg8 : memref<56x128xi32, #tpu.memory_space<vmem>>)
      %scan3A_32 = arith.constant 0 : i32
      %scan3A_33 = arith.constant 0 : i32
      %scan3A_34 = arith.constant 7 : i32
      %scan3A_35 = arith.addi %scan3A_33, %scan3A_34 : i32
      %scan3A_36 = arith.constant 1 : i32
      scf.for %scan3A_38 = %scan3A_33 to %scan3A_35 step %scan3A_36  : i32 {
        %mul3A_39 = arith.constant 8 : i32
        %mul3A_40 = arith.muli %scan3A_38, %mul3A_39 : i32
        %add3A_41 = arith.constant 0 : i32
        %add3A_42 = arith.addi %mul3A_40, %add3A_41 : i32
        %dma_start3A_43 = arith.constant 0 : i32
        %dma_start3A_44 = arith.constant 0 : i32
        %dma_start3A_45 = arith.constant 0 : i32
        %dma_start3A_46 = tpu.memref_slice %arg9[%dma_start3A_43, %dma_start3A_44, %dma_start3A_45] : memref<8x128x16xf32, #tpu.memory_space<vmem>> -> memref<1x128x16xf32, #tpu.memory_space<vmem>>
        %dma_start3A_47 = tpu.memref_squeeze %dma_start3A_46 : memref<1x128x16xf32, #tpu.memory_space<vmem>> -> memref<128x16xf32, #tpu.memory_space<vmem>>
        %dma_start3A_48 = arith.constant 0 : i32
        %dma_start3A_49 = tpu.memref_slice %arg7[%add3A_42, %dma_start3A_48] : memref<56x128xi32, #tpu.memory_space<vmem>> -> memref<1x128xi32, #tpu.memory_space<vmem>>
        %dma_start3A_50 = tpu.memref_squeeze %dma_start3A_49 : memref<1x128xi32, #tpu.memory_space<vmem>> -> memref<128xi32, #tpu.memory_space<vmem>>
        %dma_start3A_51 = arith.constant 0 : i32
        %dma_start3A_52 = arith.constant 0 : i32
        %dma_start3A_53 = tpu.memref_slice %arg4[%dma_start3A_51, %dma_start3A_52] : memref<100096x16xf32, #tpu.memory_space<hbm>> -> memref<100096x16xf32, #tpu.memory_space<hbm>>
        tpu.enqueue_indirect_dma source(%dma_start3A_53 : memref<100096x16xf32, #tpu.memory_space<hbm>>) target(%dma_start3A_47 : memref<128x16xf32, #tpu.memory_space<vmem>>) offsets(%dma_start3A_50 : memref<128xi32, #tpu.memory_space<vmem>>) semaphore(%arg12 : memref<!tpu.dma_semaphore, #tpu.memory_space<semaphore_mem>>)
        %add3A_54 = arith.constant 1 : i32
        %add3A_55 = arith.addi %mul3A_40, %add3A_54 : i32
        %dma_start3A_56 = arith.constant 1 : i32
        %dma_start3A_57 = arith.constant 0 : i32
        %dma_start3A_58 = arith.constant 0 : i32
        %dma_start3A_59 = tpu.memref_slice %arg9[%dma_start3A_56, %dma_start3A_57, %dma_start3A_58] : memref<8x128x16xf32, #tpu.memory_space<vmem>> -> memref<1x128x16xf32, #tpu.memory_space<vmem>>
        %dma_start3A_60 = tpu.memref_squeeze %dma_start3A_59 : memref<1x128x16xf32, #tpu.memory_space<vmem>> -> memref<128x16xf32, #tpu.memory_space<vmem>>
        %dma_start3A_61 = arith.constant 0 : i32
        %dma_start3A_62 = tpu.memref_slice %arg7[%add3A_55, %dma_start3A_61] : memref<56x128xi32, #tpu.memory_space<vmem>> -> memref<1x128xi32, #tpu.memory_space<vmem>>
        %dma_start3A_63 = tpu.memref_squeeze %dma_start3A_62 : memref<1x128xi32, #tpu.memory_space<vmem>> -> memref<128xi32, #tpu.memory_space<vmem>>
        %dma_start3A_64 = arith.constant 0 : i32
        %dma_start3A_65 = arith.constant 0 : i32
        %dma_start3A_66 = tpu.memref_slice %arg4[%dma_start3A_64, %dma_start3A_65] : memref<100096x16xf32, #tpu.memory_space<hbm>> -> memref<100096x16xf32, #tpu.memory_space<hbm>>
        tpu.enqueue_indirect_dma source(%dma_start3A_66 : memref<100096x16xf32, #tpu.memory_space<hbm>>) target(%dma_start3A_60 : memref<128x16xf32, #tpu.memory_space<vmem>>) offsets(%dma_start3A_63 : memref<128xi32, #tpu.memory_space<vmem>>) semaphore(%arg12 : memref<!tpu.dma_semaphore, #tpu.memory_space<semaphore_mem>>)
        %add3A_67 = arith.constant 2 : i32
        %add3A_68 = arith.addi %mul3A_40, %add3A_67 : i32
        %dma_start3A_69 = arith.constant 2 : i32
        %dma_start3A_70 = arith.constant 0 : i32
        %dma_start3A_71 = arith.constant 0 : i32
        %dma_start3A_72 = tpu.memref_slice %arg9[%dma_start3A_69, %dma_start3A_70, %dma_start3A_71] : memref<8x128x16xf32, #tpu.memory_space<vmem>> -> memref<1x128x16xf32, #tpu.memory_space<vmem>>
        %dma_start3A_73 = tpu.memref_squeeze %dma_start3A_72 : memref<1x128x16xf32, #tpu.memory_space<vmem>> -> memref<128x16xf32, #tpu.memory_space<vmem>>
        %dma_start3A_74 = arith.constant 0 : i32
        %dma_start3A_75 = tpu.memref_slice %arg7[%add3A_68, %dma_start3A_74] : memref<56x128xi32, #tpu.memory_space<vmem>> -> memref<1x128xi32, #tpu.memory_space<vmem>>
        %dma_start3A_76 = tpu.memref_squeeze %dma_start3A_75 : memref<1x128xi32, #tpu.memory_space<vmem>> -> memref<128xi32, #tpu.memory_space<vmem>>
        %dma_start3A_77 = arith.constant 0 : i32
        %dma_start3A_78 = arith.constant 0 : i32
        %dma_start3A_79 = tpu.memref_slice %arg4[%dma_start3A_77, %dma_start3A_78] : memref<100096x16xf32, #tpu.memory_space<hbm>> -> memref<100096x16xf32, #tpu.memory_space<hbm>>
        tpu.enqueue_indirect_dma source(%dma_start3A_79 : memref<100096x16xf32, #tpu.memory_space<hbm>>) target(%dma_start3A_73 : memref<128x16xf32, #tpu.memory_space<vmem>>) offsets(%dma_start3A_76 : memref<128xi32, #tpu.memory_space<vmem>>) semaphore(%arg12 : memref<!tpu.dma_semaphore, #tpu.memory_space<semaphore_mem>>)
        %add3A_80 = arith.constant 3 : i32
        %add3A_81 = arith.addi %mul3A_40, %add3A_80 : i32
        %dma_start3A_82 = arith.constant 3 : i32
        %dma_start3A_83 = arith.constant 0 : i32
        %dma_start3A_84 = arith.constant 0 : i32
        %dma_start3A_85 = tpu.memref_slice %arg9[%dma_start3A_82, %dma_start3A_83, %dma_start3A_84] : memref<8x128x16xf32, #tpu.memory_space<vmem>> -> memref<1x128x16xf32, #tpu.memory_space<vmem>>
        %dma_start3A_86 = tpu.memref_squeeze %dma_start3A_85 : memref<1x128x16xf32, #tpu.memory_space<vmem>> -> memref<128x16xf32, #tpu.memory_space<vmem>>
        %dma_start3A_87 = arith.constant 0 : i32
        %dma_start3A_88 = tpu.memref_slice %arg7[%add3A_81, %dma_start3A_87] : memref<56x128xi32, #tpu.memory_space<vmem>> -> memref<1x128xi32, #tpu.memory_space<vmem>>
        %dma_start3A_89 = tpu.memref_squeeze %dma_start3A_88 : memref<1x128xi32, #tpu.memory_space<vmem>> -> memref<128xi32, #tpu.memory_space<vmem>>
        %dma_start3A_90 = arith.constant 0 : i32
        %dma_start3A_91 = arith.constant 0 : i32
        %dma_start3A_92 = tpu.memref_slice %arg4[%dma_start3A_90, %dma_start3A_91] : memref<100096x16xf32, #tpu.memory_space<hbm>> -> memref<100096x16xf32, #tpu.memory_space<hbm>>
        tpu.enqueue_indirect_dma source(%dma_start3A_92 : memref<100096x16xf32, #tpu.memory_space<hbm>>) target(%dma_start3A_86 : memref<128x16xf32, #tpu.memory_space<vmem>>) offsets(%dma_start3A_89 : memref<128xi32, #tpu.memory_space<vmem>>) semaphore(%arg12 : memref<!tpu.dma_semaphore, #tpu.memory_space<semaphore_mem>>)
        %add3A_93 = arith.constant 4 : i32
        %add3A_94 = arith.addi %mul3A_40, %add3A_93 : i32
        %dma_start3A_95 = arith.constant 4 : i32
        %dma_start3A_96 = arith.constant 0 : i32
        %dma_start3A_97 = arith.constant 0 : i32
        %dma_start3A_98 = tpu.memref_slice %arg9[%dma_start3A_95, %dma_start3A_96, %dma_start3A_97] : memref<8x128x16xf32, #tpu.memory_space<vmem>> -> memref<1x128x16xf32, #tpu.memory_space<vmem>>
        %dma_start3A_99 = tpu.memref_squeeze %dma_start3A_98 : memref<1x128x16xf32, #tpu.memory_space<vmem>> -> memref<128x16xf32, #tpu.memory_space<vmem>>
        %dma_start3A_100 = arith.constant 0 : i32
        %dma_start3A_101 = tpu.memref_slice %arg7[%add3A_94, %dma_start3A_100] : memref<56x128xi32, #tpu.memory_space<vmem>> -> memref<1x128xi32, #tpu.memory_space<vmem>>
        %dma_start3A_102 = tpu.memref_squeeze %dma_start3A_101 : memref<1x128xi32, #tpu.memory_space<vmem>> -> memref<128xi32, #tpu.memory_space<vmem>>
        %dma_start3A_103 = arith.constant 0 : i32
        %dma_start3A_104 = arith.constant 0 : i32
        %dma_start3A_105 = tpu.memref_slice %arg4[%dma_start3A_103, %dma_start3A_104] : memref<100096x16xf32, #tpu.memory_space<hbm>> -> memref<100096x16xf32, #tpu.memory_space<hbm>>
        tpu.enqueue_indirect_dma source(%dma_start3A_105 : memref<100096x16xf32, #tpu.memory_space<hbm>>) target(%dma_start3A_99 : memref<128x16xf32, #tpu.memory_space<vmem>>) offsets(%dma_start3A_102 : memref<128xi32, #tpu.memory_space<vmem>>) semaphore(%arg12 : memref<!tpu.dma_semaphore, #tpu.memory_space<semaphore_mem>>)
        %add3A_106 = arith.constant 5 : i32
        %add3A_107 = arith.addi %mul3A_40, %add3A_106 : i32
        %dma_start3A_108 = arith.constant 5 : i32
        %dma_start3A_109 = arith.constant 0 : i32
        %dma_start3A_110 = arith.constant 0 : i32
        %dma_start3A_111 = tpu.memref_slice %arg9[%dma_start3A_108, %dma_start3A_109, %dma_start3A_110] : memref<8x128x16xf32, #tpu.memory_space<vmem>> -> memref<1x128x16xf32, #tpu.memory_space<vmem>>
        %dma_start3A_112 = tpu.memref_squeeze %dma_start3A_111 : memref<1x128x16xf32, #tpu.memory_space<vmem>> -> memref<128x16xf32, #tpu.memory_space<vmem>>
        %dma_start3A_113 = arith.constant 0 : i32
        %dma_start3A_114 = tpu.memref_slice %arg7[%add3A_107, %dma_start3A_113] : memref<56x128xi32, #tpu.memory_space<vmem>> -> memref<1x128xi32, #tpu.memory_space<vmem>>
        %dma_start3A_115 = tpu.memref_squeeze %dma_start3A_114 : memref<1x128xi32, #tpu.memory_space<vmem>> -> memref<128xi32, #tpu.memory_space<vmem>>
        %dma_start3A_116 = arith.constant 0 : i32
        %dma_start3A_117 = arith.constant 0 : i32
        %dma_start3A_118 = tpu.memref_slice %arg4[%dma_start3A_116, %dma_start3A_117] : memref<100096x16xf32, #tpu.memory_space<hbm>> -> memref<100096x16xf32, #tpu.memory_space<hbm>>
        tpu.enqueue_indirect_dma source(%dma_start3A_118 : memref<100096x16xf32, #tpu.memory_space<hbm>>) target(%dma_start3A_112 : memref<128x16xf32, #tpu.memory_space<vmem>>) offsets(%dma_start3A_115 : memref<128xi32, #tpu.memory_space<vmem>>) semaphore(%arg12 : memref<!tpu.dma_semaphore, #tpu.memory_space<semaphore_mem>>)
        %add3A_119 = arith.constant 6 : i32
        %add3A_120 = arith.addi %mul3A_40, %add3A_119 : i32
        %dma_start3A_121 = arith.constant 6 : i32
        %dma_start3A_122 = arith.constant 0 : i32
        %dma_start3A_123 = arith.constant 0 : i32
        %dma_start3A_124 = tpu.memref_slice %arg9[%dma_start3A_121, %dma_start3A_122, %dma_start3A_123] : memref<8x128x16xf32, #tpu.memory_space<vmem>> -> memref<1x128x16xf32, #tpu.memory_space<vmem>>
        %dma_start3A_125 = tpu.memref_squeeze %dma_start3A_124 : memref<1x128x16xf32, #tpu.memory_space<vmem>> -> memref<128x16xf32, #tpu.memory_space<vmem>>
        %dma_start3A_126 = arith.constant 0 : i32
        %dma_start3A_127 = tpu.memref_slice %arg7[%add3A_120, %dma_start3A_126] : memref<56x128xi32, #tpu.memory_space<vmem>> -> memref<1x128xi32, #tpu.memory_space<vmem>>
        %dma_start3A_128 = tpu.memref_squeeze %dma_start3A_127 : memref<1x128xi32, #tpu.memory_space<vmem>> -> memref<128xi32, #tpu.memory_space<vmem>>
        %dma_start3A_129 = arith.constant 0 : i32
        %dma_start3A_130 = arith.constant 0 : i32
        %dma_start3A_131 = tpu.memref_slice %arg4[%dma_start3A_129, %dma_start3A_130] : memref<100096x16xf32, #tpu.memory_space<hbm>> -> memref<100096x16xf32, #tpu.memory_space<hbm>>
        tpu.enqueue_indirect_dma source(%dma_start3A_131 : memref<100096x16xf32, #tpu.memory_space<hbm>>) target(%dma_start3A_125 : memref<128x16xf32, #tpu.memory_space<vmem>>) offsets(%dma_start3A_128 : memref<128xi32, #tpu.memory_space<vmem>>) semaphore(%arg12 : memref<!tpu.dma_semaphore, #tpu.memory_space<semaphore_mem>>)
        %add3A_132 = arith.constant 7 : i32
        %add3A_133 = arith.addi %mul3A_40, %add3A_132 : i32
        %dma_start3A_134 = arith.constant 7 : i32
        %dma_start3A_135 = arith.constant 0 : i32
        %dma_start3A_136 = arith.constant 0 : i32
        %dma_start3A_137 = tpu.memref_slice %arg9[%dma_start3A_134, %dma_start3A_135, %dma_start3A_136] : memref<8x128x16xf32, #tpu.memory_space<vmem>> -> memref<1x128x16xf32, #tpu.memory_space<vmem>>
        %dma_start3A_138 = tpu.memref_squeeze %dma_start3A_137 : memref<1x128x16xf32, #tpu.memory_space<vmem>> -> memref<128x16xf32, #tpu.memory_space<vmem>>
        %dma_start3A_139 = arith.constant 0 : i32
        %dma_start3A_140 = tpu.memref_slice %arg7[%add3A_133, %dma_start3A_139] : memref<56x128xi32, #tpu.memory_space<vmem>> -> memref<1x128xi32, #tpu.memory_space<vmem>>
        %dma_start3A_141 = tpu.memref_squeeze %dma_start3A_140 : memref<1x128xi32, #tpu.memory_space<vmem>> -> memref<128xi32, #tpu.memory_space<vmem>>
        %dma_start3A_142 = arith.constant 0 : i32
        %dma_start3A_143 = arith.constant 0 : i32
        %dma_start3A_144 = tpu.memref_slice %arg4[%dma_start3A_142, %dma_start3A_143] : memref<100096x16xf32, #tpu.memory_space<hbm>> -> memref<100096x16xf32, #tpu.memory_space<hbm>>
        tpu.enqueue_indirect_dma source(%dma_start3A_144 : memref<100096x16xf32, #tpu.memory_space<hbm>>) target(%dma_start3A_138 : memref<128x16xf32, #tpu.memory_space<vmem>>) offsets(%dma_start3A_141 : memref<128xi32, #tpu.memory_space<vmem>>) semaphore(%arg12 : memref<!tpu.dma_semaphore, #tpu.memory_space<semaphore_mem>>)
        %dma_wait3A_145 = arith.constant 0 : i32
        %dma_wait3A_146 = arith.constant 0 : i32
        %dma_wait3A_147 = arith.constant 0 : i32
        %dma_wait3A_148 = tpu.memref_slice %arg9[%dma_wait3A_145, %dma_wait3A_146, %dma_wait3A_147] : memref<8x128x16xf32, #tpu.memory_space<vmem>> -> memref<1x128x16xf32, #tpu.memory_space<vmem>>
        %dma_wait3A_149 = tpu.memref_squeeze %dma_wait3A_148 : memref<1x128x16xf32, #tpu.memory_space<vmem>> -> memref<128x16xf32, #tpu.memory_space<vmem>>
        %dma_wait3A_150 = arith.constant 0 : i32
        %dma_wait3A_151 = tpu.memref_slice %arg7[%add3A_42, %dma_wait3A_150] : memref<56x128xi32, #tpu.memory_space<vmem>> -> memref<1x128xi32, #tpu.memory_space<vmem>>
        %dma_wait3A_152 = tpu.memref_squeeze %dma_wait3A_151 : memref<1x128xi32, #tpu.memory_space<vmem>> -> memref<128xi32, #tpu.memory_space<vmem>>
        %dma_wait3A_153 = arith.constant 0 : i32
        %dma_wait3A_154 = arith.constant 0 : i32
        %dma_wait3A_155 = tpu.memref_slice %arg4[%dma_wait3A_153, %dma_wait3A_154] : memref<100096x16xf32, #tpu.memory_space<hbm>> -> memref<100096x16xf32, #tpu.memory_space<hbm>>
        tpu.wait_indirect_dma semaphore(%arg12 : memref<!tpu.dma_semaphore, #tpu.memory_space<semaphore_mem>>) src(%dma_wait3A_155 : memref<100096x16xf32, #tpu.memory_space<hbm>>) dst(%dma_wait3A_149 : memref<128x16xf32, #tpu.memory_space<vmem>>)
        %add3A_156 = arith.constant 0 : i32
        %add3A_157 = arith.addi %mul3A_40, %add3A_156 : i32
        %dma_start3A_158 = arith.constant 0 : i32
        %dma_start3A_159 = arith.constant 0 : i32
        %dma_start3A_160 = arith.constant 0 : i32
        %dma_start3A_161 = tpu.memref_slice %arg9[%dma_start3A_158, %dma_start3A_159, %dma_start3A_160] : memref<8x128x16xf32, #tpu.memory_space<vmem>> -> memref<1x128x16xf32, #tpu.memory_space<vmem>>
        %dma_start3A_162 = tpu.memref_squeeze %dma_start3A_161 : memref<1x128x16xf32, #tpu.memory_space<vmem>> -> memref<128x16xf32, #tpu.memory_space<vmem>>
        %dma_start3A_163 = arith.constant 0 : i32
        %dma_start3A_164 = tpu.memref_slice %arg8[%add3A_157, %dma_start3A_163] : memref<56x128xi32, #tpu.memory_space<vmem>> -> memref<1x128xi32, #tpu.memory_space<vmem>>
        %dma_start3A_165 = tpu.memref_squeeze %dma_start3A_164 : memref<1x128xi32, #tpu.memory_space<vmem>> -> memref<128xi32, #tpu.memory_space<vmem>>
        %dma_start3A_166 = arith.constant 0 : i32
        %dma_start3A_167 = arith.constant 0 : i32
        %dma_start3A_168 = tpu.memref_slice %arg10[%dma_start3A_166, %dma_start3A_167] : memref<100096x16xf32, #tpu.memory_space<vmem_shared>> -> memref<100096x16xf32, #tpu.memory_space<vmem_shared>>
        tpu.enqueue_indirect_dma source(%dma_start3A_162 : memref<128x16xf32, #tpu.memory_space<vmem>>) target(%dma_start3A_168 : memref<100096x16xf32, #tpu.memory_space<vmem_shared>>) offsets(%dma_start3A_165 : memref<128xi32, #tpu.memory_space<vmem>>) semaphore(%arg13 : memref<!tpu.dma_semaphore, #tpu.memory_space<semaphore_mem>>) {add = true}
        %dma_wait3A_169 = arith.constant 1 : i32
        %dma_wait3A_170 = arith.constant 0 : i32
        %dma_wait3A_171 = arith.constant 0 : i32
        %dma_wait3A_172 = tpu.memref_slice %arg9[%dma_wait3A_169, %dma_wait3A_170, %dma_wait3A_171] : memref<8x128x16xf32, #tpu.memory_space<vmem>> -> memref<1x128x16xf32, #tpu.memory_space<vmem>>
        %dma_wait3A_173 = tpu.memref_squeeze %dma_wait3A_172 : memref<1x128x16xf32, #tpu.memory_space<vmem>> -> memref<128x16xf32, #tpu.memory_space<vmem>>
        %dma_wait3A_174 = arith.constant 0 : i32
        %dma_wait3A_175 = tpu.memref_slice %arg7[%add3A_55, %dma_wait3A_174] : memref<56x128xi32, #tpu.memory_space<vmem>> -> memref<1x128xi32, #tpu.memory_space<vmem>>
        %dma_wait3A_176 = tpu.memref_squeeze %dma_wait3A_175 : memref<1x128xi32, #tpu.memory_space<vmem>> -> memref<128xi32, #tpu.memory_space<vmem>>
        %dma_wait3A_177 = arith.constant 0 : i32
        %dma_wait3A_178 = arith.constant 0 : i32
        %dma_wait3A_179 = tpu.memref_slice %arg4[%dma_wait3A_177, %dma_wait3A_178] : memref<100096x16xf32, #tpu.memory_space<hbm>> -> memref<100096x16xf32, #tpu.memory_space<hbm>>
        tpu.wait_indirect_dma semaphore(%arg12 : memref<!tpu.dma_semaphore, #tpu.memory_space<semaphore_mem>>) src(%dma_wait3A_179 : memref<100096x16xf32, #tpu.memory_space<hbm>>) dst(%dma_wait3A_173 : memref<128x16xf32, #tpu.memory_space<vmem>>)
        %add3A_180 = arith.constant 1 : i32
        %add3A_181 = arith.addi %mul3A_40, %add3A_180 : i32
        %dma_start3A_182 = arith.constant 1 : i32
        %dma_start3A_183 = arith.constant 0 : i32
        %dma_start3A_184 = arith.constant 0 : i32
        %dma_start3A_185 = tpu.memref_slice %arg9[%dma_start3A_182, %dma_start3A_183, %dma_start3A_184] : memref<8x128x16xf32, #tpu.memory_space<vmem>> -> memref<1x128x16xf32, #tpu.memory_space<vmem>>
        %dma_start3A_186 = tpu.memref_squeeze %dma_start3A_185 : memref<1x128x16xf32, #tpu.memory_space<vmem>> -> memref<128x16xf32, #tpu.memory_space<vmem>>
        %dma_start3A_187 = arith.constant 0 : i32
        %dma_start3A_188 = tpu.memref_slice %arg8[%add3A_181, %dma_start3A_187] : memref<56x128xi32, #tpu.memory_space<vmem>> -> memref<1x128xi32, #tpu.memory_space<vmem>>
        %dma_start3A_189 = tpu.memref_squeeze %dma_start3A_188 : memref<1x128xi32, #tpu.memory_space<vmem>> -> memref<128xi32, #tpu.memory_space<vmem>>
        %dma_start3A_190 = arith.constant 0 : i32
        %dma_start3A_191 = arith.constant 0 : i32
        %dma_start3A_192 = tpu.memref_slice %arg10[%dma_start3A_190, %dma_start3A_191] : memref<100096x16xf32, #tpu.memory_space<vmem_shared>> -> memref<100096x16xf32, #tpu.memory_space<vmem_shared>>
        tpu.enqueue_indirect_dma source(%dma_start3A_186 : memref<128x16xf32, #tpu.memory_space<vmem>>) target(%dma_start3A_192 : memref<100096x16xf32, #tpu.memory_space<vmem_shared>>) offsets(%dma_start3A_189 : memref<128xi32, #tpu.memory_space<vmem>>) semaphore(%arg13 : memref<!tpu.dma_semaphore, #tpu.memory_space<semaphore_mem>>) {add = true}
        %dma_wait3A_193 = arith.constant 2 : i32
        %dma_wait3A_194 = arith.constant 0 : i32
        %dma_wait3A_195 = arith.constant 0 : i32
        %dma_wait3A_196 = tpu.memref_slice %arg9[%dma_wait3A_193, %dma_wait3A_194, %dma_wait3A_195] : memref<8x128x16xf32, #tpu.memory_space<vmem>> -> memref<1x128x16xf32, #tpu.memory_space<vmem>>
        %dma_wait3A_197 = tpu.memref_squeeze %dma_wait3A_196 : memref<1x128x16xf32, #tpu.memory_space<vmem>> -> memref<128x16xf32, #tpu.memory_space<vmem>>
        %dma_wait3A_198 = arith.constant 0 : i32
        %dma_wait3A_199 = tpu.memref_slice %arg7[%add3A_68, %dma_wait3A_198] : memref<56x128xi32, #tpu.memory_space<vmem>> -> memref<1x128xi32, #tpu.memory_space<vmem>>
        %dma_wait3A_200 = tpu.memref_squeeze %dma_wait3A_199 : memref<1x128xi32, #tpu.memory_space<vmem>> -> memref<128xi32, #tpu.memory_space<vmem>>
        %dma_wait3A_201 = arith.constant 0 : i32
        %dma_wait3A_202 = arith.constant 0 : i32
        %dma_wait3A_203 = tpu.memref_slice %arg4[%dma_wait3A_201, %dma_wait3A_202] : memref<100096x16xf32, #tpu.memory_space<hbm>> -> memref<100096x16xf32, #tpu.memory_space<hbm>>
        tpu.wait_indirect_dma semaphore(%arg12 : memref<!tpu.dma_semaphore, #tpu.memory_space<semaphore_mem>>) src(%dma_wait3A_203 : memref<100096x16xf32, #tpu.memory_space<hbm>>) dst(%dma_wait3A_197 : memref<128x16xf32, #tpu.memory_space<vmem>>)
        %add3A_204 = arith.constant 2 : i32
        %add3A_205 = arith.addi %mul3A_40, %add3A_204 : i32
        %dma_start3A_206 = arith.constant 2 : i32
        %dma_start3A_207 = arith.constant 0 : i32
        %dma_start3A_208 = arith.constant 0 : i32
        %dma_start3A_209 = tpu.memref_slice %arg9[%dma_start3A_206, %dma_start3A_207, %dma_start3A_208] : memref<8x128x16xf32, #tpu.memory_space<vmem>> -> memref<1x128x16xf32, #tpu.memory_space<vmem>>
        %dma_start3A_210 = tpu.memref_squeeze %dma_start3A_209 : memref<1x128x16xf32, #tpu.memory_space<vmem>> -> memref<128x16xf32, #tpu.memory_space<vmem>>
        %dma_start3A_211 = arith.constant 0 : i32
        %dma_start3A_212 = tpu.memref_slice %arg8[%add3A_205, %dma_start3A_211] : memref<56x128xi32, #tpu.memory_space<vmem>> -> memref<1x128xi32, #tpu.memory_space<vmem>>
        %dma_start3A_213 = tpu.memref_squeeze %dma_start3A_212 : memref<1x128xi32, #tpu.memory_space<vmem>> -> memref<128xi32, #tpu.memory_space<vmem>>
        %dma_start3A_214 = arith.constant 0 : i32
        %dma_start3A_215 = arith.constant 0 : i32
        %dma_start3A_216 = tpu.memref_slice %arg10[%dma_start3A_214, %dma_start3A_215] : memref<100096x16xf32, #tpu.memory_space<vmem_shared>> -> memref<100096x16xf32, #tpu.memory_space<vmem_shared>>
        tpu.enqueue_indirect_dma source(%dma_start3A_210 : memref<128x16xf32, #tpu.memory_space<vmem>>) target(%dma_start3A_216 : memref<100096x16xf32, #tpu.memory_space<vmem_shared>>) offsets(%dma_start3A_213 : memref<128xi32, #tpu.memory_space<vmem>>) semaphore(%arg13 : memref<!tpu.dma_semaphore, #tpu.memory_space<semaphore_mem>>) {add = true}
        %dma_wait3A_217 = arith.constant 3 : i32
        %dma_wait3A_218 = arith.constant 0 : i32
        %dma_wait3A_219 = arith.constant 0 : i32
        %dma_wait3A_220 = tpu.memref_slice %arg9[%dma_wait3A_217, %dma_wait3A_218, %dma_wait3A_219] : memref<8x128x16xf32, #tpu.memory_space<vmem>> -> memref<1x128x16xf32, #tpu.memory_space<vmem>>
        %dma_wait3A_221 = tpu.memref_squeeze %dma_wait3A_220 : memref<1x128x16xf32, #tpu.memory_space<vmem>> -> memref<128x16xf32, #tpu.memory_space<vmem>>
        %dma_wait3A_222 = arith.constant 0 : i32
        %dma_wait3A_223 = tpu.memref_slice %arg7[%add3A_81, %dma_wait3A_222] : memref<56x128xi32, #tpu.memory_space<vmem>> -> memref<1x128xi32, #tpu.memory_space<vmem>>
        %dma_wait3A_224 = tpu.memref_squeeze %dma_wait3A_223 : memref<1x128xi32, #tpu.memory_space<vmem>> -> memref<128xi32, #tpu.memory_space<vmem>>
        %dma_wait3A_225 = arith.constant 0 : i32
        %dma_wait3A_226 = arith.constant 0 : i32
        %dma_wait3A_227 = tpu.memref_slice %arg4[%dma_wait3A_225, %dma_wait3A_226] : memref<100096x16xf32, #tpu.memory_space<hbm>> -> memref<100096x16xf32, #tpu.memory_space<hbm>>
        tpu.wait_indirect_dma semaphore(%arg12 : memref<!tpu.dma_semaphore, #tpu.memory_space<semaphore_mem>>) src(%dma_wait3A_227 : memref<100096x16xf32, #tpu.memory_space<hbm>>) dst(%dma_wait3A_221 : memref<128x16xf32, #tpu.memory_space<vmem>>)
        %add3A_228 = arith.constant 3 : i32
        %add3A_229 = arith.addi %mul3A_40, %add3A_228 : i32
        %dma_start3A_230 = arith.constant 3 : i32
        %dma_start3A_231 = arith.constant 0 : i32
        %dma_start3A_232 = arith.constant 0 : i32
        %dma_start3A_233 = tpu.memref_slice %arg9[%dma_start3A_230, %dma_start3A_231, %dma_start3A_232] : memref<8x128x16xf32, #tpu.memory_space<vmem>> -> memref<1x128x16xf32, #tpu.memory_space<vmem>>
        %dma_start3A_234 = tpu.memref_squeeze %dma_start3A_233 : memref<1x128x16xf32, #tpu.memory_space<vmem>> -> memref<128x16xf32, #tpu.memory_space<vmem>>
        %dma_start3A_235 = arith.constant 0 : i32
        %dma_start3A_236 = tpu.memref_slice %arg8[%add3A_229, %dma_start3A_235] : memref<56x128xi32, #tpu.memory_space<vmem>> -> memref<1x128xi32, #tpu.memory_space<vmem>>
        %dma_start3A_237 = tpu.memref_squeeze %dma_start3A_236 : memref<1x128xi32, #tpu.memory_space<vmem>> -> memref<128xi32, #tpu.memory_space<vmem>>
        %dma_start3A_238 = arith.constant 0 : i32
        %dma_start3A_239 = arith.constant 0 : i32
        %dma_start3A_240 = tpu.memref_slice %arg10[%dma_start3A_238, %dma_start3A_239] : memref<100096x16xf32, #tpu.memory_space<vmem_shared>> -> memref<100096x16xf32, #tpu.memory_space<vmem_shared>>
        tpu.enqueue_indirect_dma source(%dma_start3A_234 : memref<128x16xf32, #tpu.memory_space<vmem>>) target(%dma_start3A_240 : memref<100096x16xf32, #tpu.memory_space<vmem_shared>>) offsets(%dma_start3A_237 : memref<128xi32, #tpu.memory_space<vmem>>) semaphore(%arg13 : memref<!tpu.dma_semaphore, #tpu.memory_space<semaphore_mem>>) {add = true}
        %dma_wait3A_241 = arith.constant 4 : i32
        %dma_wait3A_242 = arith.constant 0 : i32
        %dma_wait3A_243 = arith.constant 0 : i32
        %dma_wait3A_244 = tpu.memref_slice %arg9[%dma_wait3A_241, %dma_wait3A_242, %dma_wait3A_243] : memref<8x128x16xf32, #tpu.memory_space<vmem>> -> memref<1x128x16xf32, #tpu.memory_space<vmem>>
        %dma_wait3A_245 = tpu.memref_squeeze %dma_wait3A_244 : memref<1x128x16xf32, #tpu.memory_space<vmem>> -> memref<128x16xf32, #tpu.memory_space<vmem>>
        %dma_wait3A_246 = arith.constant 0 : i32
        %dma_wait3A_247 = tpu.memref_slice %arg7[%add3A_94, %dma_wait3A_246] : memref<56x128xi32, #tpu.memory_space<vmem>> -> memref<1x128xi32, #tpu.memory_space<vmem>>
        %dma_wait3A_248 = tpu.memref_squeeze %dma_wait3A_247 : memref<1x128xi32, #tpu.memory_space<vmem>> -> memref<128xi32, #tpu.memory_space<vmem>>
        %dma_wait3A_249 = arith.constant 0 : i32
        %dma_wait3A_250 = arith.constant 0 : i32
        %dma_wait3A_251 = tpu.memref_slice %arg4[%dma_wait3A_249, %dma_wait3A_250] : memref<100096x16xf32, #tpu.memory_space<hbm>> -> memref<100096x16xf32, #tpu.memory_space<hbm>>
        tpu.wait_indirect_dma semaphore(%arg12 : memref<!tpu.dma_semaphore, #tpu.memory_space<semaphore_mem>>) src(%dma_wait3A_251 : memref<100096x16xf32, #tpu.memory_space<hbm>>) dst(%dma_wait3A_245 : memref<128x16xf32, #tpu.memory_space<vmem>>)
        %add3A_252 = arith.constant 4 : i32
        %add3A_253 = arith.addi %mul3A_40, %add3A_252 : i32
        %dma_start3A_254 = arith.constant 4 : i32
        %dma_start3A_255 = arith.constant 0 : i32
        %dma_start3A_256 = arith.constant 0 : i32
        %dma_start3A_257 = tpu.memref_slice %arg9[%dma_start3A_254, %dma_start3A_255, %dma_start3A_256] : memref<8x128x16xf32, #tpu.memory_space<vmem>> -> memref<1x128x16xf32, #tpu.memory_space<vmem>>
        %dma_start3A_258 = tpu.memref_squeeze %dma_start3A_257 : memref<1x128x16xf32, #tpu.memory_space<vmem>> -> memref<128x16xf32, #tpu.memory_space<vmem>>
        %dma_start3A_259 = arith.constant 0 : i32
        %dma_start3A_260 = tpu.memref_slice %arg8[%add3A_253, %dma_start3A_259] : memref<56x128xi32, #tpu.memory_space<vmem>> -> memref<1x128xi32, #tpu.memory_space<vmem>>
        %dma_start3A_261 = tpu.memref_squeeze %dma_start3A_260 : memref<1x128xi32, #tpu.memory_space<vmem>> -> memref<128xi32, #tpu.memory_space<vmem>>
        %dma_start3A_262 = arith.constant 0 : i32
        %dma_start3A_263 = arith.constant 0 : i32
        %dma_start3A_264 = tpu.memref_slice %arg10[%dma_start3A_262, %dma_start3A_263] : memref<100096x16xf32, #tpu.memory_space<vmem_shared>> -> memref<100096x16xf32, #tpu.memory_space<vmem_shared>>
        tpu.enqueue_indirect_dma source(%dma_start3A_258 : memref<128x16xf32, #tpu.memory_space<vmem>>) target(%dma_start3A_264 : memref<100096x16xf32, #tpu.memory_space<vmem_shared>>) offsets(%dma_start3A_261 : memref<128xi32, #tpu.memory_space<vmem>>) semaphore(%arg13 : memref<!tpu.dma_semaphore, #tpu.memory_space<semaphore_mem>>) {add = true}
        %dma_wait3A_265 = arith.constant 5 : i32
        %dma_wait3A_266 = arith.constant 0 : i32
        %dma_wait3A_267 = arith.constant 0 : i32
        %dma_wait3A_268 = tpu.memref_slice %arg9[%dma_wait3A_265, %dma_wait3A_266, %dma_wait3A_267] : memref<8x128x16xf32, #tpu.memory_space<vmem>> -> memref<1x128x16xf32, #tpu.memory_space<vmem>>
        %dma_wait3A_269 = tpu.memref_squeeze %dma_wait3A_268 : memref<1x128x16xf32, #tpu.memory_space<vmem>> -> memref<128x16xf32, #tpu.memory_space<vmem>>
        %dma_wait3A_270 = arith.constant 0 : i32
        %dma_wait3A_271 = tpu.memref_slice %arg7[%add3A_107, %dma_wait3A_270] : memref<56x128xi32, #tpu.memory_space<vmem>> -> memref<1x128xi32, #tpu.memory_space<vmem>>
        %dma_wait3A_272 = tpu.memref_squeeze %dma_wait3A_271 : memref<1x128xi32, #tpu.memory_space<vmem>> -> memref<128xi32, #tpu.memory_space<vmem>>
        %dma_wait3A_273 = arith.constant 0 : i32
        %dma_wait3A_274 = arith.constant 0 : i32
        %dma_wait3A_275 = tpu.memref_slice %arg4[%dma_wait3A_273, %dma_wait3A_274] : memref<100096x16xf32, #tpu.memory_space<hbm>> -> memref<100096x16xf32, #tpu.memory_space<hbm>>
        tpu.wait_indirect_dma semaphore(%arg12 : memref<!tpu.dma_semaphore, #tpu.memory_space<semaphore_mem>>) src(%dma_wait3A_275 : memref<100096x16xf32, #tpu.memory_space<hbm>>) dst(%dma_wait3A_269 : memref<128x16xf32, #tpu.memory_space<vmem>>)
        %add3A_276 = arith.constant 5 : i32
        %add3A_277 = arith.addi %mul3A_40, %add3A_276 : i32
        %dma_start3A_278 = arith.constant 5 : i32
        %dma_start3A_279 = arith.constant 0 : i32
        %dma_start3A_280 = arith.constant 0 : i32
        %dma_start3A_281 = tpu.memref_slice %arg9[%dma_start3A_278, %dma_start3A_279, %dma_start3A_280] : memref<8x128x16xf32, #tpu.memory_space<vmem>> -> memref<1x128x16xf32, #tpu.memory_space<vmem>>
        %dma_start3A_282 = tpu.memref_squeeze %dma_start3A_281 : memref<1x128x16xf32, #tpu.memory_space<vmem>> -> memref<128x16xf32, #tpu.memory_space<vmem>>
        %dma_start3A_283 = arith.constant 0 : i32
        %dma_start3A_284 = tpu.memref_slice %arg8[%add3A_277, %dma_start3A_283] : memref<56x128xi32, #tpu.memory_space<vmem>> -> memref<1x128xi32, #tpu.memory_space<vmem>>
        %dma_start3A_285 = tpu.memref_squeeze %dma_start3A_284 : memref<1x128xi32, #tpu.memory_space<vmem>> -> memref<128xi32, #tpu.memory_space<vmem>>
        %dma_start3A_286 = arith.constant 0 : i32
        %dma_start3A_287 = arith.constant 0 : i32
        %dma_start3A_288 = tpu.memref_slice %arg10[%dma_start3A_286, %dma_start3A_287] : memref<100096x16xf32, #tpu.memory_space<vmem_shared>> -> memref<100096x16xf32, #tpu.memory_space<vmem_shared>>
        tpu.enqueue_indirect_dma source(%dma_start3A_282 : memref<128x16xf32, #tpu.memory_space<vmem>>) target(%dma_start3A_288 : memref<100096x16xf32, #tpu.memory_space<vmem_shared>>) offsets(%dma_start3A_285 : memref<128xi32, #tpu.memory_space<vmem>>) semaphore(%arg13 : memref<!tpu.dma_semaphore, #tpu.memory_space<semaphore_mem>>) {add = true}
        %dma_wait3A_289 = arith.constant 6 : i32
        %dma_wait3A_290 = arith.constant 0 : i32
        %dma_wait3A_291 = arith.constant 0 : i32
        %dma_wait3A_292 = tpu.memref_slice %arg9[%dma_wait3A_289, %dma_wait3A_290, %dma_wait3A_291] : memref<8x128x16xf32, #tpu.memory_space<vmem>> -> memref<1x128x16xf32, #tpu.memory_space<vmem>>
        %dma_wait3A_293 = tpu.memref_squeeze %dma_wait3A_292 : memref<1x128x16xf32, #tpu.memory_space<vmem>> -> memref<128x16xf32, #tpu.memory_space<vmem>>
        %dma_wait3A_294 = arith.constant 0 : i32
        %dma_wait3A_295 = tpu.memref_slice %arg7[%add3A_120, %dma_wait3A_294] : memref<56x128xi32, #tpu.memory_space<vmem>> -> memref<1x128xi32, #tpu.memory_space<vmem>>
        %dma_wait3A_296 = tpu.memref_squeeze %dma_wait3A_295 : memref<1x128xi32, #tpu.memory_space<vmem>> -> memref<128xi32, #tpu.memory_space<vmem>>
        %dma_wait3A_297 = arith.constant 0 : i32
        %dma_wait3A_298 = arith.constant 0 : i32
        %dma_wait3A_299 = tpu.memref_slice %arg4[%dma_wait3A_297, %dma_wait3A_298] : memref<100096x16xf32, #tpu.memory_space<hbm>> -> memref<100096x16xf32, #tpu.memory_space<hbm>>
        tpu.wait_indirect_dma semaphore(%arg12 : memref<!tpu.dma_semaphore, #tpu.memory_space<semaphore_mem>>) src(%dma_wait3A_299 : memref<100096x16xf32, #tpu.memory_space<hbm>>) dst(%dma_wait3A_293 : memref<128x16xf32, #tpu.memory_space<vmem>>)
        %add3A_300 = arith.constant 6 : i32
        %add3A_301 = arith.addi %mul3A_40, %add3A_300 : i32
        %dma_start3A_302 = arith.constant 6 : i32
        %dma_start3A_303 = arith.constant 0 : i32
        %dma_start3A_304 = arith.constant 0 : i32
        %dma_start3A_305 = tpu.memref_slice %arg9[%dma_start3A_302, %dma_start3A_303, %dma_start3A_304] : memref<8x128x16xf32, #tpu.memory_space<vmem>> -> memref<1x128x16xf32, #tpu.memory_space<vmem>>
        %dma_start3A_306 = tpu.memref_squeeze %dma_start3A_305 : memref<1x128x16xf32, #tpu.memory_space<vmem>> -> memref<128x16xf32, #tpu.memory_space<vmem>>
        %dma_start3A_307 = arith.constant 0 : i32
        %dma_start3A_308 = tpu.memref_slice %arg8[%add3A_301, %dma_start3A_307] : memref<56x128xi32, #tpu.memory_space<vmem>> -> memref<1x128xi32, #tpu.memory_space<vmem>>
        %dma_start3A_309 = tpu.memref_squeeze %dma_start3A_308 : memref<1x128xi32, #tpu.memory_space<vmem>> -> memref<128xi32, #tpu.memory_space<vmem>>
        %dma_start3A_310 = arith.constant 0 : i32
        %dma_start3A_311 = arith.constant 0 : i32
        %dma_start3A_312 = tpu.memref_slice %arg10[%dma_start3A_310, %dma_start3A_311] : memref<100096x16xf32, #tpu.memory_space<vmem_shared>> -> memref<100096x16xf32, #tpu.memory_space<vmem_shared>>
        tpu.enqueue_indirect_dma source(%dma_start3A_306 : memref<128x16xf32, #tpu.memory_space<vmem>>) target(%dma_start3A_312 : memref<100096x16xf32, #tpu.memory_space<vmem_shared>>) offsets(%dma_start3A_309 : memref<128xi32, #tpu.memory_space<vmem>>) semaphore(%arg13 : memref<!tpu.dma_semaphore, #tpu.memory_space<semaphore_mem>>) {add = true}
        %dma_wait3A_313 = arith.constant 7 : i32
        %dma_wait3A_314 = arith.constant 0 : i32
        %dma_wait3A_315 = arith.constant 0 : i32
        %dma_wait3A_316 = tpu.memref_slice %arg9[%dma_wait3A_313, %dma_wait3A_314, %dma_wait3A_315] : memref<8x128x16xf32, #tpu.memory_space<vmem>> -> memref<1x128x16xf32, #tpu.memory_space<vmem>>
        %dma_wait3A_317 = tpu.memref_squeeze %dma_wait3A_316 : memref<1x128x16xf32, #tpu.memory_space<vmem>> -> memref<128x16xf32, #tpu.memory_space<vmem>>
        %dma_wait3A_318 = arith.constant 0 : i32
        %dma_wait3A_319 = tpu.memref_slice %arg7[%add3A_133, %dma_wait3A_318] : memref<56x128xi32, #tpu.memory_space<vmem>> -> memref<1x128xi32, #tpu.memory_space<vmem>>
        %dma_wait3A_320 = tpu.memref_squeeze %dma_wait3A_319 : memref<1x128xi32, #tpu.memory_space<vmem>> -> memref<128xi32, #tpu.memory_space<vmem>>
        %dma_wait3A_321 = arith.constant 0 : i32
        %dma_wait3A_322 = arith.constant 0 : i32
        %dma_wait3A_323 = tpu.memref_slice %arg4[%dma_wait3A_321, %dma_wait3A_322] : memref<100096x16xf32, #tpu.memory_space<hbm>> -> memref<100096x16xf32, #tpu.memory_space<hbm>>
        tpu.wait_indirect_dma semaphore(%arg12 : memref<!tpu.dma_semaphore, #tpu.memory_space<semaphore_mem>>) src(%dma_wait3A_323 : memref<100096x16xf32, #tpu.memory_space<hbm>>) dst(%dma_wait3A_317 : memref<128x16xf32, #tpu.memory_space<vmem>>)
        %add3A_324 = arith.constant 7 : i32
        %add3A_325 = arith.addi %mul3A_40, %add3A_324 : i32
        %dma_start3A_326 = arith.constant 7 : i32
        %dma_start3A_327 = arith.constant 0 : i32
        %dma_start3A_328 = arith.constant 0 : i32
        %dma_start3A_329 = tpu.memref_slice %arg9[%dma_start3A_326, %dma_start3A_327, %dma_start3A_328] : memref<8x128x16xf32, #tpu.memory_space<vmem>> -> memref<1x128x16xf32, #tpu.memory_space<vmem>>
        %dma_start3A_330 = tpu.memref_squeeze %dma_start3A_329 : memref<1x128x16xf32, #tpu.memory_space<vmem>> -> memref<128x16xf32, #tpu.memory_space<vmem>>
        %dma_start3A_331 = arith.constant 0 : i32
        %dma_start3A_332 = tpu.memref_slice %arg8[%add3A_325, %dma_start3A_331] : memref<56x128xi32, #tpu.memory_space<vmem>> -> memref<1x128xi32, #tpu.memory_space<vmem>>
        %dma_start3A_333 = tpu.memref_squeeze %dma_start3A_332 : memref<1x128xi32, #tpu.memory_space<vmem>> -> memref<128xi32, #tpu.memory_space<vmem>>
        %dma_start3A_334 = arith.constant 0 : i32
        %dma_start3A_335 = arith.constant 0 : i32
        %dma_start3A_336 = tpu.memref_slice %arg10[%dma_start3A_334, %dma_start3A_335] : memref<100096x16xf32, #tpu.memory_space<vmem_shared>> -> memref<100096x16xf32, #tpu.memory_space<vmem_shared>>
        tpu.enqueue_indirect_dma source(%dma_start3A_330 : memref<128x16xf32, #tpu.memory_space<vmem>>) target(%dma_start3A_336 : memref<100096x16xf32, #tpu.memory_space<vmem_shared>>) offsets(%dma_start3A_333 : memref<128xi32, #tpu.memory_space<vmem>>) semaphore(%arg13 : memref<!tpu.dma_semaphore, #tpu.memory_space<semaphore_mem>>) {add = true}
        %dma_wait3A_337 = arith.constant 0 : i32
        %dma_wait3A_338 = arith.constant 0 : i32
        %dma_wait3A_339 = arith.constant 0 : i32
        %dma_wait3A_340 = tpu.memref_slice %arg9[%dma_wait3A_337, %dma_wait3A_338, %dma_wait3A_339] : memref<8x128x16xf32, #tpu.memory_space<vmem>> -> memref<1x128x16xf32, #tpu.memory_space<vmem>>
        %dma_wait3A_341 = tpu.memref_squeeze %dma_wait3A_340 : memref<1x128x16xf32, #tpu.memory_space<vmem>> -> memref<128x16xf32, #tpu.memory_space<vmem>>
        %dma_wait3A_342 = arith.constant 0 : i32
        %dma_wait3A_343 = tpu.memref_slice %arg8[%add3A_157, %dma_wait3A_342] : memref<56x128xi32, #tpu.memory_space<vmem>> -> memref<1x128xi32, #tpu.memory_space<vmem>>
        %dma_wait3A_344 = tpu.memref_squeeze %dma_wait3A_343 : memref<1x128xi32, #tpu.memory_space<vmem>> -> memref<128xi32, #tpu.memory_space<vmem>>
        %dma_wait3A_345 = arith.constant 0 : i32
        %dma_wait3A_346 = arith.constant 0 : i32
        %dma_wait3A_347 = tpu.memref_slice %arg10[%dma_wait3A_345, %dma_wait3A_346] : memref<100096x16xf32, #tpu.memory_space<vmem_shared>> -> memref<100096x16xf32, #tpu.memory_space<vmem_shared>>
        tpu.wait_indirect_dma semaphore(%arg13 : memref<!tpu.dma_semaphore, #tpu.memory_space<semaphore_mem>>) src(%dma_wait3A_341 : memref<128x16xf32, #tpu.memory_space<vmem>>) dst(%dma_wait3A_347 : memref<100096x16xf32, #tpu.memory_space<vmem_shared>>)
        %dma_wait3A_348 = arith.constant 1 : i32
        %dma_wait3A_349 = arith.constant 0 : i32
        %dma_wait3A_350 = arith.constant 0 : i32
        %dma_wait3A_351 = tpu.memref_slice %arg9[%dma_wait3A_348, %dma_wait3A_349, %dma_wait3A_350] : memref<8x128x16xf32, #tpu.memory_space<vmem>> -> memref<1x128x16xf32, #tpu.memory_space<vmem>>
        %dma_wait3A_352 = tpu.memref_squeeze %dma_wait3A_351 : memref<1x128x16xf32, #tpu.memory_space<vmem>> -> memref<128x16xf32, #tpu.memory_space<vmem>>
        %dma_wait3A_353 = arith.constant 0 : i32
        %dma_wait3A_354 = tpu.memref_slice %arg8[%add3A_181, %dma_wait3A_353] : memref<56x128xi32, #tpu.memory_space<vmem>> -> memref<1x128xi32, #tpu.memory_space<vmem>>
        %dma_wait3A_355 = tpu.memref_squeeze %dma_wait3A_354 : memref<1x128xi32, #tpu.memory_space<vmem>> -> memref<128xi32, #tpu.memory_space<vmem>>
        %dma_wait3A_356 = arith.constant 0 : i32
        %dma_wait3A_357 = arith.constant 0 : i32
        %dma_wait3A_358 = tpu.memref_slice %arg10[%dma_wait3A_356, %dma_wait3A_357] : memref<100096x16xf32, #tpu.memory_space<vmem_shared>> -> memref<100096x16xf32, #tpu.memory_space<vmem_shared>>
        tpu.wait_indirect_dma semaphore(%arg13 : memref<!tpu.dma_semaphore, #tpu.memory_space<semaphore_mem>>) src(%dma_wait3A_352 : memref<128x16xf32, #tpu.memory_space<vmem>>) dst(%dma_wait3A_358 : memref<100096x16xf32, #tpu.memory_space<vmem_shared>>)
        %dma_wait3A_359 = arith.constant 2 : i32
        %dma_wait3A_360 = arith.constant 0 : i32
        %dma_wait3A_361 = arith.constant 0 : i32
        %dma_wait3A_362 = tpu.memref_slice %arg9[%dma_wait3A_359, %dma_wait3A_360, %dma_wait3A_361] : memref<8x128x16xf32, #tpu.memory_space<vmem>> -> memref<1x128x16xf32, #tpu.memory_space<vmem>>
        %dma_wait3A_363 = tpu.memref_squeeze %dma_wait3A_362 : memref<1x128x16xf32, #tpu.memory_space<vmem>> -> memref<128x16xf32, #tpu.memory_space<vmem>>
        %dma_wait3A_364 = arith.constant 0 : i32
        %dma_wait3A_365 = tpu.memref_slice %arg8[%add3A_205, %dma_wait3A_364] : memref<56x128xi32, #tpu.memory_space<vmem>> -> memref<1x128xi32, #tpu.memory_space<vmem>>
        %dma_wait3A_366 = tpu.memref_squeeze %dma_wait3A_365 : memref<1x128xi32, #tpu.memory_space<vmem>> -> memref<128xi32, #tpu.memory_space<vmem>>
        %dma_wait3A_367 = arith.constant 0 : i32
        %dma_wait3A_368 = arith.constant 0 : i32
        %dma_wait3A_369 = tpu.memref_slice %arg10[%dma_wait3A_367, %dma_wait3A_368] : memref<100096x16xf32, #tpu.memory_space<vmem_shared>> -> memref<100096x16xf32, #tpu.memory_space<vmem_shared>>
        tpu.wait_indirect_dma semaphore(%arg13 : memref<!tpu.dma_semaphore, #tpu.memory_space<semaphore_mem>>) src(%dma_wait3A_363 : memref<128x16xf32, #tpu.memory_space<vmem>>) dst(%dma_wait3A_369 : memref<100096x16xf32, #tpu.memory_space<vmem_shared>>)
        %dma_wait3A_370 = arith.constant 3 : i32
        %dma_wait3A_371 = arith.constant 0 : i32
        %dma_wait3A_372 = arith.constant 0 : i32
        %dma_wait3A_373 = tpu.memref_slice %arg9[%dma_wait3A_370, %dma_wait3A_371, %dma_wait3A_372] : memref<8x128x16xf32, #tpu.memory_space<vmem>> -> memref<1x128x16xf32, #tpu.memory_space<vmem>>
        %dma_wait3A_374 = tpu.memref_squeeze %dma_wait3A_373 : memref<1x128x16xf32, #tpu.memory_space<vmem>> -> memref<128x16xf32, #tpu.memory_space<vmem>>
        %dma_wait3A_375 = arith.constant 0 : i32
        %dma_wait3A_376 = tpu.memref_slice %arg8[%add3A_229, %dma_wait3A_375] : memref<56x128xi32, #tpu.memory_space<vmem>> -> memref<1x128xi32, #tpu.memory_space<vmem>>
        %dma_wait3A_377 = tpu.memref_squeeze %dma_wait3A_376 : memref<1x128xi32, #tpu.memory_space<vmem>> -> memref<128xi32, #tpu.memory_space<vmem>>
        %dma_wait3A_378 = arith.constant 0 : i32
        %dma_wait3A_379 = arith.constant 0 : i32
        %dma_wait3A_380 = tpu.memref_slice %arg10[%dma_wait3A_378, %dma_wait3A_379] : memref<100096x16xf32, #tpu.memory_space<vmem_shared>> -> memref<100096x16xf32, #tpu.memory_space<vmem_shared>>
        tpu.wait_indirect_dma semaphore(%arg13 : memref<!tpu.dma_semaphore, #tpu.memory_space<semaphore_mem>>) src(%dma_wait3A_374 : memref<128x16xf32, #tpu.memory_space<vmem>>) dst(%dma_wait3A_380 : memref<100096x16xf32, #tpu.memory_space<vmem_shared>>)
        %dma_wait3A_381 = arith.constant 4 : i32
        %dma_wait3A_382 = arith.constant 0 : i32
        %dma_wait3A_383 = arith.constant 0 : i32
        %dma_wait3A_384 = tpu.memref_slice %arg9[%dma_wait3A_381, %dma_wait3A_382, %dma_wait3A_383] : memref<8x128x16xf32, #tpu.memory_space<vmem>> -> memref<1x128x16xf32, #tpu.memory_space<vmem>>
        %dma_wait3A_385 = tpu.memref_squeeze %dma_wait3A_384 : memref<1x128x16xf32, #tpu.memory_space<vmem>> -> memref<128x16xf32, #tpu.memory_space<vmem>>
        %dma_wait3A_386 = arith.constant 0 : i32
        %dma_wait3A_387 = tpu.memref_slice %arg8[%add3A_253, %dma_wait3A_386] : memref<56x128xi32, #tpu.memory_space<vmem>> -> memref<1x128xi32, #tpu.memory_space<vmem>>
        %dma_wait3A_388 = tpu.memref_squeeze %dma_wait3A_387 : memref<1x128xi32, #tpu.memory_space<vmem>> -> memref<128xi32, #tpu.memory_space<vmem>>
        %dma_wait3A_389 = arith.constant 0 : i32
        %dma_wait3A_390 = arith.constant 0 : i32
        %dma_wait3A_391 = tpu.memref_slice %arg10[%dma_wait3A_389, %dma_wait3A_390] : memref<100096x16xf32, #tpu.memory_space<vmem_shared>> -> memref<100096x16xf32, #tpu.memory_space<vmem_shared>>
        tpu.wait_indirect_dma semaphore(%arg13 : memref<!tpu.dma_semaphore, #tpu.memory_space<semaphore_mem>>) src(%dma_wait3A_385 : memref<128x16xf32, #tpu.memory_space<vmem>>) dst(%dma_wait3A_391 : memref<100096x16xf32, #tpu.memory_space<vmem_shared>>)
        %dma_wait3A_392 = arith.constant 5 : i32
        %dma_wait3A_393 = arith.constant 0 : i32
        %dma_wait3A_394 = arith.constant 0 : i32
        %dma_wait3A_395 = tpu.memref_slice %arg9[%dma_wait3A_392, %dma_wait3A_393, %dma_wait3A_394] : memref<8x128x16xf32, #tpu.memory_space<vmem>> -> memref<1x128x16xf32, #tpu.memory_space<vmem>>
        %dma_wait3A_396 = tpu.memref_squeeze %dma_wait3A_395 : memref<1x128x16xf32, #tpu.memory_space<vmem>> -> memref<128x16xf32, #tpu.memory_space<vmem>>
        %dma_wait3A_397 = arith.constant 0 : i32
        %dma_wait3A_398 = tpu.memref_slice %arg8[%add3A_277, %dma_wait3A_397] : memref<56x128xi32, #tpu.memory_space<vmem>> -> memref<1x128xi32, #tpu.memory_space<vmem>>
        %dma_wait3A_399 = tpu.memref_squeeze %dma_wait3A_398 : memref<1x128xi32, #tpu.memory_space<vmem>> -> memref<128xi32, #tpu.memory_space<vmem>>
        %dma_wait3A_400 = arith.constant 0 : i32
        %dma_wait3A_401 = arith.constant 0 : i32
        %dma_wait3A_402 = tpu.memref_slice %arg10[%dma_wait3A_400, %dma_wait3A_401] : memref<100096x16xf32, #tpu.memory_space<vmem_shared>> -> memref<100096x16xf32, #tpu.memory_space<vmem_shared>>
        tpu.wait_indirect_dma semaphore(%arg13 : memref<!tpu.dma_semaphore, #tpu.memory_space<semaphore_mem>>) src(%dma_wait3A_396 : memref<128x16xf32, #tpu.memory_space<vmem>>) dst(%dma_wait3A_402 : memref<100096x16xf32, #tpu.memory_space<vmem_shared>>)
        %dma_wait3A_403 = arith.constant 6 : i32
        %dma_wait3A_404 = arith.constant 0 : i32
        %dma_wait3A_405 = arith.constant 0 : i32
        %dma_wait3A_406 = tpu.memref_slice %arg9[%dma_wait3A_403, %dma_wait3A_404, %dma_wait3A_405] : memref<8x128x16xf32, #tpu.memory_space<vmem>> -> memref<1x128x16xf32, #tpu.memory_space<vmem>>
        %dma_wait3A_407 = tpu.memref_squeeze %dma_wait3A_406 : memref<1x128x16xf32, #tpu.memory_space<vmem>> -> memref<128x16xf32, #tpu.memory_space<vmem>>
        %dma_wait3A_408 = arith.constant 0 : i32
        %dma_wait3A_409 = tpu.memref_slice %arg8[%add3A_301, %dma_wait3A_408] : memref<56x128xi32, #tpu.memory_space<vmem>> -> memref<1x128xi32, #tpu.memory_space<vmem>>
        %dma_wait3A_410 = tpu.memref_squeeze %dma_wait3A_409 : memref<1x128xi32, #tpu.memory_space<vmem>> -> memref<128xi32, #tpu.memory_space<vmem>>
        %dma_wait3A_411 = arith.constant 0 : i32
        %dma_wait3A_412 = arith.constant 0 : i32
        %dma_wait3A_413 = tpu.memref_slice %arg10[%dma_wait3A_411, %dma_wait3A_412] : memref<100096x16xf32, #tpu.memory_space<vmem_shared>> -> memref<100096x16xf32, #tpu.memory_space<vmem_shared>>
        tpu.wait_indirect_dma semaphore(%arg13 : memref<!tpu.dma_semaphore, #tpu.memory_space<semaphore_mem>>) src(%dma_wait3A_407 : memref<128x16xf32, #tpu.memory_space<vmem>>) dst(%dma_wait3A_413 : memref<100096x16xf32, #tpu.memory_space<vmem_shared>>)
        %dma_wait3A_414 = arith.constant 7 : i32
        %dma_wait3A_415 = arith.constant 0 : i32
        %dma_wait3A_416 = arith.constant 0 : i32
        %dma_wait3A_417 = tpu.memref_slice %arg9[%dma_wait3A_414, %dma_wait3A_415, %dma_wait3A_416] : memref<8x128x16xf32, #tpu.memory_space<vmem>> -> memref<1x128x16xf32, #tpu.memory_space<vmem>>
        %dma_wait3A_418 = tpu.memref_squeeze %dma_wait3A_417 : memref<1x128x16xf32, #tpu.memory_space<vmem>> -> memref<128x16xf32, #tpu.memory_space<vmem>>
        %dma_wait3A_419 = arith.constant 0 : i32
        %dma_wait3A_420 = tpu.memref_slice %arg8[%add3A_325, %dma_wait3A_419] : memref<56x128xi32, #tpu.memory_space<vmem>> -> memref<1x128xi32, #tpu.memory_space<vmem>>
        %dma_wait3A_421 = tpu.memref_squeeze %dma_wait3A_420 : memref<1x128xi32, #tpu.memory_space<vmem>> -> memref<128xi32, #tpu.memory_space<vmem>>
        %dma_wait3A_422 = arith.constant 0 : i32
        %dma_wait3A_423 = arith.constant 0 : i32
        %dma_wait3A_424 = tpu.memref_slice %arg10[%dma_wait3A_422, %dma_wait3A_423] : memref<100096x16xf32, #tpu.memory_space<vmem_shared>> -> memref<100096x16xf32, #tpu.memory_space<vmem_shared>>
        tpu.wait_indirect_dma semaphore(%arg13 : memref<!tpu.dma_semaphore, #tpu.memory_space<semaphore_mem>>) src(%dma_wait3A_418 : memref<128x16xf32, #tpu.memory_space<vmem>>) dst(%dma_wait3A_424 : memref<100096x16xf32, #tpu.memory_space<vmem_shared>>)
      }
      %scan3A_37 = arith.constant 7 : i32
    }
    %scan3A_7 = arith.constant 7 : i32
    %barrier3A_8 = arith.constant 0 : index
    tpu.barrier barrier_id(%barrier3A_8)
    %mul3A_9 = arith.constant 100096 : i32
    %mul3A_10 = arith.muli %arg0, %mul3A_9 : i32
    %add3A_11 = arith.addi %mul3A_10, %mul3A_2 : i32
    "tpu.region"() ({
      %run_scoped3A = tpu.sem_alloc : memref<!tpu.dma_semaphore, #tpu.memory_space<semaphore_mem>>
      %dma_start3A = arith.constant 0 : i32
      %dma_start3A_12 = tpu.memref_slice %arg6[%add3A_11, %dma_start3A] : memref<200192x16xf32, #tpu.memory_space<hbm>> -> memref<6256x16xf32, #tpu.memory_space<hbm>>
      %dma_start3A_13 = arith.constant 0 : i32
      %dma_start3A_14 = tpu.memref_slice %arg10[%mul3A_2, %dma_start3A_13] : memref<100096x16xf32, #tpu.memory_space<vmem_shared>> -> memref<6256x16xf32, #tpu.memory_space<vmem_shared>>
      tpu.enqueue_dma source(%dma_start3A_14 : memref<6256x16xf32, #tpu.memory_space<vmem_shared>>) target(%dma_start3A_12 : memref<6256x16xf32, #tpu.memory_space<hbm>>) target_semaphore(%run_scoped3A : memref<!tpu.dma_semaphore, #tpu.memory_space<semaphore_mem>>)
      %dma_wait3A = arith.constant 0 : i32
      %dma_wait3A_15 = tpu.memref_slice %arg6[%add3A_11, %dma_wait3A] : memref<200192x16xf32, #tpu.memory_space<hbm>> -> memref<6256x16xf32, #tpu.memory_space<hbm>>
      %dma_wait3A_16 = arith.constant 0 : i32
      %dma_wait3A_17 = tpu.memref_slice %arg10[%mul3A_2, %dma_wait3A_16] : memref<100096x16xf32, #tpu.memory_space<vmem_shared>> -> memref<6256x16xf32, #tpu.memory_space<vmem_shared>>
      tpu.wait_dma2 semaphore(%run_scoped3A : memref<!tpu.dma_semaphore, #tpu.memory_space<semaphore_mem>>) src(%dma_wait3A_17 : memref<6256x16xf32, #tpu.memory_space<vmem_shared>>) dst(%dma_wait3A_15 : memref<6256x16xf32, #tpu.memory_space<hbm>>)
      tpu.yield
    }) : () -> ()
    return
  }
}

#map = affine_map<(d0, d1) -> (0, 0)>
module attributes {stable_mosaic.version = 14 : i64} {
  func.func @_sc_agg_split(%arg0: i32, %arg1: i32, %arg2: memref<12544x128xi32, #tpu.memory_space<hbm>>, %arg3: memref<12544x128xi32, #tpu.memory_space<hbm>>, %arg4: memref<100096x16xf32, #tpu.memory_space<hbm>>, %arg5: memref<100096x16xf32, #tpu.memory_space<hbm>>, %arg6: memref<100096x16xf32, #tpu.memory_space<hbm>>, %arg7: memref<200192x16xf32, #tpu.memory_space<hbm>>, %arg8: memref<56x128xi32, #tpu.memory_space<vmem>>, %arg9: memref<56x128xi32, #tpu.memory_space<vmem>>, %arg10: memref<8x128x16xf32, #tpu.memory_space<vmem>>, %arg11: memref<100096x16xf32, #tpu.memory_space<vmem_shared>>, %arg12: memref<!tpu.dma_semaphore, #tpu.memory_space<semaphore_mem>>, %arg13: memref<!tpu.dma_semaphore, #tpu.memory_space<semaphore_mem>>, %arg14: memref<!tpu.dma_semaphore, #tpu.memory_space<semaphore_mem>>) attributes {dimension_semantics = [#tpu.dimension_semantics<core_parallel>, #tpu.dimension_semantics<subcore_parallel>], iteration_bounds = array<i64: 2, 16>, scalar_prefetch = 0 : i64, scratch_operands = 7 : i64, tpu.core_type = #tpu.core_type<sc_vector_subcore>, window_params = [{transform_indices = #map}, {transform_indices = #map}, {transform_indices = #map}, {transform_indices = #map}, {transform_indices = #map}, {transform_indices = #map}]} {
    %mul3A = arith.constant 6256 : i32
    %mul3A_0 = arith.muli %arg1, %mul3A : i32
    "tpu.region"() ({
      %run_scoped3A = tpu.sem_alloc : memref<!tpu.dma_semaphore, #tpu.memory_space<semaphore_mem>>
      %dma_start3A = arith.constant 0 : i32
      %dma_start3A_9 = tpu.memref_slice %arg11[%mul3A_0, %dma_start3A] : memref<100096x16xf32, #tpu.memory_space<vmem_shared>> -> memref<6256x16xf32, #tpu.memory_space<vmem_shared>>
      %dma_start3A_10 = arith.constant 0 : i32
      %dma_start3A_11 = tpu.memref_slice %arg6[%mul3A_0, %dma_start3A_10] : memref<100096x16xf32, #tpu.memory_space<hbm>> -> memref<6256x16xf32, #tpu.memory_space<hbm>>
      tpu.enqueue_dma source(%dma_start3A_11 : memref<6256x16xf32, #tpu.memory_space<hbm>>) target(%dma_start3A_9 : memref<6256x16xf32, #tpu.memory_space<vmem_shared>>) target_semaphore(%run_scoped3A : memref<!tpu.dma_semaphore, #tpu.memory_space<semaphore_mem>>)
      %dma_wait3A = arith.constant 0 : i32
      %dma_wait3A_12 = tpu.memref_slice %arg11[%mul3A_0, %dma_wait3A] : memref<100096x16xf32, #tpu.memory_space<vmem_shared>> -> memref<6256x16xf32, #tpu.memory_space<vmem_shared>>
      %dma_wait3A_13 = arith.constant 0 : i32
      %dma_wait3A_14 = tpu.memref_slice %arg6[%mul3A_0, %dma_wait3A_13] : memref<100096x16xf32, #tpu.memory_space<hbm>> -> memref<6256x16xf32, #tpu.memory_space<hbm>>
      tpu.wait_dma2 semaphore(%run_scoped3A : memref<!tpu.dma_semaphore, #tpu.memory_space<semaphore_mem>>) src(%dma_wait3A_14 : memref<6256x16xf32, #tpu.memory_space<hbm>>) dst(%dma_wait3A_12 : memref<6256x16xf32, #tpu.memory_space<vmem_shared>>)
      tpu.yield
    }) : () -> ()
    %barrier3A = arith.constant 0 : index
    tpu.barrier barrier_id(%barrier3A)
    %scan3A = arith.constant 0 : i32
    %scan3A_1 = arith.constant 0 : i32
    %scan3A_2 = arith.constant 14 : i32
    %scan3A_3 = arith.addi %scan3A_1, %scan3A_2 : i32
    %scan3A_4 = arith.constant 1 : i32
    scf.for %scan3A_9 = %scan3A_1 to %scan3A_3 step %scan3A_4  : i32 {
      %mul3A_10 = arith.constant 784 : i32
      %mul3A_11 = arith.muli %arg1, %mul3A_10 : i32
      %mul3A_12 = arith.constant 56 : i32
      %mul3A_13 = arith.muli %scan3A_9, %mul3A_12 : i32
      %add3A_14 = arith.addi %mul3A_11, %mul3A_13 : i32
      %dma_start3A = arith.constant 0 : i32
      %dma_start3A_15 = tpu.memref_slice %arg2[%add3A_14, %dma_start3A] : memref<12544x128xi32, #tpu.memory_space<hbm>> -> memref<56x128xi32, #tpu.memory_space<hbm>>
      %dma_start3A_16 = arith.constant 0 : i32
      %dma_start3A_17 = tpu.memref_slice %arg2[%add3A_14, %dma_start3A_16] : memref<12544x128xi32, #tpu.memory_space<hbm>> -> memref<56x128xi32, #tpu.memory_space<hbm>>
      tpu.enqueue_dma source(%dma_start3A_17 : memref<56x128xi32, #tpu.memory_space<hbm>>) target(%arg8 : memref<56x128xi32, #tpu.memory_space<vmem>>) target_semaphore(%arg12 : memref<!tpu.dma_semaphore, #tpu.memory_space<semaphore_mem>>)
      %dma_start3A_18 = arith.constant 0 : i32
      %dma_start3A_19 = tpu.memref_slice %arg3[%add3A_14, %dma_start3A_18] : memref<12544x128xi32, #tpu.memory_space<hbm>> -> memref<56x128xi32, #tpu.memory_space<hbm>>
      %dma_start3A_20 = arith.constant 0 : i32
      %dma_start3A_21 = tpu.memref_slice %arg3[%add3A_14, %dma_start3A_20] : memref<12544x128xi32, #tpu.memory_space<hbm>> -> memref<56x128xi32, #tpu.memory_space<hbm>>
      tpu.enqueue_dma source(%dma_start3A_21 : memref<56x128xi32, #tpu.memory_space<hbm>>) target(%arg9 : memref<56x128xi32, #tpu.memory_space<vmem>>) target_semaphore(%arg12 : memref<!tpu.dma_semaphore, #tpu.memory_space<semaphore_mem>>)
      %dma_wait3A = arith.constant 0 : i32
      %dma_wait3A_22 = tpu.memref_slice %arg2[%add3A_14, %dma_wait3A] : memref<12544x128xi32, #tpu.memory_space<hbm>> -> memref<56x128xi32, #tpu.memory_space<hbm>>
      %dma_wait3A_23 = arith.constant 0 : i32
      %dma_wait3A_24 = tpu.memref_slice %arg2[%add3A_14, %dma_wait3A_23] : memref<12544x128xi32, #tpu.memory_space<hbm>> -> memref<56x128xi32, #tpu.memory_space<hbm>>
      tpu.wait_dma2 semaphore(%arg12 : memref<!tpu.dma_semaphore, #tpu.memory_space<semaphore_mem>>) src(%dma_wait3A_24 : memref<56x128xi32, #tpu.memory_space<hbm>>) dst(%arg8 : memref<56x128xi32, #tpu.memory_space<vmem>>)
      %dma_wait3A_25 = arith.constant 0 : i32
      %dma_wait3A_26 = tpu.memref_slice %arg3[%add3A_14, %dma_wait3A_25] : memref<12544x128xi32, #tpu.memory_space<hbm>> -> memref<56x128xi32, #tpu.memory_space<hbm>>
      %dma_wait3A_27 = arith.constant 0 : i32
      %dma_wait3A_28 = tpu.memref_slice %arg3[%add3A_14, %dma_wait3A_27] : memref<12544x128xi32, #tpu.memory_space<hbm>> -> memref<56x128xi32, #tpu.memory_space<hbm>>
      tpu.wait_dma2 semaphore(%arg12 : memref<!tpu.dma_semaphore, #tpu.memory_space<semaphore_mem>>) src(%dma_wait3A_28 : memref<56x128xi32, #tpu.memory_space<hbm>>) dst(%arg9 : memref<56x128xi32, #tpu.memory_space<vmem>>)
      %eq3A = arith.constant 0 : i32
      %eq3A_29 = arith.cmpi eq, %arg0, %eq3A : i32
      %convert_element_type3A = arith.extui %eq3A_29 : i1 to i32
      %cond3A = arith.constant 0 : i32
      %cond3A_30 = arith.cmpi ne, %convert_element_type3A, %cond3A : i32
      scf.if %cond3A_30 {
        %scan3A_36 = arith.constant 0 : i32
        %scan3A_37 = arith.constant 0 : i32
        %scan3A_38 = arith.constant 7 : i32
        %scan3A_39 = arith.addi %scan3A_37, %scan3A_38 : i32
        %scan3A_40 = arith.constant 1 : i32
        scf.for %scan3A_42 = %scan3A_37 to %scan3A_39 step %scan3A_40  : i32 {
          %mul3A_43 = arith.constant 8 : i32
          %mul3A_44 = arith.muli %scan3A_42, %mul3A_43 : i32
          %add3A_45 = arith.constant 0 : i32
          %add3A_46 = arith.addi %mul3A_44, %add3A_45 : i32
          %dma_start3A_47 = arith.constant 0 : i32
          %dma_start3A_48 = arith.constant 0 : i32
          %dma_start3A_49 = arith.constant 0 : i32
          %dma_start3A_50 = tpu.memref_slice %arg10[%dma_start3A_47, %dma_start3A_48, %dma_start3A_49] : memref<8x128x16xf32, #tpu.memory_space<vmem>> -> memref<1x128x16xf32, #tpu.memory_space<vmem>>
          %dma_start3A_51 = tpu.memref_squeeze %dma_start3A_50 : memref<1x128x16xf32, #tpu.memory_space<vmem>> -> memref<128x16xf32, #tpu.memory_space<vmem>>
          %dma_start3A_52 = arith.constant 0 : i32
          %dma_start3A_53 = tpu.memref_slice %arg8[%add3A_46, %dma_start3A_52] : memref<56x128xi32, #tpu.memory_space<vmem>> -> memref<1x128xi32, #tpu.memory_space<vmem>>
          %dma_start3A_54 = tpu.memref_squeeze %dma_start3A_53 : memref<1x128xi32, #tpu.memory_space<vmem>> -> memref<128xi32, #tpu.memory_space<vmem>>
          %dma_start3A_55 = arith.constant 0 : i32
          %dma_start3A_56 = arith.constant 0 : i32
          %dma_start3A_57 = tpu.memref_slice %arg4[%dma_start3A_55, %dma_start3A_56] : memref<100096x16xf32, #tpu.memory_space<hbm>> -> memref<100096x16xf32, #tpu.memory_space<hbm>>
          tpu.enqueue_indirect_dma source(%dma_start3A_57 : memref<100096x16xf32, #tpu.memory_space<hbm>>) target(%dma_start3A_51 : memref<128x16xf32, #tpu.memory_space<vmem>>) offsets(%dma_start3A_54 : memref<128xi32, #tpu.memory_space<vmem>>) semaphore(%arg13 : memref<!tpu.dma_semaphore, #tpu.memory_space<semaphore_mem>>)
          %add3A_58 = arith.constant 1 : i32
          %add3A_59 = arith.addi %mul3A_44, %add3A_58 : i32
          %dma_start3A_60 = arith.constant 1 : i32
          %dma_start3A_61 = arith.constant 0 : i32
          %dma_start3A_62 = arith.constant 0 : i32
          %dma_start3A_63 = tpu.memref_slice %arg10[%dma_start3A_60, %dma_start3A_61, %dma_start3A_62] : memref<8x128x16xf32, #tpu.memory_space<vmem>> -> memref<1x128x16xf32, #tpu.memory_space<vmem>>
          %dma_start3A_64 = tpu.memref_squeeze %dma_start3A_63 : memref<1x128x16xf32, #tpu.memory_space<vmem>> -> memref<128x16xf32, #tpu.memory_space<vmem>>
          %dma_start3A_65 = arith.constant 0 : i32
          %dma_start3A_66 = tpu.memref_slice %arg8[%add3A_59, %dma_start3A_65] : memref<56x128xi32, #tpu.memory_space<vmem>> -> memref<1x128xi32, #tpu.memory_space<vmem>>
          %dma_start3A_67 = tpu.memref_squeeze %dma_start3A_66 : memref<1x128xi32, #tpu.memory_space<vmem>> -> memref<128xi32, #tpu.memory_space<vmem>>
          %dma_start3A_68 = arith.constant 0 : i32
          %dma_start3A_69 = arith.constant 0 : i32
          %dma_start3A_70 = tpu.memref_slice %arg4[%dma_start3A_68, %dma_start3A_69] : memref<100096x16xf32, #tpu.memory_space<hbm>> -> memref<100096x16xf32, #tpu.memory_space<hbm>>
          tpu.enqueue_indirect_dma source(%dma_start3A_70 : memref<100096x16xf32, #tpu.memory_space<hbm>>) target(%dma_start3A_64 : memref<128x16xf32, #tpu.memory_space<vmem>>) offsets(%dma_start3A_67 : memref<128xi32, #tpu.memory_space<vmem>>) semaphore(%arg13 : memref<!tpu.dma_semaphore, #tpu.memory_space<semaphore_mem>>)
          %add3A_71 = arith.constant 2 : i32
          %add3A_72 = arith.addi %mul3A_44, %add3A_71 : i32
          %dma_start3A_73 = arith.constant 2 : i32
          %dma_start3A_74 = arith.constant 0 : i32
          %dma_start3A_75 = arith.constant 0 : i32
          %dma_start3A_76 = tpu.memref_slice %arg10[%dma_start3A_73, %dma_start3A_74, %dma_start3A_75] : memref<8x128x16xf32, #tpu.memory_space<vmem>> -> memref<1x128x16xf32, #tpu.memory_space<vmem>>
          %dma_start3A_77 = tpu.memref_squeeze %dma_start3A_76 : memref<1x128x16xf32, #tpu.memory_space<vmem>> -> memref<128x16xf32, #tpu.memory_space<vmem>>
          %dma_start3A_78 = arith.constant 0 : i32
          %dma_start3A_79 = tpu.memref_slice %arg8[%add3A_72, %dma_start3A_78] : memref<56x128xi32, #tpu.memory_space<vmem>> -> memref<1x128xi32, #tpu.memory_space<vmem>>
          %dma_start3A_80 = tpu.memref_squeeze %dma_start3A_79 : memref<1x128xi32, #tpu.memory_space<vmem>> -> memref<128xi32, #tpu.memory_space<vmem>>
          %dma_start3A_81 = arith.constant 0 : i32
          %dma_start3A_82 = arith.constant 0 : i32
          %dma_start3A_83 = tpu.memref_slice %arg4[%dma_start3A_81, %dma_start3A_82] : memref<100096x16xf32, #tpu.memory_space<hbm>> -> memref<100096x16xf32, #tpu.memory_space<hbm>>
          tpu.enqueue_indirect_dma source(%dma_start3A_83 : memref<100096x16xf32, #tpu.memory_space<hbm>>) target(%dma_start3A_77 : memref<128x16xf32, #tpu.memory_space<vmem>>) offsets(%dma_start3A_80 : memref<128xi32, #tpu.memory_space<vmem>>) semaphore(%arg13 : memref<!tpu.dma_semaphore, #tpu.memory_space<semaphore_mem>>)
          %add3A_84 = arith.constant 3 : i32
          %add3A_85 = arith.addi %mul3A_44, %add3A_84 : i32
          %dma_start3A_86 = arith.constant 3 : i32
          %dma_start3A_87 = arith.constant 0 : i32
          %dma_start3A_88 = arith.constant 0 : i32
          %dma_start3A_89 = tpu.memref_slice %arg10[%dma_start3A_86, %dma_start3A_87, %dma_start3A_88] : memref<8x128x16xf32, #tpu.memory_space<vmem>> -> memref<1x128x16xf32, #tpu.memory_space<vmem>>
          %dma_start3A_90 = tpu.memref_squeeze %dma_start3A_89 : memref<1x128x16xf32, #tpu.memory_space<vmem>> -> memref<128x16xf32, #tpu.memory_space<vmem>>
          %dma_start3A_91 = arith.constant 0 : i32
          %dma_start3A_92 = tpu.memref_slice %arg8[%add3A_85, %dma_start3A_91] : memref<56x128xi32, #tpu.memory_space<vmem>> -> memref<1x128xi32, #tpu.memory_space<vmem>>
          %dma_start3A_93 = tpu.memref_squeeze %dma_start3A_92 : memref<1x128xi32, #tpu.memory_space<vmem>> -> memref<128xi32, #tpu.memory_space<vmem>>
          %dma_start3A_94 = arith.constant 0 : i32
          %dma_start3A_95 = arith.constant 0 : i32
          %dma_start3A_96 = tpu.memref_slice %arg4[%dma_start3A_94, %dma_start3A_95] : memref<100096x16xf32, #tpu.memory_space<hbm>> -> memref<100096x16xf32, #tpu.memory_space<hbm>>
          tpu.enqueue_indirect_dma source(%dma_start3A_96 : memref<100096x16xf32, #tpu.memory_space<hbm>>) target(%dma_start3A_90 : memref<128x16xf32, #tpu.memory_space<vmem>>) offsets(%dma_start3A_93 : memref<128xi32, #tpu.memory_space<vmem>>) semaphore(%arg13 : memref<!tpu.dma_semaphore, #tpu.memory_space<semaphore_mem>>)
          %add3A_97 = arith.constant 4 : i32
          %add3A_98 = arith.addi %mul3A_44, %add3A_97 : i32
          %dma_start3A_99 = arith.constant 4 : i32
          %dma_start3A_100 = arith.constant 0 : i32
          %dma_start3A_101 = arith.constant 0 : i32
          %dma_start3A_102 = tpu.memref_slice %arg10[%dma_start3A_99, %dma_start3A_100, %dma_start3A_101] : memref<8x128x16xf32, #tpu.memory_space<vmem>> -> memref<1x128x16xf32, #tpu.memory_space<vmem>>
          %dma_start3A_103 = tpu.memref_squeeze %dma_start3A_102 : memref<1x128x16xf32, #tpu.memory_space<vmem>> -> memref<128x16xf32, #tpu.memory_space<vmem>>
          %dma_start3A_104 = arith.constant 0 : i32
          %dma_start3A_105 = tpu.memref_slice %arg8[%add3A_98, %dma_start3A_104] : memref<56x128xi32, #tpu.memory_space<vmem>> -> memref<1x128xi32, #tpu.memory_space<vmem>>
          %dma_start3A_106 = tpu.memref_squeeze %dma_start3A_105 : memref<1x128xi32, #tpu.memory_space<vmem>> -> memref<128xi32, #tpu.memory_space<vmem>>
          %dma_start3A_107 = arith.constant 0 : i32
          %dma_start3A_108 = arith.constant 0 : i32
          %dma_start3A_109 = tpu.memref_slice %arg4[%dma_start3A_107, %dma_start3A_108] : memref<100096x16xf32, #tpu.memory_space<hbm>> -> memref<100096x16xf32, #tpu.memory_space<hbm>>
          tpu.enqueue_indirect_dma source(%dma_start3A_109 : memref<100096x16xf32, #tpu.memory_space<hbm>>) target(%dma_start3A_103 : memref<128x16xf32, #tpu.memory_space<vmem>>) offsets(%dma_start3A_106 : memref<128xi32, #tpu.memory_space<vmem>>) semaphore(%arg13 : memref<!tpu.dma_semaphore, #tpu.memory_space<semaphore_mem>>)
          %add3A_110 = arith.constant 5 : i32
          %add3A_111 = arith.addi %mul3A_44, %add3A_110 : i32
          %dma_start3A_112 = arith.constant 5 : i32
          %dma_start3A_113 = arith.constant 0 : i32
          %dma_start3A_114 = arith.constant 0 : i32
          %dma_start3A_115 = tpu.memref_slice %arg10[%dma_start3A_112, %dma_start3A_113, %dma_start3A_114] : memref<8x128x16xf32, #tpu.memory_space<vmem>> -> memref<1x128x16xf32, #tpu.memory_space<vmem>>
          %dma_start3A_116 = tpu.memref_squeeze %dma_start3A_115 : memref<1x128x16xf32, #tpu.memory_space<vmem>> -> memref<128x16xf32, #tpu.memory_space<vmem>>
          %dma_start3A_117 = arith.constant 0 : i32
          %dma_start3A_118 = tpu.memref_slice %arg8[%add3A_111, %dma_start3A_117] : memref<56x128xi32, #tpu.memory_space<vmem>> -> memref<1x128xi32, #tpu.memory_space<vmem>>
          %dma_start3A_119 = tpu.memref_squeeze %dma_start3A_118 : memref<1x128xi32, #tpu.memory_space<vmem>> -> memref<128xi32, #tpu.memory_space<vmem>>
          %dma_start3A_120 = arith.constant 0 : i32
          %dma_start3A_121 = arith.constant 0 : i32
          %dma_start3A_122 = tpu.memref_slice %arg4[%dma_start3A_120, %dma_start3A_121] : memref<100096x16xf32, #tpu.memory_space<hbm>> -> memref<100096x16xf32, #tpu.memory_space<hbm>>
          tpu.enqueue_indirect_dma source(%dma_start3A_122 : memref<100096x16xf32, #tpu.memory_space<hbm>>) target(%dma_start3A_116 : memref<128x16xf32, #tpu.memory_space<vmem>>) offsets(%dma_start3A_119 : memref<128xi32, #tpu.memory_space<vmem>>) semaphore(%arg13 : memref<!tpu.dma_semaphore, #tpu.memory_space<semaphore_mem>>)
          %add3A_123 = arith.constant 6 : i32
          %add3A_124 = arith.addi %mul3A_44, %add3A_123 : i32
          %dma_start3A_125 = arith.constant 6 : i32
          %dma_start3A_126 = arith.constant 0 : i32
          %dma_start3A_127 = arith.constant 0 : i32
          %dma_start3A_128 = tpu.memref_slice %arg10[%dma_start3A_125, %dma_start3A_126, %dma_start3A_127] : memref<8x128x16xf32, #tpu.memory_space<vmem>> -> memref<1x128x16xf32, #tpu.memory_space<vmem>>
          %dma_start3A_129 = tpu.memref_squeeze %dma_start3A_128 : memref<1x128x16xf32, #tpu.memory_space<vmem>> -> memref<128x16xf32, #tpu.memory_space<vmem>>
          %dma_start3A_130 = arith.constant 0 : i32
          %dma_start3A_131 = tpu.memref_slice %arg8[%add3A_124, %dma_start3A_130] : memref<56x128xi32, #tpu.memory_space<vmem>> -> memref<1x128xi32, #tpu.memory_space<vmem>>
          %dma_start3A_132 = tpu.memref_squeeze %dma_start3A_131 : memref<1x128xi32, #tpu.memory_space<vmem>> -> memref<128xi32, #tpu.memory_space<vmem>>
          %dma_start3A_133 = arith.constant 0 : i32
          %dma_start3A_134 = arith.constant 0 : i32
          %dma_start3A_135 = tpu.memref_slice %arg4[%dma_start3A_133, %dma_start3A_134] : memref<100096x16xf32, #tpu.memory_space<hbm>> -> memref<100096x16xf32, #tpu.memory_space<hbm>>
          tpu.enqueue_indirect_dma source(%dma_start3A_135 : memref<100096x16xf32, #tpu.memory_space<hbm>>) target(%dma_start3A_129 : memref<128x16xf32, #tpu.memory_space<vmem>>) offsets(%dma_start3A_132 : memref<128xi32, #tpu.memory_space<vmem>>) semaphore(%arg13 : memref<!tpu.dma_semaphore, #tpu.memory_space<semaphore_mem>>)
          %add3A_136 = arith.constant 7 : i32
          %add3A_137 = arith.addi %mul3A_44, %add3A_136 : i32
          %dma_start3A_138 = arith.constant 7 : i32
          %dma_start3A_139 = arith.constant 0 : i32
          %dma_start3A_140 = arith.constant 0 : i32
          %dma_start3A_141 = tpu.memref_slice %arg10[%dma_start3A_138, %dma_start3A_139, %dma_start3A_140] : memref<8x128x16xf32, #tpu.memory_space<vmem>> -> memref<1x128x16xf32, #tpu.memory_space<vmem>>
          %dma_start3A_142 = tpu.memref_squeeze %dma_start3A_141 : memref<1x128x16xf32, #tpu.memory_space<vmem>> -> memref<128x16xf32, #tpu.memory_space<vmem>>
          %dma_start3A_143 = arith.constant 0 : i32
          %dma_start3A_144 = tpu.memref_slice %arg8[%add3A_137, %dma_start3A_143] : memref<56x128xi32, #tpu.memory_space<vmem>> -> memref<1x128xi32, #tpu.memory_space<vmem>>
          %dma_start3A_145 = tpu.memref_squeeze %dma_start3A_144 : memref<1x128xi32, #tpu.memory_space<vmem>> -> memref<128xi32, #tpu.memory_space<vmem>>
          %dma_start3A_146 = arith.constant 0 : i32
          %dma_start3A_147 = arith.constant 0 : i32
          %dma_start3A_148 = tpu.memref_slice %arg4[%dma_start3A_146, %dma_start3A_147] : memref<100096x16xf32, #tpu.memory_space<hbm>> -> memref<100096x16xf32, #tpu.memory_space<hbm>>
          tpu.enqueue_indirect_dma source(%dma_start3A_148 : memref<100096x16xf32, #tpu.memory_space<hbm>>) target(%dma_start3A_142 : memref<128x16xf32, #tpu.memory_space<vmem>>) offsets(%dma_start3A_145 : memref<128xi32, #tpu.memory_space<vmem>>) semaphore(%arg13 : memref<!tpu.dma_semaphore, #tpu.memory_space<semaphore_mem>>)
          %dma_wait3A_149 = arith.constant 0 : i32
          %dma_wait3A_150 = arith.constant 0 : i32
          %dma_wait3A_151 = arith.constant 0 : i32
          %dma_wait3A_152 = tpu.memref_slice %arg10[%dma_wait3A_149, %dma_wait3A_150, %dma_wait3A_151] : memref<8x128x16xf32, #tpu.memory_space<vmem>> -> memref<1x128x16xf32, #tpu.memory_space<vmem>>
          %dma_wait3A_153 = tpu.memref_squeeze %dma_wait3A_152 : memref<1x128x16xf32, #tpu.memory_space<vmem>> -> memref<128x16xf32, #tpu.memory_space<vmem>>
          %dma_wait3A_154 = arith.constant 0 : i32
          %dma_wait3A_155 = tpu.memref_slice %arg8[%add3A_46, %dma_wait3A_154] : memref<56x128xi32, #tpu.memory_space<vmem>> -> memref<1x128xi32, #tpu.memory_space<vmem>>
          %dma_wait3A_156 = tpu.memref_squeeze %dma_wait3A_155 : memref<1x128xi32, #tpu.memory_space<vmem>> -> memref<128xi32, #tpu.memory_space<vmem>>
          %dma_wait3A_157 = arith.constant 0 : i32
          %dma_wait3A_158 = arith.constant 0 : i32
          %dma_wait3A_159 = tpu.memref_slice %arg4[%dma_wait3A_157, %dma_wait3A_158] : memref<100096x16xf32, #tpu.memory_space<hbm>> -> memref<100096x16xf32, #tpu.memory_space<hbm>>
          tpu.wait_indirect_dma semaphore(%arg13 : memref<!tpu.dma_semaphore, #tpu.memory_space<semaphore_mem>>) src(%dma_wait3A_159 : memref<100096x16xf32, #tpu.memory_space<hbm>>) dst(%dma_wait3A_153 : memref<128x16xf32, #tpu.memory_space<vmem>>)
          %add3A_160 = arith.constant 0 : i32
          %add3A_161 = arith.addi %mul3A_44, %add3A_160 : i32
          %dma_start3A_162 = arith.constant 0 : i32
          %dma_start3A_163 = arith.constant 0 : i32
          %dma_start3A_164 = arith.constant 0 : i32
          %dma_start3A_165 = tpu.memref_slice %arg10[%dma_start3A_162, %dma_start3A_163, %dma_start3A_164] : memref<8x128x16xf32, #tpu.memory_space<vmem>> -> memref<1x128x16xf32, #tpu.memory_space<vmem>>
          %dma_start3A_166 = tpu.memref_squeeze %dma_start3A_165 : memref<1x128x16xf32, #tpu.memory_space<vmem>> -> memref<128x16xf32, #tpu.memory_space<vmem>>
          %dma_start3A_167 = arith.constant 0 : i32
          %dma_start3A_168 = tpu.memref_slice %arg9[%add3A_161, %dma_start3A_167] : memref<56x128xi32, #tpu.memory_space<vmem>> -> memref<1x128xi32, #tpu.memory_space<vmem>>
          %dma_start3A_169 = tpu.memref_squeeze %dma_start3A_168 : memref<1x128xi32, #tpu.memory_space<vmem>> -> memref<128xi32, #tpu.memory_space<vmem>>
          %dma_start3A_170 = arith.constant 0 : i32
          %dma_start3A_171 = arith.constant 0 : i32
          %dma_start3A_172 = tpu.memref_slice %arg11[%dma_start3A_170, %dma_start3A_171] : memref<100096x16xf32, #tpu.memory_space<vmem_shared>> -> memref<100096x16xf32, #tpu.memory_space<vmem_shared>>
          tpu.enqueue_indirect_dma source(%dma_start3A_166 : memref<128x16xf32, #tpu.memory_space<vmem>>) target(%dma_start3A_172 : memref<100096x16xf32, #tpu.memory_space<vmem_shared>>) offsets(%dma_start3A_169 : memref<128xi32, #tpu.memory_space<vmem>>) semaphore(%arg14 : memref<!tpu.dma_semaphore, #tpu.memory_space<semaphore_mem>>) {add = true}
          %dma_wait3A_173 = arith.constant 1 : i32
          %dma_wait3A_174 = arith.constant 0 : i32
          %dma_wait3A_175 = arith.constant 0 : i32
          %dma_wait3A_176 = tpu.memref_slice %arg10[%dma_wait3A_173, %dma_wait3A_174, %dma_wait3A_175] : memref<8x128x16xf32, #tpu.memory_space<vmem>> -> memref<1x128x16xf32, #tpu.memory_space<vmem>>
          %dma_wait3A_177 = tpu.memref_squeeze %dma_wait3A_176 : memref<1x128x16xf32, #tpu.memory_space<vmem>> -> memref<128x16xf32, #tpu.memory_space<vmem>>
          %dma_wait3A_178 = arith.constant 0 : i32
          %dma_wait3A_179 = tpu.memref_slice %arg8[%add3A_59, %dma_wait3A_178] : memref<56x128xi32, #tpu.memory_space<vmem>> -> memref<1x128xi32, #tpu.memory_space<vmem>>
          %dma_wait3A_180 = tpu.memref_squeeze %dma_wait3A_179 : memref<1x128xi32, #tpu.memory_space<vmem>> -> memref<128xi32, #tpu.memory_space<vmem>>
          %dma_wait3A_181 = arith.constant 0 : i32
          %dma_wait3A_182 = arith.constant 0 : i32
          %dma_wait3A_183 = tpu.memref_slice %arg4[%dma_wait3A_181, %dma_wait3A_182] : memref<100096x16xf32, #tpu.memory_space<hbm>> -> memref<100096x16xf32, #tpu.memory_space<hbm>>
          tpu.wait_indirect_dma semaphore(%arg13 : memref<!tpu.dma_semaphore, #tpu.memory_space<semaphore_mem>>) src(%dma_wait3A_183 : memref<100096x16xf32, #tpu.memory_space<hbm>>) dst(%dma_wait3A_177 : memref<128x16xf32, #tpu.memory_space<vmem>>)
          %add3A_184 = arith.constant 1 : i32
          %add3A_185 = arith.addi %mul3A_44, %add3A_184 : i32
          %dma_start3A_186 = arith.constant 1 : i32
          %dma_start3A_187 = arith.constant 0 : i32
          %dma_start3A_188 = arith.constant 0 : i32
          %dma_start3A_189 = tpu.memref_slice %arg10[%dma_start3A_186, %dma_start3A_187, %dma_start3A_188] : memref<8x128x16xf32, #tpu.memory_space<vmem>> -> memref<1x128x16xf32, #tpu.memory_space<vmem>>
          %dma_start3A_190 = tpu.memref_squeeze %dma_start3A_189 : memref<1x128x16xf32, #tpu.memory_space<vmem>> -> memref<128x16xf32, #tpu.memory_space<vmem>>
          %dma_start3A_191 = arith.constant 0 : i32
          %dma_start3A_192 = tpu.memref_slice %arg9[%add3A_185, %dma_start3A_191] : memref<56x128xi32, #tpu.memory_space<vmem>> -> memref<1x128xi32, #tpu.memory_space<vmem>>
          %dma_start3A_193 = tpu.memref_squeeze %dma_start3A_192 : memref<1x128xi32, #tpu.memory_space<vmem>> -> memref<128xi32, #tpu.memory_space<vmem>>
          %dma_start3A_194 = arith.constant 0 : i32
          %dma_start3A_195 = arith.constant 0 : i32
          %dma_start3A_196 = tpu.memref_slice %arg11[%dma_start3A_194, %dma_start3A_195] : memref<100096x16xf32, #tpu.memory_space<vmem_shared>> -> memref<100096x16xf32, #tpu.memory_space<vmem_shared>>
          tpu.enqueue_indirect_dma source(%dma_start3A_190 : memref<128x16xf32, #tpu.memory_space<vmem>>) target(%dma_start3A_196 : memref<100096x16xf32, #tpu.memory_space<vmem_shared>>) offsets(%dma_start3A_193 : memref<128xi32, #tpu.memory_space<vmem>>) semaphore(%arg14 : memref<!tpu.dma_semaphore, #tpu.memory_space<semaphore_mem>>) {add = true}
          %dma_wait3A_197 = arith.constant 2 : i32
          %dma_wait3A_198 = arith.constant 0 : i32
          %dma_wait3A_199 = arith.constant 0 : i32
          %dma_wait3A_200 = tpu.memref_slice %arg10[%dma_wait3A_197, %dma_wait3A_198, %dma_wait3A_199] : memref<8x128x16xf32, #tpu.memory_space<vmem>> -> memref<1x128x16xf32, #tpu.memory_space<vmem>>
          %dma_wait3A_201 = tpu.memref_squeeze %dma_wait3A_200 : memref<1x128x16xf32, #tpu.memory_space<vmem>> -> memref<128x16xf32, #tpu.memory_space<vmem>>
          %dma_wait3A_202 = arith.constant 0 : i32
          %dma_wait3A_203 = tpu.memref_slice %arg8[%add3A_72, %dma_wait3A_202] : memref<56x128xi32, #tpu.memory_space<vmem>> -> memref<1x128xi32, #tpu.memory_space<vmem>>
          %dma_wait3A_204 = tpu.memref_squeeze %dma_wait3A_203 : memref<1x128xi32, #tpu.memory_space<vmem>> -> memref<128xi32, #tpu.memory_space<vmem>>
          %dma_wait3A_205 = arith.constant 0 : i32
          %dma_wait3A_206 = arith.constant 0 : i32
          %dma_wait3A_207 = tpu.memref_slice %arg4[%dma_wait3A_205, %dma_wait3A_206] : memref<100096x16xf32, #tpu.memory_space<hbm>> -> memref<100096x16xf32, #tpu.memory_space<hbm>>
          tpu.wait_indirect_dma semaphore(%arg13 : memref<!tpu.dma_semaphore, #tpu.memory_space<semaphore_mem>>) src(%dma_wait3A_207 : memref<100096x16xf32, #tpu.memory_space<hbm>>) dst(%dma_wait3A_201 : memref<128x16xf32, #tpu.memory_space<vmem>>)
          %add3A_208 = arith.constant 2 : i32
          %add3A_209 = arith.addi %mul3A_44, %add3A_208 : i32
          %dma_start3A_210 = arith.constant 2 : i32
          %dma_start3A_211 = arith.constant 0 : i32
          %dma_start3A_212 = arith.constant 0 : i32
          %dma_start3A_213 = tpu.memref_slice %arg10[%dma_start3A_210, %dma_start3A_211, %dma_start3A_212] : memref<8x128x16xf32, #tpu.memory_space<vmem>> -> memref<1x128x16xf32, #tpu.memory_space<vmem>>
          %dma_start3A_214 = tpu.memref_squeeze %dma_start3A_213 : memref<1x128x16xf32, #tpu.memory_space<vmem>> -> memref<128x16xf32, #tpu.memory_space<vmem>>
          %dma_start3A_215 = arith.constant 0 : i32
          %dma_start3A_216 = tpu.memref_slice %arg9[%add3A_209, %dma_start3A_215] : memref<56x128xi32, #tpu.memory_space<vmem>> -> memref<1x128xi32, #tpu.memory_space<vmem>>
          %dma_start3A_217 = tpu.memref_squeeze %dma_start3A_216 : memref<1x128xi32, #tpu.memory_space<vmem>> -> memref<128xi32, #tpu.memory_space<vmem>>
          %dma_start3A_218 = arith.constant 0 : i32
          %dma_start3A_219 = arith.constant 0 : i32
          %dma_start3A_220 = tpu.memref_slice %arg11[%dma_start3A_218, %dma_start3A_219] : memref<100096x16xf32, #tpu.memory_space<vmem_shared>> -> memref<100096x16xf32, #tpu.memory_space<vmem_shared>>
          tpu.enqueue_indirect_dma source(%dma_start3A_214 : memref<128x16xf32, #tpu.memory_space<vmem>>) target(%dma_start3A_220 : memref<100096x16xf32, #tpu.memory_space<vmem_shared>>) offsets(%dma_start3A_217 : memref<128xi32, #tpu.memory_space<vmem>>) semaphore(%arg14 : memref<!tpu.dma_semaphore, #tpu.memory_space<semaphore_mem>>) {add = true}
          %dma_wait3A_221 = arith.constant 3 : i32
          %dma_wait3A_222 = arith.constant 0 : i32
          %dma_wait3A_223 = arith.constant 0 : i32
          %dma_wait3A_224 = tpu.memref_slice %arg10[%dma_wait3A_221, %dma_wait3A_222, %dma_wait3A_223] : memref<8x128x16xf32, #tpu.memory_space<vmem>> -> memref<1x128x16xf32, #tpu.memory_space<vmem>>
          %dma_wait3A_225 = tpu.memref_squeeze %dma_wait3A_224 : memref<1x128x16xf32, #tpu.memory_space<vmem>> -> memref<128x16xf32, #tpu.memory_space<vmem>>
          %dma_wait3A_226 = arith.constant 0 : i32
          %dma_wait3A_227 = tpu.memref_slice %arg8[%add3A_85, %dma_wait3A_226] : memref<56x128xi32, #tpu.memory_space<vmem>> -> memref<1x128xi32, #tpu.memory_space<vmem>>
          %dma_wait3A_228 = tpu.memref_squeeze %dma_wait3A_227 : memref<1x128xi32, #tpu.memory_space<vmem>> -> memref<128xi32, #tpu.memory_space<vmem>>
          %dma_wait3A_229 = arith.constant 0 : i32
          %dma_wait3A_230 = arith.constant 0 : i32
          %dma_wait3A_231 = tpu.memref_slice %arg4[%dma_wait3A_229, %dma_wait3A_230] : memref<100096x16xf32, #tpu.memory_space<hbm>> -> memref<100096x16xf32, #tpu.memory_space<hbm>>
          tpu.wait_indirect_dma semaphore(%arg13 : memref<!tpu.dma_semaphore, #tpu.memory_space<semaphore_mem>>) src(%dma_wait3A_231 : memref<100096x16xf32, #tpu.memory_space<hbm>>) dst(%dma_wait3A_225 : memref<128x16xf32, #tpu.memory_space<vmem>>)
          %add3A_232 = arith.constant 3 : i32
          %add3A_233 = arith.addi %mul3A_44, %add3A_232 : i32
          %dma_start3A_234 = arith.constant 3 : i32
          %dma_start3A_235 = arith.constant 0 : i32
          %dma_start3A_236 = arith.constant 0 : i32
          %dma_start3A_237 = tpu.memref_slice %arg10[%dma_start3A_234, %dma_start3A_235, %dma_start3A_236] : memref<8x128x16xf32, #tpu.memory_space<vmem>> -> memref<1x128x16xf32, #tpu.memory_space<vmem>>
          %dma_start3A_238 = tpu.memref_squeeze %dma_start3A_237 : memref<1x128x16xf32, #tpu.memory_space<vmem>> -> memref<128x16xf32, #tpu.memory_space<vmem>>
          %dma_start3A_239 = arith.constant 0 : i32
          %dma_start3A_240 = tpu.memref_slice %arg9[%add3A_233, %dma_start3A_239] : memref<56x128xi32, #tpu.memory_space<vmem>> -> memref<1x128xi32, #tpu.memory_space<vmem>>
          %dma_start3A_241 = tpu.memref_squeeze %dma_start3A_240 : memref<1x128xi32, #tpu.memory_space<vmem>> -> memref<128xi32, #tpu.memory_space<vmem>>
          %dma_start3A_242 = arith.constant 0 : i32
          %dma_start3A_243 = arith.constant 0 : i32
          %dma_start3A_244 = tpu.memref_slice %arg11[%dma_start3A_242, %dma_start3A_243] : memref<100096x16xf32, #tpu.memory_space<vmem_shared>> -> memref<100096x16xf32, #tpu.memory_space<vmem_shared>>
          tpu.enqueue_indirect_dma source(%dma_start3A_238 : memref<128x16xf32, #tpu.memory_space<vmem>>) target(%dma_start3A_244 : memref<100096x16xf32, #tpu.memory_space<vmem_shared>>) offsets(%dma_start3A_241 : memref<128xi32, #tpu.memory_space<vmem>>) semaphore(%arg14 : memref<!tpu.dma_semaphore, #tpu.memory_space<semaphore_mem>>) {add = true}
          %dma_wait3A_245 = arith.constant 4 : i32
          %dma_wait3A_246 = arith.constant 0 : i32
          %dma_wait3A_247 = arith.constant 0 : i32
          %dma_wait3A_248 = tpu.memref_slice %arg10[%dma_wait3A_245, %dma_wait3A_246, %dma_wait3A_247] : memref<8x128x16xf32, #tpu.memory_space<vmem>> -> memref<1x128x16xf32, #tpu.memory_space<vmem>>
          %dma_wait3A_249 = tpu.memref_squeeze %dma_wait3A_248 : memref<1x128x16xf32, #tpu.memory_space<vmem>> -> memref<128x16xf32, #tpu.memory_space<vmem>>
          %dma_wait3A_250 = arith.constant 0 : i32
          %dma_wait3A_251 = tpu.memref_slice %arg8[%add3A_98, %dma_wait3A_250] : memref<56x128xi32, #tpu.memory_space<vmem>> -> memref<1x128xi32, #tpu.memory_space<vmem>>
          %dma_wait3A_252 = tpu.memref_squeeze %dma_wait3A_251 : memref<1x128xi32, #tpu.memory_space<vmem>> -> memref<128xi32, #tpu.memory_space<vmem>>
          %dma_wait3A_253 = arith.constant 0 : i32
          %dma_wait3A_254 = arith.constant 0 : i32
          %dma_wait3A_255 = tpu.memref_slice %arg4[%dma_wait3A_253, %dma_wait3A_254] : memref<100096x16xf32, #tpu.memory_space<hbm>> -> memref<100096x16xf32, #tpu.memory_space<hbm>>
          tpu.wait_indirect_dma semaphore(%arg13 : memref<!tpu.dma_semaphore, #tpu.memory_space<semaphore_mem>>) src(%dma_wait3A_255 : memref<100096x16xf32, #tpu.memory_space<hbm>>) dst(%dma_wait3A_249 : memref<128x16xf32, #tpu.memory_space<vmem>>)
          %add3A_256 = arith.constant 4 : i32
          %add3A_257 = arith.addi %mul3A_44, %add3A_256 : i32
          %dma_start3A_258 = arith.constant 4 : i32
          %dma_start3A_259 = arith.constant 0 : i32
          %dma_start3A_260 = arith.constant 0 : i32
          %dma_start3A_261 = tpu.memref_slice %arg10[%dma_start3A_258, %dma_start3A_259, %dma_start3A_260] : memref<8x128x16xf32, #tpu.memory_space<vmem>> -> memref<1x128x16xf32, #tpu.memory_space<vmem>>
          %dma_start3A_262 = tpu.memref_squeeze %dma_start3A_261 : memref<1x128x16xf32, #tpu.memory_space<vmem>> -> memref<128x16xf32, #tpu.memory_space<vmem>>
          %dma_start3A_263 = arith.constant 0 : i32
          %dma_start3A_264 = tpu.memref_slice %arg9[%add3A_257, %dma_start3A_263] : memref<56x128xi32, #tpu.memory_space<vmem>> -> memref<1x128xi32, #tpu.memory_space<vmem>>
          %dma_start3A_265 = tpu.memref_squeeze %dma_start3A_264 : memref<1x128xi32, #tpu.memory_space<vmem>> -> memref<128xi32, #tpu.memory_space<vmem>>
          %dma_start3A_266 = arith.constant 0 : i32
          %dma_start3A_267 = arith.constant 0 : i32
          %dma_start3A_268 = tpu.memref_slice %arg11[%dma_start3A_266, %dma_start3A_267] : memref<100096x16xf32, #tpu.memory_space<vmem_shared>> -> memref<100096x16xf32, #tpu.memory_space<vmem_shared>>
          tpu.enqueue_indirect_dma source(%dma_start3A_262 : memref<128x16xf32, #tpu.memory_space<vmem>>) target(%dma_start3A_268 : memref<100096x16xf32, #tpu.memory_space<vmem_shared>>) offsets(%dma_start3A_265 : memref<128xi32, #tpu.memory_space<vmem>>) semaphore(%arg14 : memref<!tpu.dma_semaphore, #tpu.memory_space<semaphore_mem>>) {add = true}
          %dma_wait3A_269 = arith.constant 5 : i32
          %dma_wait3A_270 = arith.constant 0 : i32
          %dma_wait3A_271 = arith.constant 0 : i32
          %dma_wait3A_272 = tpu.memref_slice %arg10[%dma_wait3A_269, %dma_wait3A_270, %dma_wait3A_271] : memref<8x128x16xf32, #tpu.memory_space<vmem>> -> memref<1x128x16xf32, #tpu.memory_space<vmem>>
          %dma_wait3A_273 = tpu.memref_squeeze %dma_wait3A_272 : memref<1x128x16xf32, #tpu.memory_space<vmem>> -> memref<128x16xf32, #tpu.memory_space<vmem>>
          %dma_wait3A_274 = arith.constant 0 : i32
          %dma_wait3A_275 = tpu.memref_slice %arg8[%add3A_111, %dma_wait3A_274] : memref<56x128xi32, #tpu.memory_space<vmem>> -> memref<1x128xi32, #tpu.memory_space<vmem>>
          %dma_wait3A_276 = tpu.memref_squeeze %dma_wait3A_275 : memref<1x128xi32, #tpu.memory_space<vmem>> -> memref<128xi32, #tpu.memory_space<vmem>>
          %dma_wait3A_277 = arith.constant 0 : i32
          %dma_wait3A_278 = arith.constant 0 : i32
          %dma_wait3A_279 = tpu.memref_slice %arg4[%dma_wait3A_277, %dma_wait3A_278] : memref<100096x16xf32, #tpu.memory_space<hbm>> -> memref<100096x16xf32, #tpu.memory_space<hbm>>
          tpu.wait_indirect_dma semaphore(%arg13 : memref<!tpu.dma_semaphore, #tpu.memory_space<semaphore_mem>>) src(%dma_wait3A_279 : memref<100096x16xf32, #tpu.memory_space<hbm>>) dst(%dma_wait3A_273 : memref<128x16xf32, #tpu.memory_space<vmem>>)
          %add3A_280 = arith.constant 5 : i32
          %add3A_281 = arith.addi %mul3A_44, %add3A_280 : i32
          %dma_start3A_282 = arith.constant 5 : i32
          %dma_start3A_283 = arith.constant 0 : i32
          %dma_start3A_284 = arith.constant 0 : i32
          %dma_start3A_285 = tpu.memref_slice %arg10[%dma_start3A_282, %dma_start3A_283, %dma_start3A_284] : memref<8x128x16xf32, #tpu.memory_space<vmem>> -> memref<1x128x16xf32, #tpu.memory_space<vmem>>
          %dma_start3A_286 = tpu.memref_squeeze %dma_start3A_285 : memref<1x128x16xf32, #tpu.memory_space<vmem>> -> memref<128x16xf32, #tpu.memory_space<vmem>>
          %dma_start3A_287 = arith.constant 0 : i32
          %dma_start3A_288 = tpu.memref_slice %arg9[%add3A_281, %dma_start3A_287] : memref<56x128xi32, #tpu.memory_space<vmem>> -> memref<1x128xi32, #tpu.memory_space<vmem>>
          %dma_start3A_289 = tpu.memref_squeeze %dma_start3A_288 : memref<1x128xi32, #tpu.memory_space<vmem>> -> memref<128xi32, #tpu.memory_space<vmem>>
          %dma_start3A_290 = arith.constant 0 : i32
          %dma_start3A_291 = arith.constant 0 : i32
          %dma_start3A_292 = tpu.memref_slice %arg11[%dma_start3A_290, %dma_start3A_291] : memref<100096x16xf32, #tpu.memory_space<vmem_shared>> -> memref<100096x16xf32, #tpu.memory_space<vmem_shared>>
          tpu.enqueue_indirect_dma source(%dma_start3A_286 : memref<128x16xf32, #tpu.memory_space<vmem>>) target(%dma_start3A_292 : memref<100096x16xf32, #tpu.memory_space<vmem_shared>>) offsets(%dma_start3A_289 : memref<128xi32, #tpu.memory_space<vmem>>) semaphore(%arg14 : memref<!tpu.dma_semaphore, #tpu.memory_space<semaphore_mem>>) {add = true}
          %dma_wait3A_293 = arith.constant 6 : i32
          %dma_wait3A_294 = arith.constant 0 : i32
          %dma_wait3A_295 = arith.constant 0 : i32
          %dma_wait3A_296 = tpu.memref_slice %arg10[%dma_wait3A_293, %dma_wait3A_294, %dma_wait3A_295] : memref<8x128x16xf32, #tpu.memory_space<vmem>> -> memref<1x128x16xf32, #tpu.memory_space<vmem>>
          %dma_wait3A_297 = tpu.memref_squeeze %dma_wait3A_296 : memref<1x128x16xf32, #tpu.memory_space<vmem>> -> memref<128x16xf32, #tpu.memory_space<vmem>>
          %dma_wait3A_298 = arith.constant 0 : i32
          %dma_wait3A_299 = tpu.memref_slice %arg8[%add3A_124, %dma_wait3A_298] : memref<56x128xi32, #tpu.memory_space<vmem>> -> memref<1x128xi32, #tpu.memory_space<vmem>>
          %dma_wait3A_300 = tpu.memref_squeeze %dma_wait3A_299 : memref<1x128xi32, #tpu.memory_space<vmem>> -> memref<128xi32, #tpu.memory_space<vmem>>
          %dma_wait3A_301 = arith.constant 0 : i32
          %dma_wait3A_302 = arith.constant 0 : i32
          %dma_wait3A_303 = tpu.memref_slice %arg4[%dma_wait3A_301, %dma_wait3A_302] : memref<100096x16xf32, #tpu.memory_space<hbm>> -> memref<100096x16xf32, #tpu.memory_space<hbm>>
          tpu.wait_indirect_dma semaphore(%arg13 : memref<!tpu.dma_semaphore, #tpu.memory_space<semaphore_mem>>) src(%dma_wait3A_303 : memref<100096x16xf32, #tpu.memory_space<hbm>>) dst(%dma_wait3A_297 : memref<128x16xf32, #tpu.memory_space<vmem>>)
          %add3A_304 = arith.constant 6 : i32
          %add3A_305 = arith.addi %mul3A_44, %add3A_304 : i32
          %dma_start3A_306 = arith.constant 6 : i32
          %dma_start3A_307 = arith.constant 0 : i32
          %dma_start3A_308 = arith.constant 0 : i32
          %dma_start3A_309 = tpu.memref_slice %arg10[%dma_start3A_306, %dma_start3A_307, %dma_start3A_308] : memref<8x128x16xf32, #tpu.memory_space<vmem>> -> memref<1x128x16xf32, #tpu.memory_space<vmem>>
          %dma_start3A_310 = tpu.memref_squeeze %dma_start3A_309 : memref<1x128x16xf32, #tpu.memory_space<vmem>> -> memref<128x16xf32, #tpu.memory_space<vmem>>
          %dma_start3A_311 = arith.constant 0 : i32
          %dma_start3A_312 = tpu.memref_slice %arg9[%add3A_305, %dma_start3A_311] : memref<56x128xi32, #tpu.memory_space<vmem>> -> memref<1x128xi32, #tpu.memory_space<vmem>>
          %dma_start3A_313 = tpu.memref_squeeze %dma_start3A_312 : memref<1x128xi32, #tpu.memory_space<vmem>> -> memref<128xi32, #tpu.memory_space<vmem>>
          %dma_start3A_314 = arith.constant 0 : i32
          %dma_start3A_315 = arith.constant 0 : i32
          %dma_start3A_316 = tpu.memref_slice %arg11[%dma_start3A_314, %dma_start3A_315] : memref<100096x16xf32, #tpu.memory_space<vmem_shared>> -> memref<100096x16xf32, #tpu.memory_space<vmem_shared>>
          tpu.enqueue_indirect_dma source(%dma_start3A_310 : memref<128x16xf32, #tpu.memory_space<vmem>>) target(%dma_start3A_316 : memref<100096x16xf32, #tpu.memory_space<vmem_shared>>) offsets(%dma_start3A_313 : memref<128xi32, #tpu.memory_space<vmem>>) semaphore(%arg14 : memref<!tpu.dma_semaphore, #tpu.memory_space<semaphore_mem>>) {add = true}
          %dma_wait3A_317 = arith.constant 7 : i32
          %dma_wait3A_318 = arith.constant 0 : i32
          %dma_wait3A_319 = arith.constant 0 : i32
          %dma_wait3A_320 = tpu.memref_slice %arg10[%dma_wait3A_317, %dma_wait3A_318, %dma_wait3A_319] : memref<8x128x16xf32, #tpu.memory_space<vmem>> -> memref<1x128x16xf32, #tpu.memory_space<vmem>>
          %dma_wait3A_321 = tpu.memref_squeeze %dma_wait3A_320 : memref<1x128x16xf32, #tpu.memory_space<vmem>> -> memref<128x16xf32, #tpu.memory_space<vmem>>
          %dma_wait3A_322 = arith.constant 0 : i32
          %dma_wait3A_323 = tpu.memref_slice %arg8[%add3A_137, %dma_wait3A_322] : memref<56x128xi32, #tpu.memory_space<vmem>> -> memref<1x128xi32, #tpu.memory_space<vmem>>
          %dma_wait3A_324 = tpu.memref_squeeze %dma_wait3A_323 : memref<1x128xi32, #tpu.memory_space<vmem>> -> memref<128xi32, #tpu.memory_space<vmem>>
          %dma_wait3A_325 = arith.constant 0 : i32
          %dma_wait3A_326 = arith.constant 0 : i32
          %dma_wait3A_327 = tpu.memref_slice %arg4[%dma_wait3A_325, %dma_wait3A_326] : memref<100096x16xf32, #tpu.memory_space<hbm>> -> memref<100096x16xf32, #tpu.memory_space<hbm>>
          tpu.wait_indirect_dma semaphore(%arg13 : memref<!tpu.dma_semaphore, #tpu.memory_space<semaphore_mem>>) src(%dma_wait3A_327 : memref<100096x16xf32, #tpu.memory_space<hbm>>) dst(%dma_wait3A_321 : memref<128x16xf32, #tpu.memory_space<vmem>>)
          %add3A_328 = arith.constant 7 : i32
          %add3A_329 = arith.addi %mul3A_44, %add3A_328 : i32
          %dma_start3A_330 = arith.constant 7 : i32
          %dma_start3A_331 = arith.constant 0 : i32
          %dma_start3A_332 = arith.constant 0 : i32
          %dma_start3A_333 = tpu.memref_slice %arg10[%dma_start3A_330, %dma_start3A_331, %dma_start3A_332] : memref<8x128x16xf32, #tpu.memory_space<vmem>> -> memref<1x128x16xf32, #tpu.memory_space<vmem>>
          %dma_start3A_334 = tpu.memref_squeeze %dma_start3A_333 : memref<1x128x16xf32, #tpu.memory_space<vmem>> -> memref<128x16xf32, #tpu.memory_space<vmem>>
          %dma_start3A_335 = arith.constant 0 : i32
          %dma_start3A_336 = tpu.memref_slice %arg9[%add3A_329, %dma_start3A_335] : memref<56x128xi32, #tpu.memory_space<vmem>> -> memref<1x128xi32, #tpu.memory_space<vmem>>
          %dma_start3A_337 = tpu.memref_squeeze %dma_start3A_336 : memref<1x128xi32, #tpu.memory_space<vmem>> -> memref<128xi32, #tpu.memory_space<vmem>>
          %dma_start3A_338 = arith.constant 0 : i32
          %dma_start3A_339 = arith.constant 0 : i32
          %dma_start3A_340 = tpu.memref_slice %arg11[%dma_start3A_338, %dma_start3A_339] : memref<100096x16xf32, #tpu.memory_space<vmem_shared>> -> memref<100096x16xf32, #tpu.memory_space<vmem_shared>>
          tpu.enqueue_indirect_dma source(%dma_start3A_334 : memref<128x16xf32, #tpu.memory_space<vmem>>) target(%dma_start3A_340 : memref<100096x16xf32, #tpu.memory_space<vmem_shared>>) offsets(%dma_start3A_337 : memref<128xi32, #tpu.memory_space<vmem>>) semaphore(%arg14 : memref<!tpu.dma_semaphore, #tpu.memory_space<semaphore_mem>>) {add = true}
          %dma_wait3A_341 = arith.constant 0 : i32
          %dma_wait3A_342 = arith.constant 0 : i32
          %dma_wait3A_343 = arith.constant 0 : i32
          %dma_wait3A_344 = tpu.memref_slice %arg10[%dma_wait3A_341, %dma_wait3A_342, %dma_wait3A_343] : memref<8x128x16xf32, #tpu.memory_space<vmem>> -> memref<1x128x16xf32, #tpu.memory_space<vmem>>
          %dma_wait3A_345 = tpu.memref_squeeze %dma_wait3A_344 : memref<1x128x16xf32, #tpu.memory_space<vmem>> -> memref<128x16xf32, #tpu.memory_space<vmem>>
          %dma_wait3A_346 = arith.constant 0 : i32
          %dma_wait3A_347 = tpu.memref_slice %arg9[%add3A_161, %dma_wait3A_346] : memref<56x128xi32, #tpu.memory_space<vmem>> -> memref<1x128xi32, #tpu.memory_space<vmem>>
          %dma_wait3A_348 = tpu.memref_squeeze %dma_wait3A_347 : memref<1x128xi32, #tpu.memory_space<vmem>> -> memref<128xi32, #tpu.memory_space<vmem>>
          %dma_wait3A_349 = arith.constant 0 : i32
          %dma_wait3A_350 = arith.constant 0 : i32
          %dma_wait3A_351 = tpu.memref_slice %arg11[%dma_wait3A_349, %dma_wait3A_350] : memref<100096x16xf32, #tpu.memory_space<vmem_shared>> -> memref<100096x16xf32, #tpu.memory_space<vmem_shared>>
          tpu.wait_indirect_dma semaphore(%arg14 : memref<!tpu.dma_semaphore, #tpu.memory_space<semaphore_mem>>) src(%dma_wait3A_345 : memref<128x16xf32, #tpu.memory_space<vmem>>) dst(%dma_wait3A_351 : memref<100096x16xf32, #tpu.memory_space<vmem_shared>>)
          %dma_wait3A_352 = arith.constant 1 : i32
          %dma_wait3A_353 = arith.constant 0 : i32
          %dma_wait3A_354 = arith.constant 0 : i32
          %dma_wait3A_355 = tpu.memref_slice %arg10[%dma_wait3A_352, %dma_wait3A_353, %dma_wait3A_354] : memref<8x128x16xf32, #tpu.memory_space<vmem>> -> memref<1x128x16xf32, #tpu.memory_space<vmem>>
          %dma_wait3A_356 = tpu.memref_squeeze %dma_wait3A_355 : memref<1x128x16xf32, #tpu.memory_space<vmem>> -> memref<128x16xf32, #tpu.memory_space<vmem>>
          %dma_wait3A_357 = arith.constant 0 : i32
          %dma_wait3A_358 = tpu.memref_slice %arg9[%add3A_185, %dma_wait3A_357] : memref<56x128xi32, #tpu.memory_space<vmem>> -> memref<1x128xi32, #tpu.memory_space<vmem>>
          %dma_wait3A_359 = tpu.memref_squeeze %dma_wait3A_358 : memref<1x128xi32, #tpu.memory_space<vmem>> -> memref<128xi32, #tpu.memory_space<vmem>>
          %dma_wait3A_360 = arith.constant 0 : i32
          %dma_wait3A_361 = arith.constant 0 : i32
          %dma_wait3A_362 = tpu.memref_slice %arg11[%dma_wait3A_360, %dma_wait3A_361] : memref<100096x16xf32, #tpu.memory_space<vmem_shared>> -> memref<100096x16xf32, #tpu.memory_space<vmem_shared>>
          tpu.wait_indirect_dma semaphore(%arg14 : memref<!tpu.dma_semaphore, #tpu.memory_space<semaphore_mem>>) src(%dma_wait3A_356 : memref<128x16xf32, #tpu.memory_space<vmem>>) dst(%dma_wait3A_362 : memref<100096x16xf32, #tpu.memory_space<vmem_shared>>)
          %dma_wait3A_363 = arith.constant 2 : i32
          %dma_wait3A_364 = arith.constant 0 : i32
          %dma_wait3A_365 = arith.constant 0 : i32
          %dma_wait3A_366 = tpu.memref_slice %arg10[%dma_wait3A_363, %dma_wait3A_364, %dma_wait3A_365] : memref<8x128x16xf32, #tpu.memory_space<vmem>> -> memref<1x128x16xf32, #tpu.memory_space<vmem>>
          %dma_wait3A_367 = tpu.memref_squeeze %dma_wait3A_366 : memref<1x128x16xf32, #tpu.memory_space<vmem>> -> memref<128x16xf32, #tpu.memory_space<vmem>>
          %dma_wait3A_368 = arith.constant 0 : i32
          %dma_wait3A_369 = tpu.memref_slice %arg9[%add3A_209, %dma_wait3A_368] : memref<56x128xi32, #tpu.memory_space<vmem>> -> memref<1x128xi32, #tpu.memory_space<vmem>>
          %dma_wait3A_370 = tpu.memref_squeeze %dma_wait3A_369 : memref<1x128xi32, #tpu.memory_space<vmem>> -> memref<128xi32, #tpu.memory_space<vmem>>
          %dma_wait3A_371 = arith.constant 0 : i32
          %dma_wait3A_372 = arith.constant 0 : i32
          %dma_wait3A_373 = tpu.memref_slice %arg11[%dma_wait3A_371, %dma_wait3A_372] : memref<100096x16xf32, #tpu.memory_space<vmem_shared>> -> memref<100096x16xf32, #tpu.memory_space<vmem_shared>>
          tpu.wait_indirect_dma semaphore(%arg14 : memref<!tpu.dma_semaphore, #tpu.memory_space<semaphore_mem>>) src(%dma_wait3A_367 : memref<128x16xf32, #tpu.memory_space<vmem>>) dst(%dma_wait3A_373 : memref<100096x16xf32, #tpu.memory_space<vmem_shared>>)
          %dma_wait3A_374 = arith.constant 3 : i32
          %dma_wait3A_375 = arith.constant 0 : i32
          %dma_wait3A_376 = arith.constant 0 : i32
          %dma_wait3A_377 = tpu.memref_slice %arg10[%dma_wait3A_374, %dma_wait3A_375, %dma_wait3A_376] : memref<8x128x16xf32, #tpu.memory_space<vmem>> -> memref<1x128x16xf32, #tpu.memory_space<vmem>>
          %dma_wait3A_378 = tpu.memref_squeeze %dma_wait3A_377 : memref<1x128x16xf32, #tpu.memory_space<vmem>> -> memref<128x16xf32, #tpu.memory_space<vmem>>
          %dma_wait3A_379 = arith.constant 0 : i32
          %dma_wait3A_380 = tpu.memref_slice %arg9[%add3A_233, %dma_wait3A_379] : memref<56x128xi32, #tpu.memory_space<vmem>> -> memref<1x128xi32, #tpu.memory_space<vmem>>
          %dma_wait3A_381 = tpu.memref_squeeze %dma_wait3A_380 : memref<1x128xi32, #tpu.memory_space<vmem>> -> memref<128xi32, #tpu.memory_space<vmem>>
          %dma_wait3A_382 = arith.constant 0 : i32
          %dma_wait3A_383 = arith.constant 0 : i32
          %dma_wait3A_384 = tpu.memref_slice %arg11[%dma_wait3A_382, %dma_wait3A_383] : memref<100096x16xf32, #tpu.memory_space<vmem_shared>> -> memref<100096x16xf32, #tpu.memory_space<vmem_shared>>
          tpu.wait_indirect_dma semaphore(%arg14 : memref<!tpu.dma_semaphore, #tpu.memory_space<semaphore_mem>>) src(%dma_wait3A_378 : memref<128x16xf32, #tpu.memory_space<vmem>>) dst(%dma_wait3A_384 : memref<100096x16xf32, #tpu.memory_space<vmem_shared>>)
          %dma_wait3A_385 = arith.constant 4 : i32
          %dma_wait3A_386 = arith.constant 0 : i32
          %dma_wait3A_387 = arith.constant 0 : i32
          %dma_wait3A_388 = tpu.memref_slice %arg10[%dma_wait3A_385, %dma_wait3A_386, %dma_wait3A_387] : memref<8x128x16xf32, #tpu.memory_space<vmem>> -> memref<1x128x16xf32, #tpu.memory_space<vmem>>
          %dma_wait3A_389 = tpu.memref_squeeze %dma_wait3A_388 : memref<1x128x16xf32, #tpu.memory_space<vmem>> -> memref<128x16xf32, #tpu.memory_space<vmem>>
          %dma_wait3A_390 = arith.constant 0 : i32
          %dma_wait3A_391 = tpu.memref_slice %arg9[%add3A_257, %dma_wait3A_390] : memref<56x128xi32, #tpu.memory_space<vmem>> -> memref<1x128xi32, #tpu.memory_space<vmem>>
          %dma_wait3A_392 = tpu.memref_squeeze %dma_wait3A_391 : memref<1x128xi32, #tpu.memory_space<vmem>> -> memref<128xi32, #tpu.memory_space<vmem>>
          %dma_wait3A_393 = arith.constant 0 : i32
          %dma_wait3A_394 = arith.constant 0 : i32
          %dma_wait3A_395 = tpu.memref_slice %arg11[%dma_wait3A_393, %dma_wait3A_394] : memref<100096x16xf32, #tpu.memory_space<vmem_shared>> -> memref<100096x16xf32, #tpu.memory_space<vmem_shared>>
          tpu.wait_indirect_dma semaphore(%arg14 : memref<!tpu.dma_semaphore, #tpu.memory_space<semaphore_mem>>) src(%dma_wait3A_389 : memref<128x16xf32, #tpu.memory_space<vmem>>) dst(%dma_wait3A_395 : memref<100096x16xf32, #tpu.memory_space<vmem_shared>>)
          %dma_wait3A_396 = arith.constant 5 : i32
          %dma_wait3A_397 = arith.constant 0 : i32
          %dma_wait3A_398 = arith.constant 0 : i32
          %dma_wait3A_399 = tpu.memref_slice %arg10[%dma_wait3A_396, %dma_wait3A_397, %dma_wait3A_398] : memref<8x128x16xf32, #tpu.memory_space<vmem>> -> memref<1x128x16xf32, #tpu.memory_space<vmem>>
          %dma_wait3A_400 = tpu.memref_squeeze %dma_wait3A_399 : memref<1x128x16xf32, #tpu.memory_space<vmem>> -> memref<128x16xf32, #tpu.memory_space<vmem>>
          %dma_wait3A_401 = arith.constant 0 : i32
          %dma_wait3A_402 = tpu.memref_slice %arg9[%add3A_281, %dma_wait3A_401] : memref<56x128xi32, #tpu.memory_space<vmem>> -> memref<1x128xi32, #tpu.memory_space<vmem>>
          %dma_wait3A_403 = tpu.memref_squeeze %dma_wait3A_402 : memref<1x128xi32, #tpu.memory_space<vmem>> -> memref<128xi32, #tpu.memory_space<vmem>>
          %dma_wait3A_404 = arith.constant 0 : i32
          %dma_wait3A_405 = arith.constant 0 : i32
          %dma_wait3A_406 = tpu.memref_slice %arg11[%dma_wait3A_404, %dma_wait3A_405] : memref<100096x16xf32, #tpu.memory_space<vmem_shared>> -> memref<100096x16xf32, #tpu.memory_space<vmem_shared>>
          tpu.wait_indirect_dma semaphore(%arg14 : memref<!tpu.dma_semaphore, #tpu.memory_space<semaphore_mem>>) src(%dma_wait3A_400 : memref<128x16xf32, #tpu.memory_space<vmem>>) dst(%dma_wait3A_406 : memref<100096x16xf32, #tpu.memory_space<vmem_shared>>)
          %dma_wait3A_407 = arith.constant 6 : i32
          %dma_wait3A_408 = arith.constant 0 : i32
          %dma_wait3A_409 = arith.constant 0 : i32
          %dma_wait3A_410 = tpu.memref_slice %arg10[%dma_wait3A_407, %dma_wait3A_408, %dma_wait3A_409] : memref<8x128x16xf32, #tpu.memory_space<vmem>> -> memref<1x128x16xf32, #tpu.memory_space<vmem>>
          %dma_wait3A_411 = tpu.memref_squeeze %dma_wait3A_410 : memref<1x128x16xf32, #tpu.memory_space<vmem>> -> memref<128x16xf32, #tpu.memory_space<vmem>>
          %dma_wait3A_412 = arith.constant 0 : i32
          %dma_wait3A_413 = tpu.memref_slice %arg9[%add3A_305, %dma_wait3A_412] : memref<56x128xi32, #tpu.memory_space<vmem>> -> memref<1x128xi32, #tpu.memory_space<vmem>>
          %dma_wait3A_414 = tpu.memref_squeeze %dma_wait3A_413 : memref<1x128xi32, #tpu.memory_space<vmem>> -> memref<128xi32, #tpu.memory_space<vmem>>
          %dma_wait3A_415 = arith.constant 0 : i32
          %dma_wait3A_416 = arith.constant 0 : i32
          %dma_wait3A_417 = tpu.memref_slice %arg11[%dma_wait3A_415, %dma_wait3A_416] : memref<100096x16xf32, #tpu.memory_space<vmem_shared>> -> memref<100096x16xf32, #tpu.memory_space<vmem_shared>>
          tpu.wait_indirect_dma semaphore(%arg14 : memref<!tpu.dma_semaphore, #tpu.memory_space<semaphore_mem>>) src(%dma_wait3A_411 : memref<128x16xf32, #tpu.memory_space<vmem>>) dst(%dma_wait3A_417 : memref<100096x16xf32, #tpu.memory_space<vmem_shared>>)
          %dma_wait3A_418 = arith.constant 7 : i32
          %dma_wait3A_419 = arith.constant 0 : i32
          %dma_wait3A_420 = arith.constant 0 : i32
          %dma_wait3A_421 = tpu.memref_slice %arg10[%dma_wait3A_418, %dma_wait3A_419, %dma_wait3A_420] : memref<8x128x16xf32, #tpu.memory_space<vmem>> -> memref<1x128x16xf32, #tpu.memory_space<vmem>>
          %dma_wait3A_422 = tpu.memref_squeeze %dma_wait3A_421 : memref<1x128x16xf32, #tpu.memory_space<vmem>> -> memref<128x16xf32, #tpu.memory_space<vmem>>
          %dma_wait3A_423 = arith.constant 0 : i32
          %dma_wait3A_424 = tpu.memref_slice %arg9[%add3A_329, %dma_wait3A_423] : memref<56x128xi32, #tpu.memory_space<vmem>> -> memref<1x128xi32, #tpu.memory_space<vmem>>
          %dma_wait3A_425 = tpu.memref_squeeze %dma_wait3A_424 : memref<1x128xi32, #tpu.memory_space<vmem>> -> memref<128xi32, #tpu.memory_space<vmem>>
          %dma_wait3A_426 = arith.constant 0 : i32
          %dma_wait3A_427 = arith.constant 0 : i32
          %dma_wait3A_428 = tpu.memref_slice %arg11[%dma_wait3A_426, %dma_wait3A_427] : memref<100096x16xf32, #tpu.memory_space<vmem_shared>> -> memref<100096x16xf32, #tpu.memory_space<vmem_shared>>
          tpu.wait_indirect_dma semaphore(%arg14 : memref<!tpu.dma_semaphore, #tpu.memory_space<semaphore_mem>>) src(%dma_wait3A_422 : memref<128x16xf32, #tpu.memory_space<vmem>>) dst(%dma_wait3A_428 : memref<100096x16xf32, #tpu.memory_space<vmem_shared>>)
        }
        %scan3A_41 = arith.constant 7 : i32
      } else {
      }
      %eq3A_31 = arith.constant 1 : i32
      %eq3A_32 = arith.cmpi eq, %arg0, %eq3A_31 : i32
      %convert_element_type3A_33 = arith.extui %eq3A_32 : i1 to i32
      %cond3A_34 = arith.constant 0 : i32
      %cond3A_35 = arith.cmpi ne, %convert_element_type3A_33, %cond3A_34 : i32
      scf.if %cond3A_35 {
        %scan3A_36 = arith.constant 0 : i32
        %scan3A_37 = arith.constant 0 : i32
        %scan3A_38 = arith.constant 7 : i32
        %scan3A_39 = arith.addi %scan3A_37, %scan3A_38 : i32
        %scan3A_40 = arith.constant 1 : i32
        scf.for %scan3A_42 = %scan3A_37 to %scan3A_39 step %scan3A_40  : i32 {
          %mul3A_43 = arith.constant 8 : i32
          %mul3A_44 = arith.muli %scan3A_42, %mul3A_43 : i32
          %add3A_45 = arith.constant 0 : i32
          %add3A_46 = arith.addi %mul3A_44, %add3A_45 : i32
          %dma_start3A_47 = arith.constant 0 : i32
          %dma_start3A_48 = arith.constant 0 : i32
          %dma_start3A_49 = arith.constant 0 : i32
          %dma_start3A_50 = tpu.memref_slice %arg10[%dma_start3A_47, %dma_start3A_48, %dma_start3A_49] : memref<8x128x16xf32, #tpu.memory_space<vmem>> -> memref<1x128x16xf32, #tpu.memory_space<vmem>>
          %dma_start3A_51 = tpu.memref_squeeze %dma_start3A_50 : memref<1x128x16xf32, #tpu.memory_space<vmem>> -> memref<128x16xf32, #tpu.memory_space<vmem>>
          %dma_start3A_52 = arith.constant 0 : i32
          %dma_start3A_53 = tpu.memref_slice %arg8[%add3A_46, %dma_start3A_52] : memref<56x128xi32, #tpu.memory_space<vmem>> -> memref<1x128xi32, #tpu.memory_space<vmem>>
          %dma_start3A_54 = tpu.memref_squeeze %dma_start3A_53 : memref<1x128xi32, #tpu.memory_space<vmem>> -> memref<128xi32, #tpu.memory_space<vmem>>
          %dma_start3A_55 = arith.constant 0 : i32
          %dma_start3A_56 = arith.constant 0 : i32
          %dma_start3A_57 = tpu.memref_slice %arg5[%dma_start3A_55, %dma_start3A_56] : memref<100096x16xf32, #tpu.memory_space<hbm>> -> memref<100096x16xf32, #tpu.memory_space<hbm>>
          tpu.enqueue_indirect_dma source(%dma_start3A_57 : memref<100096x16xf32, #tpu.memory_space<hbm>>) target(%dma_start3A_51 : memref<128x16xf32, #tpu.memory_space<vmem>>) offsets(%dma_start3A_54 : memref<128xi32, #tpu.memory_space<vmem>>) semaphore(%arg13 : memref<!tpu.dma_semaphore, #tpu.memory_space<semaphore_mem>>)
          %add3A_58 = arith.constant 1 : i32
          %add3A_59 = arith.addi %mul3A_44, %add3A_58 : i32
          %dma_start3A_60 = arith.constant 1 : i32
          %dma_start3A_61 = arith.constant 0 : i32
          %dma_start3A_62 = arith.constant 0 : i32
          %dma_start3A_63 = tpu.memref_slice %arg10[%dma_start3A_60, %dma_start3A_61, %dma_start3A_62] : memref<8x128x16xf32, #tpu.memory_space<vmem>> -> memref<1x128x16xf32, #tpu.memory_space<vmem>>
          %dma_start3A_64 = tpu.memref_squeeze %dma_start3A_63 : memref<1x128x16xf32, #tpu.memory_space<vmem>> -> memref<128x16xf32, #tpu.memory_space<vmem>>
          %dma_start3A_65 = arith.constant 0 : i32
          %dma_start3A_66 = tpu.memref_slice %arg8[%add3A_59, %dma_start3A_65] : memref<56x128xi32, #tpu.memory_space<vmem>> -> memref<1x128xi32, #tpu.memory_space<vmem>>
          %dma_start3A_67 = tpu.memref_squeeze %dma_start3A_66 : memref<1x128xi32, #tpu.memory_space<vmem>> -> memref<128xi32, #tpu.memory_space<vmem>>
          %dma_start3A_68 = arith.constant 0 : i32
          %dma_start3A_69 = arith.constant 0 : i32
          %dma_start3A_70 = tpu.memref_slice %arg5[%dma_start3A_68, %dma_start3A_69] : memref<100096x16xf32, #tpu.memory_space<hbm>> -> memref<100096x16xf32, #tpu.memory_space<hbm>>
          tpu.enqueue_indirect_dma source(%dma_start3A_70 : memref<100096x16xf32, #tpu.memory_space<hbm>>) target(%dma_start3A_64 : memref<128x16xf32, #tpu.memory_space<vmem>>) offsets(%dma_start3A_67 : memref<128xi32, #tpu.memory_space<vmem>>) semaphore(%arg13 : memref<!tpu.dma_semaphore, #tpu.memory_space<semaphore_mem>>)
          %add3A_71 = arith.constant 2 : i32
          %add3A_72 = arith.addi %mul3A_44, %add3A_71 : i32
          %dma_start3A_73 = arith.constant 2 : i32
          %dma_start3A_74 = arith.constant 0 : i32
          %dma_start3A_75 = arith.constant 0 : i32
          %dma_start3A_76 = tpu.memref_slice %arg10[%dma_start3A_73, %dma_start3A_74, %dma_start3A_75] : memref<8x128x16xf32, #tpu.memory_space<vmem>> -> memref<1x128x16xf32, #tpu.memory_space<vmem>>
          %dma_start3A_77 = tpu.memref_squeeze %dma_start3A_76 : memref<1x128x16xf32, #tpu.memory_space<vmem>> -> memref<128x16xf32, #tpu.memory_space<vmem>>
          %dma_start3A_78 = arith.constant 0 : i32
          %dma_start3A_79 = tpu.memref_slice %arg8[%add3A_72, %dma_start3A_78] : memref<56x128xi32, #tpu.memory_space<vmem>> -> memref<1x128xi32, #tpu.memory_space<vmem>>
          %dma_start3A_80 = tpu.memref_squeeze %dma_start3A_79 : memref<1x128xi32, #tpu.memory_space<vmem>> -> memref<128xi32, #tpu.memory_space<vmem>>
          %dma_start3A_81 = arith.constant 0 : i32
          %dma_start3A_82 = arith.constant 0 : i32
          %dma_start3A_83 = tpu.memref_slice %arg5[%dma_start3A_81, %dma_start3A_82] : memref<100096x16xf32, #tpu.memory_space<hbm>> -> memref<100096x16xf32, #tpu.memory_space<hbm>>
          tpu.enqueue_indirect_dma source(%dma_start3A_83 : memref<100096x16xf32, #tpu.memory_space<hbm>>) target(%dma_start3A_77 : memref<128x16xf32, #tpu.memory_space<vmem>>) offsets(%dma_start3A_80 : memref<128xi32, #tpu.memory_space<vmem>>) semaphore(%arg13 : memref<!tpu.dma_semaphore, #tpu.memory_space<semaphore_mem>>)
          %add3A_84 = arith.constant 3 : i32
          %add3A_85 = arith.addi %mul3A_44, %add3A_84 : i32
          %dma_start3A_86 = arith.constant 3 : i32
          %dma_start3A_87 = arith.constant 0 : i32
          %dma_start3A_88 = arith.constant 0 : i32
          %dma_start3A_89 = tpu.memref_slice %arg10[%dma_start3A_86, %dma_start3A_87, %dma_start3A_88] : memref<8x128x16xf32, #tpu.memory_space<vmem>> -> memref<1x128x16xf32, #tpu.memory_space<vmem>>
          %dma_start3A_90 = tpu.memref_squeeze %dma_start3A_89 : memref<1x128x16xf32, #tpu.memory_space<vmem>> -> memref<128x16xf32, #tpu.memory_space<vmem>>
          %dma_start3A_91 = arith.constant 0 : i32
          %dma_start3A_92 = tpu.memref_slice %arg8[%add3A_85, %dma_start3A_91] : memref<56x128xi32, #tpu.memory_space<vmem>> -> memref<1x128xi32, #tpu.memory_space<vmem>>
          %dma_start3A_93 = tpu.memref_squeeze %dma_start3A_92 : memref<1x128xi32, #tpu.memory_space<vmem>> -> memref<128xi32, #tpu.memory_space<vmem>>
          %dma_start3A_94 = arith.constant 0 : i32
          %dma_start3A_95 = arith.constant 0 : i32
          %dma_start3A_96 = tpu.memref_slice %arg5[%dma_start3A_94, %dma_start3A_95] : memref<100096x16xf32, #tpu.memory_space<hbm>> -> memref<100096x16xf32, #tpu.memory_space<hbm>>
          tpu.enqueue_indirect_dma source(%dma_start3A_96 : memref<100096x16xf32, #tpu.memory_space<hbm>>) target(%dma_start3A_90 : memref<128x16xf32, #tpu.memory_space<vmem>>) offsets(%dma_start3A_93 : memref<128xi32, #tpu.memory_space<vmem>>) semaphore(%arg13 : memref<!tpu.dma_semaphore, #tpu.memory_space<semaphore_mem>>)
          %add3A_97 = arith.constant 4 : i32
          %add3A_98 = arith.addi %mul3A_44, %add3A_97 : i32
          %dma_start3A_99 = arith.constant 4 : i32
          %dma_start3A_100 = arith.constant 0 : i32
          %dma_start3A_101 = arith.constant 0 : i32
          %dma_start3A_102 = tpu.memref_slice %arg10[%dma_start3A_99, %dma_start3A_100, %dma_start3A_101] : memref<8x128x16xf32, #tpu.memory_space<vmem>> -> memref<1x128x16xf32, #tpu.memory_space<vmem>>
          %dma_start3A_103 = tpu.memref_squeeze %dma_start3A_102 : memref<1x128x16xf32, #tpu.memory_space<vmem>> -> memref<128x16xf32, #tpu.memory_space<vmem>>
          %dma_start3A_104 = arith.constant 0 : i32
          %dma_start3A_105 = tpu.memref_slice %arg8[%add3A_98, %dma_start3A_104] : memref<56x128xi32, #tpu.memory_space<vmem>> -> memref<1x128xi32, #tpu.memory_space<vmem>>
          %dma_start3A_106 = tpu.memref_squeeze %dma_start3A_105 : memref<1x128xi32, #tpu.memory_space<vmem>> -> memref<128xi32, #tpu.memory_space<vmem>>
          %dma_start3A_107 = arith.constant 0 : i32
          %dma_start3A_108 = arith.constant 0 : i32
          %dma_start3A_109 = tpu.memref_slice %arg5[%dma_start3A_107, %dma_start3A_108] : memref<100096x16xf32, #tpu.memory_space<hbm>> -> memref<100096x16xf32, #tpu.memory_space<hbm>>
          tpu.enqueue_indirect_dma source(%dma_start3A_109 : memref<100096x16xf32, #tpu.memory_space<hbm>>) target(%dma_start3A_103 : memref<128x16xf32, #tpu.memory_space<vmem>>) offsets(%dma_start3A_106 : memref<128xi32, #tpu.memory_space<vmem>>) semaphore(%arg13 : memref<!tpu.dma_semaphore, #tpu.memory_space<semaphore_mem>>)
          %add3A_110 = arith.constant 5 : i32
          %add3A_111 = arith.addi %mul3A_44, %add3A_110 : i32
          %dma_start3A_112 = arith.constant 5 : i32
          %dma_start3A_113 = arith.constant 0 : i32
          %dma_start3A_114 = arith.constant 0 : i32
          %dma_start3A_115 = tpu.memref_slice %arg10[%dma_start3A_112, %dma_start3A_113, %dma_start3A_114] : memref<8x128x16xf32, #tpu.memory_space<vmem>> -> memref<1x128x16xf32, #tpu.memory_space<vmem>>
          %dma_start3A_116 = tpu.memref_squeeze %dma_start3A_115 : memref<1x128x16xf32, #tpu.memory_space<vmem>> -> memref<128x16xf32, #tpu.memory_space<vmem>>
          %dma_start3A_117 = arith.constant 0 : i32
          %dma_start3A_118 = tpu.memref_slice %arg8[%add3A_111, %dma_start3A_117] : memref<56x128xi32, #tpu.memory_space<vmem>> -> memref<1x128xi32, #tpu.memory_space<vmem>>
          %dma_start3A_119 = tpu.memref_squeeze %dma_start3A_118 : memref<1x128xi32, #tpu.memory_space<vmem>> -> memref<128xi32, #tpu.memory_space<vmem>>
          %dma_start3A_120 = arith.constant 0 : i32
          %dma_start3A_121 = arith.constant 0 : i32
          %dma_start3A_122 = tpu.memref_slice %arg5[%dma_start3A_120, %dma_start3A_121] : memref<100096x16xf32, #tpu.memory_space<hbm>> -> memref<100096x16xf32, #tpu.memory_space<hbm>>
          tpu.enqueue_indirect_dma source(%dma_start3A_122 : memref<100096x16xf32, #tpu.memory_space<hbm>>) target(%dma_start3A_116 : memref<128x16xf32, #tpu.memory_space<vmem>>) offsets(%dma_start3A_119 : memref<128xi32, #tpu.memory_space<vmem>>) semaphore(%arg13 : memref<!tpu.dma_semaphore, #tpu.memory_space<semaphore_mem>>)
          %add3A_123 = arith.constant 6 : i32
          %add3A_124 = arith.addi %mul3A_44, %add3A_123 : i32
          %dma_start3A_125 = arith.constant 6 : i32
          %dma_start3A_126 = arith.constant 0 : i32
          %dma_start3A_127 = arith.constant 0 : i32
          %dma_start3A_128 = tpu.memref_slice %arg10[%dma_start3A_125, %dma_start3A_126, %dma_start3A_127] : memref<8x128x16xf32, #tpu.memory_space<vmem>> -> memref<1x128x16xf32, #tpu.memory_space<vmem>>
          %dma_start3A_129 = tpu.memref_squeeze %dma_start3A_128 : memref<1x128x16xf32, #tpu.memory_space<vmem>> -> memref<128x16xf32, #tpu.memory_space<vmem>>
          %dma_start3A_130 = arith.constant 0 : i32
          %dma_start3A_131 = tpu.memref_slice %arg8[%add3A_124, %dma_start3A_130] : memref<56x128xi32, #tpu.memory_space<vmem>> -> memref<1x128xi32, #tpu.memory_space<vmem>>
          %dma_start3A_132 = tpu.memref_squeeze %dma_start3A_131 : memref<1x128xi32, #tpu.memory_space<vmem>> -> memref<128xi32, #tpu.memory_space<vmem>>
          %dma_start3A_133 = arith.constant 0 : i32
          %dma_start3A_134 = arith.constant 0 : i32
          %dma_start3A_135 = tpu.memref_slice %arg5[%dma_start3A_133, %dma_start3A_134] : memref<100096x16xf32, #tpu.memory_space<hbm>> -> memref<100096x16xf32, #tpu.memory_space<hbm>>
          tpu.enqueue_indirect_dma source(%dma_start3A_135 : memref<100096x16xf32, #tpu.memory_space<hbm>>) target(%dma_start3A_129 : memref<128x16xf32, #tpu.memory_space<vmem>>) offsets(%dma_start3A_132 : memref<128xi32, #tpu.memory_space<vmem>>) semaphore(%arg13 : memref<!tpu.dma_semaphore, #tpu.memory_space<semaphore_mem>>)
          %add3A_136 = arith.constant 7 : i32
          %add3A_137 = arith.addi %mul3A_44, %add3A_136 : i32
          %dma_start3A_138 = arith.constant 7 : i32
          %dma_start3A_139 = arith.constant 0 : i32
          %dma_start3A_140 = arith.constant 0 : i32
          %dma_start3A_141 = tpu.memref_slice %arg10[%dma_start3A_138, %dma_start3A_139, %dma_start3A_140] : memref<8x128x16xf32, #tpu.memory_space<vmem>> -> memref<1x128x16xf32, #tpu.memory_space<vmem>>
          %dma_start3A_142 = tpu.memref_squeeze %dma_start3A_141 : memref<1x128x16xf32, #tpu.memory_space<vmem>> -> memref<128x16xf32, #tpu.memory_space<vmem>>
          %dma_start3A_143 = arith.constant 0 : i32
          %dma_start3A_144 = tpu.memref_slice %arg8[%add3A_137, %dma_start3A_143] : memref<56x128xi32, #tpu.memory_space<vmem>> -> memref<1x128xi32, #tpu.memory_space<vmem>>
          %dma_start3A_145 = tpu.memref_squeeze %dma_start3A_144 : memref<1x128xi32, #tpu.memory_space<vmem>> -> memref<128xi32, #tpu.memory_space<vmem>>
          %dma_start3A_146 = arith.constant 0 : i32
          %dma_start3A_147 = arith.constant 0 : i32
          %dma_start3A_148 = tpu.memref_slice %arg5[%dma_start3A_146, %dma_start3A_147] : memref<100096x16xf32, #tpu.memory_space<hbm>> -> memref<100096x16xf32, #tpu.memory_space<hbm>>
          tpu.enqueue_indirect_dma source(%dma_start3A_148 : memref<100096x16xf32, #tpu.memory_space<hbm>>) target(%dma_start3A_142 : memref<128x16xf32, #tpu.memory_space<vmem>>) offsets(%dma_start3A_145 : memref<128xi32, #tpu.memory_space<vmem>>) semaphore(%arg13 : memref<!tpu.dma_semaphore, #tpu.memory_space<semaphore_mem>>)
          %dma_wait3A_149 = arith.constant 0 : i32
          %dma_wait3A_150 = arith.constant 0 : i32
          %dma_wait3A_151 = arith.constant 0 : i32
          %dma_wait3A_152 = tpu.memref_slice %arg10[%dma_wait3A_149, %dma_wait3A_150, %dma_wait3A_151] : memref<8x128x16xf32, #tpu.memory_space<vmem>> -> memref<1x128x16xf32, #tpu.memory_space<vmem>>
          %dma_wait3A_153 = tpu.memref_squeeze %dma_wait3A_152 : memref<1x128x16xf32, #tpu.memory_space<vmem>> -> memref<128x16xf32, #tpu.memory_space<vmem>>
          %dma_wait3A_154 = arith.constant 0 : i32
          %dma_wait3A_155 = tpu.memref_slice %arg8[%add3A_46, %dma_wait3A_154] : memref<56x128xi32, #tpu.memory_space<vmem>> -> memref<1x128xi32, #tpu.memory_space<vmem>>
          %dma_wait3A_156 = tpu.memref_squeeze %dma_wait3A_155 : memref<1x128xi32, #tpu.memory_space<vmem>> -> memref<128xi32, #tpu.memory_space<vmem>>
          %dma_wait3A_157 = arith.constant 0 : i32
          %dma_wait3A_158 = arith.constant 0 : i32
          %dma_wait3A_159 = tpu.memref_slice %arg5[%dma_wait3A_157, %dma_wait3A_158] : memref<100096x16xf32, #tpu.memory_space<hbm>> -> memref<100096x16xf32, #tpu.memory_space<hbm>>
          tpu.wait_indirect_dma semaphore(%arg13 : memref<!tpu.dma_semaphore, #tpu.memory_space<semaphore_mem>>) src(%dma_wait3A_159 : memref<100096x16xf32, #tpu.memory_space<hbm>>) dst(%dma_wait3A_153 : memref<128x16xf32, #tpu.memory_space<vmem>>)
          %add3A_160 = arith.constant 0 : i32
          %add3A_161 = arith.addi %mul3A_44, %add3A_160 : i32
          %dma_start3A_162 = arith.constant 0 : i32
          %dma_start3A_163 = arith.constant 0 : i32
          %dma_start3A_164 = arith.constant 0 : i32
          %dma_start3A_165 = tpu.memref_slice %arg10[%dma_start3A_162, %dma_start3A_163, %dma_start3A_164] : memref<8x128x16xf32, #tpu.memory_space<vmem>> -> memref<1x128x16xf32, #tpu.memory_space<vmem>>
          %dma_start3A_166 = tpu.memref_squeeze %dma_start3A_165 : memref<1x128x16xf32, #tpu.memory_space<vmem>> -> memref<128x16xf32, #tpu.memory_space<vmem>>
          %dma_start3A_167 = arith.constant 0 : i32
          %dma_start3A_168 = tpu.memref_slice %arg9[%add3A_161, %dma_start3A_167] : memref<56x128xi32, #tpu.memory_space<vmem>> -> memref<1x128xi32, #tpu.memory_space<vmem>>
          %dma_start3A_169 = tpu.memref_squeeze %dma_start3A_168 : memref<1x128xi32, #tpu.memory_space<vmem>> -> memref<128xi32, #tpu.memory_space<vmem>>
          %dma_start3A_170 = arith.constant 0 : i32
          %dma_start3A_171 = arith.constant 0 : i32
          %dma_start3A_172 = tpu.memref_slice %arg11[%dma_start3A_170, %dma_start3A_171] : memref<100096x16xf32, #tpu.memory_space<vmem_shared>> -> memref<100096x16xf32, #tpu.memory_space<vmem_shared>>
          tpu.enqueue_indirect_dma source(%dma_start3A_166 : memref<128x16xf32, #tpu.memory_space<vmem>>) target(%dma_start3A_172 : memref<100096x16xf32, #tpu.memory_space<vmem_shared>>) offsets(%dma_start3A_169 : memref<128xi32, #tpu.memory_space<vmem>>) semaphore(%arg14 : memref<!tpu.dma_semaphore, #tpu.memory_space<semaphore_mem>>) {add = true}
          %dma_wait3A_173 = arith.constant 1 : i32
          %dma_wait3A_174 = arith.constant 0 : i32
          %dma_wait3A_175 = arith.constant 0 : i32
          %dma_wait3A_176 = tpu.memref_slice %arg10[%dma_wait3A_173, %dma_wait3A_174, %dma_wait3A_175] : memref<8x128x16xf32, #tpu.memory_space<vmem>> -> memref<1x128x16xf32, #tpu.memory_space<vmem>>
          %dma_wait3A_177 = tpu.memref_squeeze %dma_wait3A_176 : memref<1x128x16xf32, #tpu.memory_space<vmem>> -> memref<128x16xf32, #tpu.memory_space<vmem>>
          %dma_wait3A_178 = arith.constant 0 : i32
          %dma_wait3A_179 = tpu.memref_slice %arg8[%add3A_59, %dma_wait3A_178] : memref<56x128xi32, #tpu.memory_space<vmem>> -> memref<1x128xi32, #tpu.memory_space<vmem>>
          %dma_wait3A_180 = tpu.memref_squeeze %dma_wait3A_179 : memref<1x128xi32, #tpu.memory_space<vmem>> -> memref<128xi32, #tpu.memory_space<vmem>>
          %dma_wait3A_181 = arith.constant 0 : i32
          %dma_wait3A_182 = arith.constant 0 : i32
          %dma_wait3A_183 = tpu.memref_slice %arg5[%dma_wait3A_181, %dma_wait3A_182] : memref<100096x16xf32, #tpu.memory_space<hbm>> -> memref<100096x16xf32, #tpu.memory_space<hbm>>
          tpu.wait_indirect_dma semaphore(%arg13 : memref<!tpu.dma_semaphore, #tpu.memory_space<semaphore_mem>>) src(%dma_wait3A_183 : memref<100096x16xf32, #tpu.memory_space<hbm>>) dst(%dma_wait3A_177 : memref<128x16xf32, #tpu.memory_space<vmem>>)
          %add3A_184 = arith.constant 1 : i32
          %add3A_185 = arith.addi %mul3A_44, %add3A_184 : i32
          %dma_start3A_186 = arith.constant 1 : i32
          %dma_start3A_187 = arith.constant 0 : i32
          %dma_start3A_188 = arith.constant 0 : i32
          %dma_start3A_189 = tpu.memref_slice %arg10[%dma_start3A_186, %dma_start3A_187, %dma_start3A_188] : memref<8x128x16xf32, #tpu.memory_space<vmem>> -> memref<1x128x16xf32, #tpu.memory_space<vmem>>
          %dma_start3A_190 = tpu.memref_squeeze %dma_start3A_189 : memref<1x128x16xf32, #tpu.memory_space<vmem>> -> memref<128x16xf32, #tpu.memory_space<vmem>>
          %dma_start3A_191 = arith.constant 0 : i32
          %dma_start3A_192 = tpu.memref_slice %arg9[%add3A_185, %dma_start3A_191] : memref<56x128xi32, #tpu.memory_space<vmem>> -> memref<1x128xi32, #tpu.memory_space<vmem>>
          %dma_start3A_193 = tpu.memref_squeeze %dma_start3A_192 : memref<1x128xi32, #tpu.memory_space<vmem>> -> memref<128xi32, #tpu.memory_space<vmem>>
          %dma_start3A_194 = arith.constant 0 : i32
          %dma_start3A_195 = arith.constant 0 : i32
          %dma_start3A_196 = tpu.memref_slice %arg11[%dma_start3A_194, %dma_start3A_195] : memref<100096x16xf32, #tpu.memory_space<vmem_shared>> -> memref<100096x16xf32, #tpu.memory_space<vmem_shared>>
          tpu.enqueue_indirect_dma source(%dma_start3A_190 : memref<128x16xf32, #tpu.memory_space<vmem>>) target(%dma_start3A_196 : memref<100096x16xf32, #tpu.memory_space<vmem_shared>>) offsets(%dma_start3A_193 : memref<128xi32, #tpu.memory_space<vmem>>) semaphore(%arg14 : memref<!tpu.dma_semaphore, #tpu.memory_space<semaphore_mem>>) {add = true}
          %dma_wait3A_197 = arith.constant 2 : i32
          %dma_wait3A_198 = arith.constant 0 : i32
          %dma_wait3A_199 = arith.constant 0 : i32
          %dma_wait3A_200 = tpu.memref_slice %arg10[%dma_wait3A_197, %dma_wait3A_198, %dma_wait3A_199] : memref<8x128x16xf32, #tpu.memory_space<vmem>> -> memref<1x128x16xf32, #tpu.memory_space<vmem>>
          %dma_wait3A_201 = tpu.memref_squeeze %dma_wait3A_200 : memref<1x128x16xf32, #tpu.memory_space<vmem>> -> memref<128x16xf32, #tpu.memory_space<vmem>>
          %dma_wait3A_202 = arith.constant 0 : i32
          %dma_wait3A_203 = tpu.memref_slice %arg8[%add3A_72, %dma_wait3A_202] : memref<56x128xi32, #tpu.memory_space<vmem>> -> memref<1x128xi32, #tpu.memory_space<vmem>>
          %dma_wait3A_204 = tpu.memref_squeeze %dma_wait3A_203 : memref<1x128xi32, #tpu.memory_space<vmem>> -> memref<128xi32, #tpu.memory_space<vmem>>
          %dma_wait3A_205 = arith.constant 0 : i32
          %dma_wait3A_206 = arith.constant 0 : i32
          %dma_wait3A_207 = tpu.memref_slice %arg5[%dma_wait3A_205, %dma_wait3A_206] : memref<100096x16xf32, #tpu.memory_space<hbm>> -> memref<100096x16xf32, #tpu.memory_space<hbm>>
          tpu.wait_indirect_dma semaphore(%arg13 : memref<!tpu.dma_semaphore, #tpu.memory_space<semaphore_mem>>) src(%dma_wait3A_207 : memref<100096x16xf32, #tpu.memory_space<hbm>>) dst(%dma_wait3A_201 : memref<128x16xf32, #tpu.memory_space<vmem>>)
          %add3A_208 = arith.constant 2 : i32
          %add3A_209 = arith.addi %mul3A_44, %add3A_208 : i32
          %dma_start3A_210 = arith.constant 2 : i32
          %dma_start3A_211 = arith.constant 0 : i32
          %dma_start3A_212 = arith.constant 0 : i32
          %dma_start3A_213 = tpu.memref_slice %arg10[%dma_start3A_210, %dma_start3A_211, %dma_start3A_212] : memref<8x128x16xf32, #tpu.memory_space<vmem>> -> memref<1x128x16xf32, #tpu.memory_space<vmem>>
          %dma_start3A_214 = tpu.memref_squeeze %dma_start3A_213 : memref<1x128x16xf32, #tpu.memory_space<vmem>> -> memref<128x16xf32, #tpu.memory_space<vmem>>
          %dma_start3A_215 = arith.constant 0 : i32
          %dma_start3A_216 = tpu.memref_slice %arg9[%add3A_209, %dma_start3A_215] : memref<56x128xi32, #tpu.memory_space<vmem>> -> memref<1x128xi32, #tpu.memory_space<vmem>>
          %dma_start3A_217 = tpu.memref_squeeze %dma_start3A_216 : memref<1x128xi32, #tpu.memory_space<vmem>> -> memref<128xi32, #tpu.memory_space<vmem>>
          %dma_start3A_218 = arith.constant 0 : i32
          %dma_start3A_219 = arith.constant 0 : i32
          %dma_start3A_220 = tpu.memref_slice %arg11[%dma_start3A_218, %dma_start3A_219] : memref<100096x16xf32, #tpu.memory_space<vmem_shared>> -> memref<100096x16xf32, #tpu.memory_space<vmem_shared>>
          tpu.enqueue_indirect_dma source(%dma_start3A_214 : memref<128x16xf32, #tpu.memory_space<vmem>>) target(%dma_start3A_220 : memref<100096x16xf32, #tpu.memory_space<vmem_shared>>) offsets(%dma_start3A_217 : memref<128xi32, #tpu.memory_space<vmem>>) semaphore(%arg14 : memref<!tpu.dma_semaphore, #tpu.memory_space<semaphore_mem>>) {add = true}
          %dma_wait3A_221 = arith.constant 3 : i32
          %dma_wait3A_222 = arith.constant 0 : i32
          %dma_wait3A_223 = arith.constant 0 : i32
          %dma_wait3A_224 = tpu.memref_slice %arg10[%dma_wait3A_221, %dma_wait3A_222, %dma_wait3A_223] : memref<8x128x16xf32, #tpu.memory_space<vmem>> -> memref<1x128x16xf32, #tpu.memory_space<vmem>>
          %dma_wait3A_225 = tpu.memref_squeeze %dma_wait3A_224 : memref<1x128x16xf32, #tpu.memory_space<vmem>> -> memref<128x16xf32, #tpu.memory_space<vmem>>
          %dma_wait3A_226 = arith.constant 0 : i32
          %dma_wait3A_227 = tpu.memref_slice %arg8[%add3A_85, %dma_wait3A_226] : memref<56x128xi32, #tpu.memory_space<vmem>> -> memref<1x128xi32, #tpu.memory_space<vmem>>
          %dma_wait3A_228 = tpu.memref_squeeze %dma_wait3A_227 : memref<1x128xi32, #tpu.memory_space<vmem>> -> memref<128xi32, #tpu.memory_space<vmem>>
          %dma_wait3A_229 = arith.constant 0 : i32
          %dma_wait3A_230 = arith.constant 0 : i32
          %dma_wait3A_231 = tpu.memref_slice %arg5[%dma_wait3A_229, %dma_wait3A_230] : memref<100096x16xf32, #tpu.memory_space<hbm>> -> memref<100096x16xf32, #tpu.memory_space<hbm>>
          tpu.wait_indirect_dma semaphore(%arg13 : memref<!tpu.dma_semaphore, #tpu.memory_space<semaphore_mem>>) src(%dma_wait3A_231 : memref<100096x16xf32, #tpu.memory_space<hbm>>) dst(%dma_wait3A_225 : memref<128x16xf32, #tpu.memory_space<vmem>>)
          %add3A_232 = arith.constant 3 : i32
          %add3A_233 = arith.addi %mul3A_44, %add3A_232 : i32
          %dma_start3A_234 = arith.constant 3 : i32
          %dma_start3A_235 = arith.constant 0 : i32
          %dma_start3A_236 = arith.constant 0 : i32
          %dma_start3A_237 = tpu.memref_slice %arg10[%dma_start3A_234, %dma_start3A_235, %dma_start3A_236] : memref<8x128x16xf32, #tpu.memory_space<vmem>> -> memref<1x128x16xf32, #tpu.memory_space<vmem>>
          %dma_start3A_238 = tpu.memref_squeeze %dma_start3A_237 : memref<1x128x16xf32, #tpu.memory_space<vmem>> -> memref<128x16xf32, #tpu.memory_space<vmem>>
          %dma_start3A_239 = arith.constant 0 : i32
          %dma_start3A_240 = tpu.memref_slice %arg9[%add3A_233, %dma_start3A_239] : memref<56x128xi32, #tpu.memory_space<vmem>> -> memref<1x128xi32, #tpu.memory_space<vmem>>
          %dma_start3A_241 = tpu.memref_squeeze %dma_start3A_240 : memref<1x128xi32, #tpu.memory_space<vmem>> -> memref<128xi32, #tpu.memory_space<vmem>>
          %dma_start3A_242 = arith.constant 0 : i32
          %dma_start3A_243 = arith.constant 0 : i32
          %dma_start3A_244 = tpu.memref_slice %arg11[%dma_start3A_242, %dma_start3A_243] : memref<100096x16xf32, #tpu.memory_space<vmem_shared>> -> memref<100096x16xf32, #tpu.memory_space<vmem_shared>>
          tpu.enqueue_indirect_dma source(%dma_start3A_238 : memref<128x16xf32, #tpu.memory_space<vmem>>) target(%dma_start3A_244 : memref<100096x16xf32, #tpu.memory_space<vmem_shared>>) offsets(%dma_start3A_241 : memref<128xi32, #tpu.memory_space<vmem>>) semaphore(%arg14 : memref<!tpu.dma_semaphore, #tpu.memory_space<semaphore_mem>>) {add = true}
          %dma_wait3A_245 = arith.constant 4 : i32
          %dma_wait3A_246 = arith.constant 0 : i32
          %dma_wait3A_247 = arith.constant 0 : i32
          %dma_wait3A_248 = tpu.memref_slice %arg10[%dma_wait3A_245, %dma_wait3A_246, %dma_wait3A_247] : memref<8x128x16xf32, #tpu.memory_space<vmem>> -> memref<1x128x16xf32, #tpu.memory_space<vmem>>
          %dma_wait3A_249 = tpu.memref_squeeze %dma_wait3A_248 : memref<1x128x16xf32, #tpu.memory_space<vmem>> -> memref<128x16xf32, #tpu.memory_space<vmem>>
          %dma_wait3A_250 = arith.constant 0 : i32
          %dma_wait3A_251 = tpu.memref_slice %arg8[%add3A_98, %dma_wait3A_250] : memref<56x128xi32, #tpu.memory_space<vmem>> -> memref<1x128xi32, #tpu.memory_space<vmem>>
          %dma_wait3A_252 = tpu.memref_squeeze %dma_wait3A_251 : memref<1x128xi32, #tpu.memory_space<vmem>> -> memref<128xi32, #tpu.memory_space<vmem>>
          %dma_wait3A_253 = arith.constant 0 : i32
          %dma_wait3A_254 = arith.constant 0 : i32
          %dma_wait3A_255 = tpu.memref_slice %arg5[%dma_wait3A_253, %dma_wait3A_254] : memref<100096x16xf32, #tpu.memory_space<hbm>> -> memref<100096x16xf32, #tpu.memory_space<hbm>>
          tpu.wait_indirect_dma semaphore(%arg13 : memref<!tpu.dma_semaphore, #tpu.memory_space<semaphore_mem>>) src(%dma_wait3A_255 : memref<100096x16xf32, #tpu.memory_space<hbm>>) dst(%dma_wait3A_249 : memref<128x16xf32, #tpu.memory_space<vmem>>)
          %add3A_256 = arith.constant 4 : i32
          %add3A_257 = arith.addi %mul3A_44, %add3A_256 : i32
          %dma_start3A_258 = arith.constant 4 : i32
          %dma_start3A_259 = arith.constant 0 : i32
          %dma_start3A_260 = arith.constant 0 : i32
          %dma_start3A_261 = tpu.memref_slice %arg10[%dma_start3A_258, %dma_start3A_259, %dma_start3A_260] : memref<8x128x16xf32, #tpu.memory_space<vmem>> -> memref<1x128x16xf32, #tpu.memory_space<vmem>>
          %dma_start3A_262 = tpu.memref_squeeze %dma_start3A_261 : memref<1x128x16xf32, #tpu.memory_space<vmem>> -> memref<128x16xf32, #tpu.memory_space<vmem>>
          %dma_start3A_263 = arith.constant 0 : i32
          %dma_start3A_264 = tpu.memref_slice %arg9[%add3A_257, %dma_start3A_263] : memref<56x128xi32, #tpu.memory_space<vmem>> -> memref<1x128xi32, #tpu.memory_space<vmem>>
          %dma_start3A_265 = tpu.memref_squeeze %dma_start3A_264 : memref<1x128xi32, #tpu.memory_space<vmem>> -> memref<128xi32, #tpu.memory_space<vmem>>
          %dma_start3A_266 = arith.constant 0 : i32
          %dma_start3A_267 = arith.constant 0 : i32
          %dma_start3A_268 = tpu.memref_slice %arg11[%dma_start3A_266, %dma_start3A_267] : memref<100096x16xf32, #tpu.memory_space<vmem_shared>> -> memref<100096x16xf32, #tpu.memory_space<vmem_shared>>
          tpu.enqueue_indirect_dma source(%dma_start3A_262 : memref<128x16xf32, #tpu.memory_space<vmem>>) target(%dma_start3A_268 : memref<100096x16xf32, #tpu.memory_space<vmem_shared>>) offsets(%dma_start3A_265 : memref<128xi32, #tpu.memory_space<vmem>>) semaphore(%arg14 : memref<!tpu.dma_semaphore, #tpu.memory_space<semaphore_mem>>) {add = true}
          %dma_wait3A_269 = arith.constant 5 : i32
          %dma_wait3A_270 = arith.constant 0 : i32
          %dma_wait3A_271 = arith.constant 0 : i32
          %dma_wait3A_272 = tpu.memref_slice %arg10[%dma_wait3A_269, %dma_wait3A_270, %dma_wait3A_271] : memref<8x128x16xf32, #tpu.memory_space<vmem>> -> memref<1x128x16xf32, #tpu.memory_space<vmem>>
          %dma_wait3A_273 = tpu.memref_squeeze %dma_wait3A_272 : memref<1x128x16xf32, #tpu.memory_space<vmem>> -> memref<128x16xf32, #tpu.memory_space<vmem>>
          %dma_wait3A_274 = arith.constant 0 : i32
          %dma_wait3A_275 = tpu.memref_slice %arg8[%add3A_111, %dma_wait3A_274] : memref<56x128xi32, #tpu.memory_space<vmem>> -> memref<1x128xi32, #tpu.memory_space<vmem>>
          %dma_wait3A_276 = tpu.memref_squeeze %dma_wait3A_275 : memref<1x128xi32, #tpu.memory_space<vmem>> -> memref<128xi32, #tpu.memory_space<vmem>>
          %dma_wait3A_277 = arith.constant 0 : i32
          %dma_wait3A_278 = arith.constant 0 : i32
          %dma_wait3A_279 = tpu.memref_slice %arg5[%dma_wait3A_277, %dma_wait3A_278] : memref<100096x16xf32, #tpu.memory_space<hbm>> -> memref<100096x16xf32, #tpu.memory_space<hbm>>
          tpu.wait_indirect_dma semaphore(%arg13 : memref<!tpu.dma_semaphore, #tpu.memory_space<semaphore_mem>>) src(%dma_wait3A_279 : memref<100096x16xf32, #tpu.memory_space<hbm>>) dst(%dma_wait3A_273 : memref<128x16xf32, #tpu.memory_space<vmem>>)
          %add3A_280 = arith.constant 5 : i32
          %add3A_281 = arith.addi %mul3A_44, %add3A_280 : i32
          %dma_start3A_282 = arith.constant 5 : i32
          %dma_start3A_283 = arith.constant 0 : i32
          %dma_start3A_284 = arith.constant 0 : i32
          %dma_start3A_285 = tpu.memref_slice %arg10[%dma_start3A_282, %dma_start3A_283, %dma_start3A_284] : memref<8x128x16xf32, #tpu.memory_space<vmem>> -> memref<1x128x16xf32, #tpu.memory_space<vmem>>
          %dma_start3A_286 = tpu.memref_squeeze %dma_start3A_285 : memref<1x128x16xf32, #tpu.memory_space<vmem>> -> memref<128x16xf32, #tpu.memory_space<vmem>>
          %dma_start3A_287 = arith.constant 0 : i32
          %dma_start3A_288 = tpu.memref_slice %arg9[%add3A_281, %dma_start3A_287] : memref<56x128xi32, #tpu.memory_space<vmem>> -> memref<1x128xi32, #tpu.memory_space<vmem>>
          %dma_start3A_289 = tpu.memref_squeeze %dma_start3A_288 : memref<1x128xi32, #tpu.memory_space<vmem>> -> memref<128xi32, #tpu.memory_space<vmem>>
          %dma_start3A_290 = arith.constant 0 : i32
          %dma_start3A_291 = arith.constant 0 : i32
          %dma_start3A_292 = tpu.memref_slice %arg11[%dma_start3A_290, %dma_start3A_291] : memref<100096x16xf32, #tpu.memory_space<vmem_shared>> -> memref<100096x16xf32, #tpu.memory_space<vmem_shared>>
          tpu.enqueue_indirect_dma source(%dma_start3A_286 : memref<128x16xf32, #tpu.memory_space<vmem>>) target(%dma_start3A_292 : memref<100096x16xf32, #tpu.memory_space<vmem_shared>>) offsets(%dma_start3A_289 : memref<128xi32, #tpu.memory_space<vmem>>) semaphore(%arg14 : memref<!tpu.dma_semaphore, #tpu.memory_space<semaphore_mem>>) {add = true}
          %dma_wait3A_293 = arith.constant 6 : i32
          %dma_wait3A_294 = arith.constant 0 : i32
          %dma_wait3A_295 = arith.constant 0 : i32
          %dma_wait3A_296 = tpu.memref_slice %arg10[%dma_wait3A_293, %dma_wait3A_294, %dma_wait3A_295] : memref<8x128x16xf32, #tpu.memory_space<vmem>> -> memref<1x128x16xf32, #tpu.memory_space<vmem>>
          %dma_wait3A_297 = tpu.memref_squeeze %dma_wait3A_296 : memref<1x128x16xf32, #tpu.memory_space<vmem>> -> memref<128x16xf32, #tpu.memory_space<vmem>>
          %dma_wait3A_298 = arith.constant 0 : i32
          %dma_wait3A_299 = tpu.memref_slice %arg8[%add3A_124, %dma_wait3A_298] : memref<56x128xi32, #tpu.memory_space<vmem>> -> memref<1x128xi32, #tpu.memory_space<vmem>>
          %dma_wait3A_300 = tpu.memref_squeeze %dma_wait3A_299 : memref<1x128xi32, #tpu.memory_space<vmem>> -> memref<128xi32, #tpu.memory_space<vmem>>
          %dma_wait3A_301 = arith.constant 0 : i32
          %dma_wait3A_302 = arith.constant 0 : i32
          %dma_wait3A_303 = tpu.memref_slice %arg5[%dma_wait3A_301, %dma_wait3A_302] : memref<100096x16xf32, #tpu.memory_space<hbm>> -> memref<100096x16xf32, #tpu.memory_space<hbm>>
          tpu.wait_indirect_dma semaphore(%arg13 : memref<!tpu.dma_semaphore, #tpu.memory_space<semaphore_mem>>) src(%dma_wait3A_303 : memref<100096x16xf32, #tpu.memory_space<hbm>>) dst(%dma_wait3A_297 : memref<128x16xf32, #tpu.memory_space<vmem>>)
          %add3A_304 = arith.constant 6 : i32
          %add3A_305 = arith.addi %mul3A_44, %add3A_304 : i32
          %dma_start3A_306 = arith.constant 6 : i32
          %dma_start3A_307 = arith.constant 0 : i32
          %dma_start3A_308 = arith.constant 0 : i32
          %dma_start3A_309 = tpu.memref_slice %arg10[%dma_start3A_306, %dma_start3A_307, %dma_start3A_308] : memref<8x128x16xf32, #tpu.memory_space<vmem>> -> memref<1x128x16xf32, #tpu.memory_space<vmem>>
          %dma_start3A_310 = tpu.memref_squeeze %dma_start3A_309 : memref<1x128x16xf32, #tpu.memory_space<vmem>> -> memref<128x16xf32, #tpu.memory_space<vmem>>
          %dma_start3A_311 = arith.constant 0 : i32
          %dma_start3A_312 = tpu.memref_slice %arg9[%add3A_305, %dma_start3A_311] : memref<56x128xi32, #tpu.memory_space<vmem>> -> memref<1x128xi32, #tpu.memory_space<vmem>>
          %dma_start3A_313 = tpu.memref_squeeze %dma_start3A_312 : memref<1x128xi32, #tpu.memory_space<vmem>> -> memref<128xi32, #tpu.memory_space<vmem>>
          %dma_start3A_314 = arith.constant 0 : i32
          %dma_start3A_315 = arith.constant 0 : i32
          %dma_start3A_316 = tpu.memref_slice %arg11[%dma_start3A_314, %dma_start3A_315] : memref<100096x16xf32, #tpu.memory_space<vmem_shared>> -> memref<100096x16xf32, #tpu.memory_space<vmem_shared>>
          tpu.enqueue_indirect_dma source(%dma_start3A_310 : memref<128x16xf32, #tpu.memory_space<vmem>>) target(%dma_start3A_316 : memref<100096x16xf32, #tpu.memory_space<vmem_shared>>) offsets(%dma_start3A_313 : memref<128xi32, #tpu.memory_space<vmem>>) semaphore(%arg14 : memref<!tpu.dma_semaphore, #tpu.memory_space<semaphore_mem>>) {add = true}
          %dma_wait3A_317 = arith.constant 7 : i32
          %dma_wait3A_318 = arith.constant 0 : i32
          %dma_wait3A_319 = arith.constant 0 : i32
          %dma_wait3A_320 = tpu.memref_slice %arg10[%dma_wait3A_317, %dma_wait3A_318, %dma_wait3A_319] : memref<8x128x16xf32, #tpu.memory_space<vmem>> -> memref<1x128x16xf32, #tpu.memory_space<vmem>>
          %dma_wait3A_321 = tpu.memref_squeeze %dma_wait3A_320 : memref<1x128x16xf32, #tpu.memory_space<vmem>> -> memref<128x16xf32, #tpu.memory_space<vmem>>
          %dma_wait3A_322 = arith.constant 0 : i32
          %dma_wait3A_323 = tpu.memref_slice %arg8[%add3A_137, %dma_wait3A_322] : memref<56x128xi32, #tpu.memory_space<vmem>> -> memref<1x128xi32, #tpu.memory_space<vmem>>
          %dma_wait3A_324 = tpu.memref_squeeze %dma_wait3A_323 : memref<1x128xi32, #tpu.memory_space<vmem>> -> memref<128xi32, #tpu.memory_space<vmem>>
          %dma_wait3A_325 = arith.constant 0 : i32
          %dma_wait3A_326 = arith.constant 0 : i32
          %dma_wait3A_327 = tpu.memref_slice %arg5[%dma_wait3A_325, %dma_wait3A_326] : memref<100096x16xf32, #tpu.memory_space<hbm>> -> memref<100096x16xf32, #tpu.memory_space<hbm>>
          tpu.wait_indirect_dma semaphore(%arg13 : memref<!tpu.dma_semaphore, #tpu.memory_space<semaphore_mem>>) src(%dma_wait3A_327 : memref<100096x16xf32, #tpu.memory_space<hbm>>) dst(%dma_wait3A_321 : memref<128x16xf32, #tpu.memory_space<vmem>>)
          %add3A_328 = arith.constant 7 : i32
          %add3A_329 = arith.addi %mul3A_44, %add3A_328 : i32
          %dma_start3A_330 = arith.constant 7 : i32
          %dma_start3A_331 = arith.constant 0 : i32
          %dma_start3A_332 = arith.constant 0 : i32
          %dma_start3A_333 = tpu.memref_slice %arg10[%dma_start3A_330, %dma_start3A_331, %dma_start3A_332] : memref<8x128x16xf32, #tpu.memory_space<vmem>> -> memref<1x128x16xf32, #tpu.memory_space<vmem>>
          %dma_start3A_334 = tpu.memref_squeeze %dma_start3A_333 : memref<1x128x16xf32, #tpu.memory_space<vmem>> -> memref<128x16xf32, #tpu.memory_space<vmem>>
          %dma_start3A_335 = arith.constant 0 : i32
          %dma_start3A_336 = tpu.memref_slice %arg9[%add3A_329, %dma_start3A_335] : memref<56x128xi32, #tpu.memory_space<vmem>> -> memref<1x128xi32, #tpu.memory_space<vmem>>
          %dma_start3A_337 = tpu.memref_squeeze %dma_start3A_336 : memref<1x128xi32, #tpu.memory_space<vmem>> -> memref<128xi32, #tpu.memory_space<vmem>>
          %dma_start3A_338 = arith.constant 0 : i32
          %dma_start3A_339 = arith.constant 0 : i32
          %dma_start3A_340 = tpu.memref_slice %arg11[%dma_start3A_338, %dma_start3A_339] : memref<100096x16xf32, #tpu.memory_space<vmem_shared>> -> memref<100096x16xf32, #tpu.memory_space<vmem_shared>>
          tpu.enqueue_indirect_dma source(%dma_start3A_334 : memref<128x16xf32, #tpu.memory_space<vmem>>) target(%dma_start3A_340 : memref<100096x16xf32, #tpu.memory_space<vmem_shared>>) offsets(%dma_start3A_337 : memref<128xi32, #tpu.memory_space<vmem>>) semaphore(%arg14 : memref<!tpu.dma_semaphore, #tpu.memory_space<semaphore_mem>>) {add = true}
          %dma_wait3A_341 = arith.constant 0 : i32
          %dma_wait3A_342 = arith.constant 0 : i32
          %dma_wait3A_343 = arith.constant 0 : i32
          %dma_wait3A_344 = tpu.memref_slice %arg10[%dma_wait3A_341, %dma_wait3A_342, %dma_wait3A_343] : memref<8x128x16xf32, #tpu.memory_space<vmem>> -> memref<1x128x16xf32, #tpu.memory_space<vmem>>
          %dma_wait3A_345 = tpu.memref_squeeze %dma_wait3A_344 : memref<1x128x16xf32, #tpu.memory_space<vmem>> -> memref<128x16xf32, #tpu.memory_space<vmem>>
          %dma_wait3A_346 = arith.constant 0 : i32
          %dma_wait3A_347 = tpu.memref_slice %arg9[%add3A_161, %dma_wait3A_346] : memref<56x128xi32, #tpu.memory_space<vmem>> -> memref<1x128xi32, #tpu.memory_space<vmem>>
          %dma_wait3A_348 = tpu.memref_squeeze %dma_wait3A_347 : memref<1x128xi32, #tpu.memory_space<vmem>> -> memref<128xi32, #tpu.memory_space<vmem>>
          %dma_wait3A_349 = arith.constant 0 : i32
          %dma_wait3A_350 = arith.constant 0 : i32
          %dma_wait3A_351 = tpu.memref_slice %arg11[%dma_wait3A_349, %dma_wait3A_350] : memref<100096x16xf32, #tpu.memory_space<vmem_shared>> -> memref<100096x16xf32, #tpu.memory_space<vmem_shared>>
          tpu.wait_indirect_dma semaphore(%arg14 : memref<!tpu.dma_semaphore, #tpu.memory_space<semaphore_mem>>) src(%dma_wait3A_345 : memref<128x16xf32, #tpu.memory_space<vmem>>) dst(%dma_wait3A_351 : memref<100096x16xf32, #tpu.memory_space<vmem_shared>>)
          %dma_wait3A_352 = arith.constant 1 : i32
          %dma_wait3A_353 = arith.constant 0 : i32
          %dma_wait3A_354 = arith.constant 0 : i32
          %dma_wait3A_355 = tpu.memref_slice %arg10[%dma_wait3A_352, %dma_wait3A_353, %dma_wait3A_354] : memref<8x128x16xf32, #tpu.memory_space<vmem>> -> memref<1x128x16xf32, #tpu.memory_space<vmem>>
          %dma_wait3A_356 = tpu.memref_squeeze %dma_wait3A_355 : memref<1x128x16xf32, #tpu.memory_space<vmem>> -> memref<128x16xf32, #tpu.memory_space<vmem>>
          %dma_wait3A_357 = arith.constant 0 : i32
          %dma_wait3A_358 = tpu.memref_slice %arg9[%add3A_185, %dma_wait3A_357] : memref<56x128xi32, #tpu.memory_space<vmem>> -> memref<1x128xi32, #tpu.memory_space<vmem>>
          %dma_wait3A_359 = tpu.memref_squeeze %dma_wait3A_358 : memref<1x128xi32, #tpu.memory_space<vmem>> -> memref<128xi32, #tpu.memory_space<vmem>>
          %dma_wait3A_360 = arith.constant 0 : i32
          %dma_wait3A_361 = arith.constant 0 : i32
          %dma_wait3A_362 = tpu.memref_slice %arg11[%dma_wait3A_360, %dma_wait3A_361] : memref<100096x16xf32, #tpu.memory_space<vmem_shared>> -> memref<100096x16xf32, #tpu.memory_space<vmem_shared>>
          tpu.wait_indirect_dma semaphore(%arg14 : memref<!tpu.dma_semaphore, #tpu.memory_space<semaphore_mem>>) src(%dma_wait3A_356 : memref<128x16xf32, #tpu.memory_space<vmem>>) dst(%dma_wait3A_362 : memref<100096x16xf32, #tpu.memory_space<vmem_shared>>)
          %dma_wait3A_363 = arith.constant 2 : i32
          %dma_wait3A_364 = arith.constant 0 : i32
          %dma_wait3A_365 = arith.constant 0 : i32
          %dma_wait3A_366 = tpu.memref_slice %arg10[%dma_wait3A_363, %dma_wait3A_364, %dma_wait3A_365] : memref<8x128x16xf32, #tpu.memory_space<vmem>> -> memref<1x128x16xf32, #tpu.memory_space<vmem>>
          %dma_wait3A_367 = tpu.memref_squeeze %dma_wait3A_366 : memref<1x128x16xf32, #tpu.memory_space<vmem>> -> memref<128x16xf32, #tpu.memory_space<vmem>>
          %dma_wait3A_368 = arith.constant 0 : i32
          %dma_wait3A_369 = tpu.memref_slice %arg9[%add3A_209, %dma_wait3A_368] : memref<56x128xi32, #tpu.memory_space<vmem>> -> memref<1x128xi32, #tpu.memory_space<vmem>>
          %dma_wait3A_370 = tpu.memref_squeeze %dma_wait3A_369 : memref<1x128xi32, #tpu.memory_space<vmem>> -> memref<128xi32, #tpu.memory_space<vmem>>
          %dma_wait3A_371 = arith.constant 0 : i32
          %dma_wait3A_372 = arith.constant 0 : i32
          %dma_wait3A_373 = tpu.memref_slice %arg11[%dma_wait3A_371, %dma_wait3A_372] : memref<100096x16xf32, #tpu.memory_space<vmem_shared>> -> memref<100096x16xf32, #tpu.memory_space<vmem_shared>>
          tpu.wait_indirect_dma semaphore(%arg14 : memref<!tpu.dma_semaphore, #tpu.memory_space<semaphore_mem>>) src(%dma_wait3A_367 : memref<128x16xf32, #tpu.memory_space<vmem>>) dst(%dma_wait3A_373 : memref<100096x16xf32, #tpu.memory_space<vmem_shared>>)
          %dma_wait3A_374 = arith.constant 3 : i32
          %dma_wait3A_375 = arith.constant 0 : i32
          %dma_wait3A_376 = arith.constant 0 : i32
          %dma_wait3A_377 = tpu.memref_slice %arg10[%dma_wait3A_374, %dma_wait3A_375, %dma_wait3A_376] : memref<8x128x16xf32, #tpu.memory_space<vmem>> -> memref<1x128x16xf32, #tpu.memory_space<vmem>>
          %dma_wait3A_378 = tpu.memref_squeeze %dma_wait3A_377 : memref<1x128x16xf32, #tpu.memory_space<vmem>> -> memref<128x16xf32, #tpu.memory_space<vmem>>
          %dma_wait3A_379 = arith.constant 0 : i32
          %dma_wait3A_380 = tpu.memref_slice %arg9[%add3A_233, %dma_wait3A_379] : memref<56x128xi32, #tpu.memory_space<vmem>> -> memref<1x128xi32, #tpu.memory_space<vmem>>
          %dma_wait3A_381 = tpu.memref_squeeze %dma_wait3A_380 : memref<1x128xi32, #tpu.memory_space<vmem>> -> memref<128xi32, #tpu.memory_space<vmem>>
          %dma_wait3A_382 = arith.constant 0 : i32
          %dma_wait3A_383 = arith.constant 0 : i32
          %dma_wait3A_384 = tpu.memref_slice %arg11[%dma_wait3A_382, %dma_wait3A_383] : memref<100096x16xf32, #tpu.memory_space<vmem_shared>> -> memref<100096x16xf32, #tpu.memory_space<vmem_shared>>
          tpu.wait_indirect_dma semaphore(%arg14 : memref<!tpu.dma_semaphore, #tpu.memory_space<semaphore_mem>>) src(%dma_wait3A_378 : memref<128x16xf32, #tpu.memory_space<vmem>>) dst(%dma_wait3A_384 : memref<100096x16xf32, #tpu.memory_space<vmem_shared>>)
          %dma_wait3A_385 = arith.constant 4 : i32
          %dma_wait3A_386 = arith.constant 0 : i32
          %dma_wait3A_387 = arith.constant 0 : i32
          %dma_wait3A_388 = tpu.memref_slice %arg10[%dma_wait3A_385, %dma_wait3A_386, %dma_wait3A_387] : memref<8x128x16xf32, #tpu.memory_space<vmem>> -> memref<1x128x16xf32, #tpu.memory_space<vmem>>
          %dma_wait3A_389 = tpu.memref_squeeze %dma_wait3A_388 : memref<1x128x16xf32, #tpu.memory_space<vmem>> -> memref<128x16xf32, #tpu.memory_space<vmem>>
          %dma_wait3A_390 = arith.constant 0 : i32
          %dma_wait3A_391 = tpu.memref_slice %arg9[%add3A_257, %dma_wait3A_390] : memref<56x128xi32, #tpu.memory_space<vmem>> -> memref<1x128xi32, #tpu.memory_space<vmem>>
          %dma_wait3A_392 = tpu.memref_squeeze %dma_wait3A_391 : memref<1x128xi32, #tpu.memory_space<vmem>> -> memref<128xi32, #tpu.memory_space<vmem>>
          %dma_wait3A_393 = arith.constant 0 : i32
          %dma_wait3A_394 = arith.constant 0 : i32
          %dma_wait3A_395 = tpu.memref_slice %arg11[%dma_wait3A_393, %dma_wait3A_394] : memref<100096x16xf32, #tpu.memory_space<vmem_shared>> -> memref<100096x16xf32, #tpu.memory_space<vmem_shared>>
          tpu.wait_indirect_dma semaphore(%arg14 : memref<!tpu.dma_semaphore, #tpu.memory_space<semaphore_mem>>) src(%dma_wait3A_389 : memref<128x16xf32, #tpu.memory_space<vmem>>) dst(%dma_wait3A_395 : memref<100096x16xf32, #tpu.memory_space<vmem_shared>>)
          %dma_wait3A_396 = arith.constant 5 : i32
          %dma_wait3A_397 = arith.constant 0 : i32
          %dma_wait3A_398 = arith.constant 0 : i32
          %dma_wait3A_399 = tpu.memref_slice %arg10[%dma_wait3A_396, %dma_wait3A_397, %dma_wait3A_398] : memref<8x128x16xf32, #tpu.memory_space<vmem>> -> memref<1x128x16xf32, #tpu.memory_space<vmem>>
          %dma_wait3A_400 = tpu.memref_squeeze %dma_wait3A_399 : memref<1x128x16xf32, #tpu.memory_space<vmem>> -> memref<128x16xf32, #tpu.memory_space<vmem>>
          %dma_wait3A_401 = arith.constant 0 : i32
          %dma_wait3A_402 = tpu.memref_slice %arg9[%add3A_281, %dma_wait3A_401] : memref<56x128xi32, #tpu.memory_space<vmem>> -> memref<1x128xi32, #tpu.memory_space<vmem>>
          %dma_wait3A_403 = tpu.memref_squeeze %dma_wait3A_402 : memref<1x128xi32, #tpu.memory_space<vmem>> -> memref<128xi32, #tpu.memory_space<vmem>>
          %dma_wait3A_404 = arith.constant 0 : i32
          %dma_wait3A_405 = arith.constant 0 : i32
          %dma_wait3A_406 = tpu.memref_slice %arg11[%dma_wait3A_404, %dma_wait3A_405] : memref<100096x16xf32, #tpu.memory_space<vmem_shared>> -> memref<100096x16xf32, #tpu.memory_space<vmem_shared>>
          tpu.wait_indirect_dma semaphore(%arg14 : memref<!tpu.dma_semaphore, #tpu.memory_space<semaphore_mem>>) src(%dma_wait3A_400 : memref<128x16xf32, #tpu.memory_space<vmem>>) dst(%dma_wait3A_406 : memref<100096x16xf32, #tpu.memory_space<vmem_shared>>)
          %dma_wait3A_407 = arith.constant 6 : i32
          %dma_wait3A_408 = arith.constant 0 : i32
          %dma_wait3A_409 = arith.constant 0 : i32
          %dma_wait3A_410 = tpu.memref_slice %arg10[%dma_wait3A_407, %dma_wait3A_408, %dma_wait3A_409] : memref<8x128x16xf32, #tpu.memory_space<vmem>> -> memref<1x128x16xf32, #tpu.memory_space<vmem>>
          %dma_wait3A_411 = tpu.memref_squeeze %dma_wait3A_410 : memref<1x128x16xf32, #tpu.memory_space<vmem>> -> memref<128x16xf32, #tpu.memory_space<vmem>>
          %dma_wait3A_412 = arith.constant 0 : i32
          %dma_wait3A_413 = tpu.memref_slice %arg9[%add3A_305, %dma_wait3A_412] : memref<56x128xi32, #tpu.memory_space<vmem>> -> memref<1x128xi32, #tpu.memory_space<vmem>>
          %dma_wait3A_414 = tpu.memref_squeeze %dma_wait3A_413 : memref<1x128xi32, #tpu.memory_space<vmem>> -> memref<128xi32, #tpu.memory_space<vmem>>
          %dma_wait3A_415 = arith.constant 0 : i32
          %dma_wait3A_416 = arith.constant 0 : i32
          %dma_wait3A_417 = tpu.memref_slice %arg11[%dma_wait3A_415, %dma_wait3A_416] : memref<100096x16xf32, #tpu.memory_space<vmem_shared>> -> memref<100096x16xf32, #tpu.memory_space<vmem_shared>>
          tpu.wait_indirect_dma semaphore(%arg14 : memref<!tpu.dma_semaphore, #tpu.memory_space<semaphore_mem>>) src(%dma_wait3A_411 : memref<128x16xf32, #tpu.memory_space<vmem>>) dst(%dma_wait3A_417 : memref<100096x16xf32, #tpu.memory_space<vmem_shared>>)
          %dma_wait3A_418 = arith.constant 7 : i32
          %dma_wait3A_419 = arith.constant 0 : i32
          %dma_wait3A_420 = arith.constant 0 : i32
          %dma_wait3A_421 = tpu.memref_slice %arg10[%dma_wait3A_418, %dma_wait3A_419, %dma_wait3A_420] : memref<8x128x16xf32, #tpu.memory_space<vmem>> -> memref<1x128x16xf32, #tpu.memory_space<vmem>>
          %dma_wait3A_422 = tpu.memref_squeeze %dma_wait3A_421 : memref<1x128x16xf32, #tpu.memory_space<vmem>> -> memref<128x16xf32, #tpu.memory_space<vmem>>
          %dma_wait3A_423 = arith.constant 0 : i32
          %dma_wait3A_424 = tpu.memref_slice %arg9[%add3A_329, %dma_wait3A_423] : memref<56x128xi32, #tpu.memory_space<vmem>> -> memref<1x128xi32, #tpu.memory_space<vmem>>
          %dma_wait3A_425 = tpu.memref_squeeze %dma_wait3A_424 : memref<1x128xi32, #tpu.memory_space<vmem>> -> memref<128xi32, #tpu.memory_space<vmem>>
          %dma_wait3A_426 = arith.constant 0 : i32
          %dma_wait3A_427 = arith.constant 0 : i32
          %dma_wait3A_428 = tpu.memref_slice %arg11[%dma_wait3A_426, %dma_wait3A_427] : memref<100096x16xf32, #tpu.memory_space<vmem_shared>> -> memref<100096x16xf32, #tpu.memory_space<vmem_shared>>
          tpu.wait_indirect_dma semaphore(%arg14 : memref<!tpu.dma_semaphore, #tpu.memory_space<semaphore_mem>>) src(%dma_wait3A_422 : memref<128x16xf32, #tpu.memory_space<vmem>>) dst(%dma_wait3A_428 : memref<100096x16xf32, #tpu.memory_space<vmem_shared>>)
        }
        %scan3A_41 = arith.constant 7 : i32
      } else {
      }
    }
    %scan3A_5 = arith.constant 14 : i32
    %barrier3A_6 = arith.constant 0 : index
    tpu.barrier barrier_id(%barrier3A_6)
    %mul3A_7 = arith.constant 100096 : i32
    %mul3A_8 = arith.muli %arg0, %mul3A_7 : i32
    %add3A = arith.addi %mul3A_8, %mul3A_0 : i32
    "tpu.region"() ({
      %run_scoped3A = tpu.sem_alloc : memref<!tpu.dma_semaphore, #tpu.memory_space<semaphore_mem>>
      %dma_start3A = arith.constant 0 : i32
      %dma_start3A_9 = tpu.memref_slice %arg7[%add3A, %dma_start3A] : memref<200192x16xf32, #tpu.memory_space<hbm>> -> memref<6256x16xf32, #tpu.memory_space<hbm>>
      %dma_start3A_10 = arith.constant 0 : i32
      %dma_start3A_11 = tpu.memref_slice %arg11[%mul3A_0, %dma_start3A_10] : memref<100096x16xf32, #tpu.memory_space<vmem_shared>> -> memref<6256x16xf32, #tpu.memory_space<vmem_shared>>
      tpu.enqueue_dma source(%dma_start3A_11 : memref<6256x16xf32, #tpu.memory_space<vmem_shared>>) target(%dma_start3A_9 : memref<6256x16xf32, #tpu.memory_space<hbm>>) target_semaphore(%run_scoped3A : memref<!tpu.dma_semaphore, #tpu.memory_space<semaphore_mem>>)
      %dma_wait3A = arith.constant 0 : i32
      %dma_wait3A_12 = tpu.memref_slice %arg7[%add3A, %dma_wait3A] : memref<200192x16xf32, #tpu.memory_space<hbm>> -> memref<6256x16xf32, #tpu.memory_space<hbm>>
      %dma_wait3A_13 = arith.constant 0 : i32
      %dma_wait3A_14 = tpu.memref_slice %arg11[%mul3A_0, %dma_wait3A_13] : memref<100096x16xf32, #tpu.memory_space<vmem_shared>> -> memref<6256x16xf32, #tpu.memory_space<vmem_shared>>
      tpu.wait_dma2 semaphore(%run_scoped3A : memref<!tpu.dma_semaphore, #tpu.memory_space<semaphore_mem>>) src(%dma_wait3A_14 : memref<6256x16xf32, #tpu.memory_space<vmem_shared>>) dst(%dma_wait3A_12 : memref<6256x16xf32, #tpu.memory_space<hbm>>)
      tpu.yield
    }) : () -> ()
    return
  }
}

#map = affine_map<(d0, d1) -> (0, 0)>
module attributes {stable_mosaic.version = 14 : i64} {
  func.func @_sc_agg(%arg0: i32, %arg1: i32, %arg2: memref<12544x128xi32, #tpu.memory_space<hbm>>, %arg3: memref<12544x128xi32, #tpu.memory_space<hbm>>, %arg4: memref<100096x16xf32, #tpu.memory_space<hbm>>, %arg5: memref<100096x16xf32, #tpu.memory_space<hbm>>, %arg6: memref<200192x16xf32, #tpu.memory_space<hbm>>, %arg7: memref<56x128xi32, #tpu.memory_space<vmem>>, %arg8: memref<56x128xi32, #tpu.memory_space<vmem>>, %arg9: memref<8x128x16xf32, #tpu.memory_space<vmem>>, %arg10: memref<100096x16xf32, #tpu.memory_space<vmem_shared>>, %arg11: memref<!tpu.dma_semaphore, #tpu.memory_space<semaphore_mem>>, %arg12: memref<!tpu.dma_semaphore, #tpu.memory_space<semaphore_mem>>, %arg13: memref<!tpu.dma_semaphore, #tpu.memory_space<semaphore_mem>>) attributes {dimension_semantics = [#tpu.dimension_semantics<core_parallel>, #tpu.dimension_semantics<subcore_parallel>], iteration_bounds = array<i64: 2, 16>, scalar_prefetch = 0 : i64, scratch_operands = 7 : i64, tpu.core_type = #tpu.core_type<sc_vector_subcore>, window_params = [{transform_indices = #map}, {transform_indices = #map}, {transform_indices = #map}, {transform_indices = #map}, {transform_indices = #map}]} {
    %mul3A = arith.constant 2 : i32
    %mul3A_0 = arith.muli %arg1, %mul3A : i32
    %add3A = arith.addi %mul3A_0, %arg0 : i32
    %mul3A_1 = arith.constant 6256 : i32
    %mul3A_2 = arith.muli %arg1, %mul3A_1 : i32
    "tpu.region"() ({
      %run_scoped3A = tpu.sem_alloc : memref<!tpu.dma_semaphore, #tpu.memory_space<semaphore_mem>>
      %dma_start3A = arith.constant 0 : i32
      %dma_start3A_12 = tpu.memref_slice %arg10[%mul3A_2, %dma_start3A] : memref<100096x16xf32, #tpu.memory_space<vmem_shared>> -> memref<6256x16xf32, #tpu.memory_space<vmem_shared>>
      %dma_start3A_13 = arith.constant 0 : i32
      %dma_start3A_14 = tpu.memref_slice %arg5[%mul3A_2, %dma_start3A_13] : memref<100096x16xf32, #tpu.memory_space<hbm>> -> memref<6256x16xf32, #tpu.memory_space<hbm>>
      tpu.enqueue_dma source(%dma_start3A_14 : memref<6256x16xf32, #tpu.memory_space<hbm>>) target(%dma_start3A_12 : memref<6256x16xf32, #tpu.memory_space<vmem_shared>>) target_semaphore(%run_scoped3A : memref<!tpu.dma_semaphore, #tpu.memory_space<semaphore_mem>>)
      %dma_wait3A = arith.constant 0 : i32
      %dma_wait3A_15 = tpu.memref_slice %arg10[%mul3A_2, %dma_wait3A] : memref<100096x16xf32, #tpu.memory_space<vmem_shared>> -> memref<6256x16xf32, #tpu.memory_space<vmem_shared>>
      %dma_wait3A_16 = arith.constant 0 : i32
      %dma_wait3A_17 = tpu.memref_slice %arg5[%mul3A_2, %dma_wait3A_16] : memref<100096x16xf32, #tpu.memory_space<hbm>> -> memref<6256x16xf32, #tpu.memory_space<hbm>>
      tpu.wait_dma2 semaphore(%run_scoped3A : memref<!tpu.dma_semaphore, #tpu.memory_space<semaphore_mem>>) src(%dma_wait3A_17 : memref<6256x16xf32, #tpu.memory_space<hbm>>) dst(%dma_wait3A_15 : memref<6256x16xf32, #tpu.memory_space<vmem_shared>>)
      tpu.yield
    }) : () -> ()
    %barrier3A = arith.constant 0 : index
    tpu.barrier barrier_id(%barrier3A)
    %scan3A = arith.constant 0 : i32
    %scan3A_3 = arith.constant 0 : i32
    %scan3A_4 = arith.constant 7 : i32
    %scan3A_5 = arith.addi %scan3A_3, %scan3A_4 : i32
    %scan3A_6 = arith.constant 1 : i32
    scf.for %scan3A_12 = %scan3A_3 to %scan3A_5 step %scan3A_6  : i32 {
      %mul3A_13 = arith.constant 392 : i32
      %mul3A_14 = arith.muli %add3A, %mul3A_13 : i32
      %mul3A_15 = arith.constant 56 : i32
      %mul3A_16 = arith.muli %scan3A_12, %mul3A_15 : i32
      %add3A_17 = arith.addi %mul3A_14, %mul3A_16 : i32
      %dma_start3A = arith.constant 0 : i32
      %dma_start3A_18 = tpu.memref_slice %arg2[%add3A_17, %dma_start3A] : memref<12544x128xi32, #tpu.memory_space<hbm>> -> memref<56x128xi32, #tpu.memory_space<hbm>>
      %dma_start3A_19 = arith.constant 0 : i32
      %dma_start3A_20 = tpu.memref_slice %arg2[%add3A_17, %dma_start3A_19] : memref<12544x128xi32, #tpu.memory_space<hbm>> -> memref<56x128xi32, #tpu.memory_space<hbm>>
      tpu.enqueue_dma source(%dma_start3A_20 : memref<56x128xi32, #tpu.memory_space<hbm>>) target(%arg7 : memref<56x128xi32, #tpu.memory_space<vmem>>) target_semaphore(%arg11 : memref<!tpu.dma_semaphore, #tpu.memory_space<semaphore_mem>>)
      %dma_start3A_21 = arith.constant 0 : i32
      %dma_start3A_22 = tpu.memref_slice %arg3[%add3A_17, %dma_start3A_21] : memref<12544x128xi32, #tpu.memory_space<hbm>> -> memref<56x128xi32, #tpu.memory_space<hbm>>
      %dma_start3A_23 = arith.constant 0 : i32
      %dma_start3A_24 = tpu.memref_slice %arg3[%add3A_17, %dma_start3A_23] : memref<12544x128xi32, #tpu.memory_space<hbm>> -> memref<56x128xi32, #tpu.memory_space<hbm>>
      tpu.enqueue_dma source(%dma_start3A_24 : memref<56x128xi32, #tpu.memory_space<hbm>>) target(%arg8 : memref<56x128xi32, #tpu.memory_space<vmem>>) target_semaphore(%arg11 : memref<!tpu.dma_semaphore, #tpu.memory_space<semaphore_mem>>)
      %dma_wait3A = arith.constant 0 : i32
      %dma_wait3A_25 = tpu.memref_slice %arg2[%add3A_17, %dma_wait3A] : memref<12544x128xi32, #tpu.memory_space<hbm>> -> memref<56x128xi32, #tpu.memory_space<hbm>>
      %dma_wait3A_26 = arith.constant 0 : i32
      %dma_wait3A_27 = tpu.memref_slice %arg2[%add3A_17, %dma_wait3A_26] : memref<12544x128xi32, #tpu.memory_space<hbm>> -> memref<56x128xi32, #tpu.memory_space<hbm>>
      tpu.wait_dma2 semaphore(%arg11 : memref<!tpu.dma_semaphore, #tpu.memory_space<semaphore_mem>>) src(%dma_wait3A_27 : memref<56x128xi32, #tpu.memory_space<hbm>>) dst(%arg7 : memref<56x128xi32, #tpu.memory_space<vmem>>)
      %dma_wait3A_28 = arith.constant 0 : i32
      %dma_wait3A_29 = tpu.memref_slice %arg3[%add3A_17, %dma_wait3A_28] : memref<12544x128xi32, #tpu.memory_space<hbm>> -> memref<56x128xi32, #tpu.memory_space<hbm>>
      %dma_wait3A_30 = arith.constant 0 : i32
      %dma_wait3A_31 = tpu.memref_slice %arg3[%add3A_17, %dma_wait3A_30] : memref<12544x128xi32, #tpu.memory_space<hbm>> -> memref<56x128xi32, #tpu.memory_space<hbm>>
      tpu.wait_dma2 semaphore(%arg11 : memref<!tpu.dma_semaphore, #tpu.memory_space<semaphore_mem>>) src(%dma_wait3A_31 : memref<56x128xi32, #tpu.memory_space<hbm>>) dst(%arg8 : memref<56x128xi32, #tpu.memory_space<vmem>>)
      %scan3A_32 = arith.constant 0 : i32
      %scan3A_33 = arith.constant 0 : i32
      %scan3A_34 = arith.constant 7 : i32
      %scan3A_35 = arith.addi %scan3A_33, %scan3A_34 : i32
      %scan3A_36 = arith.constant 1 : i32
      scf.for %scan3A_38 = %scan3A_33 to %scan3A_35 step %scan3A_36  : i32 {
        %mul3A_39 = arith.constant 8 : i32
        %mul3A_40 = arith.muli %scan3A_38, %mul3A_39 : i32
        %add3A_41 = arith.constant 0 : i32
        %add3A_42 = arith.addi %mul3A_40, %add3A_41 : i32
        %dma_start3A_43 = arith.constant 0 : i32
        %dma_start3A_44 = arith.constant 0 : i32
        %dma_start3A_45 = arith.constant 0 : i32
        %dma_start3A_46 = tpu.memref_slice %arg9[%dma_start3A_43, %dma_start3A_44, %dma_start3A_45] : memref<8x128x16xf32, #tpu.memory_space<vmem>> -> memref<1x128x16xf32, #tpu.memory_space<vmem>>
        %dma_start3A_47 = tpu.memref_squeeze %dma_start3A_46 : memref<1x128x16xf32, #tpu.memory_space<vmem>> -> memref<128x16xf32, #tpu.memory_space<vmem>>
        %dma_start3A_48 = arith.constant 0 : i32
        %dma_start3A_49 = tpu.memref_slice %arg7[%add3A_42, %dma_start3A_48] : memref<56x128xi32, #tpu.memory_space<vmem>> -> memref<1x128xi32, #tpu.memory_space<vmem>>
        %dma_start3A_50 = tpu.memref_squeeze %dma_start3A_49 : memref<1x128xi32, #tpu.memory_space<vmem>> -> memref<128xi32, #tpu.memory_space<vmem>>
        %dma_start3A_51 = arith.constant 0 : i32
        %dma_start3A_52 = arith.constant 0 : i32
        %dma_start3A_53 = tpu.memref_slice %arg4[%dma_start3A_51, %dma_start3A_52] : memref<100096x16xf32, #tpu.memory_space<hbm>> -> memref<100096x16xf32, #tpu.memory_space<hbm>>
        tpu.enqueue_indirect_dma source(%dma_start3A_53 : memref<100096x16xf32, #tpu.memory_space<hbm>>) target(%dma_start3A_47 : memref<128x16xf32, #tpu.memory_space<vmem>>) offsets(%dma_start3A_50 : memref<128xi32, #tpu.memory_space<vmem>>) semaphore(%arg12 : memref<!tpu.dma_semaphore, #tpu.memory_space<semaphore_mem>>)
        %add3A_54 = arith.constant 1 : i32
        %add3A_55 = arith.addi %mul3A_40, %add3A_54 : i32
        %dma_start3A_56 = arith.constant 1 : i32
        %dma_start3A_57 = arith.constant 0 : i32
        %dma_start3A_58 = arith.constant 0 : i32
        %dma_start3A_59 = tpu.memref_slice %arg9[%dma_start3A_56, %dma_start3A_57, %dma_start3A_58] : memref<8x128x16xf32, #tpu.memory_space<vmem>> -> memref<1x128x16xf32, #tpu.memory_space<vmem>>
        %dma_start3A_60 = tpu.memref_squeeze %dma_start3A_59 : memref<1x128x16xf32, #tpu.memory_space<vmem>> -> memref<128x16xf32, #tpu.memory_space<vmem>>
        %dma_start3A_61 = arith.constant 0 : i32
        %dma_start3A_62 = tpu.memref_slice %arg7[%add3A_55, %dma_start3A_61] : memref<56x128xi32, #tpu.memory_space<vmem>> -> memref<1x128xi32, #tpu.memory_space<vmem>>
        %dma_start3A_63 = tpu.memref_squeeze %dma_start3A_62 : memref<1x128xi32, #tpu.memory_space<vmem>> -> memref<128xi32, #tpu.memory_space<vmem>>
        %dma_start3A_64 = arith.constant 0 : i32
        %dma_start3A_65 = arith.constant 0 : i32
        %dma_start3A_66 = tpu.memref_slice %arg4[%dma_start3A_64, %dma_start3A_65] : memref<100096x16xf32, #tpu.memory_space<hbm>> -> memref<100096x16xf32, #tpu.memory_space<hbm>>
        tpu.enqueue_indirect_dma source(%dma_start3A_66 : memref<100096x16xf32, #tpu.memory_space<hbm>>) target(%dma_start3A_60 : memref<128x16xf32, #tpu.memory_space<vmem>>) offsets(%dma_start3A_63 : memref<128xi32, #tpu.memory_space<vmem>>) semaphore(%arg12 : memref<!tpu.dma_semaphore, #tpu.memory_space<semaphore_mem>>)
        %add3A_67 = arith.constant 2 : i32
        %add3A_68 = arith.addi %mul3A_40, %add3A_67 : i32
        %dma_start3A_69 = arith.constant 2 : i32
        %dma_start3A_70 = arith.constant 0 : i32
        %dma_start3A_71 = arith.constant 0 : i32
        %dma_start3A_72 = tpu.memref_slice %arg9[%dma_start3A_69, %dma_start3A_70, %dma_start3A_71] : memref<8x128x16xf32, #tpu.memory_space<vmem>> -> memref<1x128x16xf32, #tpu.memory_space<vmem>>
        %dma_start3A_73 = tpu.memref_squeeze %dma_start3A_72 : memref<1x128x16xf32, #tpu.memory_space<vmem>> -> memref<128x16xf32, #tpu.memory_space<vmem>>
        %dma_start3A_74 = arith.constant 0 : i32
        %dma_start3A_75 = tpu.memref_slice %arg7[%add3A_68, %dma_start3A_74] : memref<56x128xi32, #tpu.memory_space<vmem>> -> memref<1x128xi32, #tpu.memory_space<vmem>>
        %dma_start3A_76 = tpu.memref_squeeze %dma_start3A_75 : memref<1x128xi32, #tpu.memory_space<vmem>> -> memref<128xi32, #tpu.memory_space<vmem>>
        %dma_start3A_77 = arith.constant 0 : i32
        %dma_start3A_78 = arith.constant 0 : i32
        %dma_start3A_79 = tpu.memref_slice %arg4[%dma_start3A_77, %dma_start3A_78] : memref<100096x16xf32, #tpu.memory_space<hbm>> -> memref<100096x16xf32, #tpu.memory_space<hbm>>
        tpu.enqueue_indirect_dma source(%dma_start3A_79 : memref<100096x16xf32, #tpu.memory_space<hbm>>) target(%dma_start3A_73 : memref<128x16xf32, #tpu.memory_space<vmem>>) offsets(%dma_start3A_76 : memref<128xi32, #tpu.memory_space<vmem>>) semaphore(%arg12 : memref<!tpu.dma_semaphore, #tpu.memory_space<semaphore_mem>>)
        %add3A_80 = arith.constant 3 : i32
        %add3A_81 = arith.addi %mul3A_40, %add3A_80 : i32
        %dma_start3A_82 = arith.constant 3 : i32
        %dma_start3A_83 = arith.constant 0 : i32
        %dma_start3A_84 = arith.constant 0 : i32
        %dma_start3A_85 = tpu.memref_slice %arg9[%dma_start3A_82, %dma_start3A_83, %dma_start3A_84] : memref<8x128x16xf32, #tpu.memory_space<vmem>> -> memref<1x128x16xf32, #tpu.memory_space<vmem>>
        %dma_start3A_86 = tpu.memref_squeeze %dma_start3A_85 : memref<1x128x16xf32, #tpu.memory_space<vmem>> -> memref<128x16xf32, #tpu.memory_space<vmem>>
        %dma_start3A_87 = arith.constant 0 : i32
        %dma_start3A_88 = tpu.memref_slice %arg7[%add3A_81, %dma_start3A_87] : memref<56x128xi32, #tpu.memory_space<vmem>> -> memref<1x128xi32, #tpu.memory_space<vmem>>
        %dma_start3A_89 = tpu.memref_squeeze %dma_start3A_88 : memref<1x128xi32, #tpu.memory_space<vmem>> -> memref<128xi32, #tpu.memory_space<vmem>>
        %dma_start3A_90 = arith.constant 0 : i32
        %dma_start3A_91 = arith.constant 0 : i32
        %dma_start3A_92 = tpu.memref_slice %arg4[%dma_start3A_90, %dma_start3A_91] : memref<100096x16xf32, #tpu.memory_space<hbm>> -> memref<100096x16xf32, #tpu.memory_space<hbm>>
        tpu.enqueue_indirect_dma source(%dma_start3A_92 : memref<100096x16xf32, #tpu.memory_space<hbm>>) target(%dma_start3A_86 : memref<128x16xf32, #tpu.memory_space<vmem>>) offsets(%dma_start3A_89 : memref<128xi32, #tpu.memory_space<vmem>>) semaphore(%arg12 : memref<!tpu.dma_semaphore, #tpu.memory_space<semaphore_mem>>)
        %add3A_93 = arith.constant 4 : i32
        %add3A_94 = arith.addi %mul3A_40, %add3A_93 : i32
        %dma_start3A_95 = arith.constant 4 : i32
        %dma_start3A_96 = arith.constant 0 : i32
        %dma_start3A_97 = arith.constant 0 : i32
        %dma_start3A_98 = tpu.memref_slice %arg9[%dma_start3A_95, %dma_start3A_96, %dma_start3A_97] : memref<8x128x16xf32, #tpu.memory_space<vmem>> -> memref<1x128x16xf32, #tpu.memory_space<vmem>>
        %dma_start3A_99 = tpu.memref_squeeze %dma_start3A_98 : memref<1x128x16xf32, #tpu.memory_space<vmem>> -> memref<128x16xf32, #tpu.memory_space<vmem>>
        %dma_start3A_100 = arith.constant 0 : i32
        %dma_start3A_101 = tpu.memref_slice %arg7[%add3A_94, %dma_start3A_100] : memref<56x128xi32, #tpu.memory_space<vmem>> -> memref<1x128xi32, #tpu.memory_space<vmem>>
        %dma_start3A_102 = tpu.memref_squeeze %dma_start3A_101 : memref<1x128xi32, #tpu.memory_space<vmem>> -> memref<128xi32, #tpu.memory_space<vmem>>
        %dma_start3A_103 = arith.constant 0 : i32
        %dma_start3A_104 = arith.constant 0 : i32
        %dma_start3A_105 = tpu.memref_slice %arg4[%dma_start3A_103, %dma_start3A_104] : memref<100096x16xf32, #tpu.memory_space<hbm>> -> memref<100096x16xf32, #tpu.memory_space<hbm>>
        tpu.enqueue_indirect_dma source(%dma_start3A_105 : memref<100096x16xf32, #tpu.memory_space<hbm>>) target(%dma_start3A_99 : memref<128x16xf32, #tpu.memory_space<vmem>>) offsets(%dma_start3A_102 : memref<128xi32, #tpu.memory_space<vmem>>) semaphore(%arg12 : memref<!tpu.dma_semaphore, #tpu.memory_space<semaphore_mem>>)
        %add3A_106 = arith.constant 5 : i32
        %add3A_107 = arith.addi %mul3A_40, %add3A_106 : i32
        %dma_start3A_108 = arith.constant 5 : i32
        %dma_start3A_109 = arith.constant 0 : i32
        %dma_start3A_110 = arith.constant 0 : i32
        %dma_start3A_111 = tpu.memref_slice %arg9[%dma_start3A_108, %dma_start3A_109, %dma_start3A_110] : memref<8x128x16xf32, #tpu.memory_space<vmem>> -> memref<1x128x16xf32, #tpu.memory_space<vmem>>
        %dma_start3A_112 = tpu.memref_squeeze %dma_start3A_111 : memref<1x128x16xf32, #tpu.memory_space<vmem>> -> memref<128x16xf32, #tpu.memory_space<vmem>>
        %dma_start3A_113 = arith.constant 0 : i32
        %dma_start3A_114 = tpu.memref_slice %arg7[%add3A_107, %dma_start3A_113] : memref<56x128xi32, #tpu.memory_space<vmem>> -> memref<1x128xi32, #tpu.memory_space<vmem>>
        %dma_start3A_115 = tpu.memref_squeeze %dma_start3A_114 : memref<1x128xi32, #tpu.memory_space<vmem>> -> memref<128xi32, #tpu.memory_space<vmem>>
        %dma_start3A_116 = arith.constant 0 : i32
        %dma_start3A_117 = arith.constant 0 : i32
        %dma_start3A_118 = tpu.memref_slice %arg4[%dma_start3A_116, %dma_start3A_117] : memref<100096x16xf32, #tpu.memory_space<hbm>> -> memref<100096x16xf32, #tpu.memory_space<hbm>>
        tpu.enqueue_indirect_dma source(%dma_start3A_118 : memref<100096x16xf32, #tpu.memory_space<hbm>>) target(%dma_start3A_112 : memref<128x16xf32, #tpu.memory_space<vmem>>) offsets(%dma_start3A_115 : memref<128xi32, #tpu.memory_space<vmem>>) semaphore(%arg12 : memref<!tpu.dma_semaphore, #tpu.memory_space<semaphore_mem>>)
        %add3A_119 = arith.constant 6 : i32
        %add3A_120 = arith.addi %mul3A_40, %add3A_119 : i32
        %dma_start3A_121 = arith.constant 6 : i32
        %dma_start3A_122 = arith.constant 0 : i32
        %dma_start3A_123 = arith.constant 0 : i32
        %dma_start3A_124 = tpu.memref_slice %arg9[%dma_start3A_121, %dma_start3A_122, %dma_start3A_123] : memref<8x128x16xf32, #tpu.memory_space<vmem>> -> memref<1x128x16xf32, #tpu.memory_space<vmem>>
        %dma_start3A_125 = tpu.memref_squeeze %dma_start3A_124 : memref<1x128x16xf32, #tpu.memory_space<vmem>> -> memref<128x16xf32, #tpu.memory_space<vmem>>
        %dma_start3A_126 = arith.constant 0 : i32
        %dma_start3A_127 = tpu.memref_slice %arg7[%add3A_120, %dma_start3A_126] : memref<56x128xi32, #tpu.memory_space<vmem>> -> memref<1x128xi32, #tpu.memory_space<vmem>>
        %dma_start3A_128 = tpu.memref_squeeze %dma_start3A_127 : memref<1x128xi32, #tpu.memory_space<vmem>> -> memref<128xi32, #tpu.memory_space<vmem>>
        %dma_start3A_129 = arith.constant 0 : i32
        %dma_start3A_130 = arith.constant 0 : i32
        %dma_start3A_131 = tpu.memref_slice %arg4[%dma_start3A_129, %dma_start3A_130] : memref<100096x16xf32, #tpu.memory_space<hbm>> -> memref<100096x16xf32, #tpu.memory_space<hbm>>
        tpu.enqueue_indirect_dma source(%dma_start3A_131 : memref<100096x16xf32, #tpu.memory_space<hbm>>) target(%dma_start3A_125 : memref<128x16xf32, #tpu.memory_space<vmem>>) offsets(%dma_start3A_128 : memref<128xi32, #tpu.memory_space<vmem>>) semaphore(%arg12 : memref<!tpu.dma_semaphore, #tpu.memory_space<semaphore_mem>>)
        %add3A_132 = arith.constant 7 : i32
        %add3A_133 = arith.addi %mul3A_40, %add3A_132 : i32
        %dma_start3A_134 = arith.constant 7 : i32
        %dma_start3A_135 = arith.constant 0 : i32
        %dma_start3A_136 = arith.constant 0 : i32
        %dma_start3A_137 = tpu.memref_slice %arg9[%dma_start3A_134, %dma_start3A_135, %dma_start3A_136] : memref<8x128x16xf32, #tpu.memory_space<vmem>> -> memref<1x128x16xf32, #tpu.memory_space<vmem>>
        %dma_start3A_138 = tpu.memref_squeeze %dma_start3A_137 : memref<1x128x16xf32, #tpu.memory_space<vmem>> -> memref<128x16xf32, #tpu.memory_space<vmem>>
        %dma_start3A_139 = arith.constant 0 : i32
        %dma_start3A_140 = tpu.memref_slice %arg7[%add3A_133, %dma_start3A_139] : memref<56x128xi32, #tpu.memory_space<vmem>> -> memref<1x128xi32, #tpu.memory_space<vmem>>
        %dma_start3A_141 = tpu.memref_squeeze %dma_start3A_140 : memref<1x128xi32, #tpu.memory_space<vmem>> -> memref<128xi32, #tpu.memory_space<vmem>>
        %dma_start3A_142 = arith.constant 0 : i32
        %dma_start3A_143 = arith.constant 0 : i32
        %dma_start3A_144 = tpu.memref_slice %arg4[%dma_start3A_142, %dma_start3A_143] : memref<100096x16xf32, #tpu.memory_space<hbm>> -> memref<100096x16xf32, #tpu.memory_space<hbm>>
        tpu.enqueue_indirect_dma source(%dma_start3A_144 : memref<100096x16xf32, #tpu.memory_space<hbm>>) target(%dma_start3A_138 : memref<128x16xf32, #tpu.memory_space<vmem>>) offsets(%dma_start3A_141 : memref<128xi32, #tpu.memory_space<vmem>>) semaphore(%arg12 : memref<!tpu.dma_semaphore, #tpu.memory_space<semaphore_mem>>)
        %dma_wait3A_145 = arith.constant 0 : i32
        %dma_wait3A_146 = arith.constant 0 : i32
        %dma_wait3A_147 = arith.constant 0 : i32
        %dma_wait3A_148 = tpu.memref_slice %arg9[%dma_wait3A_145, %dma_wait3A_146, %dma_wait3A_147] : memref<8x128x16xf32, #tpu.memory_space<vmem>> -> memref<1x128x16xf32, #tpu.memory_space<vmem>>
        %dma_wait3A_149 = tpu.memref_squeeze %dma_wait3A_148 : memref<1x128x16xf32, #tpu.memory_space<vmem>> -> memref<128x16xf32, #tpu.memory_space<vmem>>
        %dma_wait3A_150 = arith.constant 0 : i32
        %dma_wait3A_151 = tpu.memref_slice %arg7[%add3A_42, %dma_wait3A_150] : memref<56x128xi32, #tpu.memory_space<vmem>> -> memref<1x128xi32, #tpu.memory_space<vmem>>
        %dma_wait3A_152 = tpu.memref_squeeze %dma_wait3A_151 : memref<1x128xi32, #tpu.memory_space<vmem>> -> memref<128xi32, #tpu.memory_space<vmem>>
        %dma_wait3A_153 = arith.constant 0 : i32
        %dma_wait3A_154 = arith.constant 0 : i32
        %dma_wait3A_155 = tpu.memref_slice %arg4[%dma_wait3A_153, %dma_wait3A_154] : memref<100096x16xf32, #tpu.memory_space<hbm>> -> memref<100096x16xf32, #tpu.memory_space<hbm>>
        tpu.wait_indirect_dma semaphore(%arg12 : memref<!tpu.dma_semaphore, #tpu.memory_space<semaphore_mem>>) src(%dma_wait3A_155 : memref<100096x16xf32, #tpu.memory_space<hbm>>) dst(%dma_wait3A_149 : memref<128x16xf32, #tpu.memory_space<vmem>>)
        %add3A_156 = arith.constant 0 : i32
        %add3A_157 = arith.addi %mul3A_40, %add3A_156 : i32
        %dma_start3A_158 = arith.constant 0 : i32
        %dma_start3A_159 = arith.constant 0 : i32
        %dma_start3A_160 = arith.constant 0 : i32
        %dma_start3A_161 = tpu.memref_slice %arg9[%dma_start3A_158, %dma_start3A_159, %dma_start3A_160] : memref<8x128x16xf32, #tpu.memory_space<vmem>> -> memref<1x128x16xf32, #tpu.memory_space<vmem>>
        %dma_start3A_162 = tpu.memref_squeeze %dma_start3A_161 : memref<1x128x16xf32, #tpu.memory_space<vmem>> -> memref<128x16xf32, #tpu.memory_space<vmem>>
        %dma_start3A_163 = arith.constant 0 : i32
        %dma_start3A_164 = tpu.memref_slice %arg8[%add3A_157, %dma_start3A_163] : memref<56x128xi32, #tpu.memory_space<vmem>> -> memref<1x128xi32, #tpu.memory_space<vmem>>
        %dma_start3A_165 = tpu.memref_squeeze %dma_start3A_164 : memref<1x128xi32, #tpu.memory_space<vmem>> -> memref<128xi32, #tpu.memory_space<vmem>>
        %dma_start3A_166 = arith.constant 0 : i32
        %dma_start3A_167 = arith.constant 0 : i32
        %dma_start3A_168 = tpu.memref_slice %arg10[%dma_start3A_166, %dma_start3A_167] : memref<100096x16xf32, #tpu.memory_space<vmem_shared>> -> memref<100096x16xf32, #tpu.memory_space<vmem_shared>>
        tpu.enqueue_indirect_dma source(%dma_start3A_162 : memref<128x16xf32, #tpu.memory_space<vmem>>) target(%dma_start3A_168 : memref<100096x16xf32, #tpu.memory_space<vmem_shared>>) offsets(%dma_start3A_165 : memref<128xi32, #tpu.memory_space<vmem>>) semaphore(%arg13 : memref<!tpu.dma_semaphore, #tpu.memory_space<semaphore_mem>>) {add = true}
        %dma_wait3A_169 = arith.constant 1 : i32
        %dma_wait3A_170 = arith.constant 0 : i32
        %dma_wait3A_171 = arith.constant 0 : i32
        %dma_wait3A_172 = tpu.memref_slice %arg9[%dma_wait3A_169, %dma_wait3A_170, %dma_wait3A_171] : memref<8x128x16xf32, #tpu.memory_space<vmem>> -> memref<1x128x16xf32, #tpu.memory_space<vmem>>
        %dma_wait3A_173 = tpu.memref_squeeze %dma_wait3A_172 : memref<1x128x16xf32, #tpu.memory_space<vmem>> -> memref<128x16xf32, #tpu.memory_space<vmem>>
        %dma_wait3A_174 = arith.constant 0 : i32
        %dma_wait3A_175 = tpu.memref_slice %arg7[%add3A_55, %dma_wait3A_174] : memref<56x128xi32, #tpu.memory_space<vmem>> -> memref<1x128xi32, #tpu.memory_space<vmem>>
        %dma_wait3A_176 = tpu.memref_squeeze %dma_wait3A_175 : memref<1x128xi32, #tpu.memory_space<vmem>> -> memref<128xi32, #tpu.memory_space<vmem>>
        %dma_wait3A_177 = arith.constant 0 : i32
        %dma_wait3A_178 = arith.constant 0 : i32
        %dma_wait3A_179 = tpu.memref_slice %arg4[%dma_wait3A_177, %dma_wait3A_178] : memref<100096x16xf32, #tpu.memory_space<hbm>> -> memref<100096x16xf32, #tpu.memory_space<hbm>>
        tpu.wait_indirect_dma semaphore(%arg12 : memref<!tpu.dma_semaphore, #tpu.memory_space<semaphore_mem>>) src(%dma_wait3A_179 : memref<100096x16xf32, #tpu.memory_space<hbm>>) dst(%dma_wait3A_173 : memref<128x16xf32, #tpu.memory_space<vmem>>)
        %add3A_180 = arith.constant 1 : i32
        %add3A_181 = arith.addi %mul3A_40, %add3A_180 : i32
        %dma_start3A_182 = arith.constant 1 : i32
        %dma_start3A_183 = arith.constant 0 : i32
        %dma_start3A_184 = arith.constant 0 : i32
        %dma_start3A_185 = tpu.memref_slice %arg9[%dma_start3A_182, %dma_start3A_183, %dma_start3A_184] : memref<8x128x16xf32, #tpu.memory_space<vmem>> -> memref<1x128x16xf32, #tpu.memory_space<vmem>>
        %dma_start3A_186 = tpu.memref_squeeze %dma_start3A_185 : memref<1x128x16xf32, #tpu.memory_space<vmem>> -> memref<128x16xf32, #tpu.memory_space<vmem>>
        %dma_start3A_187 = arith.constant 0 : i32
        %dma_start3A_188 = tpu.memref_slice %arg8[%add3A_181, %dma_start3A_187] : memref<56x128xi32, #tpu.memory_space<vmem>> -> memref<1x128xi32, #tpu.memory_space<vmem>>
        %dma_start3A_189 = tpu.memref_squeeze %dma_start3A_188 : memref<1x128xi32, #tpu.memory_space<vmem>> -> memref<128xi32, #tpu.memory_space<vmem>>
        %dma_start3A_190 = arith.constant 0 : i32
        %dma_start3A_191 = arith.constant 0 : i32
        %dma_start3A_192 = tpu.memref_slice %arg10[%dma_start3A_190, %dma_start3A_191] : memref<100096x16xf32, #tpu.memory_space<vmem_shared>> -> memref<100096x16xf32, #tpu.memory_space<vmem_shared>>
        tpu.enqueue_indirect_dma source(%dma_start3A_186 : memref<128x16xf32, #tpu.memory_space<vmem>>) target(%dma_start3A_192 : memref<100096x16xf32, #tpu.memory_space<vmem_shared>>) offsets(%dma_start3A_189 : memref<128xi32, #tpu.memory_space<vmem>>) semaphore(%arg13 : memref<!tpu.dma_semaphore, #tpu.memory_space<semaphore_mem>>) {add = true}
        %dma_wait3A_193 = arith.constant 2 : i32
        %dma_wait3A_194 = arith.constant 0 : i32
        %dma_wait3A_195 = arith.constant 0 : i32
        %dma_wait3A_196 = tpu.memref_slice %arg9[%dma_wait3A_193, %dma_wait3A_194, %dma_wait3A_195] : memref<8x128x16xf32, #tpu.memory_space<vmem>> -> memref<1x128x16xf32, #tpu.memory_space<vmem>>
        %dma_wait3A_197 = tpu.memref_squeeze %dma_wait3A_196 : memref<1x128x16xf32, #tpu.memory_space<vmem>> -> memref<128x16xf32, #tpu.memory_space<vmem>>
        %dma_wait3A_198 = arith.constant 0 : i32
        %dma_wait3A_199 = tpu.memref_slice %arg7[%add3A_68, %dma_wait3A_198] : memref<56x128xi32, #tpu.memory_space<vmem>> -> memref<1x128xi32, #tpu.memory_space<vmem>>
        %dma_wait3A_200 = tpu.memref_squeeze %dma_wait3A_199 : memref<1x128xi32, #tpu.memory_space<vmem>> -> memref<128xi32, #tpu.memory_space<vmem>>
        %dma_wait3A_201 = arith.constant 0 : i32
        %dma_wait3A_202 = arith.constant 0 : i32
        %dma_wait3A_203 = tpu.memref_slice %arg4[%dma_wait3A_201, %dma_wait3A_202] : memref<100096x16xf32, #tpu.memory_space<hbm>> -> memref<100096x16xf32, #tpu.memory_space<hbm>>
        tpu.wait_indirect_dma semaphore(%arg12 : memref<!tpu.dma_semaphore, #tpu.memory_space<semaphore_mem>>) src(%dma_wait3A_203 : memref<100096x16xf32, #tpu.memory_space<hbm>>) dst(%dma_wait3A_197 : memref<128x16xf32, #tpu.memory_space<vmem>>)
        %add3A_204 = arith.constant 2 : i32
        %add3A_205 = arith.addi %mul3A_40, %add3A_204 : i32
        %dma_start3A_206 = arith.constant 2 : i32
        %dma_start3A_207 = arith.constant 0 : i32
        %dma_start3A_208 = arith.constant 0 : i32
        %dma_start3A_209 = tpu.memref_slice %arg9[%dma_start3A_206, %dma_start3A_207, %dma_start3A_208] : memref<8x128x16xf32, #tpu.memory_space<vmem>> -> memref<1x128x16xf32, #tpu.memory_space<vmem>>
        %dma_start3A_210 = tpu.memref_squeeze %dma_start3A_209 : memref<1x128x16xf32, #tpu.memory_space<vmem>> -> memref<128x16xf32, #tpu.memory_space<vmem>>
        %dma_start3A_211 = arith.constant 0 : i32
        %dma_start3A_212 = tpu.memref_slice %arg8[%add3A_205, %dma_start3A_211] : memref<56x128xi32, #tpu.memory_space<vmem>> -> memref<1x128xi32, #tpu.memory_space<vmem>>
        %dma_start3A_213 = tpu.memref_squeeze %dma_start3A_212 : memref<1x128xi32, #tpu.memory_space<vmem>> -> memref<128xi32, #tpu.memory_space<vmem>>
        %dma_start3A_214 = arith.constant 0 : i32
        %dma_start3A_215 = arith.constant 0 : i32
        %dma_start3A_216 = tpu.memref_slice %arg10[%dma_start3A_214, %dma_start3A_215] : memref<100096x16xf32, #tpu.memory_space<vmem_shared>> -> memref<100096x16xf32, #tpu.memory_space<vmem_shared>>
        tpu.enqueue_indirect_dma source(%dma_start3A_210 : memref<128x16xf32, #tpu.memory_space<vmem>>) target(%dma_start3A_216 : memref<100096x16xf32, #tpu.memory_space<vmem_shared>>) offsets(%dma_start3A_213 : memref<128xi32, #tpu.memory_space<vmem>>) semaphore(%arg13 : memref<!tpu.dma_semaphore, #tpu.memory_space<semaphore_mem>>) {add = true}
        %dma_wait3A_217 = arith.constant 3 : i32
        %dma_wait3A_218 = arith.constant 0 : i32
        %dma_wait3A_219 = arith.constant 0 : i32
        %dma_wait3A_220 = tpu.memref_slice %arg9[%dma_wait3A_217, %dma_wait3A_218, %dma_wait3A_219] : memref<8x128x16xf32, #tpu.memory_space<vmem>> -> memref<1x128x16xf32, #tpu.memory_space<vmem>>
        %dma_wait3A_221 = tpu.memref_squeeze %dma_wait3A_220 : memref<1x128x16xf32, #tpu.memory_space<vmem>> -> memref<128x16xf32, #tpu.memory_space<vmem>>
        %dma_wait3A_222 = arith.constant 0 : i32
        %dma_wait3A_223 = tpu.memref_slice %arg7[%add3A_81, %dma_wait3A_222] : memref<56x128xi32, #tpu.memory_space<vmem>> -> memref<1x128xi32, #tpu.memory_space<vmem>>
        %dma_wait3A_224 = tpu.memref_squeeze %dma_wait3A_223 : memref<1x128xi32, #tpu.memory_space<vmem>> -> memref<128xi32, #tpu.memory_space<vmem>>
        %dma_wait3A_225 = arith.constant 0 : i32
        %dma_wait3A_226 = arith.constant 0 : i32
        %dma_wait3A_227 = tpu.memref_slice %arg4[%dma_wait3A_225, %dma_wait3A_226] : memref<100096x16xf32, #tpu.memory_space<hbm>> -> memref<100096x16xf32, #tpu.memory_space<hbm>>
        tpu.wait_indirect_dma semaphore(%arg12 : memref<!tpu.dma_semaphore, #tpu.memory_space<semaphore_mem>>) src(%dma_wait3A_227 : memref<100096x16xf32, #tpu.memory_space<hbm>>) dst(%dma_wait3A_221 : memref<128x16xf32, #tpu.memory_space<vmem>>)
        %add3A_228 = arith.constant 3 : i32
        %add3A_229 = arith.addi %mul3A_40, %add3A_228 : i32
        %dma_start3A_230 = arith.constant 3 : i32
        %dma_start3A_231 = arith.constant 0 : i32
        %dma_start3A_232 = arith.constant 0 : i32
        %dma_start3A_233 = tpu.memref_slice %arg9[%dma_start3A_230, %dma_start3A_231, %dma_start3A_232] : memref<8x128x16xf32, #tpu.memory_space<vmem>> -> memref<1x128x16xf32, #tpu.memory_space<vmem>>
        %dma_start3A_234 = tpu.memref_squeeze %dma_start3A_233 : memref<1x128x16xf32, #tpu.memory_space<vmem>> -> memref<128x16xf32, #tpu.memory_space<vmem>>
        %dma_start3A_235 = arith.constant 0 : i32
        %dma_start3A_236 = tpu.memref_slice %arg8[%add3A_229, %dma_start3A_235] : memref<56x128xi32, #tpu.memory_space<vmem>> -> memref<1x128xi32, #tpu.memory_space<vmem>>
        %dma_start3A_237 = tpu.memref_squeeze %dma_start3A_236 : memref<1x128xi32, #tpu.memory_space<vmem>> -> memref<128xi32, #tpu.memory_space<vmem>>
        %dma_start3A_238 = arith.constant 0 : i32
        %dma_start3A_239 = arith.constant 0 : i32
        %dma_start3A_240 = tpu.memref_slice %arg10[%dma_start3A_238, %dma_start3A_239] : memref<100096x16xf32, #tpu.memory_space<vmem_shared>> -> memref<100096x16xf32, #tpu.memory_space<vmem_shared>>
        tpu.enqueue_indirect_dma source(%dma_start3A_234 : memref<128x16xf32, #tpu.memory_space<vmem>>) target(%dma_start3A_240 : memref<100096x16xf32, #tpu.memory_space<vmem_shared>>) offsets(%dma_start3A_237 : memref<128xi32, #tpu.memory_space<vmem>>) semaphore(%arg13 : memref<!tpu.dma_semaphore, #tpu.memory_space<semaphore_mem>>) {add = true}
        %dma_wait3A_241 = arith.constant 4 : i32
        %dma_wait3A_242 = arith.constant 0 : i32
        %dma_wait3A_243 = arith.constant 0 : i32
        %dma_wait3A_244 = tpu.memref_slice %arg9[%dma_wait3A_241, %dma_wait3A_242, %dma_wait3A_243] : memref<8x128x16xf32, #tpu.memory_space<vmem>> -> memref<1x128x16xf32, #tpu.memory_space<vmem>>
        %dma_wait3A_245 = tpu.memref_squeeze %dma_wait3A_244 : memref<1x128x16xf32, #tpu.memory_space<vmem>> -> memref<128x16xf32, #tpu.memory_space<vmem>>
        %dma_wait3A_246 = arith.constant 0 : i32
        %dma_wait3A_247 = tpu.memref_slice %arg7[%add3A_94, %dma_wait3A_246] : memref<56x128xi32, #tpu.memory_space<vmem>> -> memref<1x128xi32, #tpu.memory_space<vmem>>
        %dma_wait3A_248 = tpu.memref_squeeze %dma_wait3A_247 : memref<1x128xi32, #tpu.memory_space<vmem>> -> memref<128xi32, #tpu.memory_space<vmem>>
        %dma_wait3A_249 = arith.constant 0 : i32
        %dma_wait3A_250 = arith.constant 0 : i32
        %dma_wait3A_251 = tpu.memref_slice %arg4[%dma_wait3A_249, %dma_wait3A_250] : memref<100096x16xf32, #tpu.memory_space<hbm>> -> memref<100096x16xf32, #tpu.memory_space<hbm>>
        tpu.wait_indirect_dma semaphore(%arg12 : memref<!tpu.dma_semaphore, #tpu.memory_space<semaphore_mem>>) src(%dma_wait3A_251 : memref<100096x16xf32, #tpu.memory_space<hbm>>) dst(%dma_wait3A_245 : memref<128x16xf32, #tpu.memory_space<vmem>>)
        %add3A_252 = arith.constant 4 : i32
        %add3A_253 = arith.addi %mul3A_40, %add3A_252 : i32
        %dma_start3A_254 = arith.constant 4 : i32
        %dma_start3A_255 = arith.constant 0 : i32
        %dma_start3A_256 = arith.constant 0 : i32
        %dma_start3A_257 = tpu.memref_slice %arg9[%dma_start3A_254, %dma_start3A_255, %dma_start3A_256] : memref<8x128x16xf32, #tpu.memory_space<vmem>> -> memref<1x128x16xf32, #tpu.memory_space<vmem>>
        %dma_start3A_258 = tpu.memref_squeeze %dma_start3A_257 : memref<1x128x16xf32, #tpu.memory_space<vmem>> -> memref<128x16xf32, #tpu.memory_space<vmem>>
        %dma_start3A_259 = arith.constant 0 : i32
        %dma_start3A_260 = tpu.memref_slice %arg8[%add3A_253, %dma_start3A_259] : memref<56x128xi32, #tpu.memory_space<vmem>> -> memref<1x128xi32, #tpu.memory_space<vmem>>
        %dma_start3A_261 = tpu.memref_squeeze %dma_start3A_260 : memref<1x128xi32, #tpu.memory_space<vmem>> -> memref<128xi32, #tpu.memory_space<vmem>>
        %dma_start3A_262 = arith.constant 0 : i32
        %dma_start3A_263 = arith.constant 0 : i32
        %dma_start3A_264 = tpu.memref_slice %arg10[%dma_start3A_262, %dma_start3A_263] : memref<100096x16xf32, #tpu.memory_space<vmem_shared>> -> memref<100096x16xf32, #tpu.memory_space<vmem_shared>>
        tpu.enqueue_indirect_dma source(%dma_start3A_258 : memref<128x16xf32, #tpu.memory_space<vmem>>) target(%dma_start3A_264 : memref<100096x16xf32, #tpu.memory_space<vmem_shared>>) offsets(%dma_start3A_261 : memref<128xi32, #tpu.memory_space<vmem>>) semaphore(%arg13 : memref<!tpu.dma_semaphore, #tpu.memory_space<semaphore_mem>>) {add = true}
        %dma_wait3A_265 = arith.constant 5 : i32
        %dma_wait3A_266 = arith.constant 0 : i32
        %dma_wait3A_267 = arith.constant 0 : i32
        %dma_wait3A_268 = tpu.memref_slice %arg9[%dma_wait3A_265, %dma_wait3A_266, %dma_wait3A_267] : memref<8x128x16xf32, #tpu.memory_space<vmem>> -> memref<1x128x16xf32, #tpu.memory_space<vmem>>
        %dma_wait3A_269 = tpu.memref_squeeze %dma_wait3A_268 : memref<1x128x16xf32, #tpu.memory_space<vmem>> -> memref<128x16xf32, #tpu.memory_space<vmem>>
        %dma_wait3A_270 = arith.constant 0 : i32
        %dma_wait3A_271 = tpu.memref_slice %arg7[%add3A_107, %dma_wait3A_270] : memref<56x128xi32, #tpu.memory_space<vmem>> -> memref<1x128xi32, #tpu.memory_space<vmem>>
        %dma_wait3A_272 = tpu.memref_squeeze %dma_wait3A_271 : memref<1x128xi32, #tpu.memory_space<vmem>> -> memref<128xi32, #tpu.memory_space<vmem>>
        %dma_wait3A_273 = arith.constant 0 : i32
        %dma_wait3A_274 = arith.constant 0 : i32
        %dma_wait3A_275 = tpu.memref_slice %arg4[%dma_wait3A_273, %dma_wait3A_274] : memref<100096x16xf32, #tpu.memory_space<hbm>> -> memref<100096x16xf32, #tpu.memory_space<hbm>>
        tpu.wait_indirect_dma semaphore(%arg12 : memref<!tpu.dma_semaphore, #tpu.memory_space<semaphore_mem>>) src(%dma_wait3A_275 : memref<100096x16xf32, #tpu.memory_space<hbm>>) dst(%dma_wait3A_269 : memref<128x16xf32, #tpu.memory_space<vmem>>)
        %add3A_276 = arith.constant 5 : i32
        %add3A_277 = arith.addi %mul3A_40, %add3A_276 : i32
        %dma_start3A_278 = arith.constant 5 : i32
        %dma_start3A_279 = arith.constant 0 : i32
        %dma_start3A_280 = arith.constant 0 : i32
        %dma_start3A_281 = tpu.memref_slice %arg9[%dma_start3A_278, %dma_start3A_279, %dma_start3A_280] : memref<8x128x16xf32, #tpu.memory_space<vmem>> -> memref<1x128x16xf32, #tpu.memory_space<vmem>>
        %dma_start3A_282 = tpu.memref_squeeze %dma_start3A_281 : memref<1x128x16xf32, #tpu.memory_space<vmem>> -> memref<128x16xf32, #tpu.memory_space<vmem>>
        %dma_start3A_283 = arith.constant 0 : i32
        %dma_start3A_284 = tpu.memref_slice %arg8[%add3A_277, %dma_start3A_283] : memref<56x128xi32, #tpu.memory_space<vmem>> -> memref<1x128xi32, #tpu.memory_space<vmem>>
        %dma_start3A_285 = tpu.memref_squeeze %dma_start3A_284 : memref<1x128xi32, #tpu.memory_space<vmem>> -> memref<128xi32, #tpu.memory_space<vmem>>
        %dma_start3A_286 = arith.constant 0 : i32
        %dma_start3A_287 = arith.constant 0 : i32
        %dma_start3A_288 = tpu.memref_slice %arg10[%dma_start3A_286, %dma_start3A_287] : memref<100096x16xf32, #tpu.memory_space<vmem_shared>> -> memref<100096x16xf32, #tpu.memory_space<vmem_shared>>
        tpu.enqueue_indirect_dma source(%dma_start3A_282 : memref<128x16xf32, #tpu.memory_space<vmem>>) target(%dma_start3A_288 : memref<100096x16xf32, #tpu.memory_space<vmem_shared>>) offsets(%dma_start3A_285 : memref<128xi32, #tpu.memory_space<vmem>>) semaphore(%arg13 : memref<!tpu.dma_semaphore, #tpu.memory_space<semaphore_mem>>) {add = true}
        %dma_wait3A_289 = arith.constant 6 : i32
        %dma_wait3A_290 = arith.constant 0 : i32
        %dma_wait3A_291 = arith.constant 0 : i32
        %dma_wait3A_292 = tpu.memref_slice %arg9[%dma_wait3A_289, %dma_wait3A_290, %dma_wait3A_291] : memref<8x128x16xf32, #tpu.memory_space<vmem>> -> memref<1x128x16xf32, #tpu.memory_space<vmem>>
        %dma_wait3A_293 = tpu.memref_squeeze %dma_wait3A_292 : memref<1x128x16xf32, #tpu.memory_space<vmem>> -> memref<128x16xf32, #tpu.memory_space<vmem>>
        %dma_wait3A_294 = arith.constant 0 : i32
        %dma_wait3A_295 = tpu.memref_slice %arg7[%add3A_120, %dma_wait3A_294] : memref<56x128xi32, #tpu.memory_space<vmem>> -> memref<1x128xi32, #tpu.memory_space<vmem>>
        %dma_wait3A_296 = tpu.memref_squeeze %dma_wait3A_295 : memref<1x128xi32, #tpu.memory_space<vmem>> -> memref<128xi32, #tpu.memory_space<vmem>>
        %dma_wait3A_297 = arith.constant 0 : i32
        %dma_wait3A_298 = arith.constant 0 : i32
        %dma_wait3A_299 = tpu.memref_slice %arg4[%dma_wait3A_297, %dma_wait3A_298] : memref<100096x16xf32, #tpu.memory_space<hbm>> -> memref<100096x16xf32, #tpu.memory_space<hbm>>
        tpu.wait_indirect_dma semaphore(%arg12 : memref<!tpu.dma_semaphore, #tpu.memory_space<semaphore_mem>>) src(%dma_wait3A_299 : memref<100096x16xf32, #tpu.memory_space<hbm>>) dst(%dma_wait3A_293 : memref<128x16xf32, #tpu.memory_space<vmem>>)
        %add3A_300 = arith.constant 6 : i32
        %add3A_301 = arith.addi %mul3A_40, %add3A_300 : i32
        %dma_start3A_302 = arith.constant 6 : i32
        %dma_start3A_303 = arith.constant 0 : i32
        %dma_start3A_304 = arith.constant 0 : i32
        %dma_start3A_305 = tpu.memref_slice %arg9[%dma_start3A_302, %dma_start3A_303, %dma_start3A_304] : memref<8x128x16xf32, #tpu.memory_space<vmem>> -> memref<1x128x16xf32, #tpu.memory_space<vmem>>
        %dma_start3A_306 = tpu.memref_squeeze %dma_start3A_305 : memref<1x128x16xf32, #tpu.memory_space<vmem>> -> memref<128x16xf32, #tpu.memory_space<vmem>>
        %dma_start3A_307 = arith.constant 0 : i32
        %dma_start3A_308 = tpu.memref_slice %arg8[%add3A_301, %dma_start3A_307] : memref<56x128xi32, #tpu.memory_space<vmem>> -> memref<1x128xi32, #tpu.memory_space<vmem>>
        %dma_start3A_309 = tpu.memref_squeeze %dma_start3A_308 : memref<1x128xi32, #tpu.memory_space<vmem>> -> memref<128xi32, #tpu.memory_space<vmem>>
        %dma_start3A_310 = arith.constant 0 : i32
        %dma_start3A_311 = arith.constant 0 : i32
        %dma_start3A_312 = tpu.memref_slice %arg10[%dma_start3A_310, %dma_start3A_311] : memref<100096x16xf32, #tpu.memory_space<vmem_shared>> -> memref<100096x16xf32, #tpu.memory_space<vmem_shared>>
        tpu.enqueue_indirect_dma source(%dma_start3A_306 : memref<128x16xf32, #tpu.memory_space<vmem>>) target(%dma_start3A_312 : memref<100096x16xf32, #tpu.memory_space<vmem_shared>>) offsets(%dma_start3A_309 : memref<128xi32, #tpu.memory_space<vmem>>) semaphore(%arg13 : memref<!tpu.dma_semaphore, #tpu.memory_space<semaphore_mem>>) {add = true}
        %dma_wait3A_313 = arith.constant 7 : i32
        %dma_wait3A_314 = arith.constant 0 : i32
        %dma_wait3A_315 = arith.constant 0 : i32
        %dma_wait3A_316 = tpu.memref_slice %arg9[%dma_wait3A_313, %dma_wait3A_314, %dma_wait3A_315] : memref<8x128x16xf32, #tpu.memory_space<vmem>> -> memref<1x128x16xf32, #tpu.memory_space<vmem>>
        %dma_wait3A_317 = tpu.memref_squeeze %dma_wait3A_316 : memref<1x128x16xf32, #tpu.memory_space<vmem>> -> memref<128x16xf32, #tpu.memory_space<vmem>>
        %dma_wait3A_318 = arith.constant 0 : i32
        %dma_wait3A_319 = tpu.memref_slice %arg7[%add3A_133, %dma_wait3A_318] : memref<56x128xi32, #tpu.memory_space<vmem>> -> memref<1x128xi32, #tpu.memory_space<vmem>>
        %dma_wait3A_320 = tpu.memref_squeeze %dma_wait3A_319 : memref<1x128xi32, #tpu.memory_space<vmem>> -> memref<128xi32, #tpu.memory_space<vmem>>
        %dma_wait3A_321 = arith.constant 0 : i32
        %dma_wait3A_322 = arith.constant 0 : i32
        %dma_wait3A_323 = tpu.memref_slice %arg4[%dma_wait3A_321, %dma_wait3A_322] : memref<100096x16xf32, #tpu.memory_space<hbm>> -> memref<100096x16xf32, #tpu.memory_space<hbm>>
        tpu.wait_indirect_dma semaphore(%arg12 : memref<!tpu.dma_semaphore, #tpu.memory_space<semaphore_mem>>) src(%dma_wait3A_323 : memref<100096x16xf32, #tpu.memory_space<hbm>>) dst(%dma_wait3A_317 : memref<128x16xf32, #tpu.memory_space<vmem>>)
        %add3A_324 = arith.constant 7 : i32
        %add3A_325 = arith.addi %mul3A_40, %add3A_324 : i32
        %dma_start3A_326 = arith.constant 7 : i32
        %dma_start3A_327 = arith.constant 0 : i32
        %dma_start3A_328 = arith.constant 0 : i32
        %dma_start3A_329 = tpu.memref_slice %arg9[%dma_start3A_326, %dma_start3A_327, %dma_start3A_328] : memref<8x128x16xf32, #tpu.memory_space<vmem>> -> memref<1x128x16xf32, #tpu.memory_space<vmem>>
        %dma_start3A_330 = tpu.memref_squeeze %dma_start3A_329 : memref<1x128x16xf32, #tpu.memory_space<vmem>> -> memref<128x16xf32, #tpu.memory_space<vmem>>
        %dma_start3A_331 = arith.constant 0 : i32
        %dma_start3A_332 = tpu.memref_slice %arg8[%add3A_325, %dma_start3A_331] : memref<56x128xi32, #tpu.memory_space<vmem>> -> memref<1x128xi32, #tpu.memory_space<vmem>>
        %dma_start3A_333 = tpu.memref_squeeze %dma_start3A_332 : memref<1x128xi32, #tpu.memory_space<vmem>> -> memref<128xi32, #tpu.memory_space<vmem>>
        %dma_start3A_334 = arith.constant 0 : i32
        %dma_start3A_335 = arith.constant 0 : i32
        %dma_start3A_336 = tpu.memref_slice %arg10[%dma_start3A_334, %dma_start3A_335] : memref<100096x16xf32, #tpu.memory_space<vmem_shared>> -> memref<100096x16xf32, #tpu.memory_space<vmem_shared>>
        tpu.enqueue_indirect_dma source(%dma_start3A_330 : memref<128x16xf32, #tpu.memory_space<vmem>>) target(%dma_start3A_336 : memref<100096x16xf32, #tpu.memory_space<vmem_shared>>) offsets(%dma_start3A_333 : memref<128xi32, #tpu.memory_space<vmem>>) semaphore(%arg13 : memref<!tpu.dma_semaphore, #tpu.memory_space<semaphore_mem>>) {add = true}
        %dma_wait3A_337 = arith.constant 0 : i32
        %dma_wait3A_338 = arith.constant 0 : i32
        %dma_wait3A_339 = arith.constant 0 : i32
        %dma_wait3A_340 = tpu.memref_slice %arg9[%dma_wait3A_337, %dma_wait3A_338, %dma_wait3A_339] : memref<8x128x16xf32, #tpu.memory_space<vmem>> -> memref<1x128x16xf32, #tpu.memory_space<vmem>>
        %dma_wait3A_341 = tpu.memref_squeeze %dma_wait3A_340 : memref<1x128x16xf32, #tpu.memory_space<vmem>> -> memref<128x16xf32, #tpu.memory_space<vmem>>
        %dma_wait3A_342 = arith.constant 0 : i32
        %dma_wait3A_343 = tpu.memref_slice %arg8[%add3A_157, %dma_wait3A_342] : memref<56x128xi32, #tpu.memory_space<vmem>> -> memref<1x128xi32, #tpu.memory_space<vmem>>
        %dma_wait3A_344 = tpu.memref_squeeze %dma_wait3A_343 : memref<1x128xi32, #tpu.memory_space<vmem>> -> memref<128xi32, #tpu.memory_space<vmem>>
        %dma_wait3A_345 = arith.constant 0 : i32
        %dma_wait3A_346 = arith.constant 0 : i32
        %dma_wait3A_347 = tpu.memref_slice %arg10[%dma_wait3A_345, %dma_wait3A_346] : memref<100096x16xf32, #tpu.memory_space<vmem_shared>> -> memref<100096x16xf32, #tpu.memory_space<vmem_shared>>
        tpu.wait_indirect_dma semaphore(%arg13 : memref<!tpu.dma_semaphore, #tpu.memory_space<semaphore_mem>>) src(%dma_wait3A_341 : memref<128x16xf32, #tpu.memory_space<vmem>>) dst(%dma_wait3A_347 : memref<100096x16xf32, #tpu.memory_space<vmem_shared>>)
        %dma_wait3A_348 = arith.constant 1 : i32
        %dma_wait3A_349 = arith.constant 0 : i32
        %dma_wait3A_350 = arith.constant 0 : i32
        %dma_wait3A_351 = tpu.memref_slice %arg9[%dma_wait3A_348, %dma_wait3A_349, %dma_wait3A_350] : memref<8x128x16xf32, #tpu.memory_space<vmem>> -> memref<1x128x16xf32, #tpu.memory_space<vmem>>
        %dma_wait3A_352 = tpu.memref_squeeze %dma_wait3A_351 : memref<1x128x16xf32, #tpu.memory_space<vmem>> -> memref<128x16xf32, #tpu.memory_space<vmem>>
        %dma_wait3A_353 = arith.constant 0 : i32
        %dma_wait3A_354 = tpu.memref_slice %arg8[%add3A_181, %dma_wait3A_353] : memref<56x128xi32, #tpu.memory_space<vmem>> -> memref<1x128xi32, #tpu.memory_space<vmem>>
        %dma_wait3A_355 = tpu.memref_squeeze %dma_wait3A_354 : memref<1x128xi32, #tpu.memory_space<vmem>> -> memref<128xi32, #tpu.memory_space<vmem>>
        %dma_wait3A_356 = arith.constant 0 : i32
        %dma_wait3A_357 = arith.constant 0 : i32
        %dma_wait3A_358 = tpu.memref_slice %arg10[%dma_wait3A_356, %dma_wait3A_357] : memref<100096x16xf32, #tpu.memory_space<vmem_shared>> -> memref<100096x16xf32, #tpu.memory_space<vmem_shared>>
        tpu.wait_indirect_dma semaphore(%arg13 : memref<!tpu.dma_semaphore, #tpu.memory_space<semaphore_mem>>) src(%dma_wait3A_352 : memref<128x16xf32, #tpu.memory_space<vmem>>) dst(%dma_wait3A_358 : memref<100096x16xf32, #tpu.memory_space<vmem_shared>>)
        %dma_wait3A_359 = arith.constant 2 : i32
        %dma_wait3A_360 = arith.constant 0 : i32
        %dma_wait3A_361 = arith.constant 0 : i32
        %dma_wait3A_362 = tpu.memref_slice %arg9[%dma_wait3A_359, %dma_wait3A_360, %dma_wait3A_361] : memref<8x128x16xf32, #tpu.memory_space<vmem>> -> memref<1x128x16xf32, #tpu.memory_space<vmem>>
        %dma_wait3A_363 = tpu.memref_squeeze %dma_wait3A_362 : memref<1x128x16xf32, #tpu.memory_space<vmem>> -> memref<128x16xf32, #tpu.memory_space<vmem>>
        %dma_wait3A_364 = arith.constant 0 : i32
        %dma_wait3A_365 = tpu.memref_slice %arg8[%add3A_205, %dma_wait3A_364] : memref<56x128xi32, #tpu.memory_space<vmem>> -> memref<1x128xi32, #tpu.memory_space<vmem>>
        %dma_wait3A_366 = tpu.memref_squeeze %dma_wait3A_365 : memref<1x128xi32, #tpu.memory_space<vmem>> -> memref<128xi32, #tpu.memory_space<vmem>>
        %dma_wait3A_367 = arith.constant 0 : i32
        %dma_wait3A_368 = arith.constant 0 : i32
        %dma_wait3A_369 = tpu.memref_slice %arg10[%dma_wait3A_367, %dma_wait3A_368] : memref<100096x16xf32, #tpu.memory_space<vmem_shared>> -> memref<100096x16xf32, #tpu.memory_space<vmem_shared>>
        tpu.wait_indirect_dma semaphore(%arg13 : memref<!tpu.dma_semaphore, #tpu.memory_space<semaphore_mem>>) src(%dma_wait3A_363 : memref<128x16xf32, #tpu.memory_space<vmem>>) dst(%dma_wait3A_369 : memref<100096x16xf32, #tpu.memory_space<vmem_shared>>)
        %dma_wait3A_370 = arith.constant 3 : i32
        %dma_wait3A_371 = arith.constant 0 : i32
        %dma_wait3A_372 = arith.constant 0 : i32
        %dma_wait3A_373 = tpu.memref_slice %arg9[%dma_wait3A_370, %dma_wait3A_371, %dma_wait3A_372] : memref<8x128x16xf32, #tpu.memory_space<vmem>> -> memref<1x128x16xf32, #tpu.memory_space<vmem>>
        %dma_wait3A_374 = tpu.memref_squeeze %dma_wait3A_373 : memref<1x128x16xf32, #tpu.memory_space<vmem>> -> memref<128x16xf32, #tpu.memory_space<vmem>>
        %dma_wait3A_375 = arith.constant 0 : i32
        %dma_wait3A_376 = tpu.memref_slice %arg8[%add3A_229, %dma_wait3A_375] : memref<56x128xi32, #tpu.memory_space<vmem>> -> memref<1x128xi32, #tpu.memory_space<vmem>>
        %dma_wait3A_377 = tpu.memref_squeeze %dma_wait3A_376 : memref<1x128xi32, #tpu.memory_space<vmem>> -> memref<128xi32, #tpu.memory_space<vmem>>
        %dma_wait3A_378 = arith.constant 0 : i32
        %dma_wait3A_379 = arith.constant 0 : i32
        %dma_wait3A_380 = tpu.memref_slice %arg10[%dma_wait3A_378, %dma_wait3A_379] : memref<100096x16xf32, #tpu.memory_space<vmem_shared>> -> memref<100096x16xf32, #tpu.memory_space<vmem_shared>>
        tpu.wait_indirect_dma semaphore(%arg13 : memref<!tpu.dma_semaphore, #tpu.memory_space<semaphore_mem>>) src(%dma_wait3A_374 : memref<128x16xf32, #tpu.memory_space<vmem>>) dst(%dma_wait3A_380 : memref<100096x16xf32, #tpu.memory_space<vmem_shared>>)
        %dma_wait3A_381 = arith.constant 4 : i32
        %dma_wait3A_382 = arith.constant 0 : i32
        %dma_wait3A_383 = arith.constant 0 : i32
        %dma_wait3A_384 = tpu.memref_slice %arg9[%dma_wait3A_381, %dma_wait3A_382, %dma_wait3A_383] : memref<8x128x16xf32, #tpu.memory_space<vmem>> -> memref<1x128x16xf32, #tpu.memory_space<vmem>>
        %dma_wait3A_385 = tpu.memref_squeeze %dma_wait3A_384 : memref<1x128x16xf32, #tpu.memory_space<vmem>> -> memref<128x16xf32, #tpu.memory_space<vmem>>
        %dma_wait3A_386 = arith.constant 0 : i32
        %dma_wait3A_387 = tpu.memref_slice %arg8[%add3A_253, %dma_wait3A_386] : memref<56x128xi32, #tpu.memory_space<vmem>> -> memref<1x128xi32, #tpu.memory_space<vmem>>
        %dma_wait3A_388 = tpu.memref_squeeze %dma_wait3A_387 : memref<1x128xi32, #tpu.memory_space<vmem>> -> memref<128xi32, #tpu.memory_space<vmem>>
        %dma_wait3A_389 = arith.constant 0 : i32
        %dma_wait3A_390 = arith.constant 0 : i32
        %dma_wait3A_391 = tpu.memref_slice %arg10[%dma_wait3A_389, %dma_wait3A_390] : memref<100096x16xf32, #tpu.memory_space<vmem_shared>> -> memref<100096x16xf32, #tpu.memory_space<vmem_shared>>
        tpu.wait_indirect_dma semaphore(%arg13 : memref<!tpu.dma_semaphore, #tpu.memory_space<semaphore_mem>>) src(%dma_wait3A_385 : memref<128x16xf32, #tpu.memory_space<vmem>>) dst(%dma_wait3A_391 : memref<100096x16xf32, #tpu.memory_space<vmem_shared>>)
        %dma_wait3A_392 = arith.constant 5 : i32
        %dma_wait3A_393 = arith.constant 0 : i32
        %dma_wait3A_394 = arith.constant 0 : i32
        %dma_wait3A_395 = tpu.memref_slice %arg9[%dma_wait3A_392, %dma_wait3A_393, %dma_wait3A_394] : memref<8x128x16xf32, #tpu.memory_space<vmem>> -> memref<1x128x16xf32, #tpu.memory_space<vmem>>
        %dma_wait3A_396 = tpu.memref_squeeze %dma_wait3A_395 : memref<1x128x16xf32, #tpu.memory_space<vmem>> -> memref<128x16xf32, #tpu.memory_space<vmem>>
        %dma_wait3A_397 = arith.constant 0 : i32
        %dma_wait3A_398 = tpu.memref_slice %arg8[%add3A_277, %dma_wait3A_397] : memref<56x128xi32, #tpu.memory_space<vmem>> -> memref<1x128xi32, #tpu.memory_space<vmem>>
        %dma_wait3A_399 = tpu.memref_squeeze %dma_wait3A_398 : memref<1x128xi32, #tpu.memory_space<vmem>> -> memref<128xi32, #tpu.memory_space<vmem>>
        %dma_wait3A_400 = arith.constant 0 : i32
        %dma_wait3A_401 = arith.constant 0 : i32
        %dma_wait3A_402 = tpu.memref_slice %arg10[%dma_wait3A_400, %dma_wait3A_401] : memref<100096x16xf32, #tpu.memory_space<vmem_shared>> -> memref<100096x16xf32, #tpu.memory_space<vmem_shared>>
        tpu.wait_indirect_dma semaphore(%arg13 : memref<!tpu.dma_semaphore, #tpu.memory_space<semaphore_mem>>) src(%dma_wait3A_396 : memref<128x16xf32, #tpu.memory_space<vmem>>) dst(%dma_wait3A_402 : memref<100096x16xf32, #tpu.memory_space<vmem_shared>>)
        %dma_wait3A_403 = arith.constant 6 : i32
        %dma_wait3A_404 = arith.constant 0 : i32
        %dma_wait3A_405 = arith.constant 0 : i32
        %dma_wait3A_406 = tpu.memref_slice %arg9[%dma_wait3A_403, %dma_wait3A_404, %dma_wait3A_405] : memref<8x128x16xf32, #tpu.memory_space<vmem>> -> memref<1x128x16xf32, #tpu.memory_space<vmem>>
        %dma_wait3A_407 = tpu.memref_squeeze %dma_wait3A_406 : memref<1x128x16xf32, #tpu.memory_space<vmem>> -> memref<128x16xf32, #tpu.memory_space<vmem>>
        %dma_wait3A_408 = arith.constant 0 : i32
        %dma_wait3A_409 = tpu.memref_slice %arg8[%add3A_301, %dma_wait3A_408] : memref<56x128xi32, #tpu.memory_space<vmem>> -> memref<1x128xi32, #tpu.memory_space<vmem>>
        %dma_wait3A_410 = tpu.memref_squeeze %dma_wait3A_409 : memref<1x128xi32, #tpu.memory_space<vmem>> -> memref<128xi32, #tpu.memory_space<vmem>>
        %dma_wait3A_411 = arith.constant 0 : i32
        %dma_wait3A_412 = arith.constant 0 : i32
        %dma_wait3A_413 = tpu.memref_slice %arg10[%dma_wait3A_411, %dma_wait3A_412] : memref<100096x16xf32, #tpu.memory_space<vmem_shared>> -> memref<100096x16xf32, #tpu.memory_space<vmem_shared>>
        tpu.wait_indirect_dma semaphore(%arg13 : memref<!tpu.dma_semaphore, #tpu.memory_space<semaphore_mem>>) src(%dma_wait3A_407 : memref<128x16xf32, #tpu.memory_space<vmem>>) dst(%dma_wait3A_413 : memref<100096x16xf32, #tpu.memory_space<vmem_shared>>)
        %dma_wait3A_414 = arith.constant 7 : i32
        %dma_wait3A_415 = arith.constant 0 : i32
        %dma_wait3A_416 = arith.constant 0 : i32
        %dma_wait3A_417 = tpu.memref_slice %arg9[%dma_wait3A_414, %dma_wait3A_415, %dma_wait3A_416] : memref<8x128x16xf32, #tpu.memory_space<vmem>> -> memref<1x128x16xf32, #tpu.memory_space<vmem>>
        %dma_wait3A_418 = tpu.memref_squeeze %dma_wait3A_417 : memref<1x128x16xf32, #tpu.memory_space<vmem>> -> memref<128x16xf32, #tpu.memory_space<vmem>>
        %dma_wait3A_419 = arith.constant 0 : i32
        %dma_wait3A_420 = tpu.memref_slice %arg8[%add3A_325, %dma_wait3A_419] : memref<56x128xi32, #tpu.memory_space<vmem>> -> memref<1x128xi32, #tpu.memory_space<vmem>>
        %dma_wait3A_421 = tpu.memref_squeeze %dma_wait3A_420 : memref<1x128xi32, #tpu.memory_space<vmem>> -> memref<128xi32, #tpu.memory_space<vmem>>
        %dma_wait3A_422 = arith.constant 0 : i32
        %dma_wait3A_423 = arith.constant 0 : i32
        %dma_wait3A_424 = tpu.memref_slice %arg10[%dma_wait3A_422, %dma_wait3A_423] : memref<100096x16xf32, #tpu.memory_space<vmem_shared>> -> memref<100096x16xf32, #tpu.memory_space<vmem_shared>>
        tpu.wait_indirect_dma semaphore(%arg13 : memref<!tpu.dma_semaphore, #tpu.memory_space<semaphore_mem>>) src(%dma_wait3A_418 : memref<128x16xf32, #tpu.memory_space<vmem>>) dst(%dma_wait3A_424 : memref<100096x16xf32, #tpu.memory_space<vmem_shared>>)
      }
      %scan3A_37 = arith.constant 7 : i32
    }
    %scan3A_7 = arith.constant 7 : i32
    %barrier3A_8 = arith.constant 0 : index
    tpu.barrier barrier_id(%barrier3A_8)
    %mul3A_9 = arith.constant 100096 : i32
    %mul3A_10 = arith.muli %arg0, %mul3A_9 : i32
    %add3A_11 = arith.addi %mul3A_10, %mul3A_2 : i32
    "tpu.region"() ({
      %run_scoped3A = tpu.sem_alloc : memref<!tpu.dma_semaphore, #tpu.memory_space<semaphore_mem>>
      %dma_start3A = arith.constant 0 : i32
      %dma_start3A_12 = tpu.memref_slice %arg6[%add3A_11, %dma_start3A] : memref<200192x16xf32, #tpu.memory_space<hbm>> -> memref<6256x16xf32, #tpu.memory_space<hbm>>
      %dma_start3A_13 = arith.constant 0 : i32
      %dma_start3A_14 = tpu.memref_slice %arg10[%mul3A_2, %dma_start3A_13] : memref<100096x16xf32, #tpu.memory_space<vmem_shared>> -> memref<6256x16xf32, #tpu.memory_space<vmem_shared>>
      tpu.enqueue_dma source(%dma_start3A_14 : memref<6256x16xf32, #tpu.memory_space<vmem_shared>>) target(%dma_start3A_12 : memref<6256x16xf32, #tpu.memory_space<hbm>>) target_semaphore(%run_scoped3A : memref<!tpu.dma_semaphore, #tpu.memory_space<semaphore_mem>>)
      %dma_wait3A = arith.constant 0 : i32
      %dma_wait3A_15 = tpu.memref_slice %arg6[%add3A_11, %dma_wait3A] : memref<200192x16xf32, #tpu.memory_space<hbm>> -> memref<6256x16xf32, #tpu.memory_space<hbm>>
      %dma_wait3A_16 = arith.constant 0 : i32
      %dma_wait3A_17 = tpu.memref_slice %arg10[%mul3A_2, %dma_wait3A_16] : memref<100096x16xf32, #tpu.memory_space<vmem_shared>> -> memref<6256x16xf32, #tpu.memory_space<vmem_shared>>
      tpu.wait_dma2 semaphore(%run_scoped3A : memref<!tpu.dma_semaphore, #tpu.memory_space<semaphore_mem>>) src(%dma_wait3A_17 : memref<6256x16xf32, #tpu.memory_space<vmem_shared>>) dst(%dma_wait3A_15 : memref<6256x16xf32, #tpu.memory_space<hbm>>)
      tpu.yield
    }) : () -> ()
    return
  }
}

module attributes {stable_mosaic.version = 14 : i64} {
  func.func @body(%arg0: i32, %arg1: memref<736x128xf32, #tpu.memory_space<vmem>>, %arg2: memref<736x128xf32, #tpu.memory_space<vmem>>, %arg3: memref<736x128xf32, #tpu.memory_space<vmem>>, %arg4: memref<736x128xf32, #tpu.memory_space<vmem>>, %arg5: memref<736x128xf32, #tpu.memory_space<vmem>>) attributes {dimension_semantics = [#tpu.dimension_semantics<arbitrary>], iteration_bounds = array<i64: 17>, scalar_prefetch = 0 : i64, scratch_operands = 0 : i64, tpu.core_type = #tpu.core_type<tc>, window_params = [{transform_indices = @transform_0, window_bounds = array<i64: 736, 128>}, {transform_indices = @transform_1, window_bounds = array<i64: 736, 128>}, {transform_indices = @transform_2, window_bounds = array<i64: 736, 128>}, {transform_indices = @transform_3, window_bounds = array<i64: 736, 128>}, {transform_indices = @transform_4, window_bounds = array<i64: 736, 128>}]} {
    %get3A = arith.constant 0 : index
    %get3A_0 = arith.constant 0 : index
    %get3A_1 = vector.load %arg1[%get3A, %get3A_0] : memref<736x128xf32, #tpu.memory_space<vmem>>, vector<736x128xf32>
    %get3A_2 = arith.constant 0 : index
    %get3A_3 = arith.constant 0 : index
    %get3A_4 = vector.load %arg2[%get3A_2, %get3A_3] : memref<736x128xf32, #tpu.memory_space<vmem>>, vector<736x128xf32>
    %add3A = arith.addf %get3A_1, %get3A_4 : vector<736x128xf32>
    %add3A_5 = arith.constant 1.000000e+00 : f32
    %add3A_6 = vector.broadcast %add3A_5 : f32 to vector<736x128xf32>
    %add3A_7 = arith.addf %add3A, %add3A_6 : vector<736x128xf32>
    %rsqrt3A = math.rsqrt %add3A_7 : vector<736x128xf32>
    %swap3A = arith.constant 0 : index
    %swap3A_8 = arith.constant 0 : index
    %swap3A_9 = vector.load %arg4[%swap3A, %swap3A_8] : memref<736x128xf32, #tpu.memory_space<vmem>>, vector<736x128xf32>
    tpu.vector_store %arg4[%swap3A, %swap3A_8], %rsqrt3A {strides = array<i32>} : memref<736x128xf32, #tpu.memory_space<vmem>>, vector<736x128xf32>,
    %get3A_10 = arith.constant 0 : index
    %get3A_11 = arith.constant 0 : index
    %get3A_12 = vector.load %arg3[%get3A_10, %get3A_11] : memref<736x128xf32, #tpu.memory_space<vmem>>, vector<736x128xf32>
    %mul3A = arith.mulf %get3A_12, %rsqrt3A : vector<736x128xf32>
    %swap3A_13 = arith.constant 0 : index
    %swap3A_14 = arith.constant 0 : index
    %swap3A_15 = vector.load %arg5[%swap3A_13, %swap3A_14] : memref<736x128xf32, #tpu.memory_space<vmem>>, vector<736x128xf32>
    tpu.vector_store %arg5[%swap3A_13, %swap3A_14], %mul3A {strides = array<i32>} : memref<736x128xf32, #tpu.memory_space<vmem>>, vector<736x128xf32>,
    return
  }
  func.func @transform_0(%arg0: i32) -> (i32, i32) {
    %c0_i32 = arith.constant 0 : i32
    %c0_i32_0 = arith.constant 0 : i32
    return %arg0, %c0_i32 : i32, i32
  }
  func.func @transform_1(%arg0: i32) -> (i32, i32) {
    %add3A = arith.constant 17 : i32
    %add3A_0 = arith.addi %add3A, %arg0 : i32
    %c0_i32 = arith.constant 0 : i32
    %c0_i32_1 = arith.constant 0 : i32
    return %add3A_0, %c0_i32 : i32, i32
  }
  func.func @transform_2(%arg0: i32) -> (i32, i32) {
    %c0_i32 = arith.constant 0 : i32
    %c0_i32_0 = arith.constant 0 : i32
    return %arg0, %c0_i32 : i32, i32
  }
  func.func @transform_3(%arg0: i32) -> (i32, i32) {
    %c0_i32 = arith.constant 0 : i32
    %c0_i32_0 = arith.constant 0 : i32
    return %arg0, %c0_i32 : i32, i32
  }
  func.func @transform_4(%arg0: i32) -> (i32, i32) {
    %c0_i32 = arith.constant 0 : i32
    %c0_i32_0 = arith.constant 0 : i32
    return %arg0, %c0_i32 : i32, i32
  }
}

module attributes {stable_mosaic.version = 14 : i64} {
  func.func @body(%arg0: i32, %arg1: memref<736x128xf32, #tpu.memory_space<vmem>>, %arg2: memref<736x128xf32, #tpu.memory_space<vmem>>, %arg3: memref<736x128xf32, #tpu.memory_space<vmem>>, %arg4: memref<736x128xf32, #tpu.memory_space<vmem>>, %arg5: memref<128x128xf32, #tpu.memory_space<vmem>>, %arg6: memref<1x128xf32, #tpu.memory_space<vmem>>, %arg7: memref<736x128xf32, #tpu.memory_space<vmem>>) attributes {dimension_semantics = [#tpu.dimension_semantics<arbitrary>], iteration_bounds = array<i64: 17>, scalar_prefetch = 0 : i64, scratch_operands = 0 : i64, tpu.core_type = #tpu.core_type<tc>, window_params = [{transform_indices = @transform_0, window_bounds = array<i64: 736, 128>}, {transform_indices = @transform_1, window_bounds = array<i64: 736, 128>}, {transform_indices = @transform_2, window_bounds = array<i64: 736, 128>}, {transform_indices = @transform_3, window_bounds = array<i64: 736, 128>}, {pipeline_mode = #tpu.pipeline_mode<synchronous>, transform_indices = @transform_4, window_bounds = array<i64: 128, 128>}, {pipeline_mode = #tpu.pipeline_mode<synchronous>, transform_indices = @transform_5, window_bounds = array<i64: 1, 128>}, {transform_indices = @transform_6, window_bounds = array<i64: 736, 128>}]} {
    %get3A = arith.constant 0 : index
    %get3A_0 = arith.constant 0 : index
    %get3A_1 = vector.load %arg4[%get3A, %get3A_0] : memref<736x128xf32, #tpu.memory_space<vmem>>, vector<736x128xf32>
    %get3A_2 = arith.constant 0 : index
    %get3A_3 = arith.constant 0 : index
    %get3A_4 = vector.load %arg1[%get3A_2, %get3A_3] : memref<736x128xf32, #tpu.memory_space<vmem>>, vector<736x128xf32>
    %get3A_5 = arith.constant 0 : index
    %get3A_6 = arith.constant 0 : index
    %get3A_7 = vector.load %arg2[%get3A_5, %get3A_6] : memref<736x128xf32, #tpu.memory_space<vmem>>, vector<736x128xf32>
    %add3A = arith.addf %get3A_4, %get3A_7 : vector<736x128xf32>
    %get3A_8 = arith.constant 0 : index
    %get3A_9 = arith.constant 0 : index
    %get3A_10 = vector.load %arg3[%get3A_8, %get3A_9] : memref<736x128xf32, #tpu.memory_space<vmem>>, vector<736x128xf32>
    %add3A_11 = arith.addf %add3A, %get3A_10 : vector<736x128xf32>
    %mul3A = arith.mulf %add3A_11, %get3A_1 : vector<736x128xf32>
    %get3A_12 = arith.constant 0 : index
    %get3A_13 = arith.constant 0 : index
    %get3A_14 = vector.load %arg5[%get3A_12, %get3A_13] : memref<128x128xf32, #tpu.memory_space<vmem>>, vector<128x128xf32>
    %dot_general3A = arith.constant dense<0.000000e+00> : vector<736x128xf32>
    %dot_general3A_15 = tpu.matmul %mul3A, %get3A_14, %dot_general3A {dimension_numbers = #tpu.dot_dimension_numbers<[1], [0], [0], [1], [0, 0, 1, 1], [], []>, transpose_lhs_hint = false} : vector<736x128xf32>, vector<128x128xf32>, vector<736x128xf32> -> vector<736x128xf32>
    %get3A_16 = arith.constant 0 : index
    %get3A_17 = arith.constant 0 : index
    %get3A_18 = vector.load %arg6[%get3A_16, %get3A_17] : memref<1x128xf32, #tpu.memory_space<vmem>>, vector<1x128xf32>
    %add3A_19 = vector.broadcast %get3A_18 : vector<1x128xf32> to vector<736x128xf32>
    %add3A_20 = arith.addf %dot_general3A_15, %add3A_19 : vector<736x128xf32>
    %max3A = arith.constant 0.000000e+00 : f32
    %max3A_21 = vector.broadcast %max3A : f32 to vector<736x128xf32>
    %max3A_22 = arith.maximumf %add3A_20, %max3A_21 : vector<736x128xf32>
    %mul3A_23 = arith.mulf %max3A_22, %get3A_1 : vector<736x128xf32>
    %swap3A = arith.constant 0 : index
    %swap3A_24 = arith.constant 0 : index
    %swap3A_25 = vector.load %arg7[%swap3A, %swap3A_24] : memref<736x128xf32, #tpu.memory_space<vmem>>, vector<736x128xf32>
    tpu.vector_store %arg7[%swap3A, %swap3A_24], %mul3A_23 {strides = array<i32>} : memref<736x128xf32, #tpu.memory_space<vmem>>, vector<736x128xf32>,
    return
  }
  func.func @transform_0(%arg0: i32) -> (i32, i32) {
    %c0_i32 = arith.constant 0 : i32
    %c0_i32_0 = arith.constant 0 : i32
    return %arg0, %c0_i32 : i32, i32
  }
  func.func @transform_1(%arg0: i32) -> (i32, i32) {
    %add3A = arith.constant 17 : i32
    %add3A_0 = arith.addi %add3A, %arg0 : i32
    %c0_i32 = arith.constant 0 : i32
    %c0_i32_1 = arith.constant 0 : i32
    return %add3A_0, %c0_i32 : i32, i32
  }
  func.func @transform_2(%arg0: i32) -> (i32, i32) {
    %c0_i32 = arith.constant 0 : i32
    %c0_i32_0 = arith.constant 0 : i32
    return %arg0, %c0_i32 : i32, i32
  }
  func.func @transform_3(%arg0: i32) -> (i32, i32) {
    %c0_i32 = arith.constant 0 : i32
    %c0_i32_0 = arith.constant 0 : i32
    return %arg0, %c0_i32 : i32, i32
  }
  func.func @transform_4(%arg0: i32) -> (i32, i32) {
    %c0_i32 = arith.constant 0 : i32
    %c0_i32_0 = arith.constant 0 : i32
    %c0_i32_1 = arith.constant 0 : i32
    return %c0_i32, %c0_i32_0 : i32, i32
  }
  func.func @transform_5(%arg0: i32) -> (i32, i32) {
    %c0_i32 = arith.constant 0 : i32
    %c0_i32_0 = arith.constant 0 : i32
    %c0_i32_1 = arith.constant 0 : i32
    return %c0_i32, %c0_i32_0 : i32, i32
  }
  func.func @transform_6(%arg0: i32) -> (i32, i32) {
    %c0_i32 = arith.constant 0 : i32
    %c0_i32_0 = arith.constant 0 : i32
    return %arg0, %c0_i32 : i32, i32
  }
}

module attributes {stable_mosaic.version = 14 : i64} {
  func.func @body(%arg0: i32, %arg1: memref<736x128xf32, #tpu.memory_space<vmem>>, %arg2: memref<736x128xf32, #tpu.memory_space<vmem>>, %arg3: memref<736x128xf32, #tpu.memory_space<vmem>>, %arg4: memref<736x128xf32, #tpu.memory_space<vmem>>, %arg5: memref<128x128xf32, #tpu.memory_space<vmem>>, %arg6: memref<128x128xf32, #tpu.memory_space<vmem>>, %arg7: memref<1x128xf32, #tpu.memory_space<vmem>>, %arg8: memref<1x128xf32, #tpu.memory_space<vmem>>, %arg9: memref<736x128xf32, #tpu.memory_space<vmem>>, %arg10: memref<736x128xf32, #tpu.memory_space<vmem>>) attributes {dimension_semantics = [#tpu.dimension_semantics<arbitrary>], iteration_bounds = array<i64: 17>, scalar_prefetch = 0 : i64, scratch_operands = 0 : i64, tpu.core_type = #tpu.core_type<tc>, window_params = [{transform_indices = @transform_0, window_bounds = array<i64: 736, 128>}, {transform_indices = @transform_1, window_bounds = array<i64: 736, 128>}, {transform_indices = @transform_2, window_bounds = array<i64: 736, 128>}, {transform_indices = @transform_3, window_bounds = array<i64: 736, 128>}, {pipeline_mode = #tpu.pipeline_mode<synchronous>, transform_indices = @transform_4, window_bounds = array<i64: 128, 128>}, {pipeline_mode = #tpu.pipeline_mode<synchronous>, transform_indices = @transform_5, window_bounds = array<i64: 128, 128>}, {pipeline_mode = #tpu.pipeline_mode<synchronous>, transform_indices = @transform_6, window_bounds = array<i64: 1, 128>}, {pipeline_mode = #tpu.pipeline_mode<synchronous>, transform_indices = @transform_7, window_bounds = array<i64: 1, 128>}, {transform_indices = @transform_8, window_bounds = array<i64: 736, 128>}, {transform_indices = @transform_9, window_bounds = array<i64: 736, 128>}]} {
    %get3A = arith.constant 0 : index
    %get3A_0 = arith.constant 0 : index
    %get3A_1 = vector.load %arg4[%get3A, %get3A_0] : memref<736x128xf32, #tpu.memory_space<vmem>>, vector<736x128xf32>
    %get3A_2 = arith.constant 0 : index
    %get3A_3 = arith.constant 0 : index
    %get3A_4 = vector.load %arg1[%get3A_2, %get3A_3] : memref<736x128xf32, #tpu.memory_space<vmem>>, vector<736x128xf32>
    %get3A_5 = arith.constant 0 : index
    %get3A_6 = arith.constant 0 : index
    %get3A_7 = vector.load %arg2[%get3A_5, %get3A_6] : memref<736x128xf32, #tpu.memory_space<vmem>>, vector<736x128xf32>
    %add3A = arith.addf %get3A_4, %get3A_7 : vector<736x128xf32>
    %get3A_8 = arith.constant 0 : index
    %get3A_9 = arith.constant 0 : index
    %get3A_10 = vector.load %arg3[%get3A_8, %get3A_9] : memref<736x128xf32, #tpu.memory_space<vmem>>, vector<736x128xf32>
    %add3A_11 = arith.addf %add3A, %get3A_10 : vector<736x128xf32>
    %mul3A = arith.mulf %add3A_11, %get3A_1 : vector<736x128xf32>
    %get3A_12 = arith.constant 0 : index
    %get3A_13 = arith.constant 0 : index
    %get3A_14 = vector.load %arg5[%get3A_12, %get3A_13] : memref<128x128xf32, #tpu.memory_space<vmem>>, vector<128x128xf32>
    %dot_general3A = arith.constant dense<0.000000e+00> : vector<736x128xf32>
    %dot_general3A_15 = tpu.matmul %mul3A, %get3A_14, %dot_general3A {dimension_numbers = #tpu.dot_dimension_numbers<[1], [0], [0], [1], [0, 0, 1, 1], [], []>, transpose_lhs_hint = false} : vector<736x128xf32>, vector<128x128xf32>, vector<736x128xf32> -> vector<736x128xf32>
    %get3A_16 = arith.constant 0 : index
    %get3A_17 = arith.constant 0 : index
    %get3A_18 = vector.load %arg6[%get3A_16, %get3A_17] : memref<128x128xf32, #tpu.memory_space<vmem>>, vector<128x128xf32>
    %dot_general3A_19 = arith.constant dense<0.000000e+00> : vector<736x128xf32>
    %dot_general3A_20 = tpu.matmul %mul3A, %get3A_18, %dot_general3A_19 {dimension_numbers = #tpu.dot_dimension_numbers<[1], [0], [0], [1], [0, 0, 1, 1], [], []>, transpose_lhs_hint = false} : vector<736x128xf32>, vector<128x128xf32>, vector<736x128xf32> -> vector<736x128xf32>
    %get3A_21 = arith.constant 0 : index
    %get3A_22 = arith.constant 0 : index
    %get3A_23 = vector.load %arg7[%get3A_21, %get3A_22] : memref<1x128xf32, #tpu.memory_space<vmem>>, vector<1x128xf32>
    %add3A_24 = vector.broadcast %get3A_23 : vector<1x128xf32> to vector<736x128xf32>
    %add3A_25 = arith.addf %dot_general3A_15, %add3A_24 : vector<736x128xf32>
    %max3A = arith.constant 0.000000e+00 : f32
    %max3A_26 = vector.broadcast %max3A : f32 to vector<736x128xf32>
    %max3A_27 = arith.maximumf %add3A_25, %max3A_26 : vector<736x128xf32>
    %mul3A_28 = arith.mulf %max3A_27, %get3A_1 : vector<736x128xf32>
    %swap3A = arith.constant 0 : index
    %swap3A_29 = arith.constant 0 : index
    %swap3A_30 = vector.load %arg9[%swap3A, %swap3A_29] : memref<736x128xf32, #tpu.memory_space<vmem>>, vector<736x128xf32>
    tpu.vector_store %arg9[%swap3A, %swap3A_29], %mul3A_28 {strides = array<i32>} : memref<736x128xf32, #tpu.memory_space<vmem>>, vector<736x128xf32>,
    %get3A_31 = arith.constant 0 : index
    %get3A_32 = arith.constant 0 : index
    %get3A_33 = vector.load %arg8[%get3A_31, %get3A_32] : memref<1x128xf32, #tpu.memory_space<vmem>>, vector<1x128xf32>
    %add3A_34 = vector.broadcast %get3A_33 : vector<1x128xf32> to vector<736x128xf32>
    %add3A_35 = arith.addf %dot_general3A_20, %add3A_34 : vector<736x128xf32>
    %max3A_36 = arith.constant 0.000000e+00 : f32
    %max3A_37 = vector.broadcast %max3A_36 : f32 to vector<736x128xf32>
    %max3A_38 = arith.maximumf %add3A_35, %max3A_37 : vector<736x128xf32>
    %mul3A_39 = arith.mulf %max3A_38, %get3A_1 : vector<736x128xf32>
    %swap3A_40 = arith.constant 0 : index
    %swap3A_41 = arith.constant 0 : index
    %swap3A_42 = vector.load %arg10[%swap3A_40, %swap3A_41] : memref<736x128xf32, #tpu.memory_space<vmem>>, vector<736x128xf32>
    tpu.vector_store %arg10[%swap3A_40, %swap3A_41], %mul3A_39 {strides = array<i32>} : memref<736x128xf32, #tpu.memory_space<vmem>>, vector<736x128xf32>,
    return
  }
  func.func @transform_0(%arg0: i32) -> (i32, i32) {
    %c0_i32 = arith.constant 0 : i32
    %c0_i32_0 = arith.constant 0 : i32
    return %arg0, %c0_i32 : i32, i32
  }
  func.func @transform_1(%arg0: i32) -> (i32, i32) {
    %add3A = arith.constant 17 : i32
    %add3A_0 = arith.addi %add3A, %arg0 : i32
    %c0_i32 = arith.constant 0 : i32
    %c0_i32_1 = arith.constant 0 : i32
    return %add3A_0, %c0_i32 : i32, i32
  }
  func.func @transform_2(%arg0: i32) -> (i32, i32) {
    %c0_i32 = arith.constant 0 : i32
    %c0_i32_0 = arith.constant 0 : i32
    return %arg0, %c0_i32 : i32, i32
  }
  func.func @transform_3(%arg0: i32) -> (i32, i32) {
    %c0_i32 = arith.constant 0 : i32
    %c0_i32_0 = arith.constant 0 : i32
    return %arg0, %c0_i32 : i32, i32
  }
  func.func @transform_4(%arg0: i32) -> (i32, i32) {
    %c0_i32 = arith.constant 0 : i32
    %c0_i32_0 = arith.constant 0 : i32
    %c0_i32_1 = arith.constant 0 : i32
    return %c0_i32, %c0_i32_0 : i32, i32
  }
  func.func @transform_5(%arg0: i32) -> (i32, i32) {
    %c0_i32 = arith.constant 0 : i32
    %c0_i32_0 = arith.constant 0 : i32
    %c0_i32_1 = arith.constant 0 : i32
    return %c0_i32, %c0_i32_0 : i32, i32
  }
  func.func @transform_6(%arg0: i32) -> (i32, i32) {
    %c0_i32 = arith.constant 0 : i32
    %c0_i32_0 = arith.constant 0 : i32
    %c0_i32_1 = arith.constant 0 : i32
    return %c0_i32, %c0_i32_0 : i32, i32
  }
  func.func @transform_7(%arg0: i32) -> (i32, i32) {
    %c0_i32 = arith.constant 0 : i32
    %c0_i32_0 = arith.constant 0 : i32
    %c0_i32_1 = arith.constant 0 : i32
    return %c0_i32, %c0_i32_0 : i32, i32
  }
  func.func @transform_8(%arg0: i32) -> (i32, i32) {
    %c0_i32 = arith.constant 0 : i32
    %c0_i32_0 = arith.constant 0 : i32
    return %arg0, %c0_i32 : i32, i32
  }
  func.func @transform_9(%arg0: i32) -> (i32, i32) {
    %c0_i32 = arith.constant 0 : i32
    %c0_i32_0 = arith.constant 0 : i32
    return %arg0, %c0_i32 : i32, i32
  }
}

module attributes {stable_mosaic.version = 14 : i64} {
  func.func @body(%arg0: i32, %arg1: memref<736x128xf32, #tpu.memory_space<vmem>>, %arg2: memref<736x128xf32, #tpu.memory_space<vmem>>, %arg3: memref<736x128xf32, #tpu.memory_space<vmem>>, %arg4: memref<736x128xf32, #tpu.memory_space<vmem>>, %arg5: memref<736x128xf32, #tpu.memory_space<vmem>>, %arg6: memref<736x8x70xf32, #tpu.memory_space<vmem>>, %arg7: memref<736x8x70xf32, #tpu.memory_space<vmem>>, %arg8: memref<16x64xf32, #tpu.memory_space<vmem>>, %arg9: memref<16x64xf32, #tpu.memory_space<vmem>>, %arg10: memref<1x64xf32, #tpu.memory_space<vmem>>, %arg11: memref<70x64xf32, #tpu.memory_space<vmem>>) attributes {dimension_semantics = [#tpu.dimension_semantics<arbitrary>], iteration_bounds = array<i64: 17>, scalar_prefetch = 0 : i64, scratch_operands = 0 : i64, tpu.core_type = #tpu.core_type<tc>, window_params = [{transform_indices = @transform_0, window_bounds = array<i64: 736, 128>}, {transform_indices = @transform_1, window_bounds = array<i64: 736, 128>}, {transform_indices = @transform_2, window_bounds = array<i64: 736, 128>}, {transform_indices = @transform_3, window_bounds = array<i64: 736, 128>}, {transform_indices = @transform_4, window_bounds = array<i64: 736, 128>}, {transform_indices = @transform_5, window_bounds = array<i64: 736, 8, 70>}, {transform_indices = @transform_6, window_bounds = array<i64: 736, 8, 70>}, {pipeline_mode = #tpu.pipeline_mode<synchronous>, transform_indices = @transform_7, window_bounds = array<i64: 16, 64>}, {pipeline_mode = #tpu.pipeline_mode<synchronous>, transform_indices = @transform_8, window_bounds = array<i64: 16, 64>}, {pipeline_mode = #tpu.pipeline_mode<synchronous>, transform_indices = @transform_9, window_bounds = array<i64: 1, 64>}, {pipeline_mode = #tpu.pipeline_mode<synchronous>, transform_indices = @transform_10, window_bounds = array<i64: 70, 64>}]} {
    %get3A = arith.constant 0 : index
    %get3A_0 = arith.constant 0 : index
    %get3A_1 = vector.load %arg5[%get3A, %get3A_0] : memref<736x128xf32, #tpu.memory_space<vmem>>, vector<736x128xf32>
    %get3A_2 = arith.constant 0 : index
    %get3A_3 = arith.constant 0 : index
    %get3A_4 = vector.load %arg1[%get3A_2, %get3A_3] : memref<736x128xf32, #tpu.memory_space<vmem>>, vector<736x128xf32>
    %get3A_5 = arith.constant 0 : index
    %get3A_6 = arith.constant 0 : index
    %get3A_7 = vector.load %arg3[%get3A_5, %get3A_6] : memref<736x128xf32, #tpu.memory_space<vmem>>, vector<736x128xf32>
    %add3A = arith.addf %get3A_4, %get3A_7 : vector<736x128xf32>
    %mul3A = arith.mulf %add3A, %get3A_1 : vector<736x128xf32>
    %get3A_8 = arith.constant 0 : index
    %get3A_9 = arith.constant 0 : index
    %get3A_10 = vector.load %arg2[%get3A_8, %get3A_9] : memref<736x128xf32, #tpu.memory_space<vmem>>, vector<736x128xf32>
    %get3A_11 = arith.constant 0 : index
    %get3A_12 = arith.constant 0 : index
    %get3A_13 = vector.load %arg4[%get3A_11, %get3A_12] : memref<736x128xf32, #tpu.memory_space<vmem>>, vector<736x128xf32>
    %add3A_14 = arith.addf %get3A_10, %get3A_13 : vector<736x128xf32>
    %mul3A_15 = arith.mulf %add3A_14, %get3A_1 : vector<736x128xf32>
    %get3A_16 = arith.constant 0 : index
    %get3A_17 = arith.constant 0 : index
    %get3A_18 = arith.constant 0 : index
    %get3A_19 = vector.load %arg6[%get3A_16, %get3A_17, %get3A_18] : memref<736x8x70xf32, #tpu.memory_space<vmem>>, vector<736x8x70xf32>
    %get3A_20 = arith.constant 0 : index
    %get3A_21 = arith.constant 0 : index
    %get3A_22 = arith.constant 0 : index
    %get3A_23 = vector.load %arg7[%get3A_20, %get3A_21, %get3A_22] : memref<736x8x70xf32, #tpu.memory_space<vmem>>, vector<736x8x70xf32>
    %add3A_24 = arith.addf %get3A_19, %get3A_23 : vector<736x8x70xf32>
    %mul3A_25 = arith.constant 2.000000e+00 : f32
    %mul3A_26 = vector.broadcast %mul3A_25 : f32 to vector<736x8x70xf32>
    %mul3A_27 = arith.mulf %add3A_24, %mul3A_26 : vector<736x8x70xf32>
    %reduce_max3A = arith.constant dense<0xFF800000> : vector<736x8xf32>
    %reduce_max3A_28 = vector.multi_reduction <maximumf>, %mul3A_27, %reduce_max3A [2] : vector<736x8x70xf32> to vector<736x8xf32>
    %broadcast_in_dim3A = vector.shape_cast %reduce_max3A_28 : vector<736x8xf32> to vector<736x8x1xf32>
    %sub3A = vector.broadcast %broadcast_in_dim3A : vector<736x8x1xf32> to vector<736x8x70xf32>
    %sub3A_29 = arith.subf %mul3A_27, %sub3A : vector<736x8x70xf32>
    %exp3A = math.exp %sub3A_29 : vector<736x8x70xf32>
    %reduce_sum3A = arith.constant dense<0.000000e+00> : vector<736x8xf32>
    %reduce_sum3A_30 = vector.multi_reduction <add>, %exp3A, %reduce_sum3A [2] : vector<736x8x70xf32> to vector<736x8xf32>
    %broadcast_in_dim3A_31 = vector.shape_cast %reduce_sum3A_30 : vector<736x8xf32> to vector<736x8x1xf32>
    %div3A = vector.broadcast %broadcast_in_dim3A_31 : vector<736x8x1xf32> to vector<736x8x70xf32>
    %div3A_32 = arith.divf %exp3A, %div3A : vector<736x8x70xf32>
    %iota3A = tpu.iota {dimensions = array<i32: 0>} : vector<736x8x1xi32>
    %iota3A_33 = tpu.iota {dimensions = array<i32: 1>} : vector<736x8x1xi32>
    %mul3A_34 = arith.constant 736 : i32
    %mul3A_35 = arith.muli %arg0, %mul3A_34 : i32
    %add3A_36 = vector.broadcast %mul3A_35 : i32 to vector<736x8x1xi32>
    %add3A_37 = arith.addi %add3A_36, %iota3A : vector<736x8x1xi32>
    %mul3A_38 = arith.constant 8 : i32
    %mul3A_39 = vector.broadcast %mul3A_38 : i32 to vector<736x8x1xi32>
    %mul3A_40 = arith.muli %add3A_37, %mul3A_39 : vector<736x8x1xi32>
    %add3A_41 = arith.addi %mul3A_40, %iota3A_33 : vector<736x8x1xi32>
    %lt3A = arith.constant 100000 : i32
    %lt3A_42 = vector.broadcast %lt3A : i32 to vector<736x8x1xi32>
    %lt3A_43 = arith.cmpi slt, %add3A_41, %lt3A_42 : vector<736x8x1xi32>
    %jit3A = arith.constant 0.000000e+00 : f32
    %broadcast_in_dim3A_44 = vector.shape_cast %lt3A_43 : vector<736x8x1xi1> to vector<736x8x1xi1>
    %broadcast_in_dim3A_45 = vector.broadcast %broadcast_in_dim3A_44 : vector<736x8x1xi1> to vector<736x8x70xi1>
    %broadcast_in_dim3A_46 = vector.broadcast %jit3A : f32 to vector<736x8x70xf32>
    %select_n3A = arith.select %broadcast_in_dim3A_45, %div3A_32, %broadcast_in_dim3A_46 : vector<736x8x70xi1>, vector<736x8x70xf32>
    %broadcast_in_dim3A_47 = arith.constant 0.000000e+00 : f32
    %broadcast_in_dim3A_48 = vector.broadcast %broadcast_in_dim3A_47 : f32 to vector<70x64xf32>
    %slice3A = vector.extract_strided_slice %mul3A {offsets = [0, 0], sizes = [736, 16], strides = [1, 1]} : vector<736x128xf32> to vector<736x16xf32>
    %slice3A_49 = vector.extract_strided_slice %mul3A_15 {offsets = [0, 0], sizes = [736, 16], strides = [1, 1]} : vector<736x128xf32> to vector<736x16xf32>
    %get3A_50 = arith.constant 0 : index
    %get3A_51 = arith.constant 0 : index
    %get3A_52 = vector.load %arg8[%get3A_50, %get3A_51] : memref<16x64xf32, #tpu.memory_space<vmem>>, vector<16x64xf32>
    %dot_general3A = arith.constant dense<0.000000e+00> : vector<736x64xf32>
    %dot_general3A_53 = tpu.matmul %slice3A, %get3A_52, %dot_general3A {dimension_numbers = #tpu.dot_dimension_numbers<[1], [0], [0], [1], [0, 0, 1, 1], [], []>, transpose_lhs_hint = false} : vector<736x16xf32>, vector<16x64xf32>, vector<736x64xf32> -> vector<736x64xf32>
    %get3A_54 = arith.constant 0 : index
    %get3A_55 = arith.constant 0 : index
    %get3A_56 = vector.load %arg9[%get3A_54, %get3A_55] : memref<16x64xf32, #tpu.memory_space<vmem>>, vector<16x64xf32>
    %dot_general3A_57 = arith.constant dense<0.000000e+00> : vector<736x64xf32>
    %dot_general3A_58 = tpu.matmul %slice3A_49, %get3A_56, %dot_general3A_57 {dimension_numbers = #tpu.dot_dimension_numbers<[1], [0], [0], [1], [0, 0, 1, 1], [], []>, transpose_lhs_hint = false} : vector<736x16xf32>, vector<16x64xf32>, vector<736x64xf32> -> vector<736x64xf32>
    %add3A_59 = arith.addf %dot_general3A_53, %dot_general3A_58 : vector<736x64xf32>
    %get3A_60 = arith.constant 0 : index
    %get3A_61 = arith.constant 0 : index
    %get3A_62 = vector.load %arg10[%get3A_60, %get3A_61] : memref<1x64xf32, #tpu.memory_space<vmem>>, vector<1x64xf32>
    %add3A_63 = vector.broadcast %get3A_62 : vector<1x64xf32> to vector<736x64xf32>
    %add3A_64 = arith.addf %add3A_59, %add3A_63 : vector<736x64xf32>
    %max3A = arith.constant 0.000000e+00 : f32
    %max3A_65 = vector.broadcast %max3A : f32 to vector<736x64xf32>
    %max3A_66 = arith.maximumf %add3A_64, %max3A_65 : vector<736x64xf32>
    %slice3A_67 = vector.extract_strided_slice %select_n3A {offsets = [0, 0, 0], sizes = [736, 1, 70], strides = [1, 1, 1]} : vector<736x8x70xf32> to vector<736x1x70xf32>
    %squeeze3A = vector.shape_cast %slice3A_67 : vector<736x1x70xf32> to vector<736x70xf32>
    %dot_general3A_68 = arith.constant dense<0.000000e+00> : vector<70x64xf32>
    %dot_general3A_69 = tpu.matmul %squeeze3A, %max3A_66, %dot_general3A_68 {dimension_numbers = #tpu.dot_dimension_numbers<[0], [0], [1], [1], [0, 1, 1, 1], [], []>, transpose_lhs_hint = false} : vector<736x70xf32>, vector<736x64xf32>, vector<70x64xf32> -> vector<70x64xf32>
    %add3A_70 = arith.addf %broadcast_in_dim3A_48, %dot_general3A_69 : vector<70x64xf32>
    %slice3A_71 = vector.extract_strided_slice %mul3A {offsets = [0, 16], sizes = [736, 16], strides = [1, 1]} : vector<736x128xf32> to vector<736x16xf32>
    %slice3A_72 = vector.extract_strided_slice %mul3A_15 {offsets = [0, 16], sizes = [736, 16], strides = [1, 1]} : vector<736x128xf32> to vector<736x16xf32>
    %get3A_73 = arith.constant 0 : index
    %get3A_74 = arith.constant 0 : index
    %get3A_75 = vector.load %arg8[%get3A_73, %get3A_74] : memref<16x64xf32, #tpu.memory_space<vmem>>, vector<16x64xf32>
    %dot_general3A_76 = arith.constant dense<0.000000e+00> : vector<736x64xf32>
    %dot_general3A_77 = tpu.matmul %slice3A_71, %get3A_75, %dot_general3A_76 {dimension_numbers = #tpu.dot_dimension_numbers<[1], [0], [0], [1], [0, 0, 1, 1], [], []>, transpose_lhs_hint = false} : vector<736x16xf32>, vector<16x64xf32>, vector<736x64xf32> -> vector<736x64xf32>
    %get3A_78 = arith.constant 0 : index
    %get3A_79 = arith.constant 0 : index
    %get3A_80 = vector.load %arg9[%get3A_78, %get3A_79] : memref<16x64xf32, #tpu.memory_space<vmem>>, vector<16x64xf32>
    %dot_general3A_81 = arith.constant dense<0.000000e+00> : vector<736x64xf32>
    %dot_general3A_82 = tpu.matmul %slice3A_72, %get3A_80, %dot_general3A_81 {dimension_numbers = #tpu.dot_dimension_numbers<[1], [0], [0], [1], [0, 0, 1, 1], [], []>, transpose_lhs_hint = false} : vector<736x16xf32>, vector<16x64xf32>, vector<736x64xf32> -> vector<736x64xf32>
    %add3A_83 = arith.addf %dot_general3A_77, %dot_general3A_82 : vector<736x64xf32>
    %get3A_84 = arith.constant 0 : index
    %get3A_85 = arith.constant 0 : index
    %get3A_86 = vector.load %arg10[%get3A_84, %get3A_85] : memref<1x64xf32, #tpu.memory_space<vmem>>, vector<1x64xf32>
    %add3A_87 = vector.broadcast %get3A_86 : vector<1x64xf32> to vector<736x64xf32>
    %add3A_88 = arith.addf %add3A_83, %add3A_87 : vector<736x64xf32>
    %max3A_89 = arith.constant 0.000000e+00 : f32
    %max3A_90 = vector.broadcast %max3A_89 : f32 to vector<736x64xf32>
    %max3A_91 = arith.maximumf %add3A_88, %max3A_90 : vector<736x64xf32>
    %slice3A_92 = vector.extract_strided_slice %select_n3A {offsets = [0, 1, 0], sizes = [736, 1, 70], strides = [1, 1, 1]} : vector<736x8x70xf32> to vector<736x1x70xf32>
    %squeeze3A_93 = vector.shape_cast %slice3A_92 : vector<736x1x70xf32> to vector<736x70xf32>
    %dot_general3A_94 = arith.constant dense<0.000000e+00> : vector<70x64xf32>
    %dot_general3A_95 = tpu.matmul %squeeze3A_93, %max3A_91, %dot_general3A_94 {dimension_numbers = #tpu.dot_dimension_numbers<[0], [0], [1], [1], [0, 1, 1, 1], [], []>, transpose_lhs_hint = false} : vector<736x70xf32>, vector<736x64xf32>, vector<70x64xf32> -> vector<70x64xf32>
    %add3A_96 = arith.addf %add3A_70, %dot_general3A_95 : vector<70x64xf32>
    %slice3A_97 = vector.extract_strided_slice %mul3A {offsets = [0, 32], sizes = [736, 16], strides = [1, 1]} : vector<736x128xf32> to vector<736x16xf32>
    %slice3A_98 = vector.extract_strided_slice %mul3A_15 {offsets = [0, 32], sizes = [736, 16], strides = [1, 1]} : vector<736x128xf32> to vector<736x16xf32>
    %get3A_99 = arith.constant 0 : index
    %get3A_100 = arith.constant 0 : index
    %get3A_101 = vector.load %arg8[%get3A_99, %get3A_100] : memref<16x64xf32, #tpu.memory_space<vmem>>, vector<16x64xf32>
    %dot_general3A_102 = arith.constant dense<0.000000e+00> : vector<736x64xf32>
    %dot_general3A_103 = tpu.matmul %slice3A_97, %get3A_101, %dot_general3A_102 {dimension_numbers = #tpu.dot_dimension_numbers<[1], [0], [0], [1], [0, 0, 1, 1], [], []>, transpose_lhs_hint = false} : vector<736x16xf32>, vector<16x64xf32>, vector<736x64xf32> -> vector<736x64xf32>
    %get3A_104 = arith.constant 0 : index
    %get3A_105 = arith.constant 0 : index
    %get3A_106 = vector.load %arg9[%get3A_104, %get3A_105] : memref<16x64xf32, #tpu.memory_space<vmem>>, vector<16x64xf32>
    %dot_general3A_107 = arith.constant dense<0.000000e+00> : vector<736x64xf32>
    %dot_general3A_108 = tpu.matmul %slice3A_98, %get3A_106, %dot_general3A_107 {dimension_numbers = #tpu.dot_dimension_numbers<[1], [0], [0], [1], [0, 0, 1, 1], [], []>, transpose_lhs_hint = false} : vector<736x16xf32>, vector<16x64xf32>, vector<736x64xf32> -> vector<736x64xf32>
    %add3A_109 = arith.addf %dot_general3A_103, %dot_general3A_108 : vector<736x64xf32>
    %get3A_110 = arith.constant 0 : index
    %get3A_111 = arith.constant 0 : index
    %get3A_112 = vector.load %arg10[%get3A_110, %get3A_111] : memref<1x64xf32, #tpu.memory_space<vmem>>, vector<1x64xf32>
    %add3A_113 = vector.broadcast %get3A_112 : vector<1x64xf32> to vector<736x64xf32>
    %add3A_114 = arith.addf %add3A_109, %add3A_113 : vector<736x64xf32>
    %max3A_115 = arith.constant 0.000000e+00 : f32
    %max3A_116 = vector.broadcast %max3A_115 : f32 to vector<736x64xf32>
    %max3A_117 = arith.maximumf %add3A_114, %max3A_116 : vector<736x64xf32>
    %slice3A_118 = vector.extract_strided_slice %select_n3A {offsets = [0, 2, 0], sizes = [736, 1, 70], strides = [1, 1, 1]} : vector<736x8x70xf32> to vector<736x1x70xf32>
    %squeeze3A_119 = vector.shape_cast %slice3A_118 : vector<736x1x70xf32> to vector<736x70xf32>
    %dot_general3A_120 = arith.constant dense<0.000000e+00> : vector<70x64xf32>
    %dot_general3A_121 = tpu.matmul %squeeze3A_119, %max3A_117, %dot_general3A_120 {dimension_numbers = #tpu.dot_dimension_numbers<[0], [0], [1], [1], [0, 1, 1, 1], [], []>, transpose_lhs_hint = false} : vector<736x70xf32>, vector<736x64xf32>, vector<70x64xf32> -> vector<70x64xf32>
    %add3A_122 = arith.addf %add3A_96, %dot_general3A_121 : vector<70x64xf32>
    %slice3A_123 = vector.extract_strided_slice %mul3A {offsets = [0, 48], sizes = [736, 16], strides = [1, 1]} : vector<736x128xf32> to vector<736x16xf32>
    %slice3A_124 = vector.extract_strided_slice %mul3A_15 {offsets = [0, 48], sizes = [736, 16], strides = [1, 1]} : vector<736x128xf32> to vector<736x16xf32>
    %get3A_125 = arith.constant 0 : index
    %get3A_126 = arith.constant 0 : index
    %get3A_127 = vector.load %arg8[%get3A_125, %get3A_126] : memref<16x64xf32, #tpu.memory_space<vmem>>, vector<16x64xf32>
    %dot_general3A_128 = arith.constant dense<0.000000e+00> : vector<736x64xf32>
    %dot_general3A_129 = tpu.matmul %slice3A_123, %get3A_127, %dot_general3A_128 {dimension_numbers = #tpu.dot_dimension_numbers<[1], [0], [0], [1], [0, 0, 1, 1], [], []>, transpose_lhs_hint = false} : vector<736x16xf32>, vector<16x64xf32>, vector<736x64xf32> -> vector<736x64xf32>
    %get3A_130 = arith.constant 0 : index
    %get3A_131 = arith.constant 0 : index
    %get3A_132 = vector.load %arg9[%get3A_130, %get3A_131] : memref<16x64xf32, #tpu.memory_space<vmem>>, vector<16x64xf32>
    %dot_general3A_133 = arith.constant dense<0.000000e+00> : vector<736x64xf32>
    %dot_general3A_134 = tpu.matmul %slice3A_124, %get3A_132, %dot_general3A_133 {dimension_numbers = #tpu.dot_dimension_numbers<[1], [0], [0], [1], [0, 0, 1, 1], [], []>, transpose_lhs_hint = false} : vector<736x16xf32>, vector<16x64xf32>, vector<736x64xf32> -> vector<736x64xf32>
    %add3A_135 = arith.addf %dot_general3A_129, %dot_general3A_134 : vector<736x64xf32>
    %get3A_136 = arith.constant 0 : index
    %get3A_137 = arith.constant 0 : index
    %get3A_138 = vector.load %arg10[%get3A_136, %get3A_137] : memref<1x64xf32, #tpu.memory_space<vmem>>, vector<1x64xf32>
    %add3A_139 = vector.broadcast %get3A_138 : vector<1x64xf32> to vector<736x64xf32>
    %add3A_140 = arith.addf %add3A_135, %add3A_139 : vector<736x64xf32>
    %max3A_141 = arith.constant 0.000000e+00 : f32
    %max3A_142 = vector.broadcast %max3A_141 : f32 to vector<736x64xf32>
    %max3A_143 = arith.maximumf %add3A_140, %max3A_142 : vector<736x64xf32>
    %slice3A_144 = vector.extract_strided_slice %select_n3A {offsets = [0, 3, 0], sizes = [736, 1, 70], strides = [1, 1, 1]} : vector<736x8x70xf32> to vector<736x1x70xf32>
    %squeeze3A_145 = vector.shape_cast %slice3A_144 : vector<736x1x70xf32> to vector<736x70xf32>
    %dot_general3A_146 = arith.constant dense<0.000000e+00> : vector<70x64xf32>
    %dot_general3A_147 = tpu.matmul %squeeze3A_145, %max3A_143, %dot_general3A_146 {dimension_numbers = #tpu.dot_dimension_numbers<[0], [0], [1], [1], [0, 1, 1, 1], [], []>, transpose_lhs_hint = false} : vector<736x70xf32>, vector<736x64xf32>, vector<70x64xf32> -> vector<70x64xf32>
    %add3A_148 = arith.addf %add3A_122, %dot_general3A_147 : vector<70x64xf32>
    %slice3A_149 = vector.extract_strided_slice %mul3A {offsets = [0, 64], sizes = [736, 16], strides = [1, 1]} : vector<736x128xf32> to vector<736x16xf32>
    %slice3A_150 = vector.extract_strided_slice %mul3A_15 {offsets = [0, 64], sizes = [736, 16], strides = [1, 1]} : vector<736x128xf32> to vector<736x16xf32>
    %get3A_151 = arith.constant 0 : index
    %get3A_152 = arith.constant 0 : index
    %get3A_153 = vector.load %arg8[%get3A_151, %get3A_152] : memref<16x64xf32, #tpu.memory_space<vmem>>, vector<16x64xf32>
    %dot_general3A_154 = arith.constant dense<0.000000e+00> : vector<736x64xf32>
    %dot_general3A_155 = tpu.matmul %slice3A_149, %get3A_153, %dot_general3A_154 {dimension_numbers = #tpu.dot_dimension_numbers<[1], [0], [0], [1], [0, 0, 1, 1], [], []>, transpose_lhs_hint = false} : vector<736x16xf32>, vector<16x64xf32>, vector<736x64xf32> -> vector<736x64xf32>
    %get3A_156 = arith.constant 0 : index
    %get3A_157 = arith.constant 0 : index
    %get3A_158 = vector.load %arg9[%get3A_156, %get3A_157] : memref<16x64xf32, #tpu.memory_space<vmem>>, vector<16x64xf32>
    %dot_general3A_159 = arith.constant dense<0.000000e+00> : vector<736x64xf32>
    %dot_general3A_160 = tpu.matmul %slice3A_150, %get3A_158, %dot_general3A_159 {dimension_numbers = #tpu.dot_dimension_numbers<[1], [0], [0], [1], [0, 0, 1, 1], [], []>, transpose_lhs_hint = false} : vector<736x16xf32>, vector<16x64xf32>, vector<736x64xf32> -> vector<736x64xf32>
    %add3A_161 = arith.addf %dot_general3A_155, %dot_general3A_160 : vector<736x64xf32>
    %get3A_162 = arith.constant 0 : index
    %get3A_163 = arith.constant 0 : index
    %get3A_164 = vector.load %arg10[%get3A_162, %get3A_163] : memref<1x64xf32, #tpu.memory_space<vmem>>, vector<1x64xf32>
    %add3A_165 = vector.broadcast %get3A_164 : vector<1x64xf32> to vector<736x64xf32>
    %add3A_166 = arith.addf %add3A_161, %add3A_165 : vector<736x64xf32>
    %max3A_167 = arith.constant 0.000000e+00 : f32
    %max3A_168 = vector.broadcast %max3A_167 : f32 to vector<736x64xf32>
    %max3A_169 = arith.maximumf %add3A_166, %max3A_168 : vector<736x64xf32>
    %slice3A_170 = vector.extract_strided_slice %select_n3A {offsets = [0, 4, 0], sizes = [736, 1, 70], strides = [1, 1, 1]} : vector<736x8x70xf32> to vector<736x1x70xf32>
    %squeeze3A_171 = vector.shape_cast %slice3A_170 : vector<736x1x70xf32> to vector<736x70xf32>
    %dot_general3A_172 = arith.constant dense<0.000000e+00> : vector<70x64xf32>
    %dot_general3A_173 = tpu.matmul %squeeze3A_171, %max3A_169, %dot_general3A_172 {dimension_numbers = #tpu.dot_dimension_numbers<[0], [0], [1], [1], [0, 1, 1, 1], [], []>, transpose_lhs_hint = false} : vector<736x70xf32>, vector<736x64xf32>, vector<70x64xf32> -> vector<70x64xf32>
    %add3A_174 = arith.addf %add3A_148, %dot_general3A_173 : vector<70x64xf32>
    %slice3A_175 = vector.extract_strided_slice %mul3A {offsets = [0, 80], sizes = [736, 16], strides = [1, 1]} : vector<736x128xf32> to vector<736x16xf32>
    %slice3A_176 = vector.extract_strided_slice %mul3A_15 {offsets = [0, 80], sizes = [736, 16], strides = [1, 1]} : vector<736x128xf32> to vector<736x16xf32>
    %get3A_177 = arith.constant 0 : index
    %get3A_178 = arith.constant 0 : index
    %get3A_179 = vector.load %arg8[%get3A_177, %get3A_178] : memref<16x64xf32, #tpu.memory_space<vmem>>, vector<16x64xf32>
    %dot_general3A_180 = arith.constant dense<0.000000e+00> : vector<736x64xf32>
    %dot_general3A_181 = tpu.matmul %slice3A_175, %get3A_179, %dot_general3A_180 {dimension_numbers = #tpu.dot_dimension_numbers<[1], [0], [0], [1], [0, 0, 1, 1], [], []>, transpose_lhs_hint = false} : vector<736x16xf32>, vector<16x64xf32>, vector<736x64xf32> -> vector<736x64xf32>
    %get3A_182 = arith.constant 0 : index
    %get3A_183 = arith.constant 0 : index
    %get3A_184 = vector.load %arg9[%get3A_182, %get3A_183] : memref<16x64xf32, #tpu.memory_space<vmem>>, vector<16x64xf32>
    %dot_general3A_185 = arith.constant dense<0.000000e+00> : vector<736x64xf32>
    %dot_general3A_186 = tpu.matmul %slice3A_176, %get3A_184, %dot_general3A_185 {dimension_numbers = #tpu.dot_dimension_numbers<[1], [0], [0], [1], [0, 0, 1, 1], [], []>, transpose_lhs_hint = false} : vector<736x16xf32>, vector<16x64xf32>, vector<736x64xf32> -> vector<736x64xf32>
    %add3A_187 = arith.addf %dot_general3A_181, %dot_general3A_186 : vector<736x64xf32>
    %get3A_188 = arith.constant 0 : index
    %get3A_189 = arith.constant 0 : index
    %get3A_190 = vector.load %arg10[%get3A_188, %get3A_189] : memref<1x64xf32, #tpu.memory_space<vmem>>, vector<1x64xf32>
    %add3A_191 = vector.broadcast %get3A_190 : vector<1x64xf32> to vector<736x64xf32>
    %add3A_192 = arith.addf %add3A_187, %add3A_191 : vector<736x64xf32>
    %max3A_193 = arith.constant 0.000000e+00 : f32
    %max3A_194 = vector.broadcast %max3A_193 : f32 to vector<736x64xf32>
    %max3A_195 = arith.maximumf %add3A_192, %max3A_194 : vector<736x64xf32>
    %slice3A_196 = vector.extract_strided_slice %select_n3A {offsets = [0, 5, 0], sizes = [736, 1, 70], strides = [1, 1, 1]} : vector<736x8x70xf32> to vector<736x1x70xf32>
    %squeeze3A_197 = vector.shape_cast %slice3A_196 : vector<736x1x70xf32> to vector<736x70xf32>
    %dot_general3A_198 = arith.constant dense<0.000000e+00> : vector<70x64xf32>
    %dot_general3A_199 = tpu.matmul %squeeze3A_197, %max3A_195, %dot_general3A_198 {dimension_numbers = #tpu.dot_dimension_numbers<[0], [0], [1], [1], [0, 1, 1, 1], [], []>, transpose_lhs_hint = false} : vector<736x70xf32>, vector<736x64xf32>, vector<70x64xf32> -> vector<70x64xf32>
    %add3A_200 = arith.addf %add3A_174, %dot_general3A_199 : vector<70x64xf32>
    %slice3A_201 = vector.extract_strided_slice %mul3A {offsets = [0, 96], sizes = [736, 16], strides = [1, 1]} : vector<736x128xf32> to vector<736x16xf32>
    %slice3A_202 = vector.extract_strided_slice %mul3A_15 {offsets = [0, 96], sizes = [736, 16], strides = [1, 1]} : vector<736x128xf32> to vector<736x16xf32>
    %get3A_203 = arith.constant 0 : index
    %get3A_204 = arith.constant 0 : index
    %get3A_205 = vector.load %arg8[%get3A_203, %get3A_204] : memref<16x64xf32, #tpu.memory_space<vmem>>, vector<16x64xf32>
    %dot_general3A_206 = arith.constant dense<0.000000e+00> : vector<736x64xf32>
    %dot_general3A_207 = tpu.matmul %slice3A_201, %get3A_205, %dot_general3A_206 {dimension_numbers = #tpu.dot_dimension_numbers<[1], [0], [0], [1], [0, 0, 1, 1], [], []>, transpose_lhs_hint = false} : vector<736x16xf32>, vector<16x64xf32>, vector<736x64xf32> -> vector<736x64xf32>
    %get3A_208 = arith.constant 0 : index
    %get3A_209 = arith.constant 0 : index
    %get3A_210 = vector.load %arg9[%get3A_208, %get3A_209] : memref<16x64xf32, #tpu.memory_space<vmem>>, vector<16x64xf32>
    %dot_general3A_211 = arith.constant dense<0.000000e+00> : vector<736x64xf32>
    %dot_general3A_212 = tpu.matmul %slice3A_202, %get3A_210, %dot_general3A_211 {dimension_numbers = #tpu.dot_dimension_numbers<[1], [0], [0], [1], [0, 0, 1, 1], [], []>, transpose_lhs_hint = false} : vector<736x16xf32>, vector<16x64xf32>, vector<736x64xf32> -> vector<736x64xf32>
    %add3A_213 = arith.addf %dot_general3A_207, %dot_general3A_212 : vector<736x64xf32>
    %get3A_214 = arith.constant 0 : index
    %get3A_215 = arith.constant 0 : index
    %get3A_216 = vector.load %arg10[%get3A_214, %get3A_215] : memref<1x64xf32, #tpu.memory_space<vmem>>, vector<1x64xf32>
    %add3A_217 = vector.broadcast %get3A_216 : vector<1x64xf32> to vector<736x64xf32>
    %add3A_218 = arith.addf %add3A_213, %add3A_217 : vector<736x64xf32>
    %max3A_219 = arith.constant 0.000000e+00 : f32
    %max3A_220 = vector.broadcast %max3A_219 : f32 to vector<736x64xf32>
    %max3A_221 = arith.maximumf %add3A_218, %max3A_220 : vector<736x64xf32>
    %slice3A_222 = vector.extract_strided_slice %select_n3A {offsets = [0, 6, 0], sizes = [736, 1, 70], strides = [1, 1, 1]} : vector<736x8x70xf32> to vector<736x1x70xf32>
    %squeeze3A_223 = vector.shape_cast %slice3A_222 : vector<736x1x70xf32> to vector<736x70xf32>
    %dot_general3A_224 = arith.constant dense<0.000000e+00> : vector<70x64xf32>
    %dot_general3A_225 = tpu.matmul %squeeze3A_223, %max3A_221, %dot_general3A_224 {dimension_numbers = #tpu.dot_dimension_numbers<[0], [0], [1], [1], [0, 1, 1, 1], [], []>, transpose_lhs_hint = false} : vector<736x70xf32>, vector<736x64xf32>, vector<70x64xf32> -> vector<70x64xf32>
    %add3A_226 = arith.addf %add3A_200, %dot_general3A_225 : vector<70x64xf32>
    %slice3A_227 = vector.extract_strided_slice %mul3A {offsets = [0, 112], sizes = [736, 16], strides = [1, 1]} : vector<736x128xf32> to vector<736x16xf32>
    %slice3A_228 = vector.extract_strided_slice %mul3A_15 {offsets = [0, 112], sizes = [736, 16], strides = [1, 1]} : vector<736x128xf32> to vector<736x16xf32>
    %get3A_229 = arith.constant 0 : index
    %get3A_230 = arith.constant 0 : index
    %get3A_231 = vector.load %arg8[%get3A_229, %get3A_230] : memref<16x64xf32, #tpu.memory_space<vmem>>, vector<16x64xf32>
    %dot_general3A_232 = arith.constant dense<0.000000e+00> : vector<736x64xf32>
    %dot_general3A_233 = tpu.matmul %slice3A_227, %get3A_231, %dot_general3A_232 {dimension_numbers = #tpu.dot_dimension_numbers<[1], [0], [0], [1], [0, 0, 1, 1], [], []>, transpose_lhs_hint = false} : vector<736x16xf32>, vector<16x64xf32>, vector<736x64xf32> -> vector<736x64xf32>
    %get3A_234 = arith.constant 0 : index
    %get3A_235 = arith.constant 0 : index
    %get3A_236 = vector.load %arg9[%get3A_234, %get3A_235] : memref<16x64xf32, #tpu.memory_space<vmem>>, vector<16x64xf32>
    %dot_general3A_237 = arith.constant dense<0.000000e+00> : vector<736x64xf32>
    %dot_general3A_238 = tpu.matmul %slice3A_228, %get3A_236, %dot_general3A_237 {dimension_numbers = #tpu.dot_dimension_numbers<[1], [0], [0], [1], [0, 0, 1, 1], [], []>, transpose_lhs_hint = false} : vector<736x16xf32>, vector<16x64xf32>, vector<736x64xf32> -> vector<736x64xf32>
    %add3A_239 = arith.addf %dot_general3A_233, %dot_general3A_238 : vector<736x64xf32>
    %get3A_240 = arith.constant 0 : index
    %get3A_241 = arith.constant 0 : index
    %get3A_242 = vector.load %arg10[%get3A_240, %get3A_241] : memref<1x64xf32, #tpu.memory_space<vmem>>, vector<1x64xf32>
    %add3A_243 = vector.broadcast %get3A_242 : vector<1x64xf32> to vector<736x64xf32>
    %add3A_244 = arith.addf %add3A_239, %add3A_243 : vector<736x64xf32>
    %max3A_245 = arith.constant 0.000000e+00 : f32
    %max3A_246 = vector.broadcast %max3A_245 : f32 to vector<736x64xf32>
    %max3A_247 = arith.maximumf %add3A_244, %max3A_246 : vector<736x64xf32>
    %slice3A_248 = vector.extract_strided_slice %select_n3A {offsets = [0, 7, 0], sizes = [736, 1, 70], strides = [1, 1, 1]} : vector<736x8x70xf32> to vector<736x1x70xf32>
    %squeeze3A_249 = vector.shape_cast %slice3A_248 : vector<736x1x70xf32> to vector<736x70xf32>
    %dot_general3A_250 = arith.constant dense<0.000000e+00> : vector<70x64xf32>
    %dot_general3A_251 = tpu.matmul %squeeze3A_249, %max3A_247, %dot_general3A_250 {dimension_numbers = #tpu.dot_dimension_numbers<[0], [0], [1], [1], [0, 1, 1, 1], [], []>, transpose_lhs_hint = false} : vector<736x70xf32>, vector<736x64xf32>, vector<70x64xf32> -> vector<70x64xf32>
    %add3A_252 = arith.addf %add3A_226, %dot_general3A_251 : vector<70x64xf32>
    %eq3A = arith.constant 0 : i32
    %eq3A_253 = arith.cmpi eq, %arg0, %eq3A : i32
    %convert_element_type3A = arith.extui %eq3A_253 : i1 to i32
    %cond3A = arith.constant 0 : i32
    %cond3A_254 = arith.cmpi ne, %convert_element_type3A, %cond3A : i32
    scf.if %cond3A_254 {
      %broadcast_in_dim3A_261 = arith.constant 0.000000e+00 : f32
      %broadcast_in_dim3A_262 = vector.broadcast %broadcast_in_dim3A_261 : f32 to vector<70x64xf32>
      %swap3A_263 = arith.constant 0 : index
      %swap3A_264 = arith.constant 0 : index
      %swap3A_265 = vector.load %arg11[%swap3A_263, %swap3A_264] : memref<70x64xf32, #tpu.memory_space<vmem>>, vector<70x64xf32>
      tpu.vector_store %arg11[%swap3A_263, %swap3A_264], %broadcast_in_dim3A_262 {strides = array<i32>} : memref<70x64xf32, #tpu.memory_space<vmem>>, vector<70x64xf32>,
    } else {
    }
    %get3A_255 = arith.constant 0 : index
    %get3A_256 = arith.constant 0 : index
    %get3A_257 = vector.load %arg11[%get3A_255, %get3A_256] : memref<70x64xf32, #tpu.memory_space<vmem>>, vector<70x64xf32>
    %add3A_258 = arith.addf %get3A_257, %add3A_252 : vector<70x64xf32>
    %swap3A = arith.constant 0 : index
    %swap3A_259 = arith.constant 0 : index
    %swap3A_260 = vector.load %arg11[%swap3A, %swap3A_259] : memref<70x64xf32, #tpu.memory_space<vmem>>, vector<70x64xf32>
    tpu.vector_store %arg11[%swap3A, %swap3A_259], %add3A_258 {strides = array<i32>} : memref<70x64xf32, #tpu.memory_space<vmem>>, vector<70x64xf32>,
    return
  }
  func.func @transform_0(%arg0: i32) -> (i32, i32) {
    %c0_i32 = arith.constant 0 : i32
    %c0_i32_0 = arith.constant 0 : i32
    return %arg0, %c0_i32 : i32, i32
  }
  func.func @transform_1(%arg0: i32) -> (i32, i32) {
    %add3A = arith.constant 17 : i32
    %add3A_0 = arith.addi %add3A, %arg0 : i32
    %c0_i32 = arith.constant 0 : i32
    %c0_i32_1 = arith.constant 0 : i32
    return %add3A_0, %c0_i32 : i32, i32
  }
  func.func @transform_2(%arg0: i32) -> (i32, i32) {
    %c0_i32 = arith.constant 0 : i32
    %c0_i32_0 = arith.constant 0 : i32
    return %arg0, %c0_i32 : i32, i32
  }
  func.func @transform_3(%arg0: i32) -> (i32, i32) {
    %c0_i32 = arith.constant 0 : i32
    %c0_i32_0 = arith.constant 0 : i32
    return %arg0, %c0_i32 : i32, i32
  }
  func.func @transform_4(%arg0: i32) -> (i32, i32) {
    %c0_i32 = arith.constant 0 : i32
    %c0_i32_0 = arith.constant 0 : i32
    return %arg0, %c0_i32 : i32, i32
  }
  func.func @transform_5(%arg0: i32) -> (i32, i32, i32) {
    %c0_i32 = arith.constant 0 : i32
    %c0_i32_0 = arith.constant 0 : i32
    %c0_i32_1 = arith.constant 0 : i32
    return %arg0, %c0_i32, %c0_i32_0 : i32, i32, i32
  }
  func.func @transform_6(%arg0: i32) -> (i32, i32, i32) {
    %c0_i32 = arith.constant 0 : i32
    %c0_i32_0 = arith.constant 0 : i32
    %c0_i32_1 = arith.constant 0 : i32
    return %arg0, %c0_i32, %c0_i32_0 : i32, i32, i32
  }
  func.func @transform_7(%arg0: i32) -> (i32, i32) {
    %c0_i32 = arith.constant 0 : i32
    %c0_i32_0 = arith.constant 0 : i32
    %c0_i32_1 = arith.constant 0 : i32
    return %c0_i32, %c0_i32_0 : i32, i32
  }
  func.func @transform_8(%arg0: i32) -> (i32, i32) {
    %c0_i32 = arith.constant 0 : i32
    %c0_i32_0 = arith.constant 0 : i32
    %c0_i32_1 = arith.constant 0 : i32
    return %c0_i32, %c0_i32_0 : i32, i32
  }
  func.func @transform_9(%arg0: i32) -> (i32, i32) {
    %c0_i32 = arith.constant 0 : i32
    %c0_i32_0 = arith.constant 0 : i32
    %c0_i32_1 = arith.constant 0 : i32
    return %c0_i32, %c0_i32_0 : i32, i32
  }
  func.func @transform_10(%arg0: i32) -> (i32, i32) {
    %c0_i32 = arith.constant 0 : i32
    %c0_i32_0 = arith.constant 0 : i32
    %c0_i32_1 = arith.constant 0 : i32
    return %c0_i32, %c0_i32_0 : i32, i32
  }
}

</mosaic_0001>

<sc_bundles>
// kernel: kernel.10.cloned.1.call-start
scs
__scs_entry_jumppad:
0x0: {  	(pc) =	sbr.rel $0x88, $3  }
0x1: {  	(tag) =	ssettag $0x0;
	lr =	simm.s32 $0x1  }
0x2: {  	[smem:$0x3F97] =	sst lr;
	_ =	strace $0xD0000000  }
0x3: {  	_ = 	snop  }
0x4: {  	_ = 	snop  }
0x5: {  	_ = 	snop  }
0x6: {  	_ = 	snop  }
0x7: {  	_ = 	snop  }
__scs_overlays_trampoline_lowered:
0x8: {  	[smem:$0x3FA6] =	sst s0  }
0x9: {  	[smem:$0x3FA7] =	sst s1  }
0xa: {  	[smem:$0x3FA8] =	sst s2  }
0xb: {  	[smem:$0x3FA9] =	sst s3  }
0xc: {  	[smem:$0x3FAA] =	sst s4  }
0xd: {  	[smem:$0x3FAB] =	sst s5  }
0xe: {  	[smem:$0x3FAC] =	sst s6  }
0xf: {  	[smem:$0x3FAD] =	sst s7  }
0x10: {  	[smem:$0x3FAE] =	sst s8  }
0x11: {  	[smem:$0x3FAF] =	sst s9;
	s0 =	simm.s32 @!p0 $0x0  }
0x12: {  	s1 =	sld [smem:$0x3F95];
	s0 =	simm.s32 @p0 $0x1  }
0x13: {  	[smem:$0x3FB0] =	sst s0;
	s0 =	simm.s32 @!p1 $0x0  }
0x14: {  	s2 =	sld [smem:$0x3F94];
	s0 =	simm.s32 @p1 $0x1  }
0x15: {  	[smem:$0x3FB1] =	sst s0;
	s0 =	simm.s32 @!p2 $0x0  }
0x16: {  	s3 =	sld [smem:$0x3FDB];
	s0 =	simm.s32 @p2 $0x1  }
0x17: {  	s4 =	simm.s32 $0x1BF5;
	[smem:$0x3FB3] =	sst s0  }
0x18: {  	s0 =	sld [smem:$0x3F96];
	_ =	swait.ge [sflag:s4], $0x0  }
0x19: {  	s7 =	sld [smem:$0x3F97]  }
0x1a: {  	s8 =	sadd.s32 $0xFFFFE003, lr  }
0x1b: {  	s9 =	sadd.s32 $0xFFFFFEF7, lr;
	s5 =	simm.s32 $0xFFFFFFFF;
	p2 =	slt.u32 s8, $0xFFFFF086  }
0x1c: {  	p1 =	slt.u32 s9, $0xF7A;
	s5 =	simm.s32 @!p2 $0x0  }
0x1d: {  	s5 =	simm.s32 @p1 $0x1;
	p0 =	seq.s32 s7, s2  }
0x1e: {  	s7 =	smul.u32 @!p0 $0xF7A, s2;
	p2 =	seq.s32 @!p0 s5, $0x0  }
0x1f: {  	s9 =	smul.u32 $0xF7A, s1;
	s8 =	simm.s32 @!p0 $0x1BF5;
	p2 =	por !p2, p0  }
0x20: {  	[sflag:s8] =	ssyncset.s32 @!p0 $0xFFFFF086;
	s6 =	sadd.s32 @!p0 s3, s7;
	s7 =	simm.s32 @!p0 $0x108  }
0x21: {  	s3 =	sadd.s32 s3, s9;
	s6 =	sadd.s32 @!p0 $0x88, s6;
	s7 =	simm.s32 @p2 $0x1082  }
0x22: {  	[simem:s7], [sflag:s8] =	dma.local @!p0 [hbm:s6], $0xF7A  }
0x23: {  	s9 =	sor.u32 $0xD0000000, s2;
	s6 =	simm.s32 $0x108;
	_ =	swait.ge @!p0 [sflag:s8], $0x0  }
0x24: {  	s3 =	sadd.s32 $0x88, s3;
	s6 =	simm.s32 @!p1 $0x1082;
	[sflag:s4] =	ssyncset.s32 $0xFFFFF086  }
0x25: {  	[simem:s6], [sflag:s4] =	dma.local [hbm:s3], $0xF7A  }
0x26: {  	[smem:$0x3F97] =	sst s1;
	(tag) =	ssettag s2;
	_ =	strace s9  }
0x27: {  	s1 =	sld [smem:$0x3FA7]  }
0x28: {  	s2 =	sld [smem:$0x3FA8]  }
0x29: {  	s4 =	sld [smem:$0x3FAA]  }
0x2a: {  	p0 =	seq.s32 s5, $0x0;
	s5 =	sld [smem:$0x3FAB]  }
0x2b: {  	s6 =	sld [smem:$0x3FAC]  }
0x2c: {  	s7 =	sld [smem:$0x3FAD]  }
0x2d: {  	s3 =	simm.s32 $0x108;
	s8 =	sld [smem:$0x3FAE]  }
0x2e: {  	s3 =	simm.s32 @!p0 $0x1082;
	s9 =	sld [smem:$0x3FAF]  }
0x2f: {  	lr =	sadd.s32 s0, s3;
	s0 =	sld [smem:$0x3FA6]  }
0x30: {  	s3 =	sld [smem:$0x3FA9]  }
0x31: {  	[smem:$0x3FB2] =	sst s10  }
0x32: {  	s10 =	sld [smem:$0x3FB0];
	_ =	sdelay $0x3  }
0x33: {  	p0 =	seq.s32 s10, $0x1;
	s10 =	sld [smem:$0x3FB2];
	_ =	sdelay $0x3  }
0x34: {  	[smem:$0x3FB2] =	sst s10  }
0x35: {  	s10 =	sld [smem:$0x3FB1];
	_ =	sdelay $0x3  }
0x36: {  	p1 =	seq.s32 s10, $0x1;
	s10 =	sld [smem:$0x3FB2];
	_ =	sdelay $0x3  }
0x37: {  	[smem:$0x3FB2] =	sst s10  }
0x38: {  	s10 =	sld [smem:$0x3FB3]  }
0x39: {  	_ = 	snop;
	(pc) =	sbr.ind lr, $3  }
0x3a: {  	_ = 	snop  }
0x3b: {  	_ = 	snop  }
0x3c: {  	p2 =	seq.s32 s10, $0x1;
	s10 =	sld [smem:$0x3FB2]  }
0x3d: {  	_ =	shalt  }
0x3e: {  	_ =	shalt  }
0x3f: {  	_ =	shalt  }
0x40: {  	_ =	shalt  }
0x41: {  	_ =	shalt  }
0x42: {  	_ =	shalt  }
0x43: {  	_ =	shalt  }
0x44: {  	_ =	shalt  }
0x45: {  	_ =	shalt  }
0x46: {  	_ =	shalt  }
0x47: {  	_ =	shalt  }
0x48: {  	_ =	shalt  }
0x49: {  	_ =	shalt  }
0x4a: {  	_ =	shalt  }
0x4b: {  	_ =	shalt  }
0x4c: {  	_ =	shalt  }
0x4d: {  	_ =	shalt  }
0x4e: {  	_ =	shalt  }
0x4f: {  	_ =	shalt  }
0x50: {  	_ =	shalt  }
0x51: {  	_ =	shalt  }
0x52: {  	_ =	shalt  }
0x53: {  	_ =	shalt  }
0x54: {  	_ =	shalt  }
0x55: {  	_ =	shalt  }
0x56: {  	_ =	shalt  }
0x57: {  	_ =	shalt  }
0x58: {  	_ =	shalt  }
0x59: {  	_ =	shalt  }
0x5a: {  	_ =	shalt  }
0x5b: {  	_ =	shalt  }
0x5c: {  	_ =	shalt  }
0x5d: {  	_ =	shalt  }
0x5e: {  	_ =	shalt  }
0x5f: {  	_ =	shalt  }
0x60: {  	_ =	shalt  }
0x61: {  	_ =	shalt  }
0x62: {  	_ =	shalt  }
0x63: {  	_ =	shalt  }
0x64: {  	_ =	shalt  }
0x65: {  	_ =	shalt  }
0x66: {  	_ =	shalt  }
0x67: {  	_ =	shalt  }
0x68: {  	_ =	shalt  }
0x69: {  	_ =	shalt  }
0x6a: {  	_ =	shalt  }
0x6b: {  	_ =	shalt  }
0x6c: {  	_ =	shalt  }
0x6d: {  	_ =	shalt  }
0x6e: {  	_ =	shalt  }
0x6f: {  	_ =	shalt  }
0x70: {  	_ =	shalt  }
0x71: {  	_ =	shalt  }
0x72: {  	_ =	shalt  }
0x73: {  	_ =	shalt  }
0x74: {  	_ =	shalt  }
0x75: {  	_ =	shalt  }
0x76: {  	_ =	shalt  }
0x77: {  	_ =	shalt  }
0x78: {  	_ =	shalt  }
0x79: {  	_ =	shalt  }
0x7a: {  	_ =	shalt  }
0x7b: {  	_ =	shalt  }
0x7c: {  	_ =	shalt  }
0x7d: {  	_ =	shalt  }
0x7e: {  	_ =	shalt  }
0x7f: {  	_ =	shalt  }
0x80: {  	_ =	shalt  }
0x81: {  	_ =	shalt  }
0x82: {  	_ =	shalt  }
0x83: {  	_ =	shalt  }
0x84: {  	_ =	shalt  }
0x85: {  	_ =	shalt  }
0x86: {  	_ =	shalt  }
0x87: {  	_ =	shalt  }
.Lfunc_end0:
.L_simem_size_0:
called_computation_lowered:
.L_overlay_start_0:
0x88: {  	s2 =	sld [smem:$0x3FD9]  }
0x89: {  	s3 =	sld [smem:$0x3FFE];
	_ =	sdelay $0x1  }
0x8a: {  	s1 =	srdreg.scid  }
0x8b: {  	s0 =	sand.u32 $0x1, s1  }
0x8c: {  	s17 =	sshll.u32 s0, $0xA;
	s2 =	sadd.s32 s3, s2  }
0x8d: {  	s2 =	sadd.s32 s2, s17  }
0x8e: {  	[smem:$0x3FBE] =	sst s2  }
0x8f: {  	_ = 	snop  }
0x90: {  	s2 =	sld [smem:$0x3FD0];
	(tm) =	ssettm $0x1  }
0x91: {  	s18 =	sld [smem:$0x3FFB];
	_ =	sdelay $0x3  }
0x92: {  	_ =	strace s18  }
0x93: {  	s3 =	sld [smem:$0x3FFC];
	_ =	sdelay $0x3  }
0x94: {  	_ =	strace s3  }
0x95: {  	s3 =	sld [smem:$0x3FFD];
	_ =	sdelay $0x3  }
0x96: {  	_ =	strace s3  }
0x97: {  	_ =	strace $0x8FFFFFFF  }
0x98: {  	s19 =	sld [smem:$0x3FDB];
	_ =	sdelay $0x1  }
0x99: {  	s4 =	simm.s32 $_scs_section_size  }
0x9a: {  	s5 =	simm.s32 $_size__tile_overlayer_lowered;
	s6 =	simm.s32 $_tile_overlayer_lowered  }
0x9b: {  	s22 =	simm.s32 $0x1BFF;
	s21 =	sshll.u32 s6, $0x1;
	s3 =	sadd.s32 s4, s19  }
0x9c: {  	s7 =	simm.s32 $0x0;
	s20 =	sshll.u32 s5, $0x1;
	s5 =	sadd.s32 s21, s3  }
0x9d: {  	[timem:s7], [sflag:s22] =	dma.local [hbm:s5], s20  }
0x9e: {  	_ =	swait.ge [sflag:s22], s20  }
0x9f: {  	s4 =	ssub.s32 $0x0, s20;
	[sflag:s22] =	ssyncset.done $0x0  }
0xa0: {  	[sflag:s22] =	ssyncadd.s32 s4;
	_ =	sdelay $0x1  }
0xa1: {  	s23 =	simm.s32 $0x1B8B  }
0xa2: {  	_ =	swait.ge [sflag:s23], $0x1  }
0xa3: {  	[sflag:s23] =	ssyncset.done $0x0  }
0xa4: {  	s25 =	simm.s32 $0x1B8E;
	s24 =	sld [smem:$0x3FFE];
	[sflag:s23] =	ssyncadd.s32 $0xFFFFFFFF  }
0xa5: {  	s26 =	simm.s32 $execute0_lowered;
	[smem:$0x3FD2] =	sst s25  }
0xa6: {  	s5 =	sshll.u32 s26, $0x1;
	_ =	strace $0x80000046;
	[dreg:$0x1] =	wrdreg $0xFFFFFFFF  }
0xa7: {  	s28 =	simm.s32 $_size_execute0_lowered;
	s3 =	sadd.s32 s3, s5;
	[dreg:$0x0] =	wrdreg $0x0  }
0xa8: {  	s5 =	sshll.u32 s28, $0x1;
	[dreg:$0x2] =	wrdreg s3  }
0xa9: {  	[dreg:$0x3] =	wrdreg s5  }
0xaa: {  	[dreg:$0x4] =	wrdreg $0xC0  }
0xab: {  	_ =	task [dreg:s7], $0x5FFFF  }
0xac: {  	[dreg:$0x1] =	wrdreg $0xFFFFFFFF  }
0xad: {  	[dreg:$0x0] =	wrdreg $0x60  }
0xae: {  	[dreg:$0x2] =	wrdreg s24  }
0xaf: {  	[dreg:$0x3] =	wrdreg s2  }
0xb0: {  	[dreg:$0x4] =	wrdreg $0x24000  }
0xb1: {  	[dreg:$0x5] =	wrdreg $0x9  }
0xb2: {  	_ =	task.clear_ibuf [dreg:s7], $0x6FFFF;
	_ =	strace $0x90000046  }
0xb3: {  	s29 =	simm.s32 $0x9;
	_ =	strace $0x80000048  }
0xb4: {  	_ =	swait.ge [sflag:s29], $0x1  }
0xb5: {  	[sflag:s29] =	ssyncadd.s32 $0xFFFFFFFF  }
0xb6: {  	_ =	strace $0x90000048  }
0xb7: {  	_ =	sfence  }
0xb8: {  	s30 =	sld [smem:$0x0];
	_ =	sdelay $0x2  }
0xb9: {  	s31 =	sshll.u32 s1, $0xD;
	s1 =	sshrl.u32 s1, $0x2  }
0xba: {  	s3 =	sand.u32 $0x4000, s31;
	s1 =	sadd.s32 s1, s30  }
0xbb: {  	s0 =	sor.u32 s3, s0;
	s1 =	sshll.u32 s1, $0x11  }
0xbc: {  	s0 =	sor.u32 s1, s0  }
0xbd: {  	s0 =	sadd.s32 $0x8F2B, s0  }
0xbe: {  	[sflag:s0] =	ssyncadd.remote.s32 $0x1  }
0xbf: {  	_ =	sfence.sel $0xFFFF  }
0xc0: {  	[dreg:$0x0] =	wrdreg $0xFFFFFFFF;
	(pc) =	sbr.abs _section_cstart, $3  }
0xc1: {  	[dreg:$0x1] =	wrdreg $0xFFFFFFFF  }
0xc2: {  	_ =	task.clear_ibuf [dreg:s7], $0x2FFFF;
	_ =	strace $0x9FFFFFFF  }
0xc3: {  	(tm) =	ssettm $0x7FFFFFFF  }
tec
execute0_lowered:
.L_overlay_start_1:
0x0: {  	(tag) =	ssettag $0x1  }
0x1: {  	s6 =	rddreg [dreg:$0x0]  }
0x2: {  	s2 =	rddreg [dreg:$0x1]  }
0x3: {  	s3 =	rddreg [dreg:$0x2]  }
0x4: {  	s0 =	rddreg [dreg:$0x3]  }
0x5: {  	s1 =	stileid.u32;
	s4 =	simm.s32 $0x0;
	s5 =	srdreg.scid  }
0x6: {  	s13 =	simm.s32 $0x1C00;
	s14 =	simm.s32 $0x1;
	s15 =	simm.s32 $0x80  }
0x7: {  	s16 =	simm.s32 $0x2;
	s17 =	simm.s32 $0x0;
	s7 =	smul.u32 $0x18700, s1  }
0x8: {  	[smem:$0x7FF] =	sst s4;
	s8 =	sand.u32 $0x1, s5;
	s9 =	smul.u32 $0x30E0, s1  }
0x9: {  	s5 =	sadd.s32 $0x4E00, s6;
	s29 =	sshll.u32 s1, $0x1;
	s31 =	sshll.u32 s1, $0x6  }
0xa: {  	_ =	strace $0x80000047;
	s10 =	smul.u32 $0x30E00, s8;
	s12 =	ssub.s32 $0x2, s8  }
0xb: {  	s8 =	sor.u32 s8, s29;
	s11 =	sshrl.u32 s7, $0x3;
	s28 =	sshrl.u32 s12, $0x1  }
0xc: {  	s30 =	sadd.s32 s7, s3;
	s7 =	sor.u32 $0x1C03, s31;
	s8 =	smul.u32 $0x188, s8  }
0xd: {  	s11 =	sadd.s32 s11, s6;
	s9 =	sadd.s32 s9, s10;
	s10 =	ssub.s32 s12, s28  }
0xe: {  	s12 =	simm.s32 $0x3;
	s9 =	sadd.s32 s9, s6;
	s6 =	sadd.s32 $0x35E00, s11  }
0xf: {  	s10 =	smax.u32 s10, $0x1;
	s11 =	sshrl.u32 s30, $0x3;
	s9 =	sadd.s32 $0x66C00, s9  }
.LBB2_1:
0x10: {  	[spmem:s11], [sflag:s7] =	dma.local [hbm:s6], $0x30E0  }
0x11: {  	_ =	swait.ge [sflag:s12], $0x30E0  }
0x12: {  	[sflag:s12] =	ssyncset.done $0x0  }
0x13: {  	[sflag:s12] =	ssyncadd.s32 $0xFFFFCF20  }
0x14: {  	[tilespmem:s13], [sflag:$0x3] =	stream.linear.gather [hbm4b:s2+s4], $0x800, $0x38;
	[tilespmem:$0x1AB00] =	vst v63  }
0x15: {  	_ =	swait.ge [sflag:s12], $0x800  }
0x16: {  	[sflag:s12] =	ssyncset.done $0x0  }
0x17: {  	[sflag:s12] =	ssyncadd.s32 $0xFFFFF800  }
0x18: {  	s18 =	simm.s32 $0x0;
	[bflag:$0x0] =	sbarrier.arrive $0xFFFF  }
.LBB2_2:
0x19: {  	s19 =	smul.u32 $0x38, s18;
	_ =	sdelay $0x1  }
0x1a: {  	s19 =	sadd.s32 s8, s19  }
0x1b: {  	s19 =	sshll.u32 s19, $0x4  }
0x1c: {  	s20 =	simm.s32 $0x0;
	s19 =	sadd.s32 s5, s19  }
0x1d: {  	[tilespmem:s20], [sflag:$0x1] =	stream.linear.gather [hbm4b:s19+s20], $0x1C00, $0x38;
	[tilespmem:$0x1AB00] =	vst v63  }
0x1e: {  	_ =	swait.ge [sflag:s14], $0x1C00  }
0x1f: {  	[sflag:s14] =	ssyncset.done $0x0  }
0x20: {  	s23 =	simm.s32 $0x0;
	[sflag:s14] =	ssyncadd.s32 $0xFFFFE400  }
0x21: {  	[spmem:s3] =	stream.indirect.scatter.add.f32 [tilespmem:s13], [sflag:$0x2], $0x10, s23, s15, $0xb8;
	[tilespmem:$0x1AB00] =	vst v63  }
0x22: {  	s24 =	simm.s32 $0x80  }
0x23: {  	[spmem:s3] =	stream.indirect.scatter.add.f32 [tilespmem:s13], [sflag:$0x2], $0x10, s24, s15, $0xb8;
	[tilespmem:$0x1AB00] =	vst v63  }
0x24: {  	s25 =	simm.s32 $0x100  }
0x25: {  	[spmem:s3] =	stream.indirect.scatter.add.f32 [tilespmem:s13], [sflag:$0x2], $0x10, s25, s15, $0xb8;
	[tilespmem:$0x1AB00] =	vst v63  }
0x26: {  	s26 =	simm.s32 $0x180  }
0x27: {  	[spmem:s3] =	stream.indirect.scatter.add.f32 [tilespmem:s13], [sflag:$0x2], $0x10, s26, s15, $0xb8;
	[tilespmem:$0x1AB00] =	vst v63  }
0x28: {  	s28 =	simm.s32 $0x200  }
0x29: {  	[spmem:s3] =	stream.indirect.scatter.add.f32 [tilespmem:s13], [sflag:$0x2], $0x10, s28, s15, $0xb8;
	[tilespmem:$0x1AB00] =	vst v63  }
0x2a: {  	s29 =	simm.s32 $0x280  }
0x2b: {  	[spmem:s3] =	stream.indirect.scatter.add.f32 [tilespmem:s13], [sflag:$0x2], $0x10, s29, s15, $0xb8;
	[tilespmem:$0x1AB00] =	vst v63  }
0x2c: {  	s30 =	simm.s32 $0x300  }
0x2d: {  	[spmem:s3] =	stream.indirect.scatter.add.f32 [tilespmem:s13], [sflag:$0x2], $0x10, s30, s15, $0xb8;
	[tilespmem:$0x1AB00] =	vst v63  }
0x2e: {  	s31 =	simm.s32 $0x380  }
0x2f: {  	[spmem:s3] =	stream.indirect.scatter.add.f32 [tilespmem:s13], [sflag:$0x2], $0x10, s31, s15, $0xb8;
	[tilespmem:$0x1AB00] =	vst v63  }
0x30: {  	_ =	swait.ge [sflag:s16], $0x800  }
0x31: {  	[sflag:s16] =	ssyncset.done $0x0  }
0x32: {  	[sflag:s16] =	ssyncadd.s32 $0xFFFFF800  }
0x33: {  	_ =	swait.ge [sflag:s16], $0x800  }
0x34: {  	[sflag:s16] =	ssyncset.done $0x0  }
0x35: {  	[sflag:s16] =	ssyncadd.s32 $0xFFFFF800  }
0x36: {  	_ =	swait.ge [sflag:s16], $0x800  }
0x37: {  	[sflag:s16] =	ssyncset.done $0x0  }
0x38: {  	[sflag:s16] =	ssyncadd.s32 $0xFFFFF800  }
0x39: {  	_ =	swait.ge [sflag:s16], $0x800  }
0x3a: {  	[sflag:s16] =	ssyncset.done $0x0  }
0x3b: {  	[sflag:s16] =	ssyncadd.s32 $0xFFFFF800  }
0x3c: {  	_ =	swait.ge [sflag:s16], $0x800  }
0x3d: {  	[sflag:s16] =	ssyncset.done $0x0  }
0x3e: {  	[sflag:s16] =	ssyncadd.s32 $0xFFFFF800  }
0x3f: {  	_ =	swait.ge [sflag:s16], $0x800  }
0x40: {  	[sflag:s16] =	ssyncset.done $0x0  }
0x41: {  	[sflag:s16] =	ssyncadd.s32 $0xFFFFF800  }
0x42: {  	_ =	swait.ge [sflag:s16], $0x800  }
0x43: {  	[sflag:s16] =	ssyncset.done $0x0  }
0x44: {  	[sflag:s16] =	ssyncadd.s32 $0xFFFFF800  }
0x45: {  	_ =	swait.ge [sflag:s16], $0x800  }
0x46: {  	s21 =	simm.s32 $0x2000;
	s19 =	simm.s32 $0x1000;
	[sflag:s16] =	ssyncset.done $0x0  }
.LBB2_3:
0x47: {  	s22 =	sshra.s32 s19, $0x2  }
0x48: {  	[sflag:s16] =	ssyncadd.s32 $0xFFFFF800;
	s19 =	smov.u32 s21;
	s20 =	sadd.s32 $0x1000, s21  }
0x49: {  	[spmem:s3] =	stream.indirect.scatter.add.f32 [tilespmem:s13], [sflag:$0x2], $0x10, s22, s15, $0xb8;
	[tilespmem:$0x1AB00] =	vst v63  }
0x4a: {  	p0 =	sne.s32 s21, $0x6000;
	s21 =	sadd.s32 $0x80, s22  }
0x4b: {  	[spmem:s3] =	stream.indirect.scatter.add.f32 [tilespmem:s13], [sflag:$0x2], $0x10, s21, s15, $0xb8;
	[tilespmem:$0x1AB00] =	vst v63  }
0x4c: {  	s21 =	sadd.s32 $0x100, s22  }
0x4d: {  	[spmem:s3] =	stream.indirect.scatter.add.f32 [tilespmem:s13], [sflag:$0x2], $0x10, s21, s15, $0xb8;
	[tilespmem:$0x1AB00] =	vst v63  }
0x4e: {  	s21 =	sadd.s32 $0x180, s22  }
0x4f: {  	[spmem:s3] =	stream.indirect.scatter.add.f32 [tilespmem:s13], [sflag:$0x2], $0x10, s21, s15, $0xb8;
	[tilespmem:$0x1AB00] =	vst v63  }
0x50: {  	s21 =	sadd.s32 $0x200, s22  }
0x51: {  	[spmem:s3] =	stream.indirect.scatter.add.f32 [tilespmem:s13], [sflag:$0x2], $0x10, s21, s15, $0xb8;
	[tilespmem:$0x1AB00] =	vst v63  }
0x52: {  	s21 =	sadd.s32 $0x280, s22  }
0x53: {  	[spmem:s3] =	stream.indirect.scatter.add.f32 [tilespmem:s13], [sflag:$0x2], $0x10, s21, s15, $0xb8;
	[tilespmem:$0x1AB00] =	vst v63  }
0x54: {  	s21 =	sadd.s32 $0x300, s22  }
0x55: {  	[spmem:s3] =	stream.indirect.scatter.add.f32 [tilespmem:s13], [sflag:$0x2], $0x10, s21, s15, $0xb8;
	[tilespmem:$0x1AB00] =	vst v63  }
0x56: {  	s21 =	sadd.s32 $0x380, s22  }
0x57: {  	[spmem:s3] =	stream.indirect.scatter.add.f32 [tilespmem:s13], [sflag:$0x2], $0x10, s21, s15, $0xb8;
	[tilespmem:$0x1AB00] =	vst v63  }
0x58: {  	_ =	swait.ge [sflag:s16], $0x800  }
0x59: {  	[sflag:s16] =	ssyncset.done $0x0  }
0x5a: {  	[sflag:s16] =	ssyncadd.s32 $0xFFFFF800  }
0x5b: {  	_ =	swait.ge [sflag:s16], $0x800  }
0x5c: {  	[sflag:s16] =	ssyncset.done $0x0  }
0x5d: {  	[sflag:s16] =	ssyncadd.s32 $0xFFFFF800  }
0x5e: {  	_ =	swait.ge [sflag:s16], $0x800  }
0x5f: {  	[sflag:s16] =	ssyncset.done $0x0  }
0x60: {  	[sflag:s16] =	ssyncadd.s32 $0xFFFFF800  }
0x61: {  	_ =	swait.ge [sflag:s16], $0x800  }
0x62: {  	[sflag:s16] =	ssyncset.done $0x0  }
0x63: {  	[sflag:s16] =	ssyncadd.s32 $0xFFFFF800  }
0x64: {  	_ =	swait.ge [sflag:s16], $0x800  }
0x65: {  	[sflag:s16] =	ssyncset.done $0x0  }
0x66: {  	[sflag:s16] =	ssyncadd.s32 $0xFFFFF800  }
0x67: {  	_ =	swait.ge [sflag:s16], $0x800  }
0x68: {  	[sflag:s16] =	ssyncset.done $0x0  }
0x69: {  	[sflag:s16] =	ssyncadd.s32 $0xFFFFF800  }
.Ltmp0:
0x6a: {  	_ =	swait.ge [sflag:s16], $0x800;
	(pc) =	sbr.rel @p0 .LBB2_3-.Ltmp0, $4  }
0x6b: {  	[sflag:s16] =	ssyncset.done $0x0  }
0x6c: {  	[sflag:s16] =	ssyncadd.s32 $0xFFFFF800  }
0x6d: {  	_ =	swait.ge [sflag:s16], $0x800  }
0x6e: {  	s21 =	smov.u32 s20;
	[sflag:s16] =	ssyncset.done $0x0  }
0x6f: {  	s19 =	sshra.s32 s19, $0x2;
	[sflag:s16] =	ssyncadd.s32 $0xFFFFF800  }
0x70: {  	[spmem:s3] =	stream.indirect.scatter.add.f32 [tilespmem:s13], [sflag:$0x2], $0x10, s19, s15, $0xb8;
	[tilespmem:$0x1AB00] =	vst v63  }
0x71: {  	s20 =	sadd.s32 $0x80, s19  }
0x72: {  	[spmem:s3] =	stream.indirect.scatter.add.f32 [tilespmem:s13], [sflag:$0x2], $0x10, s20, s15, $0xb8;
	[tilespmem:$0x1AB00] =	vst v63  }
0x73: {  	s26 =	sadd.s32 $0x100, s19  }
0x74: {  	[spmem:s3] =	stream.indirect.scatter.add.f32 [tilespmem:s13], [sflag:$0x2], $0x10, s26, s15, $0xb8;
	[tilespmem:$0x1AB00] =	vst v63  }
0x75: {  	s28 =	sadd.s32 $0x180, s19  }
0x76: {  	[spmem:s3] =	stream.indirect.scatter.add.f32 [tilespmem:s13], [sflag:$0x2], $0x10, s28, s15, $0xb8;
	[tilespmem:$0x1AB00] =	vst v63  }
0x77: {  	s29 =	sadd.s32 $0x200, s19  }
0x78: {  	[spmem:s3] =	stream.indirect.scatter.add.f32 [tilespmem:s13], [sflag:$0x2], $0x10, s29, s15, $0xb8;
	[tilespmem:$0x1AB00] =	vst v63  }
0x79: {  	s30 =	sadd.s32 $0x280, s19  }
0x7a: {  	[spmem:s3] =	stream.indirect.scatter.add.f32 [tilespmem:s13], [sflag:$0x2], $0x10, s30, s15, $0xb8;
	[tilespmem:$0x1AB00] =	vst v63  }
0x7b: {  	s31 =	sadd.s32 $0x300, s19  }
0x7c: {  	[spmem:s3] =	stream.indirect.scatter.add.f32 [tilespmem:s13], [sflag:$0x2], $0x10, s31, s15, $0xb8;
	[tilespmem:$0x1AB00] =	vst v63  }
0x7d: {  	s19 =	sadd.s32 $0x380, s19  }
0x7e: {  	[spmem:s3] =	stream.indirect.scatter.add.f32 [tilespmem:s13], [sflag:$0x2], $0x10, s19, s15, $0xb8;
	[tilespmem:$0x1AB00] =	vst v63  }
0x7f: {  	_ =	swait.ge [sflag:s16], $0x800  }
0x80: {  	[sflag:s16] =	ssyncset.done $0x0  }
0x81: {  	[sflag:s16] =	ssyncadd.s32 $0xFFFFF800  }
0x82: {  	_ =	swait.ge [sflag:s16], $0x800  }
0x83: {  	[sflag:s16] =	ssyncset.done $0x0  }
0x84: {  	[sflag:s16] =	ssyncadd.s32 $0xFFFFF800  }
0x85: {  	_ =	swait.ge [sflag:s16], $0x800  }
0x86: {  	[sflag:s16] =	ssyncset.done $0x0  }
0x87: {  	[sflag:s16] =	ssyncadd.s32 $0xFFFFF800  }
0x88: {  	_ =	swait.ge [sflag:s16], $0x800  }
0x89: {  	[sflag:s16] =	ssyncset.done $0x0  }
0x8a: {  	[sflag:s16] =	ssyncadd.s32 $0xFFFFF800  }
0x8b: {  	_ =	swait.ge [sflag:s16], $0x800  }
0x8c: {  	[sflag:s16] =	ssyncset.done $0x0  }
0x8d: {  	[sflag:s16] =	ssyncadd.s32 $0xFFFFF800  }
0x8e: {  	_ =	swait.ge [sflag:s16], $0x800  }
0x8f: {  	[sflag:s16] =	ssyncset.done $0x0  }
0x90: {  	s18 =	sadd.s32 $0x1, s18;
	[sflag:s16] =	ssyncadd.s32 $0xFFFFF800  }
0x91: {  	p0 =	sne.s32 s18, $0x7;
	_ =	swait.ge [sflag:s16], $0x800  }
.Ltmp1:
0x92: {  	[sflag:s16] =	ssyncset.done $0x0;
	(pc) =	sbr.rel @p0 .LBB2_2-.Ltmp1, $4  }
0x93: {  	[sflag:s16] =	ssyncadd.s32 $0xFFFFF800  }
0x94: {  	_ =	swait.ge [sflag:s16], $0x800  }
0x95: {  	[sflag:s16] =	ssyncset.done $0x0  }
0x96: {  	[sflag:s16] =	ssyncadd.s32 $0xFFFFF800  }
0x97: {  	s17 =	sadd.s32 $0x1, s17  }
0x98: {  	p0 =	sne.s32 s17, s10  }
.Ltmp2:
0x99: {  	[bflag:$0x0] =	sbarrier.arrive $0xFFFF;
	(pc) =	sbr.rel @p0 .LBB2_1-.Ltmp2, $4  }
0x9a: {  	[hbm:s9], [sflag:s7] =	dma.local [spmem:s11], $0x30E0  }
0x9b: {  	_ =	swait.ge [sflag:s12], $0x30E0  }
0x9c: {  	[sflag:s12] =	ssyncset.done $0x0  }
0x9d: {  	[sflag:s12] =	ssyncadd.s32 $0xFFFFCF20  }
0x9e: {  	_ =	sfence.sel $0x180000  }
0x9f: {  	[bflag:$0x0] =	sbarrier.arrive $0xFFFF  }
0xa0: {  	p0 =	sne.s32 s1, $0x0;
	_ =	strace $0x90000047  }
0xa1: {  	s0 =	sadd.s32 @!p0 $0x100000, s0;
	[bflag:$0x2] =	sbarrier.arrive $0xFFFF  }
0xa2: {  	[sflag:s0] =	ssyncadd.tile.s32 @!p0 $0x1;
	_ =	shalt  }
.Lfunc_end2:
_tile_overlayer_lowered:
.L_overlay_start_2:
0xa3: {  	(tag) =	ssettag $0x2  }
0xa4: {  	s0 =	rddreg [dreg:$0x0];
	s2 =	stileid.u32  }
0xa5: {  	s1 =	rddreg [dreg:$0x1];
	p0 =	sne.s32 s2, $0x0  }
0xa6: {  	s3 =	rddreg [dreg:$0x2];
	[bflag:$0x3] =	sbarrier.arrive $0xFFFF;
	s2 =	simm.s32 @!p0 $0x1C03  }
0xa7: {  	[timem:s3], [sflag:s2] =	dma.local @!p0 [hbm:s0], s1  }
0xa8: {  	s0 =	simm.s32 @!p0 $0x3  }
0xa9: {  	_ =	swait.ge @!p0 [sflag:s0], s1  }
0xaa: {  	s1 =	ssub.s32 @!p0 $0x0, s1;
	[sflag:s0] =	ssyncset.done @!p0 $0x0  }
0xab: {  	[sflag:s0] =	ssyncadd.s32 @!p0 s1  }
0xac: {  	[bflag:$0x3] =	sbarrier.arrive $0xFFFF  }
0xad: {  	_ =	shalt  }

// kernel: kernel.13.cloned.1.call-start
scs
__scs_entry_jumppad:
0x0: {  	(pc) =	sbr.rel $0x88, $3  }
0x1: {  	(tag) =	ssettag $0x0;
	lr =	simm.s32 $0x1  }
0x2: {  	[smem:$0x3F97] =	sst lr;
	_ =	strace $0xD0000000  }
0x3: {  	_ = 	snop  }
0x4: {  	_ = 	snop  }
0x5: {  	_ = 	snop  }
0x6: {  	_ = 	snop  }
0x7: {  	_ = 	snop  }
__scs_overlays_trampoline_lowered:
0x8: {  	[smem:$0x3FA6] =	sst s0  }
0x9: {  	[smem:$0x3FA7] =	sst s1  }
0xa: {  	[smem:$0x3FA8] =	sst s2  }
0xb: {  	[smem:$0x3FA9] =	sst s3  }
0xc: {  	[smem:$0x3FAA] =	sst s4  }
0xd: {  	[smem:$0x3FAB] =	sst s5  }
0xe: {  	[smem:$0x3FAC] =	sst s6  }
0xf: {  	[smem:$0x3FAD] =	sst s7  }
0x10: {  	[smem:$0x3FAE] =	sst s8  }
0x11: {  	[smem:$0x3FAF] =	sst s9;
	s0 =	simm.s32 @!p0 $0x0  }
0x12: {  	s1 =	sld [smem:$0x3F95];
	s0 =	simm.s32 @p0 $0x1  }
0x13: {  	[smem:$0x3FB0] =	sst s0;
	s0 =	simm.s32 @!p1 $0x0  }
0x14: {  	s2 =	sld [smem:$0x3F94];
	s0 =	simm.s32 @p1 $0x1  }
0x15: {  	[smem:$0x3FB1] =	sst s0;
	s0 =	simm.s32 @!p2 $0x0  }
0x16: {  	s3 =	sld [smem:$0x3FDB];
	s0 =	simm.s32 @p2 $0x1  }
0x17: {  	s4 =	simm.s32 $0x1BF5;
	[smem:$0x3FB3] =	sst s0  }
0x18: {  	s0 =	sld [smem:$0x3F96];
	_ =	swait.ge [sflag:s4], $0x0  }
0x19: {  	s7 =	sld [smem:$0x3F97]  }
0x1a: {  	s8 =	sadd.s32 $0xFFFFE003, lr  }
0x1b: {  	s9 =	sadd.s32 $0xFFFFFEF7, lr;
	s5 =	simm.s32 $0xFFFFFFFF;
	p2 =	slt.u32 s8, $0xFFFFF086  }
0x1c: {  	p1 =	slt.u32 s9, $0xF7A;
	s5 =	simm.s32 @!p2 $0x0  }
0x1d: {  	s5 =	simm.s32 @p1 $0x1;
	p0 =	seq.s32 s7, s2  }
0x1e: {  	s7 =	smul.u32 @!p0 $0xF7A, s2;
	p2 =	seq.s32 @!p0 s5, $0x0  }
0x1f: {  	s9 =	smul.u32 $0xF7A, s1;
	s8 =	simm.s32 @!p0 $0x1BF5;
	p2 =	por !p2, p0  }
0x20: {  	[sflag:s8] =	ssyncset.s32 @!p0 $0xFFFFF086;
	s6 =	sadd.s32 @!p0 s3, s7;
	s7 =	simm.s32 @!p0 $0x108  }
0x21: {  	s3 =	sadd.s32 s3, s9;
	s6 =	sadd.s32 @!p0 $0x88, s6;
	s7 =	simm.s32 @p2 $0x1082  }
0x22: {  	[simem:s7], [sflag:s8] =	dma.local @!p0 [hbm:s6], $0xF7A  }
0x23: {  	s9 =	sor.u32 $0xD0000000, s2;
	s6 =	simm.s32 $0x108;
	_ =	swait.ge @!p0 [sflag:s8], $0x0  }
0x24: {  	s3 =	sadd.s32 $0x88, s3;
	s6 =	simm.s32 @!p1 $0x1082;
	[sflag:s4] =	ssyncset.s32 $0xFFFFF086  }
0x25: {  	[simem:s6], [sflag:s4] =	dma.local [hbm:s3], $0xF7A  }
0x26: {  	[smem:$0x3F97] =	sst s1;
	(tag) =	ssettag s2;
	_ =	strace s9  }
0x27: {  	s1 =	sld [smem:$0x3FA7]  }
0x28: {  	s2 =	sld [smem:$0x3FA8]  }
0x29: {  	s4 =	sld [smem:$0x3FAA]  }
0x2a: {  	p0 =	seq.s32 s5, $0x0;
	s5 =	sld [smem:$0x3FAB]  }
0x2b: {  	s6 =	sld [smem:$0x3FAC]  }
0x2c: {  	s7 =	sld [smem:$0x3FAD]  }
0x2d: {  	s3 =	simm.s32 $0x108;
	s8 =	sld [smem:$0x3FAE]  }
0x2e: {  	s3 =	simm.s32 @!p0 $0x1082;
	s9 =	sld [smem:$0x3FAF]  }
0x2f: {  	lr =	sadd.s32 s0, s3;
	s0 =	sld [smem:$0x3FA6]  }
0x30: {  	s3 =	sld [smem:$0x3FA9]  }
0x31: {  	[smem:$0x3FB2] =	sst s10  }
0x32: {  	s10 =	sld [smem:$0x3FB0];
	_ =	sdelay $0x3  }
0x33: {  	p0 =	seq.s32 s10, $0x1;
	s10 =	sld [smem:$0x3FB2];
	_ =	sdelay $0x3  }
0x34: {  	[smem:$0x3FB2] =	sst s10  }
0x35: {  	s10 =	sld [smem:$0x3FB1];
	_ =	sdelay $0x3  }
0x36: {  	p1 =	seq.s32 s10, $0x1;
	s10 =	sld [smem:$0x3FB2];
	_ =	sdelay $0x3  }
0x37: {  	[smem:$0x3FB2] =	sst s10  }
0x38: {  	s10 =	sld [smem:$0x3FB3]  }
0x39: {  	_ = 	snop;
	(pc) =	sbr.ind lr, $3  }
0x3a: {  	_ = 	snop  }
0x3b: {  	_ = 	snop  }
0x3c: {  	p2 =	seq.s32 s10, $0x1;
	s10 =	sld [smem:$0x3FB2]  }
0x3d: {  	_ =	shalt  }
0x3e: {  	_ =	shalt  }
0x3f: {  	_ =	shalt  }
0x40: {  	_ =	shalt  }
0x41: {  	_ =	shalt  }
0x42: {  	_ =	shalt  }
0x43: {  	_ =	shalt  }
0x44: {  	_ =	shalt  }
0x45: {  	_ =	shalt  }
0x46: {  	_ =	shalt  }
0x47: {  	_ =	shalt  }
0x48: {  	_ =	shalt  }
0x49: {  	_ =	shalt  }
0x4a: {  	_ =	shalt  }
0x4b: {  	_ =	shalt  }
0x4c: {  	_ =	shalt  }
0x4d: {  	_ =	shalt  }
0x4e: {  	_ =	shalt  }
0x4f: {  	_ =	shalt  }
0x50: {  	_ =	shalt  }
0x51: {  	_ =	shalt  }
0x52: {  	_ =	shalt  }
0x53: {  	_ =	shalt  }
0x54: {  	_ =	shalt  }
0x55: {  	_ =	shalt  }
0x56: {  	_ =	shalt  }
0x57: {  	_ =	shalt  }
0x58: {  	_ =	shalt  }
0x59: {  	_ =	shalt  }
0x5a: {  	_ =	shalt  }
0x5b: {  	_ =	shalt  }
0x5c: {  	_ =	shalt  }
0x5d: {  	_ =	shalt  }
0x5e: {  	_ =	shalt  }
0x5f: {  	_ =	shalt  }
0x60: {  	_ =	shalt  }
0x61: {  	_ =	shalt  }
0x62: {  	_ =	shalt  }
0x63: {  	_ =	shalt  }
0x64: {  	_ =	shalt  }
0x65: {  	_ =	shalt  }
0x66: {  	_ =	shalt  }
0x67: {  	_ =	shalt  }
0x68: {  	_ =	shalt  }
0x69: {  	_ =	shalt  }
0x6a: {  	_ =	shalt  }
0x6b: {  	_ =	shalt  }
0x6c: {  	_ =	shalt  }
0x6d: {  	_ =	shalt  }
0x6e: {  	_ =	shalt  }
0x6f: {  	_ =	shalt  }
0x70: {  	_ =	shalt  }
0x71: {  	_ =	shalt  }
0x72: {  	_ =	shalt  }
0x73: {  	_ =	shalt  }
0x74: {  	_ =	shalt  }
0x75: {  	_ =	shalt  }
0x76: {  	_ =	shalt  }
0x77: {  	_ =	shalt  }
0x78: {  	_ =	shalt  }
0x79: {  	_ =	shalt  }
0x7a: {  	_ =	shalt  }
0x7b: {  	_ =	shalt  }
0x7c: {  	_ =	shalt  }
0x7d: {  	_ =	shalt  }
0x7e: {  	_ =	shalt  }
0x7f: {  	_ =	shalt  }
0x80: {  	_ =	shalt  }
0x81: {  	_ =	shalt  }
0x82: {  	_ =	shalt  }
0x83: {  	_ =	shalt  }
0x84: {  	_ =	shalt  }
0x85: {  	_ =	shalt  }
0x86: {  	_ =	shalt  }
0x87: {  	_ =	shalt  }
.Lfunc_end0:
.L_simem_size_0:
called_computation.1_lowered:
.L_overlay_start_0:
0x88: {  	s2 =	sld [smem:$0x3FD9]  }
0x89: {  	s3 =	sld [smem:$0x3FFE];
	_ =	sdelay $0x1  }
0x8a: {  	s1 =	srdreg.scid  }
0x8b: {  	s0 =	sand.u32 $0x1, s1  }
0x8c: {  	s16 =	sshll.u32 s0, $0xA;
	s2 =	sadd.s32 s3, s2  }
0x8d: {  	s2 =	sadd.s32 s2, s16  }
0x8e: {  	[smem:$0x3FBE] =	sst s2  }
0x8f: {  	_ = 	snop  }
0x90: {  	(tm) =	ssettm $0x1  }
0x91: {  	s17 =	sld [smem:$0x3FFB];
	_ =	sdelay $0x3  }
0x92: {  	_ =	strace s17  }
0x93: {  	s2 =	sld [smem:$0x3FFC];
	_ =	sdelay $0x3  }
0x94: {  	_ =	strace s2  }
0x95: {  	s2 =	sld [smem:$0x3FFD];
	_ =	sdelay $0x3  }
0x96: {  	_ =	strace s2  }
0x97: {  	_ =	strace $0x8FFFFFFF  }
0x98: {  	s18 =	sld [smem:$0x3FDB];
	_ =	sdelay $0x1  }
0x99: {  	s19 =	simm.s32 $_scs_section_size  }
0x9a: {  	s4 =	simm.s32 $_size__tile_overlayer_lowered;
	s5 =	simm.s32 $_tile_overlayer_lowered  }
0x9b: {  	s22 =	simm.s32 $0x1BFF;
	s21 =	sshll.u32 s5, $0x1;
	s2 =	sadd.s32 s19, s18  }
0x9c: {  	s6 =	simm.s32 $0x0;
	s20 =	sshll.u32 s4, $0x1;
	s4 =	sadd.s32 s21, s2  }
0x9d: {  	[timem:s6], [sflag:s22] =	dma.local [hbm:s4], s20  }
0x9e: {  	_ =	swait.ge [sflag:s22], s20  }
0x9f: {  	s3 =	ssub.s32 $0x0, s20;
	[sflag:s22] =	ssyncset.done $0x0  }
0xa0: {  	[sflag:s22] =	ssyncadd.s32 s3;
	_ =	sdelay $0x1  }
0xa1: {  	s23 =	simm.s32 $0x1B8B  }
0xa2: {  	_ =	swait.ge [sflag:s23], $0x1  }
0xa3: {  	[sflag:s23] =	ssyncset.done $0x0  }
0xa4: {  	s25 =	simm.s32 $0x1B8E;
	s24 =	sld [smem:$0x3FFE];
	[sflag:s23] =	ssyncadd.s32 $0xFFFFFFFF  }
0xa5: {  	s26 =	simm.s32 $execute0_lowered;
	[smem:$0x3FD2] =	sst s25  }
0xa6: {  	s4 =	sshll.u32 s26, $0x1;
	_ =	strace $0x80000049;
	[dreg:$0x1] =	wrdreg $0xFFFFFFFF  }
0xa7: {  	s28 =	simm.s32 $_size_execute0_lowered;
	s2 =	sadd.s32 s2, s4;
	[dreg:$0x0] =	wrdreg $0x0  }
0xa8: {  	s4 =	sshll.u32 s28, $0x1;
	[dreg:$0x2] =	wrdreg s2  }
0xa9: {  	[dreg:$0x3] =	wrdreg s4  }
0xaa: {  	[dreg:$0x4] =	wrdreg $0xC0  }
0xab: {  	_ =	task [dreg:s6], $0x5FFFF  }
0xac: {  	[dreg:$0x1] =	wrdreg $0xFFFFFFFF  }
0xad: {  	[dreg:$0x0] =	wrdreg $0x60  }
0xae: {  	[dreg:$0x2] =	wrdreg s24  }
0xaf: {  	[dreg:$0x3] =	wrdreg $0x78000  }
0xb0: {  	[dreg:$0x4] =	wrdreg $0x9  }
0xb1: {  	_ =	task.clear_ibuf [dreg:s6], $0x5FFFF;
	_ =	strace $0x90000049  }
0xb2: {  	s29 =	simm.s32 $0x9;
	_ =	strace $0x8000004B  }
0xb3: {  	_ =	swait.ge [sflag:s29], $0x1  }
0xb4: {  	[sflag:s29] =	ssyncadd.s32 $0xFFFFFFFF  }
0xb5: {  	_ =	strace $0x9000004B  }
0xb6: {  	_ =	sfence  }
0xb7: {  	s30 =	sld [smem:$0x0];
	_ =	sdelay $0x2  }
0xb8: {  	s31 =	sshll.u32 s1, $0xD;
	s1 =	sshrl.u32 s1, $0x2  }
0xb9: {  	s3 =	sand.u32 $0x4000, s31;
	s1 =	sadd.s32 s1, s30  }
0xba: {  	s0 =	sor.u32 s3, s0;
	s1 =	sshll.u32 s1, $0x11  }
0xbb: {  	s0 =	sor.u32 s1, s0  }
0xbc: {  	s0 =	sadd.s32 $0x8F2B, s0  }
0xbd: {  	[sflag:s0] =	ssyncadd.remote.s32 $0x1  }
0xbe: {  	_ =	sfence.sel $0xFFFF  }
0xbf: {  	[dreg:$0x0] =	wrdreg $0xFFFFFFFF;
	(pc) =	sbr.abs _section_cstart, $3  }
0xc0: {  	[dreg:$0x1] =	wrdreg $0xFFFFFFFF  }
0xc1: {  	_ =	task.clear_ibuf [dreg:s6], $0x2FFFF;
	_ =	strace $0x9FFFFFFF  }
0xc2: {  	(tm) =	ssettm $0x7FFFFFFF  }
0xc3: {  	_ =	shalt  }
tec
execute0_lowered:
.L_overlay_start_1:
0x0: {  	(tag) =	ssettag $0x1  }
0x1: {  	s0 =	rddreg [dreg:$0x0]  }
0x2: {  	s2 =	rddreg [dreg:$0x1];
	s1 =	stileid.u32  }
0x3: {  	s3 =	simm.s32 $0x0;
	s4 =	srdreg.scid;
	s14 =	simm.s32 $0x1C00  }
0x4: {  	s15 =	simm.s32 $0x1;
	s16 =	simm.s32 $0x80;
	s17 =	simm.s32 $0x3800  }
0x5: {  	s18 =	simm.s32 $0x4000;
	s19 =	simm.s32 $0x4800;
	s20 =	simm.s32 $0x5000  }
0x6: {  	s21 =	simm.s32 $0x5800;
	s22 =	simm.s32 $0x6000;
	s23 =	simm.s32 $0x6800  }
0x7: {  	s24 =	simm.s32 $0x7000;
	s25 =	simm.s32 $0x2;
	s7 =	smul.u32 $0x18700, s1  }
0x8: {  	[smem:$0x7FF] =	sst s3;
	s8 =	sand.u32 $0x1, s4;
	s9 =	smul.u32 $0x30E0, s1  }
0x9: {  	s4 =	sadd.s32 $0xC8800, s0;
	s5 =	sadd.s32 $0x4E00, s0;
	s6 =	sadd.s32 $0x66C00, s0  }
0xa: {  	s12 =	sshll.u32 s1, $0x1;
	s30 =	sshll.u32 s1, $0x6;
	_ =	strace $0x8000004A  }
0xb: {  	s10 =	smul.u32 $0x30E00, s8;
	s26 =	ssub.s32 $0x2, s8;
	s29 =	sor.u32 s8, s12  }
0xc: {  	s8 =	sor.u32 $0x1C04, s30;
	s11 =	sshrl.u32 s7, $0x3;
	s28 =	sshrl.u32 s26, $0x1  }
0xd: {  	s31 =	sadd.s32 s7, s2;
	s11 =	sadd.s32 s11, s0;
	s9 =	sadd.s32 s9, s10  }
0xe: {  	s13 =	ssub.s32 s26, s28;
	s12 =	sshrl.u32 s31, $0x3;
	s26 =	simm.s32 $0x3  }
0xf: {  	s0 =	sadd.s32 s9, s0;
	s7 =	sadd.s32 $0x35E00, s11;
	s9 =	smul.u32 $0x188, s29  }
0x10: {  	s11 =	smax.u32 s13, $0x1;
	s13 =	simm.s32 $0x4;
	s10 =	sadd.s32 $0xF9800, s0  }
.LBB2_1:
0x11: {  	[spmem:s12], [sflag:s8] =	dma.local [hbm:s7], $0x30E0  }
0x12: {  	_ =	swait.ge [sflag:s13], $0x30E0  }
0x13: {  	[sflag:s13] =	ssyncset.done $0x0  }
0x14: {  	[sflag:s13] =	ssyncadd.s32 $0xFFFFCF20  }
0x15: {  	s28 =	simm.s32 $0x0;
	[bflag:$0x0] =	sbarrier.arrive $0xFFFF  }
.LBB2_2:
0x16: {  	s0 =	smul.u32 $0x38, s28;
	_ =	sdelay $0x1  }
0x17: {  	s0 =	sadd.s32 s9, s0  }
0x18: {  	s0 =	sshll.u32 s0, $0x4  }
0x19: {  	s30 =	simm.s32 $0x0;
	s29 =	sadd.s32 s4, s0  }
0x1a: {  	[tilespmem:s30], [sflag:$0x1] =	stream.linear.gather [hbm4b:s29+s30], $0x1C00, $0x38;
	[tilespmem:$0x1FF00] =	vst v63  }
0x1b: {  	s0 =	sadd.s32 s5, s0  }
0x1c: {  	[tilespmem:s14], [sflag:$0x1] =	stream.linear.gather [hbm4b:s0+s30], $0x1C00, $0x38;
	[tilespmem:$0x1FF00] =	vst v63  }
0x1d: {  	_ =	swait.ge [sflag:s15], $0x1C00  }
0x1e: {  	[sflag:s15] =	ssyncset.done $0x0  }
0x1f: {  	[sflag:s15] =	ssyncadd.s32 $0xFFFFE400  }
0x20: {  	_ =	swait.ge [sflag:s15], $0x1C00  }
0x21: {  	[sflag:s15] =	ssyncset.done $0x0  }
0x22: {  	s31 =	simm.s32 $0x0;
	[sflag:s15] =	ssyncadd.s32 $0xFFFFE400  }
0x23: {  	[tilespmem:s17], [sflag:$0x2] =	stream.indirect.gather [hbm4b:s6+s16], $0x10, s31, s16, $0xb8;
	[tilespmem:$0x1FF00] =	vst v63  }
0x24: {  	s31 =	simm.s32 $0x80  }
0x25: {  	[tilespmem:s18], [sflag:$0x2] =	stream.indirect.gather [hbm4b:s6+s16], $0x10, s31, s16, $0xb8;
	[tilespmem:$0x1FF00] =	vst v63  }
0x26: {  	s31 =	simm.s32 $0x100  }
0x27: {  	[tilespmem:s19], [sflag:$0x2] =	stream.indirect.gather [hbm4b:s6+s16], $0x10, s31, s16, $0xb8;
	[tilespmem:$0x1FF00] =	vst v63  }
0x28: {  	s31 =	simm.s32 $0x180  }
0x29: {  	[tilespmem:s20], [sflag:$0x2] =	stream.indirect.gather [hbm4b:s6+s16], $0x10, s31, s16, $0xb8;
	[tilespmem:$0x1FF00] =	vst v63  }
0x2a: {  	s31 =	simm.s32 $0x200  }
0x2b: {  	[tilespmem:s21], [sflag:$0x2] =	stream.indirect.gather [hbm4b:s6+s16], $0x10, s31, s16, $0xb8;
	[tilespmem:$0x1FF00] =	vst v63  }
0x2c: {  	s31 =	simm.s32 $0x280  }
0x2d: {  	[tilespmem:s22], [sflag:$0x2] =	stream.indirect.gather [hbm4b:s6+s16], $0x10, s31, s16, $0xb8;
	[tilespmem:$0x1FF00] =	vst v63  }
0x2e: {  	s31 =	simm.s32 $0x300  }
0x2f: {  	[tilespmem:s23], [sflag:$0x2] =	stream.indirect.gather [hbm4b:s6+s16], $0x10, s31, s16, $0xb8;
	[tilespmem:$0x1FF00] =	vst v63  }
0x30: {  	s31 =	simm.s32 $0x380  }
0x31: {  	[tilespmem:s24], [sflag:$0x2] =	stream.indirect.gather [hbm4b:s6+s16], $0x10, s31, s16, $0xb8;
	[tilespmem:$0x1FF00] =	vst v63  }
0x32: {  	_ =	swait.ge [sflag:s25], $0x800  }
0x33: {  	[sflag:s25] =	ssyncset.done $0x0  }
0x34: {  	s31 =	simm.s32 $0x1C00;
	[sflag:s25] =	ssyncadd.s32 $0xFFFFF800  }
0x35: {  	[spmem:s2] =	stream.indirect.scatter.add.f32 [tilespmem:s17], [sflag:$0x3], $0x10, s31, s16, $0xb8;
	[tilespmem:$0x1FF00] =	vst v63  }
0x36: {  	_ =	swait.ge [sflag:s25], $0x800  }
0x37: {  	[sflag:s25] =	ssyncset.done $0x0  }
0x38: {  	s31 =	simm.s32 $0x1C80;
	[sflag:s25] =	ssyncadd.s32 $0xFFFFF800  }
0x39: {  	[spmem:s2] =	stream.indirect.scatter.add.f32 [tilespmem:s18], [sflag:$0x3], $0x10, s31, s16, $0xb8;
	[tilespmem:$0x1FF00] =	vst v63  }
0x3a: {  	_ =	swait.ge [sflag:s25], $0x800  }
0x3b: {  	[sflag:s25] =	ssyncset.done $0x0  }
0x3c: {  	s31 =	simm.s32 $0x1D00;
	[sflag:s25] =	ssyncadd.s32 $0xFFFFF800  }
0x3d: {  	[spmem:s2] =	stream.indirect.scatter.add.f32 [tilespmem:s19], [sflag:$0x3], $0x10, s31, s16, $0xb8;
	[tilespmem:$0x1FF00] =	vst v63  }
0x3e: {  	_ =	swait.ge [sflag:s25], $0x800  }
0x3f: {  	[sflag:s25] =	ssyncset.done $0x0  }
0x40: {  	s31 =	simm.s32 $0x1D80;
	[sflag:s25] =	ssyncadd.s32 $0xFFFFF800  }
0x41: {  	[spmem:s2] =	stream.indirect.scatter.add.f32 [tilespmem:s20], [sflag:$0x3], $0x10, s31, s16, $0xb8;
	[tilespmem:$0x1FF00] =	vst v63  }
0x42: {  	_ =	swait.ge [sflag:s25], $0x800  }
0x43: {  	[sflag:s25] =	ssyncset.done $0x0  }
0x44: {  	s31 =	simm.s32 $0x1E00;
	[sflag:s25] =	ssyncadd.s32 $0xFFFFF800  }
0x45: {  	[spmem:s2] =	stream.indirect.scatter.add.f32 [tilespmem:s21], [sflag:$0x3], $0x10, s31, s16, $0xb8;
	[tilespmem:$0x1FF00] =	vst v63  }
0x46: {  	_ =	swait.ge [sflag:s25], $0x800  }
0x47: {  	[sflag:s25] =	ssyncset.done $0x0  }
0x48: {  	s31 =	simm.s32 $0x1E80;
	[sflag:s25] =	ssyncadd.s32 $0xFFFFF800  }
0x49: {  	[spmem:s2] =	stream.indirect.scatter.add.f32 [tilespmem:s22], [sflag:$0x3], $0x10, s31, s16, $0xb8;
	[tilespmem:$0x1FF00] =	vst v63  }
0x4a: {  	_ =	swait.ge [sflag:s25], $0x800  }
0x4b: {  	[sflag:s25] =	ssyncset.done $0x0  }
0x4c: {  	s31 =	simm.s32 $0x1F00;
	[sflag:s25] =	ssyncadd.s32 $0xFFFFF800  }
0x4d: {  	[spmem:s2] =	stream.indirect.scatter.add.f32 [tilespmem:s23], [sflag:$0x3], $0x10, s31, s16, $0xb8;
	[tilespmem:$0x1FF00] =	vst v63  }
0x4e: {  	_ =	swait.ge [sflag:s25], $0x800  }
0x4f: {  	[sflag:s25] =	ssyncset.done $0x0  }
0x50: {  	s31 =	simm.s32 $0x1F80;
	[sflag:s25] =	ssyncadd.s32 $0xFFFFF800  }
0x51: {  	[spmem:s2] =	stream.indirect.scatter.add.f32 [tilespmem:s24], [sflag:$0x3], $0x10, s31, s16, $0xb8;
	[tilespmem:$0x1FF00] =	vst v63  }
0x52: {  	_ =	swait.ge [sflag:s26], $0x800  }
0x53: {  	[sflag:s26] =	ssyncset.done $0x0  }
0x54: {  	[sflag:s26] =	ssyncadd.s32 $0xFFFFF800  }
0x55: {  	_ =	swait.ge [sflag:s26], $0x800  }
0x56: {  	[sflag:s26] =	ssyncset.done $0x0  }
0x57: {  	[sflag:s26] =	ssyncadd.s32 $0xFFFFF800  }
0x58: {  	_ =	swait.ge [sflag:s26], $0x800  }
0x59: {  	[sflag:s26] =	ssyncset.done $0x0  }
0x5a: {  	[sflag:s26] =	ssyncadd.s32 $0xFFFFF800  }
0x5b: {  	_ =	swait.ge [sflag:s26], $0x800  }
0x5c: {  	[sflag:s26] =	ssyncset.done $0x0  }
0x5d: {  	[sflag:s26] =	ssyncadd.s32 $0xFFFFF800  }
0x5e: {  	_ =	swait.ge [sflag:s26], $0x800  }
0x5f: {  	[sflag:s26] =	ssyncset.done $0x0  }
0x60: {  	[sflag:s26] =	ssyncadd.s32 $0xFFFFF800  }
0x61: {  	_ =	swait.ge [sflag:s26], $0x800  }
0x62: {  	[sflag:s26] =	ssyncset.done $0x0  }
0x63: {  	[sflag:s26] =	ssyncadd.s32 $0xFFFFF800  }
0x64: {  	_ =	swait.ge [sflag:s26], $0x800  }
0x65: {  	[sflag:s26] =	ssyncset.done $0x0  }
0x66: {  	[sflag:s26] =	ssyncadd.s32 $0xFFFFF800  }
0x67: {  	_ =	swait.ge [sflag:s26], $0x800  }
0x68: {  	s29 =	simm.s32 $0x1000;
	s30 =	simm.s32 $0x2000;
	[sflag:s26] =	ssyncset.done $0x0  }
.LBB2_3:
0x69: {  	s31 =	sshra.s32 s29, $0x2  }
0x6a: {  	[sflag:s26] =	ssyncadd.s32 $0xFFFFF800;
	s29 =	smov.u32 s30;
	s0 =	sadd.s32 $0x1000, s30  }
0x6b: {  	[tilespmem:s17], [sflag:$0x2] =	stream.indirect.gather [hbm4b:s6+s16], $0x10, s31, s16, $0xb8;
	[tilespmem:$0x1FF00] =	vst v63  }
0x6c: {  	p0 =	sne.s32 s30, $0x6000;
	s30 =	sadd.s32 $0x80, s31  }
0x6d: {  	[tilespmem:s18], [sflag:$0x2] =	stream.indirect.gather [hbm4b:s6+s16], $0x10, s30, s16, $0xb8;
	[tilespmem:$0x1FF00] =	vst v63  }
0x6e: {  	s30 =	sadd.s32 $0x100, s31  }
0x6f: {  	[tilespmem:s19], [sflag:$0x2] =	stream.indirect.gather [hbm4b:s6+s16], $0x10, s30, s16, $0xb8;
	[tilespmem:$0x1FF00] =	vst v63  }
0x70: {  	s30 =	sadd.s32 $0x180, s31  }
0x71: {  	[tilespmem:s20], [sflag:$0x2] =	stream.indirect.gather [hbm4b:s6+s16], $0x10, s30, s16, $0xb8;
	[tilespmem:$0x1FF00] =	vst v63  }
0x72: {  	s30 =	sadd.s32 $0x200, s31  }
0x73: {  	[tilespmem:s21], [sflag:$0x2] =	stream.indirect.gather [hbm4b:s6+s16], $0x10, s30, s16, $0xb8;
	[tilespmem:$0x1FF00] =	vst v63  }
0x74: {  	s30 =	sadd.s32 $0x280, s31  }
0x75: {  	[tilespmem:s22], [sflag:$0x2] =	stream.indirect.gather [hbm4b:s6+s16], $0x10, s30, s16, $0xb8;
	[tilespmem:$0x1FF00] =	vst v63  }
0x76: {  	s30 =	sadd.s32 $0x300, s31  }
0x77: {  	[tilespmem:s23], [sflag:$0x2] =	stream.indirect.gather [hbm4b:s6+s16], $0x10, s30, s16, $0xb8;
	[tilespmem:$0x1FF00] =	vst v63  }
0x78: {  	s30 =	sadd.s32 $0x380, s31  }
0x79: {  	[tilespmem:s24], [sflag:$0x2] =	stream.indirect.gather [hbm4b:s6+s16], $0x10, s30, s16, $0xb8;
	[tilespmem:$0x1FF00] =	vst v63  }
0x7a: {  	_ =	swait.ge [sflag:s25], $0x800  }
0x7b: {  	[sflag:s25] =	ssyncset.done $0x0  }
0x7c: {  	s30 =	sadd.s32 $0x1C00, s31;
	[sflag:s25] =	ssyncadd.s32 $0xFFFFF800  }
0x7d: {  	[spmem:s2] =	stream.indirect.scatter.add.f32 [tilespmem:s17], [sflag:$0x3], $0x10, s30, s16, $0xb8;
	[tilespmem:$0x1FF00] =	vst v63  }
0x7e: {  	_ =	swait.ge [sflag:s25], $0x800  }
0x7f: {  	[sflag:s25] =	ssyncset.done $0x0  }
0x80: {  	s30 =	sadd.s32 $0x1C80, s31;
	[sflag:s25] =	ssyncadd.s32 $0xFFFFF800  }
0x81: {  	[spmem:s2] =	stream.indirect.scatter.add.f32 [tilespmem:s18], [sflag:$0x3], $0x10, s30, s16, $0xb8;
	[tilespmem:$0x1FF00] =	vst v63  }
0x82: {  	_ =	swait.ge [sflag:s25], $0x800  }
0x83: {  	[sflag:s25] =	ssyncset.done $0x0  }
0x84: {  	s30 =	sadd.s32 $0x1D00, s31;
	[sflag:s25] =	ssyncadd.s32 $0xFFFFF800  }
0x85: {  	[spmem:s2] =	stream.indirect.scatter.add.f32 [tilespmem:s19], [sflag:$0x3], $0x10, s30, s16, $0xb8;
	[tilespmem:$0x1FF00] =	vst v63  }
0x86: {  	_ =	swait.ge [sflag:s25], $0x800  }
0x87: {  	[sflag:s25] =	ssyncset.done $0x0  }
0x88: {  	s30 =	sadd.s32 $0x1D80, s31;
	[sflag:s25] =	ssyncadd.s32 $0xFFFFF800  }
0x89: {  	[spmem:s2] =	stream.indirect.scatter.add.f32 [tilespmem:s20], [sflag:$0x3], $0x10, s30, s16, $0xb8;
	[tilespmem:$0x1FF00] =	vst v63  }
0x8a: {  	_ =	swait.ge [sflag:s25], $0x800  }
0x8b: {  	[sflag:s25] =	ssyncset.done $0x0  }
0x8c: {  	s30 =	sadd.s32 $0x1E00, s31;
	[sflag:s25] =	ssyncadd.s32 $0xFFFFF800  }
0x8d: {  	[spmem:s2] =	stream.indirect.scatter.add.f32 [tilespmem:s21], [sflag:$0x3], $0x10, s30, s16, $0xb8;
	[tilespmem:$0x1FF00] =	vst v63  }
0x8e: {  	_ =	swait.ge [sflag:s25], $0x800  }
0x8f: {  	[sflag:s25] =	ssyncset.done $0x0  }
0x90: {  	s30 =	sadd.s32 $0x1E80, s31;
	[sflag:s25] =	ssyncadd.s32 $0xFFFFF800  }
0x91: {  	[spmem:s2] =	stream.indirect.scatter.add.f32 [tilespmem:s22], [sflag:$0x3], $0x10, s30, s16, $0xb8;
	[tilespmem:$0x1FF00] =	vst v63  }
0x92: {  	_ =	swait.ge [sflag:s25], $0x800  }
0x93: {  	[sflag:s25] =	ssyncset.done $0x0  }
0x94: {  	s30 =	sadd.s32 $0x1F00, s31;
	[sflag:s25] =	ssyncadd.s32 $0xFFFFF800  }
0x95: {  	[spmem:s2] =	stream.indirect.scatter.add.f32 [tilespmem:s23], [sflag:$0x3], $0x10, s30, s16, $0xb8;
	[tilespmem:$0x1FF00] =	vst v63  }
0x96: {  	_ =	swait.ge [sflag:s25], $0x800  }
0x97: {  	[sflag:s25] =	ssyncset.done $0x0  }
0x98: {  	s30 =	sadd.s32 $0x1F80, s31;
	[sflag:s25] =	ssyncadd.s32 $0xFFFFF800  }
0x99: {  	[spmem:s2] =	stream.indirect.scatter.add.f32 [tilespmem:s24], [sflag:$0x3], $0x10, s30, s16, $0xb8;
	[tilespmem:$0x1FF00] =	vst v63  }
0x9a: {  	_ =	swait.ge [sflag:s26], $0x800  }
0x9b: {  	[sflag:s26] =	ssyncset.done $0x0  }
0x9c: {  	[sflag:s26] =	ssyncadd.s32 $0xFFFFF800  }
0x9d: {  	_ =	swait.ge [sflag:s26], $0x800  }
0x9e: {  	[sflag:s26] =	ssyncset.done $0x0  }
0x9f: {  	[sflag:s26] =	ssyncadd.s32 $0xFFFFF800  }
0xa0: {  	_ =	swait.ge [sflag:s26], $0x800  }
0xa1: {  	[sflag:s26] =	ssyncset.done $0x0  }
0xa2: {  	[sflag:s26] =	ssyncadd.s32 $0xFFFFF800  }
0xa3: {  	_ =	swait.ge [sflag:s26], $0x800  }
0xa4: {  	[sflag:s26] =	ssyncset.done $0x0  }
0xa5: {  	[sflag:s26] =	ssyncadd.s32 $0xFFFFF800  }
0xa6: {  	_ =	swait.ge [sflag:s26], $0x800  }
0xa7: {  	[sflag:s26] =	ssyncset.done $0x0  }
0xa8: {  	[sflag:s26] =	ssyncadd.s32 $0xFFFFF800  }
0xa9: {  	_ =	swait.ge [sflag:s26], $0x800  }
0xaa: {  	[sflag:s26] =	ssyncset.done $0x0  }
0xab: {  	[sflag:s26] =	ssyncadd.s32 $0xFFFFF800  }
.Ltmp0:
0xac: {  	_ =	swait.ge [sflag:s26], $0x800;
	(pc) =	sbr.rel @p0 .LBB2_3-.Ltmp0, $4  }
0xad: {  	[sflag:s26] =	ssyncset.done $0x0  }
0xae: {  	[sflag:s26] =	ssyncadd.s32 $0xFFFFF800  }
0xaf: {  	_ =	swait.ge [sflag:s26], $0x800  }
0xb0: {  	s30 =	smov.u32 s0;
	[sflag:s26] =	ssyncset.done $0x0  }
0xb1: {  	s0 =	sshra.s32 s29, $0x2;
	[sflag:s26] =	ssyncadd.s32 $0xFFFFF800  }
0xb2: {  	[tilespmem:s17], [sflag:$0x2] =	stream.indirect.gather [hbm4b:s6+s16], $0x10, s0, s16, $0xb8;
	[tilespmem:$0x1FF00] =	vst v63  }
0xb3: {  	s29 =	sadd.s32 $0x80, s0  }
0xb4: {  	[tilespmem:s18], [sflag:$0x2] =	stream.indirect.gather [hbm4b:s6+s16], $0x10, s29, s16, $0xb8;
	[tilespmem:$0x1FF00] =	vst v63  }
0xb5: {  	s31 =	sadd.s32 $0x100, s0  }
0xb6: {  	[tilespmem:s19], [sflag:$0x2] =	stream.indirect.gather [hbm4b:s6+s16], $0x10, s31, s16, $0xb8;
	[tilespmem:$0x1FF00] =	vst v63  }
0xb7: {  	s30 =	sadd.s32 $0x180, s0  }
0xb8: {  	[tilespmem:s20], [sflag:$0x2] =	stream.indirect.gather [hbm4b:s6+s16], $0x10, s30, s16, $0xb8;
	[tilespmem:$0x1FF00] =	vst v63  }
0xb9: {  	s31 =	sadd.s32 $0x200, s0  }
0xba: {  	[tilespmem:s21], [sflag:$0x2] =	stream.indirect.gather [hbm4b:s6+s16], $0x10, s31, s16, $0xb8;
	[tilespmem:$0x1FF00] =	vst v63  }
0xbb: {  	s30 =	sadd.s32 $0x280, s0  }
0xbc: {  	[tilespmem:s22], [sflag:$0x2] =	stream.indirect.gather [hbm4b:s6+s16], $0x10, s30, s16, $0xb8;
	[tilespmem:$0x1FF00] =	vst v63  }
0xbd: {  	s31 =	sadd.s32 $0x300, s0  }
0xbe: {  	[tilespmem:s23], [sflag:$0x2] =	stream.indirect.gather [hbm4b:s6+s16], $0x10, s31, s16, $0xb8;
	[tilespmem:$0x1FF00] =	vst v63  }
0xbf: {  	s30 =	sadd.s32 $0x380, s0  }
0xc0: {  	[tilespmem:s24], [sflag:$0x2] =	stream.indirect.gather [hbm4b:s6+s16], $0x10, s30, s16, $0xb8;
	[tilespmem:$0x1FF00] =	vst v63  }
0xc1: {  	_ =	swait.ge [sflag:s25], $0x800  }
0xc2: {  	[sflag:s25] =	ssyncset.done $0x0  }
0xc3: {  	s31 =	sadd.s32 $0x1C00, s0;
	[sflag:s25] =	ssyncadd.s32 $0xFFFFF800  }
0xc4: {  	[spmem:s2] =	stream.indirect.scatter.add.f32 [tilespmem:s17], [sflag:$0x3], $0x10, s31, s16, $0xb8;
	[tilespmem:$0x1FF00] =	vst v63  }
0xc5: {  	_ =	swait.ge [sflag:s25], $0x800  }
0xc6: {  	[sflag:s25] =	ssyncset.done $0x0  }
0xc7: {  	s30 =	sadd.s32 $0x1C80, s0;
	[sflag:s25] =	ssyncadd.s32 $0xFFFFF800  }
0xc8: {  	[spmem:s2] =	stream.indirect.scatter.add.f32 [tilespmem:s18], [sflag:$0x3], $0x10, s30, s16, $0xb8;
	[tilespmem:$0x1FF00] =	vst v63  }
0xc9: {  	_ =	swait.ge [sflag:s25], $0x800  }
0xca: {  	[sflag:s25] =	ssyncset.done $0x0  }
0xcb: {  	s31 =	sadd.s32 $0x1D00, s0;
	[sflag:s25] =	ssyncadd.s32 $0xFFFFF800  }
0xcc: {  	[spmem:s2] =	stream.indirect.scatter.add.f32 [tilespmem:s19], [sflag:$0x3], $0x10, s31, s16, $0xb8;
	[tilespmem:$0x1FF00] =	vst v63  }
0xcd: {  	_ =	swait.ge [sflag:s25], $0x800  }
0xce: {  	[sflag:s25] =	ssyncset.done $0x0  }
0xcf: {  	s30 =	sadd.s32 $0x1D80, s0;
	[sflag:s25] =	ssyncadd.s32 $0xFFFFF800  }
0xd0: {  	[spmem:s2] =	stream.indirect.scatter.add.f32 [tilespmem:s20], [sflag:$0x3], $0x10, s30, s16, $0xb8;
	[tilespmem:$0x1FF00] =	vst v63  }
0xd1: {  	_ =	swait.ge [sflag:s25], $0x800  }
0xd2: {  	[sflag:s25] =	ssyncset.done $0x0  }
0xd3: {  	s31 =	sadd.s32 $0x1E00, s0;
	[sflag:s25] =	ssyncadd.s32 $0xFFFFF800  }
0xd4: {  	[spmem:s2] =	stream.indirect.scatter.add.f32 [tilespmem:s21], [sflag:$0x3], $0x10, s31, s16, $0xb8;
	[tilespmem:$0x1FF00] =	vst v63  }
0xd5: {  	_ =	swait.ge [sflag:s25], $0x800  }
0xd6: {  	[sflag:s25] =	ssyncset.done $0x0  }
0xd7: {  	s30 =	sadd.s32 $0x1E80, s0;
	[sflag:s25] =	ssyncadd.s32 $0xFFFFF800  }
0xd8: {  	[spmem:s2] =	stream.indirect.scatter.add.f32 [tilespmem:s22], [sflag:$0x3], $0x10, s30, s16, $0xb8;
	[tilespmem:$0x1FF00] =	vst v63  }
0xd9: {  	_ =	swait.ge [sflag:s25], $0x800  }
0xda: {  	[sflag:s25] =	ssyncset.done $0x0  }
0xdb: {  	s31 =	sadd.s32 $0x1F00, s0;
	[sflag:s25] =	ssyncadd.s32 $0xFFFFF800  }
0xdc: {  	[spmem:s2] =	stream.indirect.scatter.add.f32 [tilespmem:s23], [sflag:$0x3], $0x10, s31, s16, $0xb8;
	[tilespmem:$0x1FF00] =	vst v63  }
0xdd: {  	_ =	swait.ge [sflag:s25], $0x800  }
0xde: {  	[sflag:s25] =	ssyncset.done $0x0  }
0xdf: {  	s0 =	sadd.s32 $0x1F80, s0;
	[sflag:s25] =	ssyncadd.s32 $0xFFFFF800  }
0xe0: {  	[spmem:s2] =	stream.indirect.scatter.add.f32 [tilespmem:s24], [sflag:$0x3], $0x10, s0, s16, $0xb8;
	[tilespmem:$0x1FF00] =	vst v63  }
0xe1: {  	_ =	swait.ge [sflag:s26], $0x800  }
0xe2: {  	[sflag:s26] =	ssyncset.done $0x0  }
0xe3: {  	[sflag:s26] =	ssyncadd.s32 $0xFFFFF800  }
0xe4: {  	_ =	swait.ge [sflag:s26], $0x800  }
0xe5: {  	[sflag:s26] =	ssyncset.done $0x0  }
0xe6: {  	[sflag:s26] =	ssyncadd.s32 $0xFFFFF800  }
0xe7: {  	_ =	swait.ge [sflag:s26], $0x800  }
0xe8: {  	[sflag:s26] =	ssyncset.done $0x0  }
0xe9: {  	[sflag:s26] =	ssyncadd.s32 $0xFFFFF800  }
0xea: {  	_ =	swait.ge [sflag:s26], $0x800  }
0xeb: {  	[sflag:s26] =	ssyncset.done $0x0  }
0xec: {  	[sflag:s26] =	ssyncadd.s32 $0xFFFFF800  }
0xed: {  	_ =	swait.ge [sflag:s26], $0x800  }
0xee: {  	[sflag:s26] =	ssyncset.done $0x0  }
0xef: {  	[sflag:s26] =	ssyncadd.s32 $0xFFFFF800  }
0xf0: {  	_ =	swait.ge [sflag:s26], $0x800  }
0xf1: {  	[sflag:s26] =	ssyncset.done $0x0  }
0xf2: {  	s28 =	sadd.s32 $0x1, s28;
	[sflag:s26] =	ssyncadd.s32 $0xFFFFF800  }
0xf3: {  	p0 =	sne.s32 s28, $0x7;
	_ =	swait.ge [sflag:s26], $0x800  }
.Ltmp1:
0xf4: {  	[sflag:s26] =	ssyncset.done $0x0;
	(pc) =	sbr.rel @p0 .LBB2_2-.Ltmp1, $4  }
0xf5: {  	[sflag:s26] =	ssyncadd.s32 $0xFFFFF800  }
0xf6: {  	_ =	swait.ge [sflag:s26], $0x800  }
0xf7: {  	[sflag:s26] =	ssyncset.done $0x0  }
0xf8: {  	[sflag:s26] =	ssyncadd.s32 $0xFFFFF800  }
0xf9: {  	s3 =	sadd.s32 $0x1, s3  }
0xfa: {  	p0 =	sne.s32 s3, s11  }
.Ltmp2:
0xfb: {  	[bflag:$0x0] =	sbarrier.arrive $0xFFFF;
	(pc) =	sbr.rel @p0 .LBB2_1-.Ltmp2, $4  }
0xfc: {  	[hbm:s10], [sflag:s8] =	dma.local [spmem:s12], $0x30E0  }
0xfd: {  	_ =	swait.ge [sflag:s13], $0x30E0  }
0xfe: {  	[sflag:s13] =	ssyncset.done $0x0  }
0xff: {  	[sflag:s13] =	ssyncadd.s32 $0xFFFFCF20  }
0x100: {  	_ =	sfence.sel $0x180000  }
0x101: {  	[bflag:$0x0] =	sbarrier.arrive $0xFFFF  }
0x102: {  	_ =	strace $0x9000004A  }
0x103: {  	[bflag:$0x2] =	sbarrier.arrive $0xFFFF  }
0x104: {  	p0 =	sne.s32 s1, $0x0;
	s0 =	rddreg [dreg:$0x2]  }
0x105: {  	s0 =	sadd.s32 @!p0 $0x100000, s0  }
0x106: {  	[sflag:s0] =	ssyncadd.tile.s32 @!p0 $0x1;
	_ =	shalt  }
.Lfunc_end2:
_tile_overlayer_lowered:
.L_overlay_start_2:
0x107: {  	(tag) =	ssettag $0x2  }
0x108: {  	s0 =	rddreg [dreg:$0x0];
	s2 =	stileid.u32  }
0x109: {  	s1 =	rddreg [dreg:$0x1];
	p0 =	sne.s32 s2, $0x0  }
0x10a: {  	s3 =	rddreg [dreg:$0x2];
	[bflag:$0x3] =	sbarrier.arrive $0xFFFF;
	s2 =	simm.s32 @!p0 $0x1C04  }
0x10b: {  	[timem:s3], [sflag:s2] =	dma.local @!p0 [hbm:s0], s1  }
0x10c: {  	s0 =	simm.s32 @!p0 $0x4  }
0x10d: {  	_ =	swait.ge @!p0 [sflag:s0], s1  }
0x10e: {  	s1 =	ssub.s32 @!p0 $0x0, s1;
	[sflag:s0] =	ssyncset.done @!p0 $0x0  }
0x10f: {  	[sflag:s0] =	ssyncadd.s32 @!p0 s1  }
0x110: {  	[bflag:$0x3] =	sbarrier.arrive $0xFFFF  }
0x111: {  	_ =	shalt  }

// kernel: kernel.16.cloned.1.call-start
scs
__scs_entry_jumppad:
0x0: {  	(pc) =	sbr.rel $0x88, $3  }
0x1: {  	(tag) =	ssettag $0x0;
	lr =	simm.s32 $0x1  }
0x2: {  	[smem:$0x3F97] =	sst lr;
	_ =	strace $0xD0000000  }
0x3: {  	_ = 	snop  }
0x4: {  	_ = 	snop  }
0x5: {  	_ = 	snop  }
0x6: {  	_ = 	snop  }
0x7: {  	_ = 	snop  }
__scs_overlays_trampoline_lowered:
0x8: {  	[smem:$0x3FA6] =	sst s0  }
0x9: {  	[smem:$0x3FA7] =	sst s1  }
0xa: {  	[smem:$0x3FA8] =	sst s2  }
0xb: {  	[smem:$0x3FA9] =	sst s3  }
0xc: {  	[smem:$0x3FAA] =	sst s4  }
0xd: {  	[smem:$0x3FAB] =	sst s5  }
0xe: {  	[smem:$0x3FAC] =	sst s6  }
0xf: {  	[smem:$0x3FAD] =	sst s7  }
0x10: {  	[smem:$0x3FAE] =	sst s8  }
0x11: {  	[smem:$0x3FAF] =	sst s9;
	s0 =	simm.s32 @!p0 $0x0  }
0x12: {  	s1 =	sld [smem:$0x3F95];
	s0 =	simm.s32 @p0 $0x1  }
0x13: {  	[smem:$0x3FB0] =	sst s0;
	s0 =	simm.s32 @!p1 $0x0  }
0x14: {  	s2 =	sld [smem:$0x3F94];
	s0 =	simm.s32 @p1 $0x1  }
0x15: {  	[smem:$0x3FB1] =	sst s0;
	s0 =	simm.s32 @!p2 $0x0  }
0x16: {  	s3 =	sld [smem:$0x3FDB];
	s0 =	simm.s32 @p2 $0x1  }
0x17: {  	s4 =	simm.s32 $0x1BF5;
	[smem:$0x3FB3] =	sst s0  }
0x18: {  	s0 =	sld [smem:$0x3F96];
	_ =	swait.ge [sflag:s4], $0x0  }
0x19: {  	s7 =	sld [smem:$0x3F97]  }
0x1a: {  	s8 =	sadd.s32 $0xFFFFE003, lr  }
0x1b: {  	s9 =	sadd.s32 $0xFFFFFEF7, lr;
	s5 =	simm.s32 $0xFFFFFFFF;
	p2 =	slt.u32 s8, $0xFFFFF086  }
0x1c: {  	p1 =	slt.u32 s9, $0xF7A;
	s5 =	simm.s32 @!p2 $0x0  }
0x1d: {  	s5 =	simm.s32 @p1 $0x1;
	p0 =	seq.s32 s7, s2  }
0x1e: {  	s7 =	smul.u32 @!p0 $0xF7A, s2;
	p2 =	seq.s32 @!p0 s5, $0x0  }
0x1f: {  	s9 =	smul.u32 $0xF7A, s1;
	s8 =	simm.s32 @!p0 $0x1BF5;
	p2 =	por !p2, p0  }
0x20: {  	[sflag:s8] =	ssyncset.s32 @!p0 $0xFFFFF086;
	s6 =	sadd.s32 @!p0 s3, s7;
	s7 =	simm.s32 @!p0 $0x108  }
0x21: {  	s3 =	sadd.s32 s3, s9;
	s6 =	sadd.s32 @!p0 $0x88, s6;
	s7 =	simm.s32 @p2 $0x1082  }
0x22: {  	[simem:s7], [sflag:s8] =	dma.local @!p0 [hbm:s6], $0xF7A  }
0x23: {  	s9 =	sor.u32 $0xD0000000, s2;
	s6 =	simm.s32 $0x108;
	_ =	swait.ge @!p0 [sflag:s8], $0x0  }
0x24: {  	s3 =	sadd.s32 $0x88, s3;
	s6 =	simm.s32 @!p1 $0x1082;
	[sflag:s4] =	ssyncset.s32 $0xFFFFF086  }
0x25: {  	[simem:s6], [sflag:s4] =	dma.local [hbm:s3], $0xF7A  }
0x26: {  	[smem:$0x3F97] =	sst s1;
	(tag) =	ssettag s2;
	_ =	strace s9  }
0x27: {  	s1 =	sld [smem:$0x3FA7]  }
0x28: {  	s2 =	sld [smem:$0x3FA8]  }
0x29: {  	s4 =	sld [smem:$0x3FAA]  }
0x2a: {  	p0 =	seq.s32 s5, $0x0;
	s5 =	sld [smem:$0x3FAB]  }
0x2b: {  	s6 =	sld [smem:$0x3FAC]  }
0x2c: {  	s7 =	sld [smem:$0x3FAD]  }
0x2d: {  	s3 =	simm.s32 $0x108;
	s8 =	sld [smem:$0x3FAE]  }
0x2e: {  	s3 =	simm.s32 @!p0 $0x1082;
	s9 =	sld [smem:$0x3FAF]  }
0x2f: {  	lr =	sadd.s32 s0, s3;
	s0 =	sld [smem:$0x3FA6]  }
0x30: {  	s3 =	sld [smem:$0x3FA9]  }
0x31: {  	[smem:$0x3FB2] =	sst s10  }
0x32: {  	s10 =	sld [smem:$0x3FB0];
	_ =	sdelay $0x3  }
0x33: {  	p0 =	seq.s32 s10, $0x1;
	s10 =	sld [smem:$0x3FB2];
	_ =	sdelay $0x3  }
0x34: {  	[smem:$0x3FB2] =	sst s10  }
0x35: {  	s10 =	sld [smem:$0x3FB1];
	_ =	sdelay $0x3  }
0x36: {  	p1 =	seq.s32 s10, $0x1;
	s10 =	sld [smem:$0x3FB2];
	_ =	sdelay $0x3  }
0x37: {  	[smem:$0x3FB2] =	sst s10  }
0x38: {  	s10 =	sld [smem:$0x3FB3]  }
0x39: {  	_ = 	snop;
	(pc) =	sbr.ind lr, $3  }
0x3a: {  	_ = 	snop  }
0x3b: {  	_ = 	snop  }
0x3c: {  	p2 =	seq.s32 s10, $0x1;
	s10 =	sld [smem:$0x3FB2]  }
0x3d: {  	_ =	shalt  }
0x3e: {  	_ =	shalt  }
0x3f: {  	_ =	shalt  }
0x40: {  	_ =	shalt  }
0x41: {  	_ =	shalt  }
0x42: {  	_ =	shalt  }
0x43: {  	_ =	shalt  }
0x44: {  	_ =	shalt  }
0x45: {  	_ =	shalt  }
0x46: {  	_ =	shalt  }
0x47: {  	_ =	shalt  }
0x48: {  	_ =	shalt  }
0x49: {  	_ =	shalt  }
0x4a: {  	_ =	shalt  }
0x4b: {  	_ =	shalt  }
0x4c: {  	_ =	shalt  }
0x4d: {  	_ =	shalt  }
0x4e: {  	_ =	shalt  }
0x4f: {  	_ =	shalt  }
0x50: {  	_ =	shalt  }
0x51: {  	_ =	shalt  }
0x52: {  	_ =	shalt  }
0x53: {  	_ =	shalt  }
0x54: {  	_ =	shalt  }
0x55: {  	_ =	shalt  }
0x56: {  	_ =	shalt  }
0x57: {  	_ =	shalt  }
0x58: {  	_ =	shalt  }
0x59: {  	_ =	shalt  }
0x5a: {  	_ =	shalt  }
0x5b: {  	_ =	shalt  }
0x5c: {  	_ =	shalt  }
0x5d: {  	_ =	shalt  }
0x5e: {  	_ =	shalt  }
0x5f: {  	_ =	shalt  }
0x60: {  	_ =	shalt  }
0x61: {  	_ =	shalt  }
0x62: {  	_ =	shalt  }
0x63: {  	_ =	shalt  }
0x64: {  	_ =	shalt  }
0x65: {  	_ =	shalt  }
0x66: {  	_ =	shalt  }
0x67: {  	_ =	shalt  }
0x68: {  	_ =	shalt  }
0x69: {  	_ =	shalt  }
0x6a: {  	_ =	shalt  }
0x6b: {  	_ =	shalt  }
0x6c: {  	_ =	shalt  }
0x6d: {  	_ =	shalt  }
0x6e: {  	_ =	shalt  }
0x6f: {  	_ =	shalt  }
0x70: {  	_ =	shalt  }
0x71: {  	_ =	shalt  }
0x72: {  	_ =	shalt  }
0x73: {  	_ =	shalt  }
0x74: {  	_ =	shalt  }
0x75: {  	_ =	shalt  }
0x76: {  	_ =	shalt  }
0x77: {  	_ =	shalt  }
0x78: {  	_ =	shalt  }
0x79: {  	_ =	shalt  }
0x7a: {  	_ =	shalt  }
0x7b: {  	_ =	shalt  }
0x7c: {  	_ =	shalt  }
0x7d: {  	_ =	shalt  }
0x7e: {  	_ =	shalt  }
0x7f: {  	_ =	shalt  }
0x80: {  	_ =	shalt  }
0x81: {  	_ =	shalt  }
0x82: {  	_ =	shalt  }
0x83: {  	_ =	shalt  }
0x84: {  	_ =	shalt  }
0x85: {  	_ =	shalt  }
0x86: {  	_ =	shalt  }
0x87: {  	_ =	shalt  }
.Lfunc_end0:
.L_simem_size_0:
called_computation.2_lowered:
.L_overlay_start_0:
0x88: {  	s2 =	sld [smem:$0x3FD9]  }
0x89: {  	s3 =	sld [smem:$0x3FFE];
	_ =	sdelay $0x1  }
0x8a: {  	s1 =	srdreg.scid  }
0x8b: {  	s0 =	sand.u32 $0x1, s1  }
0x8c: {  	s16 =	sshll.u32 s0, $0xA;
	s2 =	sadd.s32 s3, s2  }
0x8d: {  	s2 =	sadd.s32 s2, s16  }
0x8e: {  	[smem:$0x3FBE] =	sst s2  }
0x8f: {  	_ = 	snop  }
0x90: {  	(tm) =	ssettm $0x1  }
0x91: {  	s17 =	sld [smem:$0x3FFB];
	_ =	sdelay $0x3  }
0x92: {  	_ =	strace s17  }
0x93: {  	s2 =	sld [smem:$0x3FFC];
	_ =	sdelay $0x3  }
0x94: {  	_ =	strace s2  }
0x95: {  	s2 =	sld [smem:$0x3FFD];
	_ =	sdelay $0x3  }
0x96: {  	_ =	strace s2  }
0x97: {  	_ =	strace $0x8FFFFFFF  }
0x98: {  	s18 =	sld [smem:$0x3FDB];
	_ =	sdelay $0x1  }
0x99: {  	s19 =	simm.s32 $_scs_section_size  }
0x9a: {  	s4 =	simm.s32 $_size__tile_overlayer_lowered;
	s5 =	simm.s32 $_tile_overlayer_lowered  }
0x9b: {  	s22 =	simm.s32 $0x1BFF;
	s21 =	sshll.u32 s5, $0x1;
	s2 =	sadd.s32 s19, s18  }
0x9c: {  	s6 =	simm.s32 $0x0;
	s20 =	sshll.u32 s4, $0x1;
	s4 =	sadd.s32 s21, s2  }
0x9d: {  	[timem:s6], [sflag:s22] =	dma.local [hbm:s4], s20  }
0x9e: {  	_ =	swait.ge [sflag:s22], s20  }
0x9f: {  	s3 =	ssub.s32 $0x0, s20;
	[sflag:s22] =	ssyncset.done $0x0  }
0xa0: {  	[sflag:s22] =	ssyncadd.s32 s3;
	_ =	sdelay $0x1  }
0xa1: {  	s23 =	simm.s32 $0x1B8B  }
0xa2: {  	_ =	swait.ge [sflag:s23], $0x1  }
0xa3: {  	[sflag:s23] =	ssyncset.done $0x0  }
0xa4: {  	s25 =	simm.s32 $0x1B8E;
	s24 =	sld [smem:$0x3FFE];
	[sflag:s23] =	ssyncadd.s32 $0xFFFFFFFF  }
0xa5: {  	s26 =	simm.s32 $execute0_lowered;
	[smem:$0x3FD2] =	sst s25  }
0xa6: {  	s4 =	sshll.u32 s26, $0x1;
	_ =	strace $0x8000004C;
	[dreg:$0x1] =	wrdreg $0xFFFFFFFF  }
0xa7: {  	s28 =	simm.s32 $_size_execute0_lowered;
	s2 =	sadd.s32 s2, s4;
	[dreg:$0x0] =	wrdreg $0x0  }
0xa8: {  	s4 =	sshll.u32 s28, $0x1;
	[dreg:$0x2] =	wrdreg s2  }
0xa9: {  	[dreg:$0x3] =	wrdreg s4  }
0xaa: {  	[dreg:$0x4] =	wrdreg $0xC0  }
0xab: {  	_ =	task [dreg:s6], $0x5FFFF  }
0xac: {  	[dreg:$0x1] =	wrdreg $0xFFFFFFFF  }
0xad: {  	[dreg:$0x0] =	wrdreg $0x60  }
0xae: {  	[dreg:$0x2] =	wrdreg s24  }
0xaf: {  	[dreg:$0x3] =	wrdreg $0x78000  }
0xb0: {  	[dreg:$0x4] =	wrdreg $0x9  }
0xb1: {  	_ =	task.clear_ibuf [dreg:s6], $0x5FFFF;
	_ =	strace $0x9000004C  }
0xb2: {  	s29 =	simm.s32 $0x9;
	_ =	strace $0x8000004E  }
0xb3: {  	_ =	swait.ge [sflag:s29], $0x1  }
0xb4: {  	[sflag:s29] =	ssyncadd.s32 $0xFFFFFFFF  }
0xb5: {  	_ =	strace $0x9000004E  }
0xb6: {  	_ =	sfence  }
0xb7: {  	s30 =	sld [smem:$0x0];
	_ =	sdelay $0x2  }
0xb8: {  	s31 =	sshll.u32 s1, $0xD;
	s1 =	sshrl.u32 s1, $0x2  }
0xb9: {  	s3 =	sand.u32 $0x4000, s31;
	s1 =	sadd.s32 s1, s30  }
0xba: {  	s0 =	sor.u32 s3, s0;
	s1 =	sshll.u32 s1, $0x11  }
0xbb: {  	s0 =	sor.u32 s1, s0  }
0xbc: {  	s0 =	sadd.s32 $0x8F2B, s0  }
0xbd: {  	[sflag:s0] =	ssyncadd.remote.s32 $0x1  }
0xbe: {  	_ =	sfence.sel $0xFFFF  }
0xbf: {  	[dreg:$0x0] =	wrdreg $0xFFFFFFFF;
	(pc) =	sbr.abs _section_cstart, $3  }
0xc0: {  	[dreg:$0x1] =	wrdreg $0xFFFFFFFF  }
0xc1: {  	_ =	task.clear_ibuf [dreg:s6], $0x2FFFF;
	_ =	strace $0x9FFFFFFF  }
0xc2: {  	(tm) =	ssettm $0x7FFFFFFF  }
0xc3: {  	_ =	shalt  }
tec
execute0_lowered:
.L_overlay_start_1:
0x0: {  	(tag) =	ssettag $0x1  }
0x1: {  	s0 =	rddreg [dreg:$0x0]  }
0x2: {  	s2 =	rddreg [dreg:$0x1];
	s1 =	stileid.u32  }
0x3: {  	s3 =	simm.s32 $0x0;
	s4 =	srdreg.scid;
	s14 =	simm.s32 $0x1C00  }
0x4: {  	s15 =	simm.s32 $0x1;
	s16 =	simm.s32 $0x80;
	s17 =	simm.s32 $0x3800  }
0x5: {  	s18 =	simm.s32 $0x4000;
	s19 =	simm.s32 $0x4800;
	s20 =	simm.s32 $0x5000  }
0x6: {  	s21 =	simm.s32 $0x5800;
	s22 =	simm.s32 $0x6000;
	s23 =	simm.s32 $0x6800  }
0x7: {  	s24 =	simm.s32 $0x7000;
	s25 =	simm.s32 $0x2;
	s7 =	smul.u32 $0x18700, s1  }
0x8: {  	[smem:$0x7FF] =	sst s3;
	s8 =	sand.u32 $0x1, s4;
	s9 =	smul.u32 $0x30E0, s1  }
0x9: {  	s4 =	sadd.s32 $0xC8800, s0;
	s5 =	sadd.s32 $0x4E00, s0;
	s6 =	sadd.s32 $0x66C00, s0  }
0xa: {  	s12 =	sshll.u32 s1, $0x1;
	s30 =	sshll.u32 s1, $0x6;
	_ =	strace $0x8000004D  }
0xb: {  	s10 =	smul.u32 $0x30E00, s8;
	s26 =	ssub.s32 $0x2, s8;
	s29 =	sor.u32 s8, s12  }
0xc: {  	s8 =	sor.u32 $0x1C04, s30;
	s11 =	sshrl.u32 s7, $0x3;
	s28 =	sshrl.u32 s26, $0x1  }
0xd: {  	s31 =	sadd.s32 s7, s2;
	s11 =	sadd.s32 s11, s0;
	s9 =	sadd.s32 s9, s10  }
0xe: {  	s13 =	ssub.s32 s26, s28;
	s12 =	sshrl.u32 s31, $0x3;
	s26 =	simm.s32 $0x3  }
0xf: {  	s0 =	sadd.s32 s9, s0;
	s7 =	sadd.s32 $0x35E00, s11;
	s9 =	smul.u32 $0x188, s29  }
0x10: {  	s11 =	smax.u32 s13, $0x1;
	s13 =	simm.s32 $0x4;
	s10 =	sadd.s32 $0xF9800, s0  }
.LBB2_1:
0x11: {  	[spmem:s12], [sflag:s8] =	dma.local [hbm:s7], $0x30E0  }
0x12: {  	_ =	swait.ge [sflag:s13], $0x30E0  }
0x13: {  	[sflag:s13] =	ssyncset.done $0x0  }
0x14: {  	[sflag:s13] =	ssyncadd.s32 $0xFFFFCF20  }
0x15: {  	s28 =	simm.s32 $0x0;
	[bflag:$0x0] =	sbarrier.arrive $0xFFFF  }
.LBB2_2:
0x16: {  	s0 =	smul.u32 $0x38, s28;
	_ =	sdelay $0x1  }
0x17: {  	s0 =	sadd.s32 s9, s0  }
0x18: {  	s0 =	sshll.u32 s0, $0x4  }
0x19: {  	s30 =	simm.s32 $0x0;
	s29 =	sadd.s32 s4, s0  }
0x1a: {  	[tilespmem:s30], [sflag:$0x1] =	stream.linear.gather [hbm4b:s29+s30], $0x1C00, $0x38;
	[tilespmem:$0x1FF00] =	vst v63  }
0x1b: {  	s0 =	sadd.s32 s5, s0  }
0x1c: {  	[tilespmem:s14], [sflag:$0x1] =	stream.linear.gather [hbm4b:s0+s30], $0x1C00, $0x38;
	[tilespmem:$0x1FF00] =	vst v63  }
0x1d: {  	_ =	swait.ge [sflag:s15], $0x1C00  }
0x1e: {  	[sflag:s15] =	ssyncset.done $0x0  }
0x1f: {  	[sflag:s15] =	ssyncadd.s32 $0xFFFFE400  }
0x20: {  	_ =	swait.ge [sflag:s15], $0x1C00  }
0x21: {  	[sflag:s15] =	ssyncset.done $0x0  }
0x22: {  	s31 =	simm.s32 $0x0;
	[sflag:s15] =	ssyncadd.s32 $0xFFFFE400  }
0x23: {  	[tilespmem:s17], [sflag:$0x2] =	stream.indirect.gather [hbm4b:s6+s16], $0x10, s31, s16, $0xb8;
	[tilespmem:$0x1FF00] =	vst v63  }
0x24: {  	s31 =	simm.s32 $0x80  }
0x25: {  	[tilespmem:s18], [sflag:$0x2] =	stream.indirect.gather [hbm4b:s6+s16], $0x10, s31, s16, $0xb8;
	[tilespmem:$0x1FF00] =	vst v63  }
0x26: {  	s31 =	simm.s32 $0x100  }
0x27: {  	[tilespmem:s19], [sflag:$0x2] =	stream.indirect.gather [hbm4b:s6+s16], $0x10, s31, s16, $0xb8;
	[tilespmem:$0x1FF00] =	vst v63  }
0x28: {  	s31 =	simm.s32 $0x180  }
0x29: {  	[tilespmem:s20], [sflag:$0x2] =	stream.indirect.gather [hbm4b:s6+s16], $0x10, s31, s16, $0xb8;
	[tilespmem:$0x1FF00] =	vst v63  }
0x2a: {  	s31 =	simm.s32 $0x200  }
0x2b: {  	[tilespmem:s21], [sflag:$0x2] =	stream.indirect.gather [hbm4b:s6+s16], $0x10, s31, s16, $0xb8;
	[tilespmem:$0x1FF00] =	vst v63  }
0x2c: {  	s31 =	simm.s32 $0x280  }
0x2d: {  	[tilespmem:s22], [sflag:$0x2] =	stream.indirect.gather [hbm4b:s6+s16], $0x10, s31, s16, $0xb8;
	[tilespmem:$0x1FF00] =	vst v63  }
0x2e: {  	s31 =	simm.s32 $0x300  }
0x2f: {  	[tilespmem:s23], [sflag:$0x2] =	stream.indirect.gather [hbm4b:s6+s16], $0x10, s31, s16, $0xb8;
	[tilespmem:$0x1FF00] =	vst v63  }
0x30: {  	s31 =	simm.s32 $0x380  }
0x31: {  	[tilespmem:s24], [sflag:$0x2] =	stream.indirect.gather [hbm4b:s6+s16], $0x10, s31, s16, $0xb8;
	[tilespmem:$0x1FF00] =	vst v63  }
0x32: {  	_ =	swait.ge [sflag:s25], $0x800  }
0x33: {  	[sflag:s25] =	ssyncset.done $0x0  }
0x34: {  	s31 =	simm.s32 $0x1C00;
	[sflag:s25] =	ssyncadd.s32 $0xFFFFF800  }
0x35: {  	[spmem:s2] =	stream.indirect.scatter.add.f32 [tilespmem:s17], [sflag:$0x3], $0x10, s31, s16, $0xb8;
	[tilespmem:$0x1FF00] =	vst v63  }
0x36: {  	_ =	swait.ge [sflag:s25], $0x800  }
0x37: {  	[sflag:s25] =	ssyncset.done $0x0  }
0x38: {  	s31 =	simm.s32 $0x1C80;
	[sflag:s25] =	ssyncadd.s32 $0xFFFFF800  }
0x39: {  	[spmem:s2] =	stream.indirect.scatter.add.f32 [tilespmem:s18], [sflag:$0x3], $0x10, s31, s16, $0xb8;
	[tilespmem:$0x1FF00] =	vst v63  }
0x3a: {  	_ =	swait.ge [sflag:s25], $0x800  }
0x3b: {  	[sflag:s25] =	ssyncset.done $0x0  }
0x3c: {  	s31 =	simm.s32 $0x1D00;
	[sflag:s25] =	ssyncadd.s32 $0xFFFFF800  }
0x3d: {  	[spmem:s2] =	stream.indirect.scatter.add.f32 [tilespmem:s19], [sflag:$0x3], $0x10, s31, s16, $0xb8;
	[tilespmem:$0x1FF00] =	vst v63  }
0x3e: {  	_ =	swait.ge [sflag:s25], $0x800  }
0x3f: {  	[sflag:s25] =	ssyncset.done $0x0  }
0x40: {  	s31 =	simm.s32 $0x1D80;
	[sflag:s25] =	ssyncadd.s32 $0xFFFFF800  }
0x41: {  	[spmem:s2] =	stream.indirect.scatter.add.f32 [tilespmem:s20], [sflag:$0x3], $0x10, s31, s16, $0xb8;
	[tilespmem:$0x1FF00] =	vst v63  }
0x42: {  	_ =	swait.ge [sflag:s25], $0x800  }
0x43: {  	[sflag:s25] =	ssyncset.done $0x0  }
0x44: {  	s31 =	simm.s32 $0x1E00;
	[sflag:s25] =	ssyncadd.s32 $0xFFFFF800  }
0x45: {  	[spmem:s2] =	stream.indirect.scatter.add.f32 [tilespmem:s21], [sflag:$0x3], $0x10, s31, s16, $0xb8;
	[tilespmem:$0x1FF00] =	vst v63  }
0x46: {  	_ =	swait.ge [sflag:s25], $0x800  }
0x47: {  	[sflag:s25] =	ssyncset.done $0x0  }
0x48: {  	s31 =	simm.s32 $0x1E80;
	[sflag:s25] =	ssyncadd.s32 $0xFFFFF800  }
0x49: {  	[spmem:s2] =	stream.indirect.scatter.add.f32 [tilespmem:s22], [sflag:$0x3], $0x10, s31, s16, $0xb8;
	[tilespmem:$0x1FF00] =	vst v63  }
0x4a: {  	_ =	swait.ge [sflag:s25], $0x800  }
0x4b: {  	[sflag:s25] =	ssyncset.done $0x0  }
0x4c: {  	s31 =	simm.s32 $0x1F00;
	[sflag:s25] =	ssyncadd.s32 $0xFFFFF800  }
0x4d: {  	[spmem:s2] =	stream.indirect.scatter.add.f32 [tilespmem:s23], [sflag:$0x3], $0x10, s31, s16, $0xb8;
	[tilespmem:$0x1FF00] =	vst v63  }
0x4e: {  	_ =	swait.ge [sflag:s25], $0x800  }
0x4f: {  	[sflag:s25] =	ssyncset.done $0x0  }
0x50: {  	s31 =	simm.s32 $0x1F80;
	[sflag:s25] =	ssyncadd.s32 $0xFFFFF800  }
0x51: {  	[spmem:s2] =	stream.indirect.scatter.add.f32 [tilespmem:s24], [sflag:$0x3], $0x10, s31, s16, $0xb8;
	[tilespmem:$0x1FF00] =	vst v63  }
0x52: {  	_ =	swait.ge [sflag:s26], $0x800  }
0x53: {  	[sflag:s26] =	ssyncset.done $0x0  }
0x54: {  	[sflag:s26] =	ssyncadd.s32 $0xFFFFF800  }
0x55: {  	_ =	swait.ge [sflag:s26], $0x800  }
0x56: {  	[sflag:s26] =	ssyncset.done $0x0  }
0x57: {  	[sflag:s26] =	ssyncadd.s32 $0xFFFFF800  }
0x58: {  	_ =	swait.ge [sflag:s26], $0x800  }
0x59: {  	[sflag:s26] =	ssyncset.done $0x0  }
0x5a: {  	[sflag:s26] =	ssyncadd.s32 $0xFFFFF800  }
0x5b: {  	_ =	swait.ge [sflag:s26], $0x800  }
0x5c: {  	[sflag:s26] =	ssyncset.done $0x0  }
0x5d: {  	[sflag:s26] =	ssyncadd.s32 $0xFFFFF800  }
0x5e: {  	_ =	swait.ge [sflag:s26], $0x800  }
0x5f: {  	[sflag:s26] =	ssyncset.done $0x0  }
0x60: {  	[sflag:s26] =	ssyncadd.s32 $0xFFFFF800  }
0x61: {  	_ =	swait.ge [sflag:s26], $0x800  }
0x62: {  	[sflag:s26] =	ssyncset.done $0x0  }
0x63: {  	[sflag:s26] =	ssyncadd.s32 $0xFFFFF800  }
0x64: {  	_ =	swait.ge [sflag:s26], $0x800  }
0x65: {  	[sflag:s26] =	ssyncset.done $0x0  }
0x66: {  	[sflag:s26] =	ssyncadd.s32 $0xFFFFF800  }
0x67: {  	_ =	swait.ge [sflag:s26], $0x800  }
0x68: {  	s29 =	simm.s32 $0x1000;
	s30 =	simm.s32 $0x2000;
	[sflag:s26] =	ssyncset.done $0x0  }
.LBB2_3:
0x69: {  	s31 =	sshra.s32 s29, $0x2  }
0x6a: {  	[sflag:s26] =	ssyncadd.s32 $0xFFFFF800;
	s29 =	smov.u32 s30;
	s0 =	sadd.s32 $0x1000, s30  }
0x6b: {  	[tilespmem:s17], [sflag:$0x2] =	stream.indirect.gather [hbm4b:s6+s16], $0x10, s31, s16, $0xb8;
	[tilespmem:$0x1FF00] =	vst v63  }
0x6c: {  	p0 =	sne.s32 s30, $0x6000;
	s30 =	sadd.s32 $0x80, s31  }
0x6d: {  	[tilespmem:s18], [sflag:$0x2] =	stream.indirect.gather [hbm4b:s6+s16], $0x10, s30, s16, $0xb8;
	[tilespmem:$0x1FF00] =	vst v63  }
0x6e: {  	s30 =	sadd.s32 $0x100, s31  }
0x6f: {  	[tilespmem:s19], [sflag:$0x2] =	stream.indirect.gather [hbm4b:s6+s16], $0x10, s30, s16, $0xb8;
	[tilespmem:$0x1FF00] =	vst v63  }
0x70: {  	s30 =	sadd.s32 $0x180, s31  }
0x71: {  	[tilespmem:s20], [sflag:$0x2] =	stream.indirect.gather [hbm4b:s6+s16], $0x10, s30, s16, $0xb8;
	[tilespmem:$0x1FF00] =	vst v63  }
0x72: {  	s30 =	sadd.s32 $0x200, s31  }
0x73: {  	[tilespmem:s21], [sflag:$0x2] =	stream.indirect.gather [hbm4b:s6+s16], $0x10, s30, s16, $0xb8;
	[tilespmem:$0x1FF00] =	vst v63  }
0x74: {  	s30 =	sadd.s32 $0x280, s31  }
0x75: {  	[tilespmem:s22], [sflag:$0x2] =	stream.indirect.gather [hbm4b:s6+s16], $0x10, s30, s16, $0xb8;
	[tilespmem:$0x1FF00] =	vst v63  }
0x76: {  	s30 =	sadd.s32 $0x300, s31  }
0x77: {  	[tilespmem:s23], [sflag:$0x2] =	stream.indirect.gather [hbm4b:s6+s16], $0x10, s30, s16, $0xb8;
	[tilespmem:$0x1FF00] =	vst v63  }
0x78: {  	s30 =	sadd.s32 $0x380, s31  }
0x79: {  	[tilespmem:s24], [sflag:$0x2] =	stream.indirect.gather [hbm4b:s6+s16], $0x10, s30, s16, $0xb8;
	[tilespmem:$0x1FF00] =	vst v63  }
0x7a: {  	_ =	swait.ge [sflag:s25], $0x800  }
0x7b: {  	[sflag:s25] =	ssyncset.done $0x0  }
0x7c: {  	s30 =	sadd.s32 $0x1C00, s31;
	[sflag:s25] =	ssyncadd.s32 $0xFFFFF800  }
0x7d: {  	[spmem:s2] =	stream.indirect.scatter.add.f32 [tilespmem:s17], [sflag:$0x3], $0x10, s30, s16, $0xb8;
	[tilespmem:$0x1FF00] =	vst v63  }
0x7e: {  	_ =	swait.ge [sflag:s25], $0x800  }
0x7f: {  	[sflag:s25] =	ssyncset.done $0x0  }
0x80: {  	s30 =	sadd.s32 $0x1C80, s31;
	[sflag:s25] =	ssyncadd.s32 $0xFFFFF800  }
0x81: {  	[spmem:s2] =	stream.indirect.scatter.add.f32 [tilespmem:s18], [sflag:$0x3], $0x10, s30, s16, $0xb8;
	[tilespmem:$0x1FF00] =	vst v63  }
0x82: {  	_ =	swait.ge [sflag:s25], $0x800  }
0x83: {  	[sflag:s25] =	ssyncset.done $0x0  }
0x84: {  	s30 =	sadd.s32 $0x1D00, s31;
	[sflag:s25] =	ssyncadd.s32 $0xFFFFF800  }
0x85: {  	[spmem:s2] =	stream.indirect.scatter.add.f32 [tilespmem:s19], [sflag:$0x3], $0x10, s30, s16, $0xb8;
	[tilespmem:$0x1FF00] =	vst v63  }
0x86: {  	_ =	swait.ge [sflag:s25], $0x800  }
0x87: {  	[sflag:s25] =	ssyncset.done $0x0  }
0x88: {  	s30 =	sadd.s32 $0x1D80, s31;
	[sflag:s25] =	ssyncadd.s32 $0xFFFFF800  }
0x89: {  	[spmem:s2] =	stream.indirect.scatter.add.f32 [tilespmem:s20], [sflag:$0x3], $0x10, s30, s16, $0xb8;
	[tilespmem:$0x1FF00] =	vst v63  }
0x8a: {  	_ =	swait.ge [sflag:s25], $0x800  }
0x8b: {  	[sflag:s25] =	ssyncset.done $0x0  }
0x8c: {  	s30 =	sadd.s32 $0x1E00, s31;
	[sflag:s25] =	ssyncadd.s32 $0xFFFFF800  }
0x8d: {  	[spmem:s2] =	stream.indirect.scatter.add.f32 [tilespmem:s21], [sflag:$0x3], $0x10, s30, s16, $0xb8;
	[tilespmem:$0x1FF00] =	vst v63  }
0x8e: {  	_ =	swait.ge [sflag:s25], $0x800  }
0x8f: {  	[sflag:s25] =	ssyncset.done $0x0  }
0x90: {  	s30 =	sadd.s32 $0x1E80, s31;
	[sflag:s25] =	ssyncadd.s32 $0xFFFFF800  }
0x91: {  	[spmem:s2] =	stream.indirect.scatter.add.f32 [tilespmem:s22], [sflag:$0x3], $0x10, s30, s16, $0xb8;
	[tilespmem:$0x1FF00] =	vst v63  }
0x92: {  	_ =	swait.ge [sflag:s25], $0x800  }
0x93: {  	[sflag:s25] =	ssyncset.done $0x0  }
0x94: {  	s30 =	sadd.s32 $0x1F00, s31;
	[sflag:s25] =	ssyncadd.s32 $0xFFFFF800  }
0x95: {  	[spmem:s2] =	stream.indirect.scatter.add.f32 [tilespmem:s23], [sflag:$0x3], $0x10, s30, s16, $0xb8;
	[tilespmem:$0x1FF00] =	vst v63  }
0x96: {  	_ =	swait.ge [sflag:s25], $0x800  }
0x97: {  	[sflag:s25] =	ssyncset.done $0x0  }
0x98: {  	s30 =	sadd.s32 $0x1F80, s31;
	[sflag:s25] =	ssyncadd.s32 $0xFFFFF800  }
0x99: {  	[spmem:s2] =	stream.indirect.scatter.add.f32 [tilespmem:s24], [sflag:$0x3], $0x10, s30, s16, $0xb8;
	[tilespmem:$0x1FF00] =	vst v63  }
0x9a: {  	_ =	swait.ge [sflag:s26], $0x800  }
0x9b: {  	[sflag:s26] =	ssyncset.done $0x0  }
0x9c: {  	[sflag:s26] =	ssyncadd.s32 $0xFFFFF800  }
0x9d: {  	_ =	swait.ge [sflag:s26], $0x800  }
0x9e: {  	[sflag:s26] =	ssyncset.done $0x0  }
0x9f: {  	[sflag:s26] =	ssyncadd.s32 $0xFFFFF800  }
0xa0: {  	_ =	swait.ge [sflag:s26], $0x800  }
0xa1: {  	[sflag:s26] =	ssyncset.done $0x0  }
0xa2: {  	[sflag:s26] =	ssyncadd.s32 $0xFFFFF800  }
0xa3: {  	_ =	swait.ge [sflag:s26], $0x800  }
0xa4: {  	[sflag:s26] =	ssyncset.done $0x0  }
0xa5: {  	[sflag:s26] =	ssyncadd.s32 $0xFFFFF800  }
0xa6: {  	_ =	swait.ge [sflag:s26], $0x800  }
0xa7: {  	[sflag:s26] =	ssyncset.done $0x0  }
0xa8: {  	[sflag:s26] =	ssyncadd.s32 $0xFFFFF800  }
0xa9: {  	_ =	swait.ge [sflag:s26], $0x800  }
0xaa: {  	[sflag:s26] =	ssyncset.done $0x0  }
0xab: {  	[sflag:s26] =	ssyncadd.s32 $0xFFFFF800  }
.Ltmp0:
0xac: {  	_ =	swait.ge [sflag:s26], $0x800;
	(pc) =	sbr.rel @p0 .LBB2_3-.Ltmp0, $4  }
0xad: {  	[sflag:s26] =	ssyncset.done $0x0  }
0xae: {  	[sflag:s26] =	ssyncadd.s32 $0xFFFFF800  }
0xaf: {  	_ =	swait.ge [sflag:s26], $0x800  }
0xb0: {  	s30 =	smov.u32 s0;
	[sflag:s26] =	ssyncset.done $0x0  }
0xb1: {  	s0 =	sshra.s32 s29, $0x2;
	[sflag:s26] =	ssyncadd.s32 $0xFFFFF800  }
0xb2: {  	[tilespmem:s17], [sflag:$0x2] =	stream.indirect.gather [hbm4b:s6+s16], $0x10, s0, s16, $0xb8;
	[tilespmem:$0x1FF00] =	vst v63  }
0xb3: {  	s29 =	sadd.s32 $0x80, s0  }
0xb4: {  	[tilespmem:s18], [sflag:$0x2] =	stream.indirect.gather [hbm4b:s6+s16], $0x10, s29, s16, $0xb8;
	[tilespmem:$0x1FF00] =	vst v63  }
0xb5: {  	s31 =	sadd.s32 $0x100, s0  }
0xb6: {  	[tilespmem:s19], [sflag:$0x2] =	stream.indirect.gather [hbm4b:s6+s16], $0x10, s31, s16, $0xb8;
	[tilespmem:$0x1FF00] =	vst v63  }
0xb7: {  	s30 =	sadd.s32 $0x180, s0  }
0xb8: {  	[tilespmem:s20], [sflag:$0x2] =	stream.indirect.gather [hbm4b:s6+s16], $0x10, s30, s16, $0xb8;
	[tilespmem:$0x1FF00] =	vst v63  }
0xb9: {  	s31 =	sadd.s32 $0x200, s0  }
0xba: {  	[tilespmem:s21], [sflag:$0x2] =	stream.indirect.gather [hbm4b:s6+s16], $0x10, s31, s16, $0xb8;
	[tilespmem:$0x1FF00] =	vst v63  }
0xbb: {  	s30 =	sadd.s32 $0x280, s0  }
0xbc: {  	[tilespmem:s22], [sflag:$0x2] =	stream.indirect.gather [hbm4b:s6+s16], $0x10, s30, s16, $0xb8;
	[tilespmem:$0x1FF00] =	vst v63  }
0xbd: {  	s31 =	sadd.s32 $0x300, s0  }
0xbe: {  	[tilespmem:s23], [sflag:$0x2] =	stream.indirect.gather [hbm4b:s6+s16], $0x10, s31, s16, $0xb8;
	[tilespmem:$0x1FF00] =	vst v63  }
0xbf: {  	s30 =	sadd.s32 $0x380, s0  }
0xc0: {  	[tilespmem:s24], [sflag:$0x2] =	stream.indirect.gather [hbm4b:s6+s16], $0x10, s30, s16, $0xb8;
	[tilespmem:$0x1FF00] =	vst v63  }
0xc1: {  	_ =	swait.ge [sflag:s25], $0x800  }
0xc2: {  	[sflag:s25] =	ssyncset.done $0x0  }
0xc3: {  	s31 =	sadd.s32 $0x1C00, s0;
	[sflag:s25] =	ssyncadd.s32 $0xFFFFF800  }
0xc4: {  	[spmem:s2] =	stream.indirect.scatter.add.f32 [tilespmem:s17], [sflag:$0x3], $0x10, s31, s16, $0xb8;
	[tilespmem:$0x1FF00] =	vst v63  }
0xc5: {  	_ =	swait.ge [sflag:s25], $0x800  }
0xc6: {  	[sflag:s25] =	ssyncset.done $0x0  }
0xc7: {  	s30 =	sadd.s32 $0x1C80, s0;
	[sflag:s25] =	ssyncadd.s32 $0xFFFFF800  }
0xc8: {  	[spmem:s2] =	stream.indirect.scatter.add.f32 [tilespmem:s18], [sflag:$0x3], $0x10, s30, s16, $0xb8;
	[tilespmem:$0x1FF00] =	vst v63  }
0xc9: {  	_ =	swait.ge [sflag:s25], $0x800  }
0xca: {  	[sflag:s25] =	ssyncset.done $0x0  }
0xcb: {  	s31 =	sadd.s32 $0x1D00, s0;
	[sflag:s25] =	ssyncadd.s32 $0xFFFFF800  }
0xcc: {  	[spmem:s2] =	stream.indirect.scatter.add.f32 [tilespmem:s19], [sflag:$0x3], $0x10, s31, s16, $0xb8;
	[tilespmem:$0x1FF00] =	vst v63  }
0xcd: {  	_ =	swait.ge [sflag:s25], $0x800  }
0xce: {  	[sflag:s25] =	ssyncset.done $0x0  }
0xcf: {  	s30 =	sadd.s32 $0x1D80, s0;
	[sflag:s25] =	ssyncadd.s32 $0xFFFFF800  }
0xd0: {  	[spmem:s2] =	stream.indirect.scatter.add.f32 [tilespmem:s20], [sflag:$0x3], $0x10, s30, s16, $0xb8;
	[tilespmem:$0x1FF00] =	vst v63  }
0xd1: {  	_ =	swait.ge [sflag:s25], $0x800  }
0xd2: {  	[sflag:s25] =	ssyncset.done $0x0  }
0xd3: {  	s31 =	sadd.s32 $0x1E00, s0;
	[sflag:s25] =	ssyncadd.s32 $0xFFFFF800  }
0xd4: {  	[spmem:s2] =	stream.indirect.scatter.add.f32 [tilespmem:s21], [sflag:$0x3], $0x10, s31, s16, $0xb8;
	[tilespmem:$0x1FF00] =	vst v63  }
0xd5: {  	_ =	swait.ge [sflag:s25], $0x800  }
0xd6: {  	[sflag:s25] =	ssyncset.done $0x0  }
0xd7: {  	s30 =	sadd.s32 $0x1E80, s0;
	[sflag:s25] =	ssyncadd.s32 $0xFFFFF800  }
0xd8: {  	[spmem:s2] =	stream.indirect.scatter.add.f32 [tilespmem:s22], [sflag:$0x3], $0x10, s30, s16, $0xb8;
	[tilespmem:$0x1FF00] =	vst v63  }
0xd9: {  	_ =	swait.ge [sflag:s25], $0x800  }
0xda: {  	[sflag:s25] =	ssyncset.done $0x0  }
0xdb: {  	s31 =	sadd.s32 $0x1F00, s0;
	[sflag:s25] =	ssyncadd.s32 $0xFFFFF800  }
0xdc: {  	[spmem:s2] =	stream.indirect.scatter.add.f32 [tilespmem:s23], [sflag:$0x3], $0x10, s31, s16, $0xb8;
	[tilespmem:$0x1FF00] =	vst v63  }
0xdd: {  	_ =	swait.ge [sflag:s25], $0x800  }
0xde: {  	[sflag:s25] =	ssyncset.done $0x0  }
0xdf: {  	s0 =	sadd.s32 $0x1F80, s0;
	[sflag:s25] =	ssyncadd.s32 $0xFFFFF800  }
0xe0: {  	[spmem:s2] =	stream.indirect.scatter.add.f32 [tilespmem:s24], [sflag:$0x3], $0x10, s0, s16, $0xb8;
	[tilespmem:$0x1FF00] =	vst v63  }
0xe1: {  	_ =	swait.ge [sflag:s26], $0x800  }
0xe2: {  	[sflag:s26] =	ssyncset.done $0x0  }
0xe3: {  	[sflag:s26] =	ssyncadd.s32 $0xFFFFF800  }
0xe4: {  	_ =	swait.ge [sflag:s26], $0x800  }
0xe5: {  	[sflag:s26] =	ssyncset.done $0x0  }
0xe6: {  	[sflag:s26] =	ssyncadd.s32 $0xFFFFF800  }
0xe7: {  	_ =	swait.ge [sflag:s26], $0x800  }
0xe8: {  	[sflag:s26] =	ssyncset.done $0x0  }
0xe9: {  	[sflag:s26] =	ssyncadd.s32 $0xFFFFF800  }
0xea: {  	_ =	swait.ge [sflag:s26], $0x800  }
0xeb: {  	[sflag:s26] =	ssyncset.done $0x0  }
0xec: {  	[sflag:s26] =	ssyncadd.s32 $0xFFFFF800  }
0xed: {  	_ =	swait.ge [sflag:s26], $0x800  }
0xee: {  	[sflag:s26] =	ssyncset.done $0x0  }
0xef: {  	[sflag:s26] =	ssyncadd.s32 $0xFFFFF800  }
0xf0: {  	_ =	swait.ge [sflag:s26], $0x800  }
0xf1: {  	[sflag:s26] =	ssyncset.done $0x0  }
0xf2: {  	s28 =	sadd.s32 $0x1, s28;
	[sflag:s26] =	ssyncadd.s32 $0xFFFFF800  }
0xf3: {  	p0 =	sne.s32 s28, $0x7;
	_ =	swait.ge [sflag:s26], $0x800  }
.Ltmp1:
0xf4: {  	[sflag:s26] =	ssyncset.done $0x0;
	(pc) =	sbr.rel @p0 .LBB2_2-.Ltmp1, $4  }
0xf5: {  	[sflag:s26] =	ssyncadd.s32 $0xFFFFF800  }
0xf6: {  	_ =	swait.ge [sflag:s26], $0x800  }
0xf7: {  	[sflag:s26] =	ssyncset.done $0x0  }
0xf8: {  	[sflag:s26] =	ssyncadd.s32 $0xFFFFF800  }
0xf9: {  	s3 =	sadd.s32 $0x1, s3  }
0xfa: {  	p0 =	sne.s32 s3, s11  }
.Ltmp2:
0xfb: {  	[bflag:$0x0] =	sbarrier.arrive $0xFFFF;
	(pc) =	sbr.rel @p0 .LBB2_1-.Ltmp2, $4  }
0xfc: {  	[hbm:s10], [sflag:s8] =	dma.local [spmem:s12], $0x30E0  }
0xfd: {  	_ =	swait.ge [sflag:s13], $0x30E0  }
0xfe: {  	[sflag:s13] =	ssyncset.done $0x0  }
0xff: {  	[sflag:s13] =	ssyncadd.s32 $0xFFFFCF20  }
0x100: {  	_ =	sfence.sel $0x180000  }
0x101: {  	[bflag:$0x0] =	sbarrier.arrive $0xFFFF  }
0x102: {  	_ =	strace $0x9000004D  }
0x103: {  	[bflag:$0x2] =	sbarrier.arrive $0xFFFF  }
0x104: {  	p0 =	sne.s32 s1, $0x0;
	s0 =	rddreg [dreg:$0x2]  }
0x105: {  	s0 =	sadd.s32 @!p0 $0x100000, s0  }
0x106: {  	[sflag:s0] =	ssyncadd.tile.s32 @!p0 $0x1;
	_ =	shalt  }
.Lfunc_end2:
_tile_overlayer_lowered:
.L_overlay_start_2:
0x107: {  	(tag) =	ssettag $0x2  }
0x108: {  	s0 =	rddreg [dreg:$0x0];
	s2 =	stileid.u32  }
0x109: {  	s1 =	rddreg [dreg:$0x1];
	p0 =	sne.s32 s2, $0x0  }
0x10a: {  	s3 =	rddreg [dreg:$0x2];
	[bflag:$0x3] =	sbarrier.arrive $0xFFFF;
	s2 =	simm.s32 @!p0 $0x1C04  }
0x10b: {  	[timem:s3], [sflag:s2] =	dma.local @!p0 [hbm:s0], s1  }
0x10c: {  	s0 =	simm.s32 @!p0 $0x4  }
0x10d: {  	_ =	swait.ge @!p0 [sflag:s0], s1  }
0x10e: {  	s1 =	ssub.s32 @!p0 $0x0, s1;
	[sflag:s0] =	ssyncset.done @!p0 $0x0  }
0x10f: {  	[sflag:s0] =	ssyncadd.s32 @!p0 s1  }
0x110: {  	[bflag:$0x3] =	sbarrier.arrive $0xFFFF  }
0x111: {  	_ =	shalt  }

// kernel: kernel.19.cloned.1.call-start
scs
__scs_entry_jumppad:
0x0: {  	(pc) =	sbr.rel $0x88, $3  }
0x1: {  	(tag) =	ssettag $0x0;
	lr =	simm.s32 $0x1  }
0x2: {  	[smem:$0x3F97] =	sst lr;
	_ =	strace $0xD0000000  }
0x3: {  	_ = 	snop  }
0x4: {  	_ = 	snop  }
0x5: {  	_ = 	snop  }
0x6: {  	_ = 	snop  }
0x7: {  	_ = 	snop  }
__scs_overlays_trampoline_lowered:
0x8: {  	[smem:$0x3FA6] =	sst s0  }
0x9: {  	[smem:$0x3FA7] =	sst s1  }
0xa: {  	[smem:$0x3FA8] =	sst s2  }
0xb: {  	[smem:$0x3FA9] =	sst s3  }
0xc: {  	[smem:$0x3FAA] =	sst s4  }
0xd: {  	[smem:$0x3FAB] =	sst s5  }
0xe: {  	[smem:$0x3FAC] =	sst s6  }
0xf: {  	[smem:$0x3FAD] =	sst s7  }
0x10: {  	[smem:$0x3FAE] =	sst s8  }
0x11: {  	[smem:$0x3FAF] =	sst s9;
	s0 =	simm.s32 @!p0 $0x0  }
0x12: {  	s1 =	sld [smem:$0x3F95];
	s0 =	simm.s32 @p0 $0x1  }
0x13: {  	[smem:$0x3FB0] =	sst s0;
	s0 =	simm.s32 @!p1 $0x0  }
0x14: {  	s2 =	sld [smem:$0x3F94];
	s0 =	simm.s32 @p1 $0x1  }
0x15: {  	[smem:$0x3FB1] =	sst s0;
	s0 =	simm.s32 @!p2 $0x0  }
0x16: {  	s3 =	sld [smem:$0x3FDB];
	s0 =	simm.s32 @p2 $0x1  }
0x17: {  	s4 =	simm.s32 $0x1BF5;
	[smem:$0x3FB3] =	sst s0  }
0x18: {  	s0 =	sld [smem:$0x3F96];
	_ =	swait.ge [sflag:s4], $0x0  }
0x19: {  	s7 =	sld [smem:$0x3F97]  }
0x1a: {  	s8 =	sadd.s32 $0xFFFFE003, lr  }
0x1b: {  	s9 =	sadd.s32 $0xFFFFFEF7, lr;
	s5 =	simm.s32 $0xFFFFFFFF;
	p2 =	slt.u32 s8, $0xFFFFF086  }
0x1c: {  	p1 =	slt.u32 s9, $0xF7A;
	s5 =	simm.s32 @!p2 $0x0  }
0x1d: {  	s5 =	simm.s32 @p1 $0x1;
	p0 =	seq.s32 s7, s2  }
0x1e: {  	s7 =	smul.u32 @!p0 $0xF7A, s2;
	p2 =	seq.s32 @!p0 s5, $0x0  }
0x1f: {  	s9 =	smul.u32 $0xF7A, s1;
	s8 =	simm.s32 @!p0 $0x1BF5;
	p2 =	por !p2, p0  }
0x20: {  	[sflag:s8] =	ssyncset.s32 @!p0 $0xFFFFF086;
	s6 =	sadd.s32 @!p0 s3, s7;
	s7 =	simm.s32 @!p0 $0x108  }
0x21: {  	s3 =	sadd.s32 s3, s9;
	s6 =	sadd.s32 @!p0 $0x88, s6;
	s7 =	simm.s32 @p2 $0x1082  }
0x22: {  	[simem:s7], [sflag:s8] =	dma.local @!p0 [hbm:s6], $0xF7A  }
0x23: {  	s9 =	sor.u32 $0xD0000000, s2;
	s6 =	simm.s32 $0x108;
	_ =	swait.ge @!p0 [sflag:s8], $0x0  }
0x24: {  	s3 =	sadd.s32 $0x88, s3;
	s6 =	simm.s32 @!p1 $0x1082;
	[sflag:s4] =	ssyncset.s32 $0xFFFFF086  }
0x25: {  	[simem:s6], [sflag:s4] =	dma.local [hbm:s3], $0xF7A  }
0x26: {  	[smem:$0x3F97] =	sst s1;
	(tag) =	ssettag s2;
	_ =	strace s9  }
0x27: {  	s1 =	sld [smem:$0x3FA7]  }
0x28: {  	s2 =	sld [smem:$0x3FA8]  }
0x29: {  	s4 =	sld [smem:$0x3FAA]  }
0x2a: {  	p0 =	seq.s32 s5, $0x0;
	s5 =	sld [smem:$0x3FAB]  }
0x2b: {  	s6 =	sld [smem:$0x3FAC]  }
0x2c: {  	s7 =	sld [smem:$0x3FAD]  }
0x2d: {  	s3 =	simm.s32 $0x108;
	s8 =	sld [smem:$0x3FAE]  }
0x2e: {  	s3 =	simm.s32 @!p0 $0x1082;
	s9 =	sld [smem:$0x3FAF]  }
0x2f: {  	lr =	sadd.s32 s0, s3;
	s0 =	sld [smem:$0x3FA6]  }
0x30: {  	s3 =	sld [smem:$0x3FA9]  }
0x31: {  	[smem:$0x3FB2] =	sst s10  }
0x32: {  	s10 =	sld [smem:$0x3FB0];
	_ =	sdelay $0x3  }
0x33: {  	p0 =	seq.s32 s10, $0x1;
	s10 =	sld [smem:$0x3FB2];
	_ =	sdelay $0x3  }
0x34: {  	[smem:$0x3FB2] =	sst s10  }
0x35: {  	s10 =	sld [smem:$0x3FB1];
	_ =	sdelay $0x3  }
0x36: {  	p1 =	seq.s32 s10, $0x1;
	s10 =	sld [smem:$0x3FB2];
	_ =	sdelay $0x3  }
0x37: {  	[smem:$0x3FB2] =	sst s10  }
0x38: {  	s10 =	sld [smem:$0x3FB3]  }
0x39: {  	_ = 	snop;
	(pc) =	sbr.ind lr, $3  }
0x3a: {  	_ = 	snop  }
0x3b: {  	_ = 	snop  }
0x3c: {  	p2 =	seq.s32 s10, $0x1;
	s10 =	sld [smem:$0x3FB2]  }
0x3d: {  	_ =	shalt  }
0x3e: {  	_ =	shalt  }
0x3f: {  	_ =	shalt  }
0x40: {  	_ =	shalt  }
0x41: {  	_ =	shalt  }
0x42: {  	_ =	shalt  }
0x43: {  	_ =	shalt  }
0x44: {  	_ =	shalt  }
0x45: {  	_ =	shalt  }
0x46: {  	_ =	shalt  }
0x47: {  	_ =	shalt  }
0x48: {  	_ =	shalt  }
0x49: {  	_ =	shalt  }
0x4a: {  	_ =	shalt  }
0x4b: {  	_ =	shalt  }
0x4c: {  	_ =	shalt  }
0x4d: {  	_ =	shalt  }
0x4e: {  	_ =	shalt  }
0x4f: {  	_ =	shalt  }
0x50: {  	_ =	shalt  }
0x51: {  	_ =	shalt  }
0x52: {  	_ =	shalt  }
0x53: {  	_ =	shalt  }
0x54: {  	_ =	shalt  }
0x55: {  	_ =	shalt  }
0x56: {  	_ =	shalt  }
0x57: {  	_ =	shalt  }
0x58: {  	_ =	shalt  }
0x59: {  	_ =	shalt  }
0x5a: {  	_ =	shalt  }
0x5b: {  	_ =	shalt  }
0x5c: {  	_ =	shalt  }
0x5d: {  	_ =	shalt  }
0x5e: {  	_ =	shalt  }
0x5f: {  	_ =	shalt  }
0x60: {  	_ =	shalt  }
0x61: {  	_ =	shalt  }
0x62: {  	_ =	shalt  }
0x63: {  	_ =	shalt  }
0x64: {  	_ =	shalt  }
0x65: {  	_ =	shalt  }
0x66: {  	_ =	shalt  }
0x67: {  	_ =	shalt  }
0x68: {  	_ =	shalt  }
0x69: {  	_ =	shalt  }
0x6a: {  	_ =	shalt  }
0x6b: {  	_ =	shalt  }
0x6c: {  	_ =	shalt  }
0x6d: {  	_ =	shalt  }
0x6e: {  	_ =	shalt  }
0x6f: {  	_ =	shalt  }
0x70: {  	_ =	shalt  }
0x71: {  	_ =	shalt  }
0x72: {  	_ =	shalt  }
0x73: {  	_ =	shalt  }
0x74: {  	_ =	shalt  }
0x75: {  	_ =	shalt  }
0x76: {  	_ =	shalt  }
0x77: {  	_ =	shalt  }
0x78: {  	_ =	shalt  }
0x79: {  	_ =	shalt  }
0x7a: {  	_ =	shalt  }
0x7b: {  	_ =	shalt  }
0x7c: {  	_ =	shalt  }
0x7d: {  	_ =	shalt  }
0x7e: {  	_ =	shalt  }
0x7f: {  	_ =	shalt  }
0x80: {  	_ =	shalt  }
0x81: {  	_ =	shalt  }
0x82: {  	_ =	shalt  }
0x83: {  	_ =	shalt  }
0x84: {  	_ =	shalt  }
0x85: {  	_ =	shalt  }
0x86: {  	_ =	shalt  }
0x87: {  	_ =	shalt  }
.Lfunc_end0:
.L_simem_size_0:
called_computation.3_lowered:
.L_overlay_start_0:
0x88: {  	s2 =	sld [smem:$0x3FD9]  }
0x89: {  	s3 =	sld [smem:$0x3FFE];
	_ =	sdelay $0x1  }
0x8a: {  	s1 =	srdreg.scid  }
0x8b: {  	s0 =	sand.u32 $0x1, s1  }
0x8c: {  	s16 =	sshll.u32 s0, $0xA;
	s2 =	sadd.s32 s3, s2  }
0x8d: {  	s2 =	sadd.s32 s2, s16  }
0x8e: {  	[smem:$0x3FBE] =	sst s2  }
0x8f: {  	_ = 	snop  }
0x90: {  	(tm) =	ssettm $0x1  }
0x91: {  	s17 =	sld [smem:$0x3FFB];
	_ =	sdelay $0x3  }
0x92: {  	_ =	strace s17  }
0x93: {  	s2 =	sld [smem:$0x3FFC];
	_ =	sdelay $0x3  }
0x94: {  	_ =	strace s2  }
0x95: {  	s2 =	sld [smem:$0x3FFD];
	_ =	sdelay $0x3  }
0x96: {  	_ =	strace s2  }
0x97: {  	_ =	strace $0x8FFFFFFF  }
0x98: {  	s18 =	sld [smem:$0x3FDB];
	_ =	sdelay $0x1  }
0x99: {  	s19 =	simm.s32 $_scs_section_size  }
0x9a: {  	s4 =	simm.s32 $_size__tile_overlayer_lowered;
	s5 =	simm.s32 $_tile_overlayer_lowered  }
0x9b: {  	s22 =	simm.s32 $0x1BFF;
	s21 =	sshll.u32 s5, $0x1;
	s2 =	sadd.s32 s19, s18  }
0x9c: {  	s6 =	simm.s32 $0x0;
	s20 =	sshll.u32 s4, $0x1;
	s4 =	sadd.s32 s21, s2  }
0x9d: {  	[timem:s6], [sflag:s22] =	dma.local [hbm:s4], s20  }
0x9e: {  	_ =	swait.ge [sflag:s22], s20  }
0x9f: {  	s3 =	ssub.s32 $0x0, s20;
	[sflag:s22] =	ssyncset.done $0x0  }
0xa0: {  	[sflag:s22] =	ssyncadd.s32 s3;
	_ =	sdelay $0x1  }
0xa1: {  	s23 =	simm.s32 $0x1B8B  }
0xa2: {  	_ =	swait.ge [sflag:s23], $0x1  }
0xa3: {  	[sflag:s23] =	ssyncset.done $0x0  }
0xa4: {  	s25 =	simm.s32 $0x1B8E;
	s24 =	sld [smem:$0x3FFE];
	[sflag:s23] =	ssyncadd.s32 $0xFFFFFFFF  }
0xa5: {  	s26 =	simm.s32 $execute0_lowered;
	[smem:$0x3FD2] =	sst s25  }
0xa6: {  	s4 =	sshll.u32 s26, $0x1;
	_ =	strace $0x8000004F;
	[dreg:$0x1] =	wrdreg $0xFFFFFFFF  }
0xa7: {  	s28 =	simm.s32 $_size_execute0_lowered;
	s2 =	sadd.s32 s2, s4;
	[dreg:$0x0] =	wrdreg $0x0  }
0xa8: {  	s4 =	sshll.u32 s28, $0x1;
	[dreg:$0x2] =	wrdreg s2  }
0xa9: {  	[dreg:$0x3] =	wrdreg s4  }
0xaa: {  	[dreg:$0x4] =	wrdreg $0xC0  }
0xab: {  	_ =	task [dreg:s6], $0x5FFFF  }
0xac: {  	[dreg:$0x1] =	wrdreg $0xFFFFFFFF  }
0xad: {  	[dreg:$0x0] =	wrdreg $0x60  }
0xae: {  	[dreg:$0x2] =	wrdreg s24  }
0xaf: {  	[dreg:$0x3] =	wrdreg $0x78000  }
0xb0: {  	[dreg:$0x4] =	wrdreg $0x9  }
0xb1: {  	_ =	task.clear_ibuf [dreg:s6], $0x5FFFF;
	_ =	strace $0x9000004F  }
0xb2: {  	s29 =	simm.s32 $0x9;
	_ =	strace $0x80000051  }
0xb3: {  	_ =	swait.ge [sflag:s29], $0x1  }
0xb4: {  	[sflag:s29] =	ssyncadd.s32 $0xFFFFFFFF  }
0xb5: {  	_ =	strace $0x90000051  }
0xb6: {  	_ =	sfence  }
0xb7: {  	s30 =	sld [smem:$0x0];
	_ =	sdelay $0x2  }
0xb8: {  	s31 =	sshll.u32 s1, $0xD;
	s1 =	sshrl.u32 s1, $0x2  }
0xb9: {  	s3 =	sand.u32 $0x4000, s31;
	s1 =	sadd.s32 s1, s30  }
0xba: {  	s0 =	sor.u32 s3, s0;
	s1 =	sshll.u32 s1, $0x11  }
0xbb: {  	s0 =	sor.u32 s1, s0  }
0xbc: {  	s0 =	sadd.s32 $0x8F2B, s0  }
0xbd: {  	[sflag:s0] =	ssyncadd.remote.s32 $0x1  }
0xbe: {  	_ =	sfence.sel $0xFFFF  }
0xbf: {  	[dreg:$0x0] =	wrdreg $0xFFFFFFFF;
	(pc) =	sbr.abs _section_cstart, $3  }
0xc0: {  	[dreg:$0x1] =	wrdreg $0xFFFFFFFF  }
0xc1: {  	_ =	task.clear_ibuf [dreg:s6], $0x2FFFF;
	_ =	strace $0x9FFFFFFF  }
0xc2: {  	(tm) =	ssettm $0x7FFFFFFF  }
0xc3: {  	_ =	shalt  }
tec
execute0_lowered:
.L_overlay_start_1:
0x0: {  	(tag) =	ssettag $0x1  }
0x1: {  	s0 =	rddreg [dreg:$0x0]  }
0x2: {  	s2 =	rddreg [dreg:$0x1];
	s13 =	stileid.u32;
	s3 =	simm.s32 $0x0  }
0x3: {  	s4 =	srdreg.scid;
	s14 =	simm.s32 $0x4;
	s15 =	simm.s32 $0x1C00  }
0x4: {  	s16 =	simm.s32 $0x1;
	s17 =	simm.s32 $0x80;
	s18 =	simm.s32 $0x3800  }
0x5: {  	s19 =	simm.s32 $0x4000;
	s20 =	simm.s32 $0x4800;
	s21 =	simm.s32 $0x5000  }
0x6: {  	s22 =	simm.s32 $0x5800;
	s23 =	simm.s32 $0x6000;
	s24 =	simm.s32 $0x6800  }
0x7: {  	s25 =	simm.s32 $0x7000;
	s26 =	simm.s32 $0x2;
	s28 =	simm.s32 $0x3  }
0x8: {  	s1 =	smul.u32 $0x18700, s13;
	[smem:$0x7FF] =	sst s3;
	s11 =	sand.u32 $0x1, s4  }
0x9: {  	s8 =	smul.u32 $0x30E0, s13;
	s4 =	sadd.s32 $0xC8800, s0;
	s5 =	sadd.s32 $0x4E00, s0  }
0xa: {  	s6 =	sadd.s32 $0x66C00, s0;
	s7 =	sadd.s32 $0xF9800, s0;
	s31 =	sshll.u32 s13, $0x6  }
0xb: {  	_ =	strace $0x80000050;
	s9 =	smul.u32 $0x30E00, s11;
	s29 =	ssub.s32 $0x2, s11  }
.Ltmp0:
0xc: {  	p0 =	seq.s32 s11, $0x1;
	s10 =	sshrl.u32 s1, $0x3;
	(pc) =	sbr.rel .LBB2_1-.Ltmp0, $4  }
0xd: {  	s30 =	sshrl.u32 s29, $0x1;
	s1 =	sadd.s32 s1, s2;
	s8 =	sadd.s32 s8, s9  }
0xe: {  	s10 =	sadd.s32 s10, s0;
	s12 =	ssub.s32 s29, s30;
	s9 =	sor.u32 $0x1C04, s31  }
0xf: {  	s0 =	sadd.s32 s8, s0;
	s8 =	sadd.s32 $0x35E00, s10;
	s10 =	smul.u32 $0x310, s13  }
0x10: {  	s12 =	smax.u32 s12, $0x1;
	s13 =	sshrl.u32 s1, $0x3;
	s11 =	sadd.s32 $0x12A600, s0  }
.LBB2_10:
0x11: {  	s3 =	sadd.s32 $0x1, s3  }
0x12: {  	p1 =	sne.s32 s3, s12  }
.Ltmp1:
0x13: {  	[bflag:$0x0] =	sbarrier.arrive $0xFFFF;
	(pc) =	sbr.rel @!p1 .LBB2_11-.Ltmp1, $4  }
0x14: {  	[hbm:s11], [sflag:s9] =	dma.local [spmem:s13], $0x30E0  }
0x15: {  	_ =	swait.ge [sflag:s14], $0x30E0  }
0x16: {  	[sflag:s14] =	ssyncset.done $0x0  }
0x17: {  	[sflag:s14] =	ssyncadd.s32 $0xFFFFCF20  }
.LBB2_1:
0x18: {  	[spmem:s13], [sflag:s9] =	dma.local [hbm:s8], $0x30E0  }
.Ltmp2:
0x19: {  	_ =	swait.ge [sflag:s14], $0x30E0;
	(pc) =	sbr.rel .LBB2_2-.Ltmp2, $4  }
0x1a: {  	[sflag:s14] =	ssyncset.done $0x0  }
0x1b: {  	[sflag:s14] =	ssyncadd.s32 $0xFFFFCF20  }
0x1c: {  	[bflag:$0x0] =	sbarrier.arrive $0xFFFF  }
0x1d: {  	s29 =	simm.s32 $0x0  }
.LBB2_5:
0x1e: {  	s0 =	sshra.s32 s30, $0x2;
	[sflag:s28] =	ssyncadd.s32 $0xFFFFF800  }
0x1f: {  	[tilespmem:s18], [sflag:$0x2] =	stream.indirect.gather [hbm4b:s6+s17], $0x10, s0, s17, $0xb8;
	[tilespmem:$0x1FF00] =	vst v63  }
0x20: {  	s1 =	sadd.s32 $0x80, s0  }
0x21: {  	[tilespmem:s19], [sflag:$0x2] =	stream.indirect.gather [hbm4b:s6+s17], $0x10, s1, s17, $0xb8;
	[tilespmem:$0x1FF00] =	vst v63  }
0x22: {  	s31 =	sadd.s32 $0x100, s0  }
0x23: {  	[tilespmem:s20], [sflag:$0x2] =	stream.indirect.gather [hbm4b:s6+s17], $0x10, s31, s17, $0xb8;
	[tilespmem:$0x1FF00] =	vst v63  }
0x24: {  	s30 =	sadd.s32 $0x180, s0  }
0x25: {  	[tilespmem:s21], [sflag:$0x2] =	stream.indirect.gather [hbm4b:s6+s17], $0x10, s30, s17, $0xb8;
	[tilespmem:$0x1FF00] =	vst v63  }
0x26: {  	s31 =	sadd.s32 $0x200, s0  }
0x27: {  	[tilespmem:s22], [sflag:$0x2] =	stream.indirect.gather [hbm4b:s6+s17], $0x10, s31, s17, $0xb8;
	[tilespmem:$0x1FF00] =	vst v63  }
0x28: {  	s30 =	sadd.s32 $0x280, s0  }
0x29: {  	[tilespmem:s23], [sflag:$0x2] =	stream.indirect.gather [hbm4b:s6+s17], $0x10, s30, s17, $0xb8;
	[tilespmem:$0x1FF00] =	vst v63  }
0x2a: {  	s31 =	sadd.s32 $0x300, s0  }
0x2b: {  	[tilespmem:s24], [sflag:$0x2] =	stream.indirect.gather [hbm4b:s6+s17], $0x10, s31, s17, $0xb8;
	[tilespmem:$0x1FF00] =	vst v63  }
0x2c: {  	s30 =	sadd.s32 $0x380, s0  }
0x2d: {  	[tilespmem:s25], [sflag:$0x2] =	stream.indirect.gather [hbm4b:s6+s17], $0x10, s30, s17, $0xb8;
	[tilespmem:$0x1FF00] =	vst v63  }
0x2e: {  	_ =	swait.ge [sflag:s26], $0x800  }
0x2f: {  	[sflag:s26] =	ssyncset.done $0x0  }
0x30: {  	s31 =	sadd.s32 $0x1C00, s0;
	[sflag:s26] =	ssyncadd.s32 $0xFFFFF800  }
0x31: {  	[spmem:s2] =	stream.indirect.scatter.add.f32 [tilespmem:s18], [sflag:$0x3], $0x10, s31, s17, $0xb8;
	[tilespmem:$0x1FF00] =	vst v63  }
0x32: {  	_ =	swait.ge [sflag:s26], $0x800  }
0x33: {  	[sflag:s26] =	ssyncset.done $0x0  }
0x34: {  	s30 =	sadd.s32 $0x1C80, s0;
	[sflag:s26] =	ssyncadd.s32 $0xFFFFF800  }
0x35: {  	[spmem:s2] =	stream.indirect.scatter.add.f32 [tilespmem:s19], [sflag:$0x3], $0x10, s30, s17, $0xb8;
	[tilespmem:$0x1FF00] =	vst v63  }
0x36: {  	_ =	swait.ge [sflag:s26], $0x800  }
0x37: {  	[sflag:s26] =	ssyncset.done $0x0  }
0x38: {  	s31 =	sadd.s32 $0x1D00, s0;
	[sflag:s26] =	ssyncadd.s32 $0xFFFFF800  }
0x39: {  	[spmem:s2] =	stream.indirect.scatter.add.f32 [tilespmem:s20], [sflag:$0x3], $0x10, s31, s17, $0xb8;
	[tilespmem:$0x1FF00] =	vst v63  }
0x3a: {  	_ =	swait.ge [sflag:s26], $0x800  }
0x3b: {  	[sflag:s26] =	ssyncset.done $0x0  }
0x3c: {  	s30 =	sadd.s32 $0x1D80, s0;
	[sflag:s26] =	ssyncadd.s32 $0xFFFFF800  }
0x3d: {  	[spmem:s2] =	stream.indirect.scatter.add.f32 [tilespmem:s21], [sflag:$0x3], $0x10, s30, s17, $0xb8;
	[tilespmem:$0x1FF00] =	vst v63  }
0x3e: {  	_ =	swait.ge [sflag:s26], $0x800  }
0x3f: {  	[sflag:s26] =	ssyncset.done $0x0  }
0x40: {  	s31 =	sadd.s32 $0x1E00, s0;
	[sflag:s26] =	ssyncadd.s32 $0xFFFFF800  }
0x41: {  	[spmem:s2] =	stream.indirect.scatter.add.f32 [tilespmem:s22], [sflag:$0x3], $0x10, s31, s17, $0xb8;
	[tilespmem:$0x1FF00] =	vst v63  }
0x42: {  	_ =	swait.ge [sflag:s26], $0x800  }
0x43: {  	[sflag:s26] =	ssyncset.done $0x0  }
0x44: {  	s30 =	sadd.s32 $0x1E80, s0;
	[sflag:s26] =	ssyncadd.s32 $0xFFFFF800  }
0x45: {  	[spmem:s2] =	stream.indirect.scatter.add.f32 [tilespmem:s23], [sflag:$0x3], $0x10, s30, s17, $0xb8;
	[tilespmem:$0x1FF00] =	vst v63  }
0x46: {  	_ =	swait.ge [sflag:s26], $0x800  }
0x47: {  	[sflag:s26] =	ssyncset.done $0x0  }
0x48: {  	s31 =	sadd.s32 $0x1F00, s0;
	[sflag:s26] =	ssyncadd.s32 $0xFFFFF800  }
0x49: {  	[spmem:s2] =	stream.indirect.scatter.add.f32 [tilespmem:s24], [sflag:$0x3], $0x10, s31, s17, $0xb8;
	[tilespmem:$0x1FF00] =	vst v63  }
0x4a: {  	_ =	swait.ge [sflag:s26], $0x800  }
0x4b: {  	[sflag:s26] =	ssyncset.done $0x0  }
0x4c: {  	s0 =	sadd.s32 $0x1F80, s0;
	[sflag:s26] =	ssyncadd.s32 $0xFFFFF800  }
0x4d: {  	[spmem:s2] =	stream.indirect.scatter.add.f32 [tilespmem:s25], [sflag:$0x3], $0x10, s0, s17, $0xb8;
	[tilespmem:$0x1FF00] =	vst v63  }
0x4e: {  	_ =	swait.ge [sflag:s28], $0x800  }
0x4f: {  	[sflag:s28] =	ssyncset.done $0x0  }
0x50: {  	[sflag:s28] =	ssyncadd.s32 $0xFFFFF800  }
0x51: {  	_ =	swait.ge [sflag:s28], $0x800  }
0x52: {  	[sflag:s28] =	ssyncset.done $0x0  }
0x53: {  	[sflag:s28] =	ssyncadd.s32 $0xFFFFF800  }
0x54: {  	_ =	swait.ge [sflag:s28], $0x800  }
0x55: {  	[sflag:s28] =	ssyncset.done $0x0  }
0x56: {  	[sflag:s28] =	ssyncadd.s32 $0xFFFFF800  }
0x57: {  	_ =	swait.ge [sflag:s28], $0x800  }
0x58: {  	[sflag:s28] =	ssyncset.done $0x0  }
0x59: {  	[sflag:s28] =	ssyncadd.s32 $0xFFFFF800  }
0x5a: {  	_ =	swait.ge [sflag:s28], $0x800  }
0x5b: {  	[sflag:s28] =	ssyncset.done $0x0  }
0x5c: {  	[sflag:s28] =	ssyncadd.s32 $0xFFFFF800  }
0x5d: {  	_ =	swait.ge [sflag:s28], $0x800  }
0x5e: {  	[sflag:s28] =	ssyncset.done $0x0  }
0x5f: {  	[sflag:s28] =	ssyncadd.s32 $0xFFFFF800  }
0x60: {  	_ =	swait.ge [sflag:s28], $0x800  }
0x61: {  	[sflag:s28] =	ssyncset.done $0x0  }
0x62: {  	[sflag:s28] =	ssyncadd.s32 $0xFFFFF800  }
0x63: {  	_ =	swait.ge [sflag:s28], $0x800  }
0x64: {  	[sflag:s28] =	ssyncset.done $0x0  }
0x65: {  	[sflag:s28] =	ssyncadd.s32 $0xFFFFF800  }
.LBB2_9:
0x66: {  	s29 =	sadd.s32 $0x1, s29  }
0x67: {  	p1 =	sne.s32 s29, $0xE  }
.Ltmp3:
0x68: {  	_ = 	snop;
	(pc) =	sbr.rel @!p1 .LBB2_10-.Ltmp3, $1  }
0x69: {  	_ =	sdelay $0x3  }
.LBB2_2:
0x6a: {  	s0 =	smul.u32 $0x38, s29;
	_ =	sdelay $0x1  }
0x6b: {  	s0 =	sadd.s32 s10, s0  }
0x6c: {  	s0 =	sshll.u32 s0, $0x4  }
0x6d: {  	s30 =	simm.s32 $0x0;
	s1 =	sadd.s32 s4, s0  }
0x6e: {  	[tilespmem:s30], [sflag:$0x1] =	stream.linear.gather [hbm4b:s1+s30], $0x1C00, $0x38;
	[tilespmem:$0x1FF00] =	vst v63  }
0x6f: {  	s0 =	sadd.s32 s5, s0  }
0x70: {  	[tilespmem:s15], [sflag:$0x1] =	stream.linear.gather [hbm4b:s0+s30], $0x1C00, $0x38;
	[tilespmem:$0x1FF00] =	vst v63  }
0x71: {  	_ =	swait.ge [sflag:s16], $0x1C00  }
.Ltmp4:
0x72: {  	[sflag:s16] =	ssyncset.done $0x0;
	(pc) =	sbr.rel @!p0 .LBB2_3-.Ltmp4, $4  }
0x73: {  	[sflag:s16] =	ssyncadd.s32 $0xFFFFE400  }
0x74: {  	_ =	swait.ge [sflag:s16], $0x1C00  }
0x75: {  	[sflag:s16] =	ssyncset.done $0x0  }
0x76: {  	s0 =	simm.s32 $0x0;
	[sflag:s16] =	ssyncadd.s32 $0xFFFFE400  }
0x77: {  	[tilespmem:s18], [sflag:$0x2] =	stream.indirect.gather [hbm4b:s7+s17], $0x10, s0, s17, $0xb8;
	[tilespmem:$0x1FF00] =	vst v63  }
0x78: {  	s31 =	simm.s32 $0x80  }
0x79: {  	[tilespmem:s19], [sflag:$0x2] =	stream.indirect.gather [hbm4b:s7+s17], $0x10, s31, s17, $0xb8;
	[tilespmem:$0x1FF00] =	vst v63  }
0x7a: {  	s1 =	simm.s32 $0x100  }
0x7b: {  	[tilespmem:s20], [sflag:$0x2] =	stream.indirect.gather [hbm4b:s7+s17], $0x10, s1, s17, $0xb8;
	[tilespmem:$0x1FF00] =	vst v63  }
0x7c: {  	s31 =	simm.s32 $0x180  }
0x7d: {  	[tilespmem:s21], [sflag:$0x2] =	stream.indirect.gather [hbm4b:s7+s17], $0x10, s31, s17, $0xb8;
	[tilespmem:$0x1FF00] =	vst v63  }
0x7e: {  	s1 =	simm.s32 $0x200  }
0x7f: {  	[tilespmem:s22], [sflag:$0x2] =	stream.indirect.gather [hbm4b:s7+s17], $0x10, s1, s17, $0xb8;
	[tilespmem:$0x1FF00] =	vst v63  }
0x80: {  	s31 =	simm.s32 $0x280  }
0x81: {  	[tilespmem:s23], [sflag:$0x2] =	stream.indirect.gather [hbm4b:s7+s17], $0x10, s31, s17, $0xb8;
	[tilespmem:$0x1FF00] =	vst v63  }
0x82: {  	s1 =	simm.s32 $0x300  }
0x83: {  	[tilespmem:s24], [sflag:$0x2] =	stream.indirect.gather [hbm4b:s7+s17], $0x10, s1, s17, $0xb8;
	[tilespmem:$0x1FF00] =	vst v63  }
0x84: {  	s31 =	simm.s32 $0x380  }
0x85: {  	[tilespmem:s25], [sflag:$0x2] =	stream.indirect.gather [hbm4b:s7+s17], $0x10, s31, s17, $0xb8;
	[tilespmem:$0x1FF00] =	vst v63  }
0x86: {  	_ =	swait.ge [sflag:s26], $0x800  }
0x87: {  	[sflag:s26] =	ssyncset.done $0x0  }
0x88: {  	s1 =	simm.s32 $0x1C00;
	[sflag:s26] =	ssyncadd.s32 $0xFFFFF800  }
0x89: {  	[spmem:s2] =	stream.indirect.scatter.add.f32 [tilespmem:s18], [sflag:$0x3], $0x10, s1, s17, $0xb8;
	[tilespmem:$0x1FF00] =	vst v63  }
0x8a: {  	_ =	swait.ge [sflag:s26], $0x800  }
0x8b: {  	[sflag:s26] =	ssyncset.done $0x0  }
0x8c: {  	s31 =	simm.s32 $0x1C80;
	[sflag:s26] =	ssyncadd.s32 $0xFFFFF800  }
0x8d: {  	[spmem:s2] =	stream.indirect.scatter.add.f32 [tilespmem:s19], [sflag:$0x3], $0x10, s31, s17, $0xb8;
	[tilespmem:$0x1FF00] =	vst v63  }
0x8e: {  	_ =	swait.ge [sflag:s26], $0x800  }
0x8f: {  	[sflag:s26] =	ssyncset.done $0x0  }
0x90: {  	s1 =	simm.s32 $0x1D00;
	[sflag:s26] =	ssyncadd.s32 $0xFFFFF800  }
0x91: {  	[spmem:s2] =	stream.indirect.scatter.add.f32 [tilespmem:s20], [sflag:$0x3], $0x10, s1, s17, $0xb8;
	[tilespmem:$0x1FF00] =	vst v63  }
0x92: {  	_ =	swait.ge [sflag:s26], $0x800  }
0x93: {  	[sflag:s26] =	ssyncset.done $0x0  }
0x94: {  	s31 =	simm.s32 $0x1D80;
	[sflag:s26] =	ssyncadd.s32 $0xFFFFF800  }
0x95: {  	[spmem:s2] =	stream.indirect.scatter.add.f32 [tilespmem:s21], [sflag:$0x3], $0x10, s31, s17, $0xb8;
	[tilespmem:$0x1FF00] =	vst v63  }
0x96: {  	_ =	swait.ge [sflag:s26], $0x800  }
0x97: {  	[sflag:s26] =	ssyncset.done $0x0  }
0x98: {  	s1 =	simm.s32 $0x1E00;
	[sflag:s26] =	ssyncadd.s32 $0xFFFFF800  }
0x99: {  	[spmem:s2] =	stream.indirect.scatter.add.f32 [tilespmem:s22], [sflag:$0x3], $0x10, s1, s17, $0xb8;
	[tilespmem:$0x1FF00] =	vst v63  }
0x9a: {  	_ =	swait.ge [sflag:s26], $0x800  }
0x9b: {  	[sflag:s26] =	ssyncset.done $0x0  }
0x9c: {  	s31 =	simm.s32 $0x1E80;
	[sflag:s26] =	ssyncadd.s32 $0xFFFFF800  }
0x9d: {  	[spmem:s2] =	stream.indirect.scatter.add.f32 [tilespmem:s23], [sflag:$0x3], $0x10, s31, s17, $0xb8;
	[tilespmem:$0x1FF00] =	vst v63  }
0x9e: {  	_ =	swait.ge [sflag:s26], $0x800  }
0x9f: {  	[sflag:s26] =	ssyncset.done $0x0  }
0xa0: {  	s1 =	simm.s32 $0x1F00;
	[sflag:s26] =	ssyncadd.s32 $0xFFFFF800  }
0xa1: {  	[spmem:s2] =	stream.indirect.scatter.add.f32 [tilespmem:s24], [sflag:$0x3], $0x10, s1, s17, $0xb8;
	[tilespmem:$0x1FF00] =	vst v63  }
0xa2: {  	_ =	swait.ge [sflag:s26], $0x800  }
0xa3: {  	[sflag:s26] =	ssyncset.done $0x0  }
0xa4: {  	s31 =	simm.s32 $0x1F80;
	[sflag:s26] =	ssyncadd.s32 $0xFFFFF800  }
0xa5: {  	[spmem:s2] =	stream.indirect.scatter.add.f32 [tilespmem:s25], [sflag:$0x3], $0x10, s31, s17, $0xb8;
	[tilespmem:$0x1FF00] =	vst v63  }
0xa6: {  	_ =	swait.ge [sflag:s28], $0x800  }
0xa7: {  	[sflag:s28] =	ssyncset.done $0x0  }
0xa8: {  	[sflag:s28] =	ssyncadd.s32 $0xFFFFF800  }
0xa9: {  	_ =	swait.ge [sflag:s28], $0x800  }
0xaa: {  	[sflag:s28] =	ssyncset.done $0x0  }
0xab: {  	[sflag:s28] =	ssyncadd.s32 $0xFFFFF800  }
0xac: {  	_ =	swait.ge [sflag:s28], $0x800  }
0xad: {  	[sflag:s28] =	ssyncset.done $0x0  }
0xae: {  	[sflag:s28] =	ssyncadd.s32 $0xFFFFF800  }
0xaf: {  	_ =	swait.ge [sflag:s28], $0x800  }
0xb0: {  	[sflag:s28] =	ssyncset.done $0x0  }
0xb1: {  	[sflag:s28] =	ssyncadd.s32 $0xFFFFF800  }
0xb2: {  	_ =	swait.ge [sflag:s28], $0x800  }
0xb3: {  	[sflag:s28] =	ssyncset.done $0x0  }
0xb4: {  	[sflag:s28] =	ssyncadd.s32 $0xFFFFF800  }
0xb5: {  	_ =	swait.ge [sflag:s28], $0x800  }
0xb6: {  	[sflag:s28] =	ssyncset.done $0x0  }
0xb7: {  	[sflag:s28] =	ssyncadd.s32 $0xFFFFF800  }
0xb8: {  	_ =	swait.ge [sflag:s28], $0x800  }
0xb9: {  	[sflag:s28] =	ssyncset.done $0x0  }
0xba: {  	[sflag:s28] =	ssyncadd.s32 $0xFFFFF800  }
0xbb: {  	_ =	swait.ge [sflag:s28], $0x800  }
0xbc: {  	s30 =	simm.s32 $0x1000;
	s1 =	simm.s32 $0x2000;
	[sflag:s28] =	ssyncset.done $0x0  }
.LBB2_7:
0xbd: {  	s0 =	sshra.s32 s30, $0x2  }
0xbe: {  	[sflag:s28] =	ssyncadd.s32 $0xFFFFF800;
	s30 =	smov.u32 s1;
	s31 =	sadd.s32 $0x1000, s1  }
0xbf: {  	[tilespmem:s18], [sflag:$0x2] =	stream.indirect.gather [hbm4b:s7+s17], $0x10, s0, s17, $0xb8;
	[tilespmem:$0x1FF00] =	vst v63  }
0xc0: {  	p1 =	sne.s32 s1, $0x6000;
	s1 =	sadd.s32 $0x80, s0  }
0xc1: {  	[tilespmem:s19], [sflag:$0x2] =	stream.indirect.gather [hbm4b:s7+s17], $0x10, s1, s17, $0xb8;
	[tilespmem:$0x1FF00] =	vst v63  }
0xc2: {  	s1 =	sadd.s32 $0x100, s0  }
0xc3: {  	[tilespmem:s20], [sflag:$0x2] =	stream.indirect.gather [hbm4b:s7+s17], $0x10, s1, s17, $0xb8;
	[tilespmem:$0x1FF00] =	vst v63  }
0xc4: {  	s1 =	sadd.s32 $0x180, s0  }
0xc5: {  	[tilespmem:s21], [sflag:$0x2] =	stream.indirect.gather [hbm4b:s7+s17], $0x10, s1, s17, $0xb8;
	[tilespmem:$0x1FF00] =	vst v63  }
0xc6: {  	s1 =	sadd.s32 $0x200, s0  }
0xc7: {  	[tilespmem:s22], [sflag:$0x2] =	stream.indirect.gather [hbm4b:s7+s17], $0x10, s1, s17, $0xb8;
	[tilespmem:$0x1FF00] =	vst v63  }
0xc8: {  	s1 =	sadd.s32 $0x280, s0  }
0xc9: {  	[tilespmem:s23], [sflag:$0x2] =	stream.indirect.gather [hbm4b:s7+s17], $0x10, s1, s17, $0xb8;
	[tilespmem:$0x1FF00] =	vst v63  }
0xca: {  	s1 =	sadd.s32 $0x300, s0  }
0xcb: {  	[tilespmem:s24], [sflag:$0x2] =	stream.indirect.gather [hbm4b:s7+s17], $0x10, s1, s17, $0xb8;
	[tilespmem:$0x1FF00] =	vst v63  }
0xcc: {  	s1 =	sadd.s32 $0x380, s0  }
0xcd: {  	[tilespmem:s25], [sflag:$0x2] =	stream.indirect.gather [hbm4b:s7+s17], $0x10, s1, s17, $0xb8;
	[tilespmem:$0x1FF00] =	vst v63  }
0xce: {  	_ =	swait.ge [sflag:s26], $0x800  }
0xcf: {  	[sflag:s26] =	ssyncset.done $0x0  }
0xd0: {  	s1 =	sadd.s32 $0x1C00, s0;
	[sflag:s26] =	ssyncadd.s32 $0xFFFFF800  }
0xd1: {  	[spmem:s2] =	stream.indirect.scatter.add.f32 [tilespmem:s18], [sflag:$0x3], $0x10, s1, s17, $0xb8;
	[tilespmem:$0x1FF00] =	vst v63  }
0xd2: {  	_ =	swait.ge [sflag:s26], $0x800  }
0xd3: {  	[sflag:s26] =	ssyncset.done $0x0  }
0xd4: {  	s1 =	sadd.s32 $0x1C80, s0;
	[sflag:s26] =	ssyncadd.s32 $0xFFFFF800  }
0xd5: {  	[spmem:s2] =	stream.indirect.scatter.add.f32 [tilespmem:s19], [sflag:$0x3], $0x10, s1, s17, $0xb8;
	[tilespmem:$0x1FF00] =	vst v63  }
0xd6: {  	_ =	swait.ge [sflag:s26], $0x800  }
0xd7: {  	[sflag:s26] =	ssyncset.done $0x0  }
0xd8: {  	s1 =	sadd.s32 $0x1D00, s0;
	[sflag:s26] =	ssyncadd.s32 $0xFFFFF800  }
0xd9: {  	[spmem:s2] =	stream.indirect.scatter.add.f32 [tilespmem:s20], [sflag:$0x3], $0x10, s1, s17, $0xb8;
	[tilespmem:$0x1FF00] =	vst v63  }
0xda: {  	_ =	swait.ge [sflag:s26], $0x800  }
0xdb: {  	[sflag:s26] =	ssyncset.done $0x0  }
0xdc: {  	s1 =	sadd.s32 $0x1D80, s0;
	[sflag:s26] =	ssyncadd.s32 $0xFFFFF800  }
0xdd: {  	[spmem:s2] =	stream.indirect.scatter.add.f32 [tilespmem:s21], [sflag:$0x3], $0x10, s1, s17, $0xb8;
	[tilespmem:$0x1FF00] =	vst v63  }
0xde: {  	_ =	swait.ge [sflag:s26], $0x800  }
0xdf: {  	[sflag:s26] =	ssyncset.done $0x0  }
0xe0: {  	s1 =	sadd.s32 $0x1E00, s0;
	[sflag:s26] =	ssyncadd.s32 $0xFFFFF800  }
0xe1: {  	[spmem:s2] =	stream.indirect.scatter.add.f32 [tilespmem:s22], [sflag:$0x3], $0x10, s1, s17, $0xb8;
	[tilespmem:$0x1FF00] =	vst v63  }
0xe2: {  	_ =	swait.ge [sflag:s26], $0x800  }
0xe3: {  	[sflag:s26] =	ssyncset.done $0x0  }
0xe4: {  	s1 =	sadd.s32 $0x1E80, s0;
	[sflag:s26] =	ssyncadd.s32 $0xFFFFF800  }
0xe5: {  	[spmem:s2] =	stream.indirect.scatter.add.f32 [tilespmem:s23], [sflag:$0x3], $0x10, s1, s17, $0xb8;
	[tilespmem:$0x1FF00] =	vst v63  }
0xe6: {  	_ =	swait.ge [sflag:s26], $0x800  }
0xe7: {  	[sflag:s26] =	ssyncset.done $0x0  }
0xe8: {  	s1 =	sadd.s32 $0x1F00, s0;
	[sflag:s26] =	ssyncadd.s32 $0xFFFFF800  }
0xe9: {  	[spmem:s2] =	stream.indirect.scatter.add.f32 [tilespmem:s24], [sflag:$0x3], $0x10, s1, s17, $0xb8;
	[tilespmem:$0x1FF00] =	vst v63  }
0xea: {  	_ =	swait.ge [sflag:s26], $0x800  }
0xeb: {  	[sflag:s26] =	ssyncset.done $0x0  }
0xec: {  	s0 =	sadd.s32 $0x1F80, s0;
	[sflag:s26] =	ssyncadd.s32 $0xFFFFF800  }
0xed: {  	[spmem:s2] =	stream.indirect.scatter.add.f32 [tilespmem:s25], [sflag:$0x3], $0x10, s0, s17, $0xb8;
	[tilespmem:$0x1FF00] =	vst v63  }
0xee: {  	_ =	swait.ge [sflag:s28], $0x800  }
0xef: {  	[sflag:s28] =	ssyncset.done $0x0  }
0xf0: {  	[sflag:s28] =	ssyncadd.s32 $0xFFFFF800  }
0xf1: {  	_ =	swait.ge [sflag:s28], $0x800  }
0xf2: {  	[sflag:s28] =	ssyncset.done $0x0  }
0xf3: {  	[sflag:s28] =	ssyncadd.s32 $0xFFFFF800  }
0xf4: {  	_ =	swait.ge [sflag:s28], $0x800  }
0xf5: {  	[sflag:s28] =	ssyncset.done $0x0  }
0xf6: {  	[sflag:s28] =	ssyncadd.s32 $0xFFFFF800  }
0xf7: {  	_ =	swait.ge [sflag:s28], $0x800  }
0xf8: {  	[sflag:s28] =	ssyncset.done $0x0  }
0xf9: {  	[sflag:s28] =	ssyncadd.s32 $0xFFFFF800  }
0xfa: {  	_ =	swait.ge [sflag:s28], $0x800  }
0xfb: {  	[sflag:s28] =	ssyncset.done $0x0  }
0xfc: {  	[sflag:s28] =	ssyncadd.s32 $0xFFFFF800  }
0xfd: {  	_ =	swait.ge [sflag:s28], $0x800  }
0xfe: {  	[sflag:s28] =	ssyncset.done $0x0  }
0xff: {  	[sflag:s28] =	ssyncadd.s32 $0xFFFFF800  }
.Ltmp5:
0x100: {  	_ =	swait.ge [sflag:s28], $0x800;
	(pc) =	sbr.rel @p1 .LBB2_7-.Ltmp5, $4  }
0x101: {  	[sflag:s28] =	ssyncset.done $0x0  }
0x102: {  	[sflag:s28] =	ssyncadd.s32 $0xFFFFF800  }
0x103: {  	_ =	swait.ge [sflag:s28], $0x800  }
0x104: {  	s1 =	smov.u32 s31;
	[sflag:s28] =	ssyncset.done $0x0  }
0x105: {  	s0 =	sshra.s32 s30, $0x2;
	[sflag:s28] =	ssyncadd.s32 $0xFFFFF800  }
0x106: {  	[tilespmem:s18], [sflag:$0x2] =	stream.indirect.gather [hbm4b:s7+s17], $0x10, s0, s17, $0xb8;
	[tilespmem:$0x1FF00] =	vst v63  }
0x107: {  	s1 =	sadd.s32 $0x80, s0  }
0x108: {  	[tilespmem:s19], [sflag:$0x2] =	stream.indirect.gather [hbm4b:s7+s17], $0x10, s1, s17, $0xb8;
	[tilespmem:$0x1FF00] =	vst v63  }
0x109: {  	s31 =	sadd.s32 $0x100, s0  }
0x10a: {  	[tilespmem:s20], [sflag:$0x2] =	stream.indirect.gather [hbm4b:s7+s17], $0x10, s31, s17, $0xb8;
	[tilespmem:$0x1FF00] =	vst v63  }
0x10b: {  	s30 =	sadd.s32 $0x180, s0  }
0x10c: {  	[tilespmem:s21], [sflag:$0x2] =	stream.indirect.gather [hbm4b:s7+s17], $0x10, s30, s17, $0xb8;
	[tilespmem:$0x1FF00] =	vst v63  }
0x10d: {  	s31 =	sadd.s32 $0x200, s0  }
0x10e: {  	[tilespmem:s22], [sflag:$0x2] =	stream.indirect.gather [hbm4b:s7+s17], $0x10, s31, s17, $0xb8;
	[tilespmem:$0x1FF00] =	vst v63  }
0x10f: {  	s30 =	sadd.s32 $0x280, s0  }
0x110: {  	[tilespmem:s23], [sflag:$0x2] =	stream.indirect.gather [hbm4b:s7+s17], $0x10, s30, s17, $0xb8;
	[tilespmem:$0x1FF00] =	vst v63  }
0x111: {  	s31 =	sadd.s32 $0x300, s0  }
0x112: {  	[tilespmem:s24], [sflag:$0x2] =	stream.indirect.gather [hbm4b:s7+s17], $0x10, s31, s17, $0xb8;
	[tilespmem:$0x1FF00] =	vst v63  }
0x113: {  	s30 =	sadd.s32 $0x380, s0  }
0x114: {  	[tilespmem:s25], [sflag:$0x2] =	stream.indirect.gather [hbm4b:s7+s17], $0x10, s30, s17, $0xb8;
	[tilespmem:$0x1FF00] =	vst v63  }
0x115: {  	_ =	swait.ge [sflag:s26], $0x800  }
0x116: {  	[sflag:s26] =	ssyncset.done $0x0  }
0x117: {  	s31 =	sadd.s32 $0x1C00, s0;
	[sflag:s26] =	ssyncadd.s32 $0xFFFFF800  }
0x118: {  	[spmem:s2] =	stream.indirect.scatter.add.f32 [tilespmem:s18], [sflag:$0x3], $0x10, s31, s17, $0xb8;
	[tilespmem:$0x1FF00] =	vst v63  }
0x119: {  	_ =	swait.ge [sflag:s26], $0x800  }
0x11a: {  	[sflag:s26] =	ssyncset.done $0x0  }
0x11b: {  	s30 =	sadd.s32 $0x1C80, s0;
	[sflag:s26] =	ssyncadd.s32 $0xFFFFF800  }
0x11c: {  	[spmem:s2] =	stream.indirect.scatter.add.f32 [tilespmem:s19], [sflag:$0x3], $0x10, s30, s17, $0xb8;
	[tilespmem:$0x1FF00] =	vst v63  }
0x11d: {  	_ =	swait.ge [sflag:s26], $0x800  }
0x11e: {  	[sflag:s26] =	ssyncset.done $0x0  }
0x11f: {  	s31 =	sadd.s32 $0x1D00, s0;
	[sflag:s26] =	ssyncadd.s32 $0xFFFFF800  }
0x120: {  	[spmem:s2] =	stream.indirect.scatter.add.f32 [tilespmem:s20], [sflag:$0x3], $0x10, s31, s17, $0xb8;
	[tilespmem:$0x1FF00] =	vst v63  }
0x121: {  	_ =	swait.ge [sflag:s26], $0x800  }
0x122: {  	[sflag:s26] =	ssyncset.done $0x0  }
0x123: {  	s30 =	sadd.s32 $0x1D80, s0;
	[sflag:s26] =	ssyncadd.s32 $0xFFFFF800  }
0x124: {  	[spmem:s2] =	stream.indirect.scatter.add.f32 [tilespmem:s21], [sflag:$0x3], $0x10, s30, s17, $0xb8;
	[tilespmem:$0x1FF00] =	vst v63  }
0x125: {  	_ =	swait.ge [sflag:s26], $0x800  }
0x126: {  	[sflag:s26] =	ssyncset.done $0x0  }
0x127: {  	s31 =	sadd.s32 $0x1E00, s0;
	[sflag:s26] =	ssyncadd.s32 $0xFFFFF800  }
0x128: {  	[spmem:s2] =	stream.indirect.scatter.add.f32 [tilespmem:s22], [sflag:$0x3], $0x10, s31, s17, $0xb8;
	[tilespmem:$0x1FF00] =	vst v63  }
0x129: {  	_ =	swait.ge [sflag:s26], $0x800  }
0x12a: {  	[sflag:s26] =	ssyncset.done $0x0  }
0x12b: {  	s30 =	sadd.s32 $0x1E80, s0;
	[sflag:s26] =	ssyncadd.s32 $0xFFFFF800  }
0x12c: {  	[spmem:s2] =	stream.indirect.scatter.add.f32 [tilespmem:s23], [sflag:$0x3], $0x10, s30, s17, $0xb8;
	[tilespmem:$0x1FF00] =	vst v63  }
0x12d: {  	_ =	swait.ge [sflag:s26], $0x800  }
0x12e: {  	[sflag:s26] =	ssyncset.done $0x0  }
0x12f: {  	s31 =	sadd.s32 $0x1F00, s0;
	[sflag:s26] =	ssyncadd.s32 $0xFFFFF800  }
0x130: {  	[spmem:s2] =	stream.indirect.scatter.add.f32 [tilespmem:s24], [sflag:$0x3], $0x10, s31, s17, $0xb8;
	[tilespmem:$0x1FF00] =	vst v63  }
0x131: {  	_ =	swait.ge [sflag:s26], $0x800  }
0x132: {  	[sflag:s26] =	ssyncset.done $0x0  }
0x133: {  	s0 =	sadd.s32 $0x1F80, s0;
	[sflag:s26] =	ssyncadd.s32 $0xFFFFF800  }
0x134: {  	[spmem:s2] =	stream.indirect.scatter.add.f32 [tilespmem:s25], [sflag:$0x3], $0x10, s0, s17, $0xb8;
	[tilespmem:$0x1FF00] =	vst v63  }
0x135: {  	_ =	swait.ge [sflag:s28], $0x800  }
0x136: {  	[sflag:s28] =	ssyncset.done $0x0  }
0x137: {  	[sflag:s28] =	ssyncadd.s32 $0xFFFFF800  }
0x138: {  	_ =	swait.ge [sflag:s28], $0x800  }
0x139: {  	[sflag:s28] =	ssyncset.done $0x0  }
0x13a: {  	[sflag:s28] =	ssyncadd.s32 $0xFFFFF800  }
0x13b: {  	_ =	swait.ge [sflag:s28], $0x800  }
0x13c: {  	[sflag:s28] =	ssyncset.done $0x0  }
0x13d: {  	[sflag:s28] =	ssyncadd.s32 $0xFFFFF800  }
0x13e: {  	_ =	swait.ge [sflag:s28], $0x800  }
0x13f: {  	[sflag:s28] =	ssyncset.done $0x0  }
0x140: {  	[sflag:s28] =	ssyncadd.s32 $0xFFFFF800  }
0x141: {  	_ =	swait.ge [sflag:s28], $0x800  }
0x142: {  	[sflag:s28] =	ssyncset.done $0x0  }
0x143: {  	[sflag:s28] =	ssyncadd.s32 $0xFFFFF800  }
0x144: {  	_ =	swait.ge [sflag:s28], $0x800  }
0x145: {  	[sflag:s28] =	ssyncset.done $0x0  }
0x146: {  	[sflag:s28] =	ssyncadd.s32 $0xFFFFF800  }
0x147: {  	_ =	swait.ge [sflag:s28], $0x800  }
.Ltmp6:
0x148: {  	[sflag:s28] =	ssyncset.done $0x0;
	(pc) =	sbr.rel .LBB2_9-.Ltmp6, $4  }
0x149: {  	[sflag:s28] =	ssyncadd.s32 $0xFFFFF800  }
0x14a: {  	_ =	swait.ge [sflag:s28], $0x800  }
0x14b: {  	[sflag:s28] =	ssyncset.done $0x0  }
0x14c: {  	[sflag:s28] =	ssyncadd.s32 $0xFFFFF800  }
.LBB2_3:
0x14d: {  	[tilespmem:s18], [sflag:$0x2] =	stream.indirect.gather [hbm4b:s6+s17], $0x10, s0, s17, $0xb8;
	[tilespmem:$0x1FF00] =	vst v63  }
0x14e: {  	s1 =	simm.s32 $0x80  }
0x14f: {  	[tilespmem:s19], [sflag:$0x2] =	stream.indirect.gather [hbm4b:s6+s17], $0x10, s1, s17, $0xb8;
	[tilespmem:$0x1FF00] =	vst v63  }
0x150: {  	s1 =	simm.s32 $0x100  }
0x151: {  	[tilespmem:s20], [sflag:$0x2] =	stream.indirect.gather [hbm4b:s6+s17], $0x10, s1, s17, $0xb8;
	[tilespmem:$0x1FF00] =	vst v63  }
0x152: {  	s1 =	simm.s32 $0x180  }
0x153: {  	[tilespmem:s21], [sflag:$0x2] =	stream.indirect.gather [hbm4b:s6+s17], $0x10, s1, s17, $0xb8;
	[tilespmem:$0x1FF00] =	vst v63  }
0x154: {  	s1 =	simm.s32 $0x200  }
0x155: {  	[tilespmem:s22], [sflag:$0x2] =	stream.indirect.gather [hbm4b:s6+s17], $0x10, s1, s17, $0xb8;
	[tilespmem:$0x1FF00] =	vst v63  }
0x156: {  	s1 =	simm.s32 $0x280  }
0x157: {  	[tilespmem:s23], [sflag:$0x2] =	stream.indirect.gather [hbm4b:s6+s17], $0x10, s1, s17, $0xb8;
	[tilespmem:$0x1FF00] =	vst v63  }
0x158: {  	s1 =	simm.s32 $0x300  }
0x159: {  	[tilespmem:s24], [sflag:$0x2] =	stream.indirect.gather [hbm4b:s6+s17], $0x10, s1, s17, $0xb8;
	[tilespmem:$0x1FF00] =	vst v63  }
0x15a: {  	s1 =	simm.s32 $0x380  }
0x15b: {  	[tilespmem:s25], [sflag:$0x2] =	stream.indirect.gather [hbm4b:s6+s17], $0x10, s1, s17, $0xb8;
	[tilespmem:$0x1FF00] =	vst v63  }
0x15c: {  	_ =	swait.ge [sflag:s26], $0x800  }
0x15d: {  	[sflag:s26] =	ssyncset.done $0x0  }
0x15e: {  	s1 =	simm.s32 $0x1C00;
	[sflag:s26] =	ssyncadd.s32 $0xFFFFF800  }
0x15f: {  	[spmem:s2] =	stream.indirect.scatter.add.f32 [tilespmem:s18], [sflag:$0x3], $0x10, s1, s17, $0xb8;
	[tilespmem:$0x1FF00] =	vst v63  }
0x160: {  	_ =	swait.ge [sflag:s26], $0x800  }
0x161: {  	[sflag:s26] =	ssyncset.done $0x0  }
0x162: {  	s1 =	simm.s32 $0x1C80;
	[sflag:s26] =	ssyncadd.s32 $0xFFFFF800  }
0x163: {  	[spmem:s2] =	stream.indirect.scatter.add.f32 [tilespmem:s19], [sflag:$0x3], $0x10, s1, s17, $0xb8;
	[tilespmem:$0x1FF00] =	vst v63  }
0x164: {  	_ =	swait.ge [sflag:s26], $0x800  }
0x165: {  	[sflag:s26] =	ssyncset.done $0x0  }
0x166: {  	s1 =	simm.s32 $0x1D00;
	[sflag:s26] =	ssyncadd.s32 $0xFFFFF800  }
0x167: {  	[spmem:s2] =	stream.indirect.scatter.add.f32 [tilespmem:s20], [sflag:$0x3], $0x10, s1, s17, $0xb8;
	[tilespmem:$0x1FF00] =	vst v63  }
0x168: {  	_ =	swait.ge [sflag:s26], $0x800  }
0x169: {  	[sflag:s26] =	ssyncset.done $0x0  }
0x16a: {  	s1 =	simm.s32 $0x1D80;
	[sflag:s26] =	ssyncadd.s32 $0xFFFFF800  }
0x16b: {  	[spmem:s2] =	stream.indirect.scatter.add.f32 [tilespmem:s21], [sflag:$0x3], $0x10, s1, s17, $0xb8;
	[tilespmem:$0x1FF00] =	vst v63  }
0x16c: {  	_ =	swait.ge [sflag:s26], $0x800  }
0x16d: {  	[sflag:s26] =	ssyncset.done $0x0  }
0x16e: {  	s1 =	simm.s32 $0x1E00;
	[sflag:s26] =	ssyncadd.s32 $0xFFFFF800  }
0x16f: {  	[spmem:s2] =	stream.indirect.scatter.add.f32 [tilespmem:s22], [sflag:$0x3], $0x10, s1, s17, $0xb8;
	[tilespmem:$0x1FF00] =	vst v63  }
0x170: {  	_ =	swait.ge [sflag:s26], $0x800  }
0x171: {  	[sflag:s26] =	ssyncset.done $0x0  }
0x172: {  	s1 =	simm.s32 $0x1E80;
	[sflag:s26] =	ssyncadd.s32 $0xFFFFF800  }
0x173: {  	[spmem:s2] =	stream.indirect.scatter.add.f32 [tilespmem:s23], [sflag:$0x3], $0x10, s1, s17, $0xb8;
	[tilespmem:$0x1FF00] =	vst v63  }
0x174: {  	_ =	swait.ge [sflag:s26], $0x800  }
0x175: {  	[sflag:s26] =	ssyncset.done $0x0  }
0x176: {  	s1 =	simm.s32 $0x1F00;
	[sflag:s26] =	ssyncadd.s32 $0xFFFFF800  }
0x177: {  	[spmem:s2] =	stream.indirect.scatter.add.f32 [tilespmem:s24], [sflag:$0x3], $0x10, s1, s17, $0xb8;
	[tilespmem:$0x1FF00] =	vst v63  }
0x178: {  	_ =	swait.ge [sflag:s26], $0x800  }
0x179: {  	[sflag:s26] =	ssyncset.done $0x0  }
0x17a: {  	s1 =	simm.s32 $0x1F80;
	[sflag:s26] =	ssyncadd.s32 $0xFFFFF800  }
0x17b: {  	[spmem:s2] =	stream.indirect.scatter.add.f32 [tilespmem:s25], [sflag:$0x3], $0x10, s1, s17, $0xb8;
	[tilespmem:$0x1FF00] =	vst v63  }
0x17c: {  	_ =	swait.ge [sflag:s28], $0x800  }
0x17d: {  	[sflag:s28] =	ssyncset.done $0x0  }
0x17e: {  	[sflag:s28] =	ssyncadd.s32 $0xFFFFF800  }
0x17f: {  	_ =	swait.ge [sflag:s28], $0x800  }
0x180: {  	[sflag:s28] =	ssyncset.done $0x0  }
0x181: {  	[sflag:s28] =	ssyncadd.s32 $0xFFFFF800  }
0x182: {  	_ =	swait.ge [sflag:s28], $0x800  }
0x183: {  	[sflag:s28] =	ssyncset.done $0x0  }
0x184: {  	[sflag:s28] =	ssyncadd.s32 $0xFFFFF800  }
0x185: {  	_ =	swait.ge [sflag:s28], $0x800  }
0x186: {  	[sflag:s28] =	ssyncset.done $0x0  }
0x187: {  	[sflag:s28] =	ssyncadd.s32 $0xFFFFF800  }
0x188: {  	_ =	swait.ge [sflag:s28], $0x800  }
0x189: {  	[sflag:s28] =	ssyncset.done $0x0  }
0x18a: {  	[sflag:s28] =	ssyncadd.s32 $0xFFFFF800  }
0x18b: {  	_ =	swait.ge [sflag:s28], $0x800  }
0x18c: {  	[sflag:s28] =	ssyncset.done $0x0  }
0x18d: {  	[sflag:s28] =	ssyncadd.s32 $0xFFFFF800  }
0x18e: {  	_ =	swait.ge [sflag:s28], $0x800  }
0x18f: {  	[sflag:s28] =	ssyncset.done $0x0  }
0x190: {  	[sflag:s28] =	ssyncadd.s32 $0xFFFFF800  }
0x191: {  	_ =	swait.ge [sflag:s28], $0x800  }
0x192: {  	s30 =	simm.s32 $0x1000;
	s31 =	simm.s32 $0x2000;
	[sflag:s28] =	ssyncset.done $0x0  }
.LBB2_4:
0x193: {  	s0 =	sshra.s32 s30, $0x2  }
0x194: {  	[sflag:s28] =	ssyncadd.s32 $0xFFFFF800;
	s30 =	smov.u32 s31;
	s1 =	sadd.s32 $0x1000, s31  }
0x195: {  	[tilespmem:s18], [sflag:$0x2] =	stream.indirect.gather [hbm4b:s6+s17], $0x10, s0, s17, $0xb8;
	[tilespmem:$0x1FF00] =	vst v63  }
0x196: {  	p1 =	seq.s32 s31, $0x6000;
	s31 =	sadd.s32 $0x80, s0  }
0x197: {  	[tilespmem:s19], [sflag:$0x2] =	stream.indirect.gather [hbm4b:s6+s17], $0x10, s31, s17, $0xb8;
	[tilespmem:$0x1FF00] =	vst v63  }
0x198: {  	s31 =	sadd.s32 $0x100, s0  }
0x199: {  	[tilespmem:s20], [sflag:$0x2] =	stream.indirect.gather [hbm4b:s6+s17], $0x10, s31, s17, $0xb8;
	[tilespmem:$0x1FF00] =	vst v63  }
0x19a: {  	s31 =	sadd.s32 $0x180, s0  }
0x19b: {  	[tilespmem:s21], [sflag:$0x2] =	stream.indirect.gather [hbm4b:s6+s17], $0x10, s31, s17, $0xb8;
	[tilespmem:$0x1FF00] =	vst v63  }
0x19c: {  	s31 =	sadd.s32 $0x200, s0  }
0x19d: {  	[tilespmem:s22], [sflag:$0x2] =	stream.indirect.gather [hbm4b:s6+s17], $0x10, s31, s17, $0xb8;
	[tilespmem:$0x1FF00] =	vst v63  }
0x19e: {  	s31 =	sadd.s32 $0x280, s0  }
0x19f: {  	[tilespmem:s23], [sflag:$0x2] =	stream.indirect.gather [hbm4b:s6+s17], $0x10, s31, s17, $0xb8;
	[tilespmem:$0x1FF00] =	vst v63  }
0x1a0: {  	s31 =	sadd.s32 $0x300, s0  }
0x1a1: {  	[tilespmem:s24], [sflag:$0x2] =	stream.indirect.gather [hbm4b:s6+s17], $0x10, s31, s17, $0xb8;
	[tilespmem:$0x1FF00] =	vst v63  }
0x1a2: {  	s31 =	sadd.s32 $0x380, s0  }
0x1a3: {  	[tilespmem:s25], [sflag:$0x2] =	stream.indirect.gather [hbm4b:s6+s17], $0x10, s31, s17, $0xb8;
	[tilespmem:$0x1FF00] =	vst v63  }
0x1a4: {  	_ =	swait.ge [sflag:s26], $0x800  }
0x1a5: {  	[sflag:s26] =	ssyncset.done $0x0  }
0x1a6: {  	s31 =	sadd.s32 $0x1C00, s0;
	[sflag:s26] =	ssyncadd.s32 $0xFFFFF800  }
0x1a7: {  	[spmem:s2] =	stream.indirect.scatter.add.f32 [tilespmem:s18], [sflag:$0x3], $0x10, s31, s17, $0xb8;
	[tilespmem:$0x1FF00] =	vst v63  }
0x1a8: {  	_ =	swait.ge [sflag:s26], $0x800  }
0x1a9: {  	[sflag:s26] =	ssyncset.done $0x0  }
0x1aa: {  	s31 =	sadd.s32 $0x1C80, s0;
	[sflag:s26] =	ssyncadd.s32 $0xFFFFF800  }
0x1ab: {  	[spmem:s2] =	stream.indirect.scatter.add.f32 [tilespmem:s19], [sflag:$0x3], $0x10, s31, s17, $0xb8;
	[tilespmem:$0x1FF00] =	vst v63  }
0x1ac: {  	_ =	swait.ge [sflag:s26], $0x800  }
0x1ad: {  	[sflag:s26] =	ssyncset.done $0x0  }
0x1ae: {  	s31 =	sadd.s32 $0x1D00, s0;
	[sflag:s26] =	ssyncadd.s32 $0xFFFFF800  }
0x1af: {  	[spmem:s2] =	stream.indirect.scatter.add.f32 [tilespmem:s20], [sflag:$0x3], $0x10, s31, s17, $0xb8;
	[tilespmem:$0x1FF00] =	vst v63  }
0x1b0: {  	_ =	swait.ge [sflag:s26], $0x800  }
0x1b1: {  	[sflag:s26] =	ssyncset.done $0x0  }
0x1b2: {  	s31 =	sadd.s32 $0x1D80, s0;
	[sflag:s26] =	ssyncadd.s32 $0xFFFFF800  }
0x1b3: {  	[spmem:s2] =	stream.indirect.scatter.add.f32 [tilespmem:s21], [sflag:$0x3], $0x10, s31, s17, $0xb8;
	[tilespmem:$0x1FF00] =	vst v63  }
0x1b4: {  	_ =	swait.ge [sflag:s26], $0x800  }
0x1b5: {  	[sflag:s26] =	ssyncset.done $0x0  }
0x1b6: {  	s31 =	sadd.s32 $0x1E00, s0;
	[sflag:s26] =	ssyncadd.s32 $0xFFFFF800  }
0x1b7: {  	[spmem:s2] =	stream.indirect.scatter.add.f32 [tilespmem:s22], [sflag:$0x3], $0x10, s31, s17, $0xb8;
	[tilespmem:$0x1FF00] =	vst v63  }
0x1b8: {  	_ =	swait.ge [sflag:s26], $0x800  }
0x1b9: {  	[sflag:s26] =	ssyncset.done $0x0  }
0x1ba: {  	s31 =	sadd.s32 $0x1E80, s0;
	[sflag:s26] =	ssyncadd.s32 $0xFFFFF800  }
0x1bb: {  	[spmem:s2] =	stream.indirect.scatter.add.f32 [tilespmem:s23], [sflag:$0x3], $0x10, s31, s17, $0xb8;
	[tilespmem:$0x1FF00] =	vst v63  }
0x1bc: {  	_ =	swait.ge [sflag:s26], $0x800  }
0x1bd: {  	[sflag:s26] =	ssyncset.done $0x0  }
0x1be: {  	s31 =	sadd.s32 $0x1F00, s0;
	[sflag:s26] =	ssyncadd.s32 $0xFFFFF800  }
0x1bf: {  	[spmem:s2] =	stream.indirect.scatter.add.f32 [tilespmem:s24], [sflag:$0x3], $0x10, s31, s17, $0xb8;
	[tilespmem:$0x1FF00] =	vst v63  }
0x1c0: {  	_ =	swait.ge [sflag:s26], $0x800  }
0x1c1: {  	[sflag:s26] =	ssyncset.done $0x0  }
0x1c2: {  	s0 =	sadd.s32 $0x1F80, s0;
	[sflag:s26] =	ssyncadd.s32 $0xFFFFF800  }
0x1c3: {  	[spmem:s2] =	stream.indirect.scatter.add.f32 [tilespmem:s25], [sflag:$0x3], $0x10, s0, s17, $0xb8;
	[tilespmem:$0x1FF00] =	vst v63  }
0x1c4: {  	_ =	swait.ge [sflag:s28], $0x800  }
0x1c5: {  	[sflag:s28] =	ssyncset.done $0x0  }
0x1c6: {  	[sflag:s28] =	ssyncadd.s32 $0xFFFFF800  }
0x1c7: {  	_ =	swait.ge [sflag:s28], $0x800  }
0x1c8: {  	[sflag:s28] =	ssyncset.done $0x0  }
0x1c9: {  	[sflag:s28] =	ssyncadd.s32 $0xFFFFF800  }
0x1ca: {  	_ =	swait.ge [sflag:s28], $0x800  }
0x1cb: {  	[sflag:s28] =	ssyncset.done $0x0  }
0x1cc: {  	[sflag:s28] =	ssyncadd.s32 $0xFFFFF800  }
0x1cd: {  	_ =	swait.ge [sflag:s28], $0x800  }
0x1ce: {  	[sflag:s28] =	ssyncset.done $0x0  }
0x1cf: {  	[sflag:s28] =	ssyncadd.s32 $0xFFFFF800  }
0x1d0: {  	_ =	swait.ge [sflag:s28], $0x800  }
0x1d1: {  	[sflag:s28] =	ssyncset.done $0x0  }
0x1d2: {  	[sflag:s28] =	ssyncadd.s32 $0xFFFFF800  }
0x1d3: {  	_ =	swait.ge [sflag:s28], $0x800  }
0x1d4: {  	[sflag:s28] =	ssyncset.done $0x0  }
0x1d5: {  	[sflag:s28] =	ssyncadd.s32 $0xFFFFF800  }
.Ltmp7:
0x1d6: {  	_ =	swait.ge [sflag:s28], $0x800;
	(pc) =	sbr.rel @!p1 .LBB2_4-.Ltmp7, $4  }
0x1d7: {  	[sflag:s28] =	ssyncset.done $0x0  }
0x1d8: {  	[sflag:s28] =	ssyncadd.s32 $0xFFFFF800  }
0x1d9: {  	_ =	swait.ge [sflag:s28], $0x800  }
0x1da: {  	s31 =	smov.u32 s1;
	[sflag:s28] =	ssyncset.done $0x0  }
.Ltmp8:
0x1db: {  	_ = 	snop;
	(pc) =	sbr.rel .LBB2_5-.Ltmp8, $1  }
0x1dc: {  	_ =	sdelay $0x3  }
.LBB2_11:
0x1dd: {  	_ =	sfence.sel $0x180000  }
0x1de: {  	[bflag:$0x0] =	sbarrier.arrive $0xFFFF  }
0x1df: {  	_ =	strace $0x90000050  }
0x1e0: {  	s0 =	stileid.u32;
	[bflag:$0x2] =	sbarrier.arrive $0xFFFF  }
0x1e1: {  	p0 =	sne.s32 s0, $0x0;
	s0 =	rddreg [dreg:$0x2]  }
0x1e2: {  	s0 =	sadd.s32 @!p0 $0x100000, s0  }
0x1e3: {  	[sflag:s0] =	ssyncadd.tile.s32 @!p0 $0x1;
	_ =	shalt  }
.Lfunc_end2:
_tile_overlayer_lowered:
.L_overlay_start_2:
0x1e4: {  	(tag) =	ssettag $0x2  }
0x1e5: {  	s0 =	rddreg [dreg:$0x0];
	s2 =	stileid.u32  }
0x1e6: {  	s1 =	rddreg [dreg:$0x1];
	p0 =	sne.s32 s2, $0x0  }
0x1e7: {  	s3 =	rddreg [dreg:$0x2];
	[bflag:$0x3] =	sbarrier.arrive $0xFFFF;
	s2 =	simm.s32 @!p0 $0x1C04  }
0x1e8: {  	[timem:s3], [sflag:s2] =	dma.local @!p0 [hbm:s0], s1  }
0x1e9: {  	s0 =	simm.s32 @!p0 $0x4  }
0x1ea: {  	_ =	swait.ge @!p0 [sflag:s0], s1  }
0x1eb: {  	s1 =	ssub.s32 @!p0 $0x0, s1;
	[sflag:s0] =	ssyncset.done @!p0 $0x0  }
0x1ec: {  	[sflag:s0] =	ssyncadd.s32 @!p0 s1  }
0x1ed: {  	[bflag:$0x3] =	sbarrier.arrive $0xFFFF  }
0x1ee: {  	_ =	shalt  }

</sc_bundles>
